<compile_context>
chip_gen: v7x
topology: tpu7x:2x2x1
jax: 0.10.2.dev20260603
libtpu: 0.0.44.dev20260713+nightly
codegen_flags: <defaults>
</compile_context>

<pallas_src>
import functools
import math

import jax
import jax.numpy as jnp
from jax import lax
from jax.experimental import pallas as pl
from jax.experimental.pallas import tpu as pltpu
from jax.experimental.pallas import tpu_sc as plsc

D_MODEL = 64
BATCH = 16384
DENSE_DIM = 16
SCALE = 1.0 / math.sqrt(4.0)

NUM_CORES = 2
NUM_SUBCORES = 16
NW = NUM_CORES * NUM_SUBCORES
B_W = BATCH // NW
B_H = B_W // 2
L = 16


def _sc_gather_ic(item_id, category, E_item, E_cat):
    mesh = plsc.VectorSubcoreMesh(core_axis_name="c", subcore_axis_name="s")

    @functools.partial(
        pl.kernel,
        mesh=mesh,
        compiler_params=pltpu.CompilerParams(use_tc_tiling_on_sc=True),
        out_type=jax.ShapeDtypeStruct((BATCH, D_MODEL), jnp.float32),
        scratch_types=[
            pltpu.VMEM((B_W,), jnp.int32),
            pltpu.VMEM((B_W,), jnp.int32),
            pltpu.VMEM((B_H, D_MODEL), jnp.float32),
            pltpu.VMEM((B_H, D_MODEL), jnp.float32),
            pltpu.SemaphoreType.DMA,
        ],
    )
    def k(ei_hbm, ec_hbm, iid_hbm, cat_hbm, out_hbm,
          idx_i, idx_c, acc, buf, sem):
        wid = lax.axis_index("s") * NUM_CORES + lax.axis_index("c")
        base = wid * B_W
        pltpu.sync_copy(iid_hbm.at[pl.ds(base, B_W)], idx_i)
        pltpu.sync_copy(cat_hbm.at[pl.ds(base, B_W)], idx_c)

        def fire(tbl, idx, rows, h):
            def fire_group(g, _):
                iv = idx[pl.ds(h * B_H + g * L, L)]
                for l in range(L):
                    pltpu.make_async_copy(
                        tbl.at[iv[l]], rows.at[g * L + l], sem).start()
                return 0

            lax.fori_loop(0, B_H // L, fire_group, 0)

        def drain(rows):
            pltpu.make_async_copy(
                out_hbm.at[pl.ds(0, B_H)], rows, sem).wait()

        def accumulate(r, _):
            for dsub in range(D_MODEL // L):
                sl = pl.ds(dsub * L, L)
                acc[r, sl] = acc[r, sl] + buf[r, sl]
            return 0

        for h in range(B_W // B_H):
            fire(ei_hbm, idx_i, acc, h)
            fire(ec_hbm, idx_c, buf, h)
            drain(acc)
            drain(buf)
            lax.fori_loop(0, B_H, accumulate, 0)
            pltpu.sync_copy(acc, out_hbm.at[pl.ds(base + h * B_H, B_H)])

    return k(E_item, E_cat, item_id, category)


def _sc_gather_u(user_id, E_user):
    mesh = plsc.VectorSubcoreMesh(core_axis_name="c", subcore_axis_name="s")

    @functools.partial(
        pl.kernel,
        mesh=mesh,
        compiler_params=pltpu.CompilerParams(use_tc_tiling_on_sc=True),
        out_type=jax.ShapeDtypeStruct((BATCH, D_MODEL), jnp.float32),
        scratch_types=[
            pltpu.VMEM((B_W,), jnp.int32),
            pltpu.VMEM((B_H, D_MODEL), jnp.float32),
            pltpu.VMEM((B_H, D_MODEL), jnp.float32),
            pltpu.SemaphoreType.DMA,
        ],
    )
    def k(eu_hbm, uid_hbm, out_hbm, idx_u, rows0, rows1, sem):
        wid = lax.axis_index("s") * NUM_CORES + lax.axis_index("c")
        base = wid * B_W
        pltpu.sync_copy(uid_hbm.at[pl.ds(base, B_W)], idx_u)

        def fire(rows, h):
            def fire_group(g, _):
                iv = idx_u[pl.ds(h * B_H + g * L, L)]
                for l in range(L):
                    pltpu.make_async_copy(
                        eu_hbm.at[iv[l]], rows.at[g * L + l], sem).start()
                return 0

            lax.fori_loop(0, B_H // L, fire_group, 0)

        def drain(rows):
            pltpu.make_async_copy(
                out_hbm.at[pl.ds(0, B_H)], rows, sem).wait()

        fire(rows0, 0)
        fire(rows1, 1)
        drain(rows0)
        drain(rows1)
        pltpu.sync_copy(rows0, out_hbm.at[pl.ds(base, B_H)])
        pltpu.sync_copy(rows1, out_hbm.at[pl.ds(base + B_H, B_H)])

    return k(E_user, user_id)


def _tc_combine(gic, gu, dense_0, W_dense, uid2, iid2, cat2, eu0, ei0, ec0):
    BM = 1024

    def body(gic_ref, gu_ref, dense_ref, w_ref, uid_ref, iid_ref, cat_ref,
             eu0_ref, ei0_ref, ec0_ref, out_ref):
        proj = jnp.dot(dense_ref[...], w_ref[...],
                       preferred_element_type=jnp.float32)
        mu = (uid_ref[...] == 0).astype(jnp.float32)
        mi = (iid_ref[...] == 0).astype(jnp.float32)
        mc = (cat_ref[...] == 0).astype(jnp.float32)
        corr = (mu * eu0_ref[...] + mi * ei0_ref[...] + mc * ec0_ref[...])
        out_ref[...] = (gic_ref[...] + gu_ref[...] + proj - corr) * SCALE

    row_spec = pl.BlockSpec((1, D_MODEL), lambda i: (0, 0))
    return pl.pallas_call(
        body,
        grid=(BATCH // BM,),
        in_specs=[
            pl.BlockSpec((BM, D_MODEL), lambda i: (i, 0)),
            pl.BlockSpec((BM, D_MODEL), lambda i: (i, 0)),
            pl.BlockSpec((BM, DENSE_DIM), lambda i: (i, 0)),
            pl.BlockSpec((DENSE_DIM, D_MODEL), lambda i: (0, 0)),
            pl.BlockSpec((BM, 1), lambda i: (i, 0)),
            pl.BlockSpec((BM, 1), lambda i: (i, 0)),
            pl.BlockSpec((BM, 1), lambda i: (i, 0)),
            row_spec,
            row_spec,
            row_spec,
        ],
        out_specs=pl.BlockSpec((BM, D_MODEL), lambda i: (i, 0)),
        out_shape=jax.ShapeDtypeStruct((BATCH, D_MODEL), jnp.float32),
    )(gic, gu, dense_0, W_dense, uid2, iid2, cat2, eu0, ei0, ec0)


def kernel(user_id, item_id, category, dense_0, E_user, E_item, E_cat,
           W_dense):
    gic = _sc_gather_ic(item_id, category, E_item, E_cat)
    gu = _sc_gather_u(user_id, E_user)
    return _tc_combine(
        gic, gu, dense_0, W_dense,
        user_id.reshape(BATCH, 1), item_id.reshape(BATCH, 1),
        category.reshape(BATCH, 1),
        lax.slice(E_user, (0, 0), (1, D_MODEL)),
        lax.slice(E_item, (0, 0), (1, D_MODEL)),
        lax.slice(E_cat, (0, 0), (1, D_MODEL)),
    )

# --- scband reference (transcript-rebuilt; emitter-appended) ---
"""Pipeline reference for scband-feature-encoder-17300128268629 (READ-ONLY COPY).

The authoritative reference and input builder live on the scoring server;
editing this copy changes nothing except your own understanding.
"""

import jax, jax.numpy as jnp
import numpy as np
import math

D_MODEL = 64
BATCH = 16384
VOCABS = {"user_id": 1000000, "item_id": 100000, "category": 1000}
DENSE_DIM = 16
N_FEATURES = 4
SCALE = 1.0 / math.sqrt(N_FEATURES)


def setup_inputs(seed: int = 0) -> dict:
    key = jax.random.key(seed)
    ks = jax.random.split(key, 8)
    user_id = jax.random.randint(ks[0], (BATCH,), 0, VOCABS["user_id"])
    item_id = jax.random.randint(ks[1], (BATCH,), 0, VOCABS["item_id"])
    category = jax.random.randint(ks[2], (BATCH,), 0, VOCABS["category"])
    dense_0 = jax.random.normal(ks[3], (BATCH, DENSE_DIM), dtype=jnp.float32)
    # learned parameters (Embedding tables have vocab_size + 1 rows; row 0 is padding)
    E_user = jax.random.normal(ks[4], (VOCABS["user_id"] + 1, D_MODEL), dtype=jnp.float32)
    E_item = jax.random.normal(ks[5], (VOCABS["item_id"] + 1, D_MODEL), dtype=jnp.float32)
    E_cat = jax.random.normal(ks[6], (VOCABS["category"] + 1, D_MODEL), dtype=jnp.float32)
    # nn.Linear(16, 64, bias=False): store as (in, out) so out = x @ W
    W_dense = jax.random.normal(ks[7], (DENSE_DIM, D_MODEL), dtype=jnp.float32) * (1.0 / math.sqrt(DENSE_DIM))
    return {
        "user_id": user_id,
        "item_id": item_id,
        "category": category,
        "dense_0": dense_0,
        "E_user": E_user,
        "E_item": E_item,
        "E_cat": E_cat,
        "W_dense": W_dense,
    }


def reference(user_id, item_id, category, dense_0, E_user, E_item, E_cat, W_dense):
    # padding_idx=0 -> row 0 of each table is zero
    Eu = E_user.at[0].set(0.0)
    Ei = E_item.at[0].set(0.0)
    Ec = E_cat.at[0].set(0.0)
    p_user = jnp.take(Eu, user_id, axis=0)
    p_item = jnp.take(Ei, item_id, axis=0)
    p_cat = jnp.take(Ec, category, axis=0)
    p_dense = dense_0 @ W_dense
    out = jnp.stack([p_user, p_item, p_cat, p_dense], axis=0).sum(axis=0)
    return out * SCALE

if __name__ == "__main__":
    import jax
    _d = setup_inputs()
    print(jax.jit(kernel)(*tuple(_d.values())))

</pallas_src>

<mosaic_0001>
#map = affine_map<(d0, d1) -> (0, 0)>
#map1 = affine_map<(d0, d1) -> (0)>
module attributes {stable_mosaic.version = 14 : i64} {
  func.func @k(%arg0: i32, %arg1: i32, %arg2: memref<1000001x64xf32, #tpu.memory_space<hbm>>, %arg3: memref<16384xi32, #tpu.memory_space<hbm>>, %arg4: memref<16384x64xf32, #tpu.memory_space<hbm>>, %arg5: memref<512xi32, #tpu.memory_space<vmem>>, %arg6: memref<256x64xf32, #tpu.memory_space<vmem>>, %arg7: memref<256x64xf32, #tpu.memory_space<vmem>>, %arg8: memref<!tpu.dma_semaphore, #tpu.memory_space<semaphore_mem>>) attributes {dimension_semantics = [#tpu.dimension_semantics<core_parallel>, #tpu.dimension_semantics<subcore_parallel>], iteration_bounds = array<i64: 2, 16>, scalar_prefetch = 0 : i64, scratch_operands = 4 : i64, tpu.core_type = #tpu.core_type<sc_vector_subcore>, window_params = [{transform_indices = #map}, {transform_indices = #map1}, {transform_indices = #map}]} {
    %mul3A = arith.constant 2 : i32
    %mul3A_0 = arith.muli %arg1, %mul3A : i32
    %add3A = arith.addi %mul3A_0, %arg0 : i32
    %mul3A_1 = arith.constant 512 : i32
    %mul3A_2 = arith.muli %add3A, %mul3A_1 : i32
    "tpu.region"() ({
      %run_scoped3A = tpu.sem_alloc : memref<!tpu.dma_semaphore, #tpu.memory_space<semaphore_mem>>
      %dma_start3A = tpu.memref_slice %arg3[%mul3A_2] : memref<16384xi32, #tpu.memory_space<hbm>> -> memref<512xi32, #tpu.memory_space<hbm>>
      %dma_start3A_29 = tpu.memref_slice %arg3[%mul3A_2] : memref<16384xi32, #tpu.memory_space<hbm>> -> memref<512xi32, #tpu.memory_space<hbm>>
      tpu.enqueue_dma source(%dma_start3A_29 : memref<512xi32, #tpu.memory_space<hbm>>) target(%arg5 : memref<512xi32, #tpu.memory_space<vmem>>) target_semaphore(%run_scoped3A : memref<!tpu.dma_semaphore, #tpu.memory_space<semaphore_mem>>)
      %dma_wait3A_30 = tpu.memref_slice %arg3[%mul3A_2] : memref<16384xi32, #tpu.memory_space<hbm>> -> memref<512xi32, #tpu.memory_space<hbm>>
      %dma_wait3A_31 = tpu.memref_slice %arg3[%mul3A_2] : memref<16384xi32, #tpu.memory_space<hbm>> -> memref<512xi32, #tpu.memory_space<hbm>>
      tpu.wait_dma2 semaphore(%run_scoped3A : memref<!tpu.dma_semaphore, #tpu.memory_space<semaphore_mem>>) src(%dma_wait3A_31 : memref<512xi32, #tpu.memory_space<hbm>>) dst(%arg5 : memref<512xi32, #tpu.memory_space<vmem>>)
      tpu.yield
    }) : () -> ()
    %scan3A = arith.constant 0 : i32
    %scan3A_3 = arith.constant 0 : i32
    %scan3A_4 = arith.constant 16 : i32
    %scan3A_5 = arith.addi %scan3A_3, %scan3A_4 : i32
    %scan3A_6 = arith.constant 1 : i32
    %scan3A_7 = scf.for %scan3A_29 = %scan3A_3 to %scan3A_5 step %scan3A_6 iter_args(%scan3A_30 = %scan3A) -> (i32)  : i32 {
      %mul3A_31 = arith.constant 16 : i32
      %mul3A_32 = arith.muli %scan3A_29, %mul3A_31 : i32
      %add3A_33 = arith.constant 0 : i32
      %add3A_34 = arith.addi %add3A_33, %mul3A_32 : i32
      %get3A = arith.index_cast %add3A_34 : i32 to index
      %get3A_35 = tpu.vector_load %arg5[%get3A] {strides = array<i32>} : memref<512xi32, #tpu.memory_space<vmem>>, vector<16xi32>,
      %get3A_36 = vector.shape_cast %get3A_35 : vector<16xi32> to vector<16xi32>
      %slice3A = vector.extract_strided_slice %get3A_36 {offsets = [0], sizes = [1], strides = [1]} : vector<16xi32> to vector<1xi32>
      %squeeze3A = vector.extract %slice3A[0] : i32 from vector<1xi32>
      %mul3A_37 = arith.constant 16 : i32
      %mul3A_38 = arith.muli %scan3A_29, %mul3A_37 : i32
      %add3A_39 = arith.constant 0 : i32
      %add3A_40 = arith.addi %mul3A_38, %add3A_39 : i32
      %dma_start3A = arith.constant 0 : i32
      %dma_start3A_41 = tpu.memref_slice %arg6[%add3A_40, %dma_start3A] : memref<256x64xf32, #tpu.memory_space<vmem>> -> memref<1x64xf32, #tpu.memory_space<vmem>>
      %dma_start3A_42 = tpu.memref_squeeze %dma_start3A_41 : memref<1x64xf32, #tpu.memory_space<vmem>> -> memref<64xf32, #tpu.memory_space<vmem>>
      %dma_start3A_43 = arith.constant 0 : i32
      %dma_start3A_44 = tpu.memref_slice %arg2[%squeeze3A, %dma_start3A_43] : memref<1000001x64xf32, #tpu.memory_space<hbm>> -> memref<1x64xf32, #tpu.memory_space<hbm>>
      %dma_start3A_45 = tpu.memref_squeeze %dma_start3A_44 : memref<1x64xf32, #tpu.memory_space<hbm>> -> memref<64xf32, #tpu.memory_space<hbm>>
      %dma_start3A_46 = arith.constant 0 : i32
      %dma_start3A_47 = tpu.memref_slice %arg6[%add3A_40, %dma_start3A_46] : memref<256x64xf32, #tpu.memory_space<vmem>> -> memref<1x64xf32, #tpu.memory_space<vmem>>
      %dma_start3A_48 = tpu.memref_squeeze %dma_start3A_47 : memref<1x64xf32, #tpu.memory_space<vmem>> -> memref<64xf32, #tpu.memory_space<vmem>>
      %dma_start3A_49 = arith.constant 0 : i32
      %dma_start3A_50 = tpu.memref_slice %arg2[%squeeze3A, %dma_start3A_49] : memref<1000001x64xf32, #tpu.memory_space<hbm>> -> memref<1x64xf32, #tpu.memory_space<hbm>>
      %dma_start3A_51 = tpu.memref_squeeze %dma_start3A_50 : memref<1x64xf32, #tpu.memory_space<hbm>> -> memref<64xf32, #tpu.memory_space<hbm>>
      tpu.enqueue_dma source(%dma_start3A_51 : memref<64xf32, #tpu.memory_space<hbm>>) target(%dma_start3A_48 : memref<64xf32, #tpu.memory_space<vmem>>) target_semaphore(%arg8 : memref<!tpu.dma_semaphore, #tpu.memory_space<semaphore_mem>>)
      %slice3A_52 = vector.extract_strided_slice %get3A_36 {offsets = [1], sizes = [1], strides = [1]} : vector<16xi32> to vector<1xi32>
      %squeeze3A_53 = vector.extract %slice3A_52[0] : i32 from vector<1xi32>
      %mul3A_54 = arith.constant 16 : i32
      %mul3A_55 = arith.muli %scan3A_29, %mul3A_54 : i32
      %add3A_56 = arith.constant 1 : i32
      %add3A_57 = arith.addi %mul3A_55, %add3A_56 : i32
      %dma_start3A_58 = arith.constant 0 : i32
      %dma_start3A_59 = tpu.memref_slice %arg6[%add3A_57, %dma_start3A_58] : memref<256x64xf32, #tpu.memory_space<vmem>> -> memref<1x64xf32, #tpu.memory_space<vmem>>
      %dma_start3A_60 = tpu.memref_squeeze %dma_start3A_59 : memref<1x64xf32, #tpu.memory_space<vmem>> -> memref<64xf32, #tpu.memory_space<vmem>>
      %dma_start3A_61 = arith.constant 0 : i32
      %dma_start3A_62 = tpu.memref_slice %arg2[%squeeze3A_53, %dma_start3A_61] : memref<1000001x64xf32, #tpu.memory_space<hbm>> -> memref<1x64xf32, #tpu.memory_space<hbm>>
      %dma_start3A_63 = tpu.memref_squeeze %dma_start3A_62 : memref<1x64xf32, #tpu.memory_space<hbm>> -> memref<64xf32, #tpu.memory_space<hbm>>
      %dma_start3A_64 = arith.constant 0 : i32
      %dma_start3A_65 = tpu.memref_slice %arg6[%add3A_57, %dma_start3A_64] : memref<256x64xf32, #tpu.memory_space<vmem>> -> memref<1x64xf32, #tpu.memory_space<vmem>>
      %dma_start3A_66 = tpu.memref_squeeze %dma_start3A_65 : memref<1x64xf32, #tpu.memory_space<vmem>> -> memref<64xf32, #tpu.memory_space<vmem>>
      %dma_start3A_67 = arith.constant 0 : i32
      %dma_start3A_68 = tpu.memref_slice %arg2[%squeeze3A_53, %dma_start3A_67] : memref<1000001x64xf32, #tpu.memory_space<hbm>> -> memref<1x64xf32, #tpu.memory_space<hbm>>
      %dma_start3A_69 = tpu.memref_squeeze %dma_start3A_68 : memref<1x64xf32, #tpu.memory_space<hbm>> -> memref<64xf32, #tpu.memory_space<hbm>>
      tpu.enqueue_dma source(%dma_start3A_69 : memref<64xf32, #tpu.memory_space<hbm>>) target(%dma_start3A_66 : memref<64xf32, #tpu.memory_space<vmem>>) target_semaphore(%arg8 : memref<!tpu.dma_semaphore, #tpu.memory_space<semaphore_mem>>)
      %slice3A_70 = vector.extract_strided_slice %get3A_36 {offsets = [2], sizes = [1], strides = [1]} : vector<16xi32> to vector<1xi32>
      %squeeze3A_71 = vector.extract %slice3A_70[0] : i32 from vector<1xi32>
      %mul3A_72 = arith.constant 16 : i32
      %mul3A_73 = arith.muli %scan3A_29, %mul3A_72 : i32
      %add3A_74 = arith.constant 2 : i32
      %add3A_75 = arith.addi %mul3A_73, %add3A_74 : i32
      %dma_start3A_76 = arith.constant 0 : i32
      %dma_start3A_77 = tpu.memref_slice %arg6[%add3A_75, %dma_start3A_76] : memref<256x64xf32, #tpu.memory_space<vmem>> -> memref<1x64xf32, #tpu.memory_space<vmem>>
      %dma_start3A_78 = tpu.memref_squeeze %dma_start3A_77 : memref<1x64xf32, #tpu.memory_space<vmem>> -> memref<64xf32, #tpu.memory_space<vmem>>
      %dma_start3A_79 = arith.constant 0 : i32
      %dma_start3A_80 = tpu.memref_slice %arg2[%squeeze3A_71, %dma_start3A_79] : memref<1000001x64xf32, #tpu.memory_space<hbm>> -> memref<1x64xf32, #tpu.memory_space<hbm>>
      %dma_start3A_81 = tpu.memref_squeeze %dma_start3A_80 : memref<1x64xf32, #tpu.memory_space<hbm>> -> memref<64xf32, #tpu.memory_space<hbm>>
      %dma_start3A_82 = arith.constant 0 : i32
      %dma_start3A_83 = tpu.memref_slice %arg6[%add3A_75, %dma_start3A_82] : memref<256x64xf32, #tpu.memory_space<vmem>> -> memref<1x64xf32, #tpu.memory_space<vmem>>
      %dma_start3A_84 = tpu.memref_squeeze %dma_start3A_83 : memref<1x64xf32, #tpu.memory_space<vmem>> -> memref<64xf32, #tpu.memory_space<vmem>>
      %dma_start3A_85 = arith.constant 0 : i32
      %dma_start3A_86 = tpu.memref_slice %arg2[%squeeze3A_71, %dma_start3A_85] : memref<1000001x64xf32, #tpu.memory_space<hbm>> -> memref<1x64xf32, #tpu.memory_space<hbm>>
      %dma_start3A_87 = tpu.memref_squeeze %dma_start3A_86 : memref<1x64xf32, #tpu.memory_space<hbm>> -> memref<64xf32, #tpu.memory_space<hbm>>
      tpu.enqueue_dma source(%dma_start3A_87 : memref<64xf32, #tpu.memory_space<hbm>>) target(%dma_start3A_84 : memref<64xf32, #tpu.memory_space<vmem>>) target_semaphore(%arg8 : memref<!tpu.dma_semaphore, #tpu.memory_space<semaphore_mem>>)
      %slice3A_88 = vector.extract_strided_slice %get3A_36 {offsets = [3], sizes = [1], strides = [1]} : vector<16xi32> to vector<1xi32>
      %squeeze3A_89 = vector.extract %slice3A_88[0] : i32 from vector<1xi32>
      %mul3A_90 = arith.constant 16 : i32
      %mul3A_91 = arith.muli %scan3A_29, %mul3A_90 : i32
      %add3A_92 = arith.constant 3 : i32
      %add3A_93 = arith.addi %mul3A_91, %add3A_92 : i32
      %dma_start3A_94 = arith.constant 0 : i32
      %dma_start3A_95 = tpu.memref_slice %arg6[%add3A_93, %dma_start3A_94] : memref<256x64xf32, #tpu.memory_space<vmem>> -> memref<1x64xf32, #tpu.memory_space<vmem>>
      %dma_start3A_96 = tpu.memref_squeeze %dma_start3A_95 : memref<1x64xf32, #tpu.memory_space<vmem>> -> memref<64xf32, #tpu.memory_space<vmem>>
      %dma_start3A_97 = arith.constant 0 : i32
      %dma_start3A_98 = tpu.memref_slice %arg2[%squeeze3A_89, %dma_start3A_97] : memref<1000001x64xf32, #tpu.memory_space<hbm>> -> memref<1x64xf32, #tpu.memory_space<hbm>>
      %dma_start3A_99 = tpu.memref_squeeze %dma_start3A_98 : memref<1x64xf32, #tpu.memory_space<hbm>> -> memref<64xf32, #tpu.memory_space<hbm>>
      %dma_start3A_100 = arith.constant 0 : i32
      %dma_start3A_101 = tpu.memref_slice %arg6[%add3A_93, %dma_start3A_100] : memref<256x64xf32, #tpu.memory_space<vmem>> -> memref<1x64xf32, #tpu.memory_space<vmem>>
      %dma_start3A_102 = tpu.memref_squeeze %dma_start3A_101 : memref<1x64xf32, #tpu.memory_space<vmem>> -> memref<64xf32, #tpu.memory_space<vmem>>
      %dma_start3A_103 = arith.constant 0 : i32
      %dma_start3A_104 = tpu.memref_slice %arg2[%squeeze3A_89, %dma_start3A_103] : memref<1000001x64xf32, #tpu.memory_space<hbm>> -> memref<1x64xf32, #tpu.memory_space<hbm>>
      %dma_start3A_105 = tpu.memref_squeeze %dma_start3A_104 : memref<1x64xf32, #tpu.memory_space<hbm>> -> memref<64xf32, #tpu.memory_space<hbm>>
      tpu.enqueue_dma source(%dma_start3A_105 : memref<64xf32, #tpu.memory_space<hbm>>) target(%dma_start3A_102 : memref<64xf32, #tpu.memory_space<vmem>>) target_semaphore(%arg8 : memref<!tpu.dma_semaphore, #tpu.memory_space<semaphore_mem>>)
      %slice3A_106 = vector.extract_strided_slice %get3A_36 {offsets = [4], sizes = [1], strides = [1]} : vector<16xi32> to vector<1xi32>
      %squeeze3A_107 = vector.extract %slice3A_106[0] : i32 from vector<1xi32>
      %mul3A_108 = arith.constant 16 : i32
      %mul3A_109 = arith.muli %scan3A_29, %mul3A_108 : i32
      %add3A_110 = arith.constant 4 : i32
      %add3A_111 = arith.addi %mul3A_109, %add3A_110 : i32
      %dma_start3A_112 = arith.constant 0 : i32
      %dma_start3A_113 = tpu.memref_slice %arg6[%add3A_111, %dma_start3A_112] : memref<256x64xf32, #tpu.memory_space<vmem>> -> memref<1x64xf32, #tpu.memory_space<vmem>>
      %dma_start3A_114 = tpu.memref_squeeze %dma_start3A_113 : memref<1x64xf32, #tpu.memory_space<vmem>> -> memref<64xf32, #tpu.memory_space<vmem>>
      %dma_start3A_115 = arith.constant 0 : i32
      %dma_start3A_116 = tpu.memref_slice %arg2[%squeeze3A_107, %dma_start3A_115] : memref<1000001x64xf32, #tpu.memory_space<hbm>> -> memref<1x64xf32, #tpu.memory_space<hbm>>
      %dma_start3A_117 = tpu.memref_squeeze %dma_start3A_116 : memref<1x64xf32, #tpu.memory_space<hbm>> -> memref<64xf32, #tpu.memory_space<hbm>>
      %dma_start3A_118 = arith.constant 0 : i32
      %dma_start3A_119 = tpu.memref_slice %arg6[%add3A_111, %dma_start3A_118] : memref<256x64xf32, #tpu.memory_space<vmem>> -> memref<1x64xf32, #tpu.memory_space<vmem>>
      %dma_start3A_120 = tpu.memref_squeeze %dma_start3A_119 : memref<1x64xf32, #tpu.memory_space<vmem>> -> memref<64xf32, #tpu.memory_space<vmem>>
      %dma_start3A_121 = arith.constant 0 : i32
      %dma_start3A_122 = tpu.memref_slice %arg2[%squeeze3A_107, %dma_start3A_121] : memref<1000001x64xf32, #tpu.memory_space<hbm>> -> memref<1x64xf32, #tpu.memory_space<hbm>>
      %dma_start3A_123 = tpu.memref_squeeze %dma_start3A_122 : memref<1x64xf32, #tpu.memory_space<hbm>> -> memref<64xf32, #tpu.memory_space<hbm>>
      tpu.enqueue_dma source(%dma_start3A_123 : memref<64xf32, #tpu.memory_space<hbm>>) target(%dma_start3A_120 : memref<64xf32, #tpu.memory_space<vmem>>) target_semaphore(%arg8 : memref<!tpu.dma_semaphore, #tpu.memory_space<semaphore_mem>>)
      %slice3A_124 = vector.extract_strided_slice %get3A_36 {offsets = [5], sizes = [1], strides = [1]} : vector<16xi32> to vector<1xi32>
      %squeeze3A_125 = vector.extract %slice3A_124[0] : i32 from vector<1xi32>
      %mul3A_126 = arith.constant 16 : i32
      %mul3A_127 = arith.muli %scan3A_29, %mul3A_126 : i32
      %add3A_128 = arith.constant 5 : i32
      %add3A_129 = arith.addi %mul3A_127, %add3A_128 : i32
      %dma_start3A_130 = arith.constant 0 : i32
      %dma_start3A_131 = tpu.memref_slice %arg6[%add3A_129, %dma_start3A_130] : memref<256x64xf32, #tpu.memory_space<vmem>> -> memref<1x64xf32, #tpu.memory_space<vmem>>
      %dma_start3A_132 = tpu.memref_squeeze %dma_start3A_131 : memref<1x64xf32, #tpu.memory_space<vmem>> -> memref<64xf32, #tpu.memory_space<vmem>>
      %dma_start3A_133 = arith.constant 0 : i32
      %dma_start3A_134 = tpu.memref_slice %arg2[%squeeze3A_125, %dma_start3A_133] : memref<1000001x64xf32, #tpu.memory_space<hbm>> -> memref<1x64xf32, #tpu.memory_space<hbm>>
      %dma_start3A_135 = tpu.memref_squeeze %dma_start3A_134 : memref<1x64xf32, #tpu.memory_space<hbm>> -> memref<64xf32, #tpu.memory_space<hbm>>
      %dma_start3A_136 = arith.constant 0 : i32
      %dma_start3A_137 = tpu.memref_slice %arg6[%add3A_129, %dma_start3A_136] : memref<256x64xf32, #tpu.memory_space<vmem>> -> memref<1x64xf32, #tpu.memory_space<vmem>>
      %dma_start3A_138 = tpu.memref_squeeze %dma_start3A_137 : memref<1x64xf32, #tpu.memory_space<vmem>> -> memref<64xf32, #tpu.memory_space<vmem>>
      %dma_start3A_139 = arith.constant 0 : i32
      %dma_start3A_140 = tpu.memref_slice %arg2[%squeeze3A_125, %dma_start3A_139] : memref<1000001x64xf32, #tpu.memory_space<hbm>> -> memref<1x64xf32, #tpu.memory_space<hbm>>
      %dma_start3A_141 = tpu.memref_squeeze %dma_start3A_140 : memref<1x64xf32, #tpu.memory_space<hbm>> -> memref<64xf32, #tpu.memory_space<hbm>>
      tpu.enqueue_dma source(%dma_start3A_141 : memref<64xf32, #tpu.memory_space<hbm>>) target(%dma_start3A_138 : memref<64xf32, #tpu.memory_space<vmem>>) target_semaphore(%arg8 : memref<!tpu.dma_semaphore, #tpu.memory_space<semaphore_mem>>)
      %slice3A_142 = vector.extract_strided_slice %get3A_36 {offsets = [6], sizes = [1], strides = [1]} : vector<16xi32> to vector<1xi32>
      %squeeze3A_143 = vector.extract %slice3A_142[0] : i32 from vector<1xi32>
      %mul3A_144 = arith.constant 16 : i32
      %mul3A_145 = arith.muli %scan3A_29, %mul3A_144 : i32
      %add3A_146 = arith.constant 6 : i32
      %add3A_147 = arith.addi %mul3A_145, %add3A_146 : i32
      %dma_start3A_148 = arith.constant 0 : i32
      %dma_start3A_149 = tpu.memref_slice %arg6[%add3A_147, %dma_start3A_148] : memref<256x64xf32, #tpu.memory_space<vmem>> -> memref<1x64xf32, #tpu.memory_space<vmem>>
      %dma_start3A_150 = tpu.memref_squeeze %dma_start3A_149 : memref<1x64xf32, #tpu.memory_space<vmem>> -> memref<64xf32, #tpu.memory_space<vmem>>
      %dma_start3A_151 = arith.constant 0 : i32
      %dma_start3A_152 = tpu.memref_slice %arg2[%squeeze3A_143, %dma_start3A_151] : memref<1000001x64xf32, #tpu.memory_space<hbm>> -> memref<1x64xf32, #tpu.memory_space<hbm>>
      %dma_start3A_153 = tpu.memref_squeeze %dma_start3A_152 : memref<1x64xf32, #tpu.memory_space<hbm>> -> memref<64xf32, #tpu.memory_space<hbm>>
      %dma_start3A_154 = arith.constant 0 : i32
      %dma_start3A_155 = tpu.memref_slice %arg6[%add3A_147, %dma_start3A_154] : memref<256x64xf32, #tpu.memory_space<vmem>> -> memref<1x64xf32, #tpu.memory_space<vmem>>
      %dma_start3A_156 = tpu.memref_squeeze %dma_start3A_155 : memref<1x64xf32, #tpu.memory_space<vmem>> -> memref<64xf32, #tpu.memory_space<vmem>>
      %dma_start3A_157 = arith.constant 0 : i32
      %dma_start3A_158 = tpu.memref_slice %arg2[%squeeze3A_143, %dma_start3A_157] : memref<1000001x64xf32, #tpu.memory_space<hbm>> -> memref<1x64xf32, #tpu.memory_space<hbm>>
      %dma_start3A_159 = tpu.memref_squeeze %dma_start3A_158 : memref<1x64xf32, #tpu.memory_space<hbm>> -> memref<64xf32, #tpu.memory_space<hbm>>
      tpu.enqueue_dma source(%dma_start3A_159 : memref<64xf32, #tpu.memory_space<hbm>>) target(%dma_start3A_156 : memref<64xf32, #tpu.memory_space<vmem>>) target_semaphore(%arg8 : memref<!tpu.dma_semaphore, #tpu.memory_space<semaphore_mem>>)
      %slice3A_160 = vector.extract_strided_slice %get3A_36 {offsets = [7], sizes = [1], strides = [1]} : vector<16xi32> to vector<1xi32>
      %squeeze3A_161 = vector.extract %slice3A_160[0] : i32 from vector<1xi32>
      %mul3A_162 = arith.constant 16 : i32
      %mul3A_163 = arith.muli %scan3A_29, %mul3A_162 : i32
      %add3A_164 = arith.constant 7 : i32
      %add3A_165 = arith.addi %mul3A_163, %add3A_164 : i32
      %dma_start3A_166 = arith.constant 0 : i32
      %dma_start3A_167 = tpu.memref_slice %arg6[%add3A_165, %dma_start3A_166] : memref<256x64xf32, #tpu.memory_space<vmem>> -> memref<1x64xf32, #tpu.memory_space<vmem>>
      %dma_start3A_168 = tpu.memref_squeeze %dma_start3A_167 : memref<1x64xf32, #tpu.memory_space<vmem>> -> memref<64xf32, #tpu.memory_space<vmem>>
      %dma_start3A_169 = arith.constant 0 : i32
      %dma_start3A_170 = tpu.memref_slice %arg2[%squeeze3A_161, %dma_start3A_169] : memref<1000001x64xf32, #tpu.memory_space<hbm>> -> memref<1x64xf32, #tpu.memory_space<hbm>>
      %dma_start3A_171 = tpu.memref_squeeze %dma_start3A_170 : memref<1x64xf32, #tpu.memory_space<hbm>> -> memref<64xf32, #tpu.memory_space<hbm>>
      %dma_start3A_172 = arith.constant 0 : i32
      %dma_start3A_173 = tpu.memref_slice %arg6[%add3A_165, %dma_start3A_172] : memref<256x64xf32, #tpu.memory_space<vmem>> -> memref<1x64xf32, #tpu.memory_space<vmem>>
      %dma_start3A_174 = tpu.memref_squeeze %dma_start3A_173 : memref<1x64xf32, #tpu.memory_space<vmem>> -> memref<64xf32, #tpu.memory_space<vmem>>
      %dma_start3A_175 = arith.constant 0 : i32
      %dma_start3A_176 = tpu.memref_slice %arg2[%squeeze3A_161, %dma_start3A_175] : memref<1000001x64xf32, #tpu.memory_space<hbm>> -> memref<1x64xf32, #tpu.memory_space<hbm>>
      %dma_start3A_177 = tpu.memref_squeeze %dma_start3A_176 : memref<1x64xf32, #tpu.memory_space<hbm>> -> memref<64xf32, #tpu.memory_space<hbm>>
      tpu.enqueue_dma source(%dma_start3A_177 : memref<64xf32, #tpu.memory_space<hbm>>) target(%dma_start3A_174 : memref<64xf32, #tpu.memory_space<vmem>>) target_semaphore(%arg8 : memref<!tpu.dma_semaphore, #tpu.memory_space<semaphore_mem>>)
      %slice3A_178 = vector.extract_strided_slice %get3A_36 {offsets = [8], sizes = [1], strides = [1]} : vector<16xi32> to vector<1xi32>
      %squeeze3A_179 = vector.extract %slice3A_178[0] : i32 from vector<1xi32>
      %mul3A_180 = arith.constant 16 : i32
      %mul3A_181 = arith.muli %scan3A_29, %mul3A_180 : i32
      %add3A_182 = arith.constant 8 : i32
      %add3A_183 = arith.addi %mul3A_181, %add3A_182 : i32
      %dma_start3A_184 = arith.constant 0 : i32
      %dma_start3A_185 = tpu.memref_slice %arg6[%add3A_183, %dma_start3A_184] : memref<256x64xf32, #tpu.memory_space<vmem>> -> memref<1x64xf32, #tpu.memory_space<vmem>>
      %dma_start3A_186 = tpu.memref_squeeze %dma_start3A_185 : memref<1x64xf32, #tpu.memory_space<vmem>> -> memref<64xf32, #tpu.memory_space<vmem>>
      %dma_start3A_187 = arith.constant 0 : i32
      %dma_start3A_188 = tpu.memref_slice %arg2[%squeeze3A_179, %dma_start3A_187] : memref<1000001x64xf32, #tpu.memory_space<hbm>> -> memref<1x64xf32, #tpu.memory_space<hbm>>
      %dma_start3A_189 = tpu.memref_squeeze %dma_start3A_188 : memref<1x64xf32, #tpu.memory_space<hbm>> -> memref<64xf32, #tpu.memory_space<hbm>>
      %dma_start3A_190 = arith.constant 0 : i32
      %dma_start3A_191 = tpu.memref_slice %arg6[%add3A_183, %dma_start3A_190] : memref<256x64xf32, #tpu.memory_space<vmem>> -> memref<1x64xf32, #tpu.memory_space<vmem>>
      %dma_start3A_192 = tpu.memref_squeeze %dma_start3A_191 : memref<1x64xf32, #tpu.memory_space<vmem>> -> memref<64xf32, #tpu.memory_space<vmem>>
      %dma_start3A_193 = arith.constant 0 : i32
      %dma_start3A_194 = tpu.memref_slice %arg2[%squeeze3A_179, %dma_start3A_193] : memref<1000001x64xf32, #tpu.memory_space<hbm>> -> memref<1x64xf32, #tpu.memory_space<hbm>>
      %dma_start3A_195 = tpu.memref_squeeze %dma_start3A_194 : memref<1x64xf32, #tpu.memory_space<hbm>> -> memref<64xf32, #tpu.memory_space<hbm>>
      tpu.enqueue_dma source(%dma_start3A_195 : memref<64xf32, #tpu.memory_space<hbm>>) target(%dma_start3A_192 : memref<64xf32, #tpu.memory_space<vmem>>) target_semaphore(%arg8 : memref<!tpu.dma_semaphore, #tpu.memory_space<semaphore_mem>>)
      %slice3A_196 = vector.extract_strided_slice %get3A_36 {offsets = [9], sizes = [1], strides = [1]} : vector<16xi32> to vector<1xi32>
      %squeeze3A_197 = vector.extract %slice3A_196[0] : i32 from vector<1xi32>
      %mul3A_198 = arith.constant 16 : i32
      %mul3A_199 = arith.muli %scan3A_29, %mul3A_198 : i32
      %add3A_200 = arith.constant 9 : i32
      %add3A_201 = arith.addi %mul3A_199, %add3A_200 : i32
      %dma_start3A_202 = arith.constant 0 : i32
      %dma_start3A_203 = tpu.memref_slice %arg6[%add3A_201, %dma_start3A_202] : memref<256x64xf32, #tpu.memory_space<vmem>> -> memref<1x64xf32, #tpu.memory_space<vmem>>
      %dma_start3A_204 = tpu.memref_squeeze %dma_start3A_203 : memref<1x64xf32, #tpu.memory_space<vmem>> -> memref<64xf32, #tpu.memory_space<vmem>>
      %dma_start3A_205 = arith.constant 0 : i32
      %dma_start3A_206 = tpu.memref_slice %arg2[%squeeze3A_197, %dma_start3A_205] : memref<1000001x64xf32, #tpu.memory_space<hbm>> -> memref<1x64xf32, #tpu.memory_space<hbm>>
      %dma_start3A_207 = tpu.memref_squeeze %dma_start3A_206 : memref<1x64xf32, #tpu.memory_space<hbm>> -> memref<64xf32, #tpu.memory_space<hbm>>
      %dma_start3A_208 = arith.constant 0 : i32
      %dma_start3A_209 = tpu.memref_slice %arg6[%add3A_201, %dma_start3A_208] : memref<256x64xf32, #tpu.memory_space<vmem>> -> memref<1x64xf32, #tpu.memory_space<vmem>>
      %dma_start3A_210 = tpu.memref_squeeze %dma_start3A_209 : memref<1x64xf32, #tpu.memory_space<vmem>> -> memref<64xf32, #tpu.memory_space<vmem>>
      %dma_start3A_211 = arith.constant 0 : i32
      %dma_start3A_212 = tpu.memref_slice %arg2[%squeeze3A_197, %dma_start3A_211] : memref<1000001x64xf32, #tpu.memory_space<hbm>> -> memref<1x64xf32, #tpu.memory_space<hbm>>
      %dma_start3A_213 = tpu.memref_squeeze %dma_start3A_212 : memref<1x64xf32, #tpu.memory_space<hbm>> -> memref<64xf32, #tpu.memory_space<hbm>>
      tpu.enqueue_dma source(%dma_start3A_213 : memref<64xf32, #tpu.memory_space<hbm>>) target(%dma_start3A_210 : memref<64xf32, #tpu.memory_space<vmem>>) target_semaphore(%arg8 : memref<!tpu.dma_semaphore, #tpu.memory_space<semaphore_mem>>)
      %slice3A_214 = vector.extract_strided_slice %get3A_36 {offsets = [10], sizes = [1], strides = [1]} : vector<16xi32> to vector<1xi32>
      %squeeze3A_215 = vector.extract %slice3A_214[0] : i32 from vector<1xi32>
      %mul3A_216 = arith.constant 16 : i32
      %mul3A_217 = arith.muli %scan3A_29, %mul3A_216 : i32
      %add3A_218 = arith.constant 10 : i32
      %add3A_219 = arith.addi %mul3A_217, %add3A_218 : i32
      %dma_start3A_220 = arith.constant 0 : i32
      %dma_start3A_221 = tpu.memref_slice %arg6[%add3A_219, %dma_start3A_220] : memref<256x64xf32, #tpu.memory_space<vmem>> -> memref<1x64xf32, #tpu.memory_space<vmem>>
      %dma_start3A_222 = tpu.memref_squeeze %dma_start3A_221 : memref<1x64xf32, #tpu.memory_space<vmem>> -> memref<64xf32, #tpu.memory_space<vmem>>
      %dma_start3A_223 = arith.constant 0 : i32
      %dma_start3A_224 = tpu.memref_slice %arg2[%squeeze3A_215, %dma_start3A_223] : memref<1000001x64xf32, #tpu.memory_space<hbm>> -> memref<1x64xf32, #tpu.memory_space<hbm>>
      %dma_start3A_225 = tpu.memref_squeeze %dma_start3A_224 : memref<1x64xf32, #tpu.memory_space<hbm>> -> memref<64xf32, #tpu.memory_space<hbm>>
      %dma_start3A_226 = arith.constant 0 : i32
      %dma_start3A_227 = tpu.memref_slice %arg6[%add3A_219, %dma_start3A_226] : memref<256x64xf32, #tpu.memory_space<vmem>> -> memref<1x64xf32, #tpu.memory_space<vmem>>
      %dma_start3A_228 = tpu.memref_squeeze %dma_start3A_227 : memref<1x64xf32, #tpu.memory_space<vmem>> -> memref<64xf32, #tpu.memory_space<vmem>>
      %dma_start3A_229 = arith.constant 0 : i32
      %dma_start3A_230 = tpu.memref_slice %arg2[%squeeze3A_215, %dma_start3A_229] : memref<1000001x64xf32, #tpu.memory_space<hbm>> -> memref<1x64xf32, #tpu.memory_space<hbm>>
      %dma_start3A_231 = tpu.memref_squeeze %dma_start3A_230 : memref<1x64xf32, #tpu.memory_space<hbm>> -> memref<64xf32, #tpu.memory_space<hbm>>
      tpu.enqueue_dma source(%dma_start3A_231 : memref<64xf32, #tpu.memory_space<hbm>>) target(%dma_start3A_228 : memref<64xf32, #tpu.memory_space<vmem>>) target_semaphore(%arg8 : memref<!tpu.dma_semaphore, #tpu.memory_space<semaphore_mem>>)
      %slice3A_232 = vector.extract_strided_slice %get3A_36 {offsets = [11], sizes = [1], strides = [1]} : vector<16xi32> to vector<1xi32>
      %squeeze3A_233 = vector.extract %slice3A_232[0] : i32 from vector<1xi32>
      %mul3A_234 = arith.constant 16 : i32
      %mul3A_235 = arith.muli %scan3A_29, %mul3A_234 : i32
      %add3A_236 = arith.constant 11 : i32
      %add3A_237 = arith.addi %mul3A_235, %add3A_236 : i32
      %dma_start3A_238 = arith.constant 0 : i32
      %dma_start3A_239 = tpu.memref_slice %arg6[%add3A_237, %dma_start3A_238] : memref<256x64xf32, #tpu.memory_space<vmem>> -> memref<1x64xf32, #tpu.memory_space<vmem>>
      %dma_start3A_240 = tpu.memref_squeeze %dma_start3A_239 : memref<1x64xf32, #tpu.memory_space<vmem>> -> memref<64xf32, #tpu.memory_space<vmem>>
      %dma_start3A_241 = arith.constant 0 : i32
      %dma_start3A_242 = tpu.memref_slice %arg2[%squeeze3A_233, %dma_start3A_241] : memref<1000001x64xf32, #tpu.memory_space<hbm>> -> memref<1x64xf32, #tpu.memory_space<hbm>>
      %dma_start3A_243 = tpu.memref_squeeze %dma_start3A_242 : memref<1x64xf32, #tpu.memory_space<hbm>> -> memref<64xf32, #tpu.memory_space<hbm>>
      %dma_start3A_244 = arith.constant 0 : i32
      %dma_start3A_245 = tpu.memref_slice %arg6[%add3A_237, %dma_start3A_244] : memref<256x64xf32, #tpu.memory_space<vmem>> -> memref<1x64xf32, #tpu.memory_space<vmem>>
      %dma_start3A_246 = tpu.memref_squeeze %dma_start3A_245 : memref<1x64xf32, #tpu.memory_space<vmem>> -> memref<64xf32, #tpu.memory_space<vmem>>
      %dma_start3A_247 = arith.constant 0 : i32
      %dma_start3A_248 = tpu.memref_slice %arg2[%squeeze3A_233, %dma_start3A_247] : memref<1000001x64xf32, #tpu.memory_space<hbm>> -> memref<1x64xf32, #tpu.memory_space<hbm>>
      %dma_start3A_249 = tpu.memref_squeeze %dma_start3A_248 : memref<1x64xf32, #tpu.memory_space<hbm>> -> memref<64xf32, #tpu.memory_space<hbm>>
      tpu.enqueue_dma source(%dma_start3A_249 : memref<64xf32, #tpu.memory_space<hbm>>) target(%dma_start3A_246 : memref<64xf32, #tpu.memory_space<vmem>>) target_semaphore(%arg8 : memref<!tpu.dma_semaphore, #tpu.memory_space<semaphore_mem>>)
      %slice3A_250 = vector.extract_strided_slice %get3A_36 {offsets = [12], sizes = [1], strides = [1]} : vector<16xi32> to vector<1xi32>
      %squeeze3A_251 = vector.extract %slice3A_250[0] : i32 from vector<1xi32>
      %mul3A_252 = arith.constant 16 : i32
      %mul3A_253 = arith.muli %scan3A_29, %mul3A_252 : i32
      %add3A_254 = arith.constant 12 : i32
      %add3A_255 = arith.addi %mul3A_253, %add3A_254 : i32
      %dma_start3A_256 = arith.constant 0 : i32
      %dma_start3A_257 = tpu.memref_slice %arg6[%add3A_255, %dma_start3A_256] : memref<256x64xf32, #tpu.memory_space<vmem>> -> memref<1x64xf32, #tpu.memory_space<vmem>>
      %dma_start3A_258 = tpu.memref_squeeze %dma_start3A_257 : memref<1x64xf32, #tpu.memory_space<vmem>> -> memref<64xf32, #tpu.memory_space<vmem>>
      %dma_start3A_259 = arith.constant 0 : i32
      %dma_start3A_260 = tpu.memref_slice %arg2[%squeeze3A_251, %dma_start3A_259] : memref<1000001x64xf32, #tpu.memory_space<hbm>> -> memref<1x64xf32, #tpu.memory_space<hbm>>
      %dma_start3A_261 = tpu.memref_squeeze %dma_start3A_260 : memref<1x64xf32, #tpu.memory_space<hbm>> -> memref<64xf32, #tpu.memory_space<hbm>>
      %dma_start3A_262 = arith.constant 0 : i32
      %dma_start3A_263 = tpu.memref_slice %arg6[%add3A_255, %dma_start3A_262] : memref<256x64xf32, #tpu.memory_space<vmem>> -> memref<1x64xf32, #tpu.memory_space<vmem>>
      %dma_start3A_264 = tpu.memref_squeeze %dma_start3A_263 : memref<1x64xf32, #tpu.memory_space<vmem>> -> memref<64xf32, #tpu.memory_space<vmem>>
      %dma_start3A_265 = arith.constant 0 : i32
      %dma_start3A_266 = tpu.memref_slice %arg2[%squeeze3A_251, %dma_start3A_265] : memref<1000001x64xf32, #tpu.memory_space<hbm>> -> memref<1x64xf32, #tpu.memory_space<hbm>>
      %dma_start3A_267 = tpu.memref_squeeze %dma_start3A_266 : memref<1x64xf32, #tpu.memory_space<hbm>> -> memref<64xf32, #tpu.memory_space<hbm>>
      tpu.enqueue_dma source(%dma_start3A_267 : memref<64xf32, #tpu.memory_space<hbm>>) target(%dma_start3A_264 : memref<64xf32, #tpu.memory_space<vmem>>) target_semaphore(%arg8 : memref<!tpu.dma_semaphore, #tpu.memory_space<semaphore_mem>>)
      %slice3A_268 = vector.extract_strided_slice %get3A_36 {offsets = [13], sizes = [1], strides = [1]} : vector<16xi32> to vector<1xi32>
      %squeeze3A_269 = vector.extract %slice3A_268[0] : i32 from vector<1xi32>
      %mul3A_270 = arith.constant 16 : i32
      %mul3A_271 = arith.muli %scan3A_29, %mul3A_270 : i32
      %add3A_272 = arith.constant 13 : i32
      %add3A_273 = arith.addi %mul3A_271, %add3A_272 : i32
      %dma_start3A_274 = arith.constant 0 : i32
      %dma_start3A_275 = tpu.memref_slice %arg6[%add3A_273, %dma_start3A_274] : memref<256x64xf32, #tpu.memory_space<vmem>> -> memref<1x64xf32, #tpu.memory_space<vmem>>
      %dma_start3A_276 = tpu.memref_squeeze %dma_start3A_275 : memref<1x64xf32, #tpu.memory_space<vmem>> -> memref<64xf32, #tpu.memory_space<vmem>>
      %dma_start3A_277 = arith.constant 0 : i32
      %dma_start3A_278 = tpu.memref_slice %arg2[%squeeze3A_269, %dma_start3A_277] : memref<1000001x64xf32, #tpu.memory_space<hbm>> -> memref<1x64xf32, #tpu.memory_space<hbm>>
      %dma_start3A_279 = tpu.memref_squeeze %dma_start3A_278 : memref<1x64xf32, #tpu.memory_space<hbm>> -> memref<64xf32, #tpu.memory_space<hbm>>
      %dma_start3A_280 = arith.constant 0 : i32
      %dma_start3A_281 = tpu.memref_slice %arg6[%add3A_273, %dma_start3A_280] : memref<256x64xf32, #tpu.memory_space<vmem>> -> memref<1x64xf32, #tpu.memory_space<vmem>>
      %dma_start3A_282 = tpu.memref_squeeze %dma_start3A_281 : memref<1x64xf32, #tpu.memory_space<vmem>> -> memref<64xf32, #tpu.memory_space<vmem>>
      %dma_start3A_283 = arith.constant 0 : i32
      %dma_start3A_284 = tpu.memref_slice %arg2[%squeeze3A_269, %dma_start3A_283] : memref<1000001x64xf32, #tpu.memory_space<hbm>> -> memref<1x64xf32, #tpu.memory_space<hbm>>
      %dma_start3A_285 = tpu.memref_squeeze %dma_start3A_284 : memref<1x64xf32, #tpu.memory_space<hbm>> -> memref<64xf32, #tpu.memory_space<hbm>>
      tpu.enqueue_dma source(%dma_start3A_285 : memref<64xf32, #tpu.memory_space<hbm>>) target(%dma_start3A_282 : memref<64xf32, #tpu.memory_space<vmem>>) target_semaphore(%arg8 : memref<!tpu.dma_semaphore, #tpu.memory_space<semaphore_mem>>)
      %slice3A_286 = vector.extract_strided_slice %get3A_36 {offsets = [14], sizes = [1], strides = [1]} : vector<16xi32> to vector<1xi32>
      %squeeze3A_287 = vector.extract %slice3A_286[0] : i32 from vector<1xi32>
      %mul3A_288 = arith.constant 16 : i32
      %mul3A_289 = arith.muli %scan3A_29, %mul3A_288 : i32
      %add3A_290 = arith.constant 14 : i32
      %add3A_291 = arith.addi %mul3A_289, %add3A_290 : i32
      %dma_start3A_292 = arith.constant 0 : i32
      %dma_start3A_293 = tpu.memref_slice %arg6[%add3A_291, %dma_start3A_292] : memref<256x64xf32, #tpu.memory_space<vmem>> -> memref<1x64xf32, #tpu.memory_space<vmem>>
      %dma_start3A_294 = tpu.memref_squeeze %dma_start3A_293 : memref<1x64xf32, #tpu.memory_space<vmem>> -> memref<64xf32, #tpu.memory_space<vmem>>
      %dma_start3A_295 = arith.constant 0 : i32
      %dma_start3A_296 = tpu.memref_slice %arg2[%squeeze3A_287, %dma_start3A_295] : memref<1000001x64xf32, #tpu.memory_space<hbm>> -> memref<1x64xf32, #tpu.memory_space<hbm>>
      %dma_start3A_297 = tpu.memref_squeeze %dma_start3A_296 : memref<1x64xf32, #tpu.memory_space<hbm>> -> memref<64xf32, #tpu.memory_space<hbm>>
      %dma_start3A_298 = arith.constant 0 : i32
      %dma_start3A_299 = tpu.memref_slice %arg6[%add3A_291, %dma_start3A_298] : memref<256x64xf32, #tpu.memory_space<vmem>> -> memref<1x64xf32, #tpu.memory_space<vmem>>
      %dma_start3A_300 = tpu.memref_squeeze %dma_start3A_299 : memref<1x64xf32, #tpu.memory_space<vmem>> -> memref<64xf32, #tpu.memory_space<vmem>>
      %dma_start3A_301 = arith.constant 0 : i32
      %dma_start3A_302 = tpu.memref_slice %arg2[%squeeze3A_287, %dma_start3A_301] : memref<1000001x64xf32, #tpu.memory_space<hbm>> -> memref<1x64xf32, #tpu.memory_space<hbm>>
      %dma_start3A_303 = tpu.memref_squeeze %dma_start3A_302 : memref<1x64xf32, #tpu.memory_space<hbm>> -> memref<64xf32, #tpu.memory_space<hbm>>
      tpu.enqueue_dma source(%dma_start3A_303 : memref<64xf32, #tpu.memory_space<hbm>>) target(%dma_start3A_300 : memref<64xf32, #tpu.memory_space<vmem>>) target_semaphore(%arg8 : memref<!tpu.dma_semaphore, #tpu.memory_space<semaphore_mem>>)
      %slice3A_304 = vector.extract_strided_slice %get3A_36 {offsets = [15], sizes = [1], strides = [1]} : vector<16xi32> to vector<1xi32>
      %squeeze3A_305 = vector.extract %slice3A_304[0] : i32 from vector<1xi32>
      %mul3A_306 = arith.constant 16 : i32
      %mul3A_307 = arith.muli %scan3A_29, %mul3A_306 : i32
      %add3A_308 = arith.constant 15 : i32
      %add3A_309 = arith.addi %mul3A_307, %add3A_308 : i32
      %dma_start3A_310 = arith.constant 0 : i32
      %dma_start3A_311 = tpu.memref_slice %arg6[%add3A_309, %dma_start3A_310] : memref<256x64xf32, #tpu.memory_space<vmem>> -> memref<1x64xf32, #tpu.memory_space<vmem>>
      %dma_start3A_312 = tpu.memref_squeeze %dma_start3A_311 : memref<1x64xf32, #tpu.memory_space<vmem>> -> memref<64xf32, #tpu.memory_space<vmem>>
      %dma_start3A_313 = arith.constant 0 : i32
      %dma_start3A_314 = tpu.memref_slice %arg2[%squeeze3A_305, %dma_start3A_313] : memref<1000001x64xf32, #tpu.memory_space<hbm>> -> memref<1x64xf32, #tpu.memory_space<hbm>>
      %dma_start3A_315 = tpu.memref_squeeze %dma_start3A_314 : memref<1x64xf32, #tpu.memory_space<hbm>> -> memref<64xf32, #tpu.memory_space<hbm>>
      %dma_start3A_316 = arith.constant 0 : i32
      %dma_start3A_317 = tpu.memref_slice %arg6[%add3A_309, %dma_start3A_316] : memref<256x64xf32, #tpu.memory_space<vmem>> -> memref<1x64xf32, #tpu.memory_space<vmem>>
      %dma_start3A_318 = tpu.memref_squeeze %dma_start3A_317 : memref<1x64xf32, #tpu.memory_space<vmem>> -> memref<64xf32, #tpu.memory_space<vmem>>
      %dma_start3A_319 = arith.constant 0 : i32
      %dma_start3A_320 = tpu.memref_slice %arg2[%squeeze3A_305, %dma_start3A_319] : memref<1000001x64xf32, #tpu.memory_space<hbm>> -> memref<1x64xf32, #tpu.memory_space<hbm>>
      %dma_start3A_321 = tpu.memref_squeeze %dma_start3A_320 : memref<1x64xf32, #tpu.memory_space<hbm>> -> memref<64xf32, #tpu.memory_space<hbm>>
      tpu.enqueue_dma source(%dma_start3A_321 : memref<64xf32, #tpu.memory_space<hbm>>) target(%dma_start3A_318 : memref<64xf32, #tpu.memory_space<vmem>>) target_semaphore(%arg8 : memref<!tpu.dma_semaphore, #tpu.memory_space<semaphore_mem>>)
      %scan3A_322 = arith.constant 0 : i32
      scf.yield %scan3A_322 : i32
    }
    %scan3A_8 = arith.constant 16 : i32
    %scan3A_9 = arith.constant 0 : i32
    %scan3A_10 = arith.constant 0 : i32
    %scan3A_11 = arith.constant 16 : i32
    %scan3A_12 = arith.addi %scan3A_10, %scan3A_11 : i32
    %scan3A_13 = arith.constant 1 : i32
    %scan3A_14 = scf.for %scan3A_29 = %scan3A_10 to %scan3A_12 step %scan3A_13 iter_args(%scan3A_30 = %scan3A_9) -> (i32)  : i32 {
      %mul3A_31 = arith.constant 16 : i32
      %mul3A_32 = arith.muli %scan3A_29, %mul3A_31 : i32
      %add3A_33 = arith.constant 256 : i32
      %add3A_34 = arith.addi %add3A_33, %mul3A_32 : i32
      %get3A = arith.index_cast %add3A_34 : i32 to index
      %get3A_35 = tpu.vector_load %arg5[%get3A] {strides = array<i32>} : memref<512xi32, #tpu.memory_space<vmem>>, vector<16xi32>,
      %get3A_36 = vector.shape_cast %get3A_35 : vector<16xi32> to vector<16xi32>
      %slice3A = vector.extract_strided_slice %get3A_36 {offsets = [0], sizes = [1], strides = [1]} : vector<16xi32> to vector<1xi32>
      %squeeze3A = vector.extract %slice3A[0] : i32 from vector<1xi32>
      %mul3A_37 = arith.constant 16 : i32
      %mul3A_38 = arith.muli %scan3A_29, %mul3A_37 : i32
      %add3A_39 = arith.constant 0 : i32
      %add3A_40 = arith.addi %mul3A_38, %add3A_39 : i32
      %dma_start3A = arith.constant 0 : i32
      %dma_start3A_41 = tpu.memref_slice %arg7[%add3A_40, %dma_start3A] : memref<256x64xf32, #tpu.memory_space<vmem>> -> memref<1x64xf32, #tpu.memory_space<vmem>>
      %dma_start3A_42 = tpu.memref_squeeze %dma_start3A_41 : memref<1x64xf32, #tpu.memory_space<vmem>> -> memref<64xf32, #tpu.memory_space<vmem>>
      %dma_start3A_43 = arith.constant 0 : i32
      %dma_start3A_44 = tpu.memref_slice %arg2[%squeeze3A, %dma_start3A_43] : memref<1000001x64xf32, #tpu.memory_space<hbm>> -> memref<1x64xf32, #tpu.memory_space<hbm>>
      %dma_start3A_45 = tpu.memref_squeeze %dma_start3A_44 : memref<1x64xf32, #tpu.memory_space<hbm>> -> memref<64xf32, #tpu.memory_space<hbm>>
      %dma_start3A_46 = arith.constant 0 : i32
      %dma_start3A_47 = tpu.memref_slice %arg7[%add3A_40, %dma_start3A_46] : memref<256x64xf32, #tpu.memory_space<vmem>> -> memref<1x64xf32, #tpu.memory_space<vmem>>
      %dma_start3A_48 = tpu.memref_squeeze %dma_start3A_47 : memref<1x64xf32, #tpu.memory_space<vmem>> -> memref<64xf32, #tpu.memory_space<vmem>>
      %dma_start3A_49 = arith.constant 0 : i32
      %dma_start3A_50 = tpu.memref_slice %arg2[%squeeze3A, %dma_start3A_49] : memref<1000001x64xf32, #tpu.memory_space<hbm>> -> memref<1x64xf32, #tpu.memory_space<hbm>>
      %dma_start3A_51 = tpu.memref_squeeze %dma_start3A_50 : memref<1x64xf32, #tpu.memory_space<hbm>> -> memref<64xf32, #tpu.memory_space<hbm>>
      tpu.enqueue_dma source(%dma_start3A_51 : memref<64xf32, #tpu.memory_space<hbm>>) target(%dma_start3A_48 : memref<64xf32, #tpu.memory_space<vmem>>) target_semaphore(%arg8 : memref<!tpu.dma_semaphore, #tpu.memory_space<semaphore_mem>>)
      %slice3A_52 = vector.extract_strided_slice %get3A_36 {offsets = [1], sizes = [1], strides = [1]} : vector<16xi32> to vector<1xi32>
      %squeeze3A_53 = vector.extract %slice3A_52[0] : i32 from vector<1xi32>
      %mul3A_54 = arith.constant 16 : i32
      %mul3A_55 = arith.muli %scan3A_29, %mul3A_54 : i32
      %add3A_56 = arith.constant 1 : i32
      %add3A_57 = arith.addi %mul3A_55, %add3A_56 : i32
      %dma_start3A_58 = arith.constant 0 : i32
      %dma_start3A_59 = tpu.memref_slice %arg7[%add3A_57, %dma_start3A_58] : memref<256x64xf32, #tpu.memory_space<vmem>> -> memref<1x64xf32, #tpu.memory_space<vmem>>
      %dma_start3A_60 = tpu.memref_squeeze %dma_start3A_59 : memref<1x64xf32, #tpu.memory_space<vmem>> -> memref<64xf32, #tpu.memory_space<vmem>>
      %dma_start3A_61 = arith.constant 0 : i32
      %dma_start3A_62 = tpu.memref_slice %arg2[%squeeze3A_53, %dma_start3A_61] : memref<1000001x64xf32, #tpu.memory_space<hbm>> -> memref<1x64xf32, #tpu.memory_space<hbm>>
      %dma_start3A_63 = tpu.memref_squeeze %dma_start3A_62 : memref<1x64xf32, #tpu.memory_space<hbm>> -> memref<64xf32, #tpu.memory_space<hbm>>
      %dma_start3A_64 = arith.constant 0 : i32
      %dma_start3A_65 = tpu.memref_slice %arg7[%add3A_57, %dma_start3A_64] : memref<256x64xf32, #tpu.memory_space<vmem>> -> memref<1x64xf32, #tpu.memory_space<vmem>>
      %dma_start3A_66 = tpu.memref_squeeze %dma_start3A_65 : memref<1x64xf32, #tpu.memory_space<vmem>> -> memref<64xf32, #tpu.memory_space<vmem>>
      %dma_start3A_67 = arith.constant 0 : i32
      %dma_start3A_68 = tpu.memref_slice %arg2[%squeeze3A_53, %dma_start3A_67] : memref<1000001x64xf32, #tpu.memory_space<hbm>> -> memref<1x64xf32, #tpu.memory_space<hbm>>
      %dma_start3A_69 = tpu.memref_squeeze %dma_start3A_68 : memref<1x64xf32, #tpu.memory_space<hbm>> -> memref<64xf32, #tpu.memory_space<hbm>>
      tpu.enqueue_dma source(%dma_start3A_69 : memref<64xf32, #tpu.memory_space<hbm>>) target(%dma_start3A_66 : memref<64xf32, #tpu.memory_space<vmem>>) target_semaphore(%arg8 : memref<!tpu.dma_semaphore, #tpu.memory_space<semaphore_mem>>)
      %slice3A_70 = vector.extract_strided_slice %get3A_36 {offsets = [2], sizes = [1], strides = [1]} : vector<16xi32> to vector<1xi32>
      %squeeze3A_71 = vector.extract %slice3A_70[0] : i32 from vector<1xi32>
      %mul3A_72 = arith.constant 16 : i32
      %mul3A_73 = arith.muli %scan3A_29, %mul3A_72 : i32
      %add3A_74 = arith.constant 2 : i32
      %add3A_75 = arith.addi %mul3A_73, %add3A_74 : i32
      %dma_start3A_76 = arith.constant 0 : i32
      %dma_start3A_77 = tpu.memref_slice %arg7[%add3A_75, %dma_start3A_76] : memref<256x64xf32, #tpu.memory_space<vmem>> -> memref<1x64xf32, #tpu.memory_space<vmem>>
      %dma_start3A_78 = tpu.memref_squeeze %dma_start3A_77 : memref<1x64xf32, #tpu.memory_space<vmem>> -> memref<64xf32, #tpu.memory_space<vmem>>
      %dma_start3A_79 = arith.constant 0 : i32
      %dma_start3A_80 = tpu.memref_slice %arg2[%squeeze3A_71, %dma_start3A_79] : memref<1000001x64xf32, #tpu.memory_space<hbm>> -> memref<1x64xf32, #tpu.memory_space<hbm>>
      %dma_start3A_81 = tpu.memref_squeeze %dma_start3A_80 : memref<1x64xf32, #tpu.memory_space<hbm>> -> memref<64xf32, #tpu.memory_space<hbm>>
      %dma_start3A_82 = arith.constant 0 : i32
      %dma_start3A_83 = tpu.memref_slice %arg7[%add3A_75, %dma_start3A_82] : memref<256x64xf32, #tpu.memory_space<vmem>> -> memref<1x64xf32, #tpu.memory_space<vmem>>
      %dma_start3A_84 = tpu.memref_squeeze %dma_start3A_83 : memref<1x64xf32, #tpu.memory_space<vmem>> -> memref<64xf32, #tpu.memory_space<vmem>>
      %dma_start3A_85 = arith.constant 0 : i32
      %dma_start3A_86 = tpu.memref_slice %arg2[%squeeze3A_71, %dma_start3A_85] : memref<1000001x64xf32, #tpu.memory_space<hbm>> -> memref<1x64xf32, #tpu.memory_space<hbm>>
      %dma_start3A_87 = tpu.memref_squeeze %dma_start3A_86 : memref<1x64xf32, #tpu.memory_space<hbm>> -> memref<64xf32, #tpu.memory_space<hbm>>
      tpu.enqueue_dma source(%dma_start3A_87 : memref<64xf32, #tpu.memory_space<hbm>>) target(%dma_start3A_84 : memref<64xf32, #tpu.memory_space<vmem>>) target_semaphore(%arg8 : memref<!tpu.dma_semaphore, #tpu.memory_space<semaphore_mem>>)
      %slice3A_88 = vector.extract_strided_slice %get3A_36 {offsets = [3], sizes = [1], strides = [1]} : vector<16xi32> to vector<1xi32>
      %squeeze3A_89 = vector.extract %slice3A_88[0] : i32 from vector<1xi32>
      %mul3A_90 = arith.constant 16 : i32
      %mul3A_91 = arith.muli %scan3A_29, %mul3A_90 : i32
      %add3A_92 = arith.constant 3 : i32
      %add3A_93 = arith.addi %mul3A_91, %add3A_92 : i32
      %dma_start3A_94 = arith.constant 0 : i32
      %dma_start3A_95 = tpu.memref_slice %arg7[%add3A_93, %dma_start3A_94] : memref<256x64xf32, #tpu.memory_space<vmem>> -> memref<1x64xf32, #tpu.memory_space<vmem>>
      %dma_start3A_96 = tpu.memref_squeeze %dma_start3A_95 : memref<1x64xf32, #tpu.memory_space<vmem>> -> memref<64xf32, #tpu.memory_space<vmem>>
      %dma_start3A_97 = arith.constant 0 : i32
      %dma_start3A_98 = tpu.memref_slice %arg2[%squeeze3A_89, %dma_start3A_97] : memref<1000001x64xf32, #tpu.memory_space<hbm>> -> memref<1x64xf32, #tpu.memory_space<hbm>>
      %dma_start3A_99 = tpu.memref_squeeze %dma_start3A_98 : memref<1x64xf32, #tpu.memory_space<hbm>> -> memref<64xf32, #tpu.memory_space<hbm>>
      %dma_start3A_100 = arith.constant 0 : i32
      %dma_start3A_101 = tpu.memref_slice %arg7[%add3A_93, %dma_start3A_100] : memref<256x64xf32, #tpu.memory_space<vmem>> -> memref<1x64xf32, #tpu.memory_space<vmem>>
      %dma_start3A_102 = tpu.memref_squeeze %dma_start3A_101 : memref<1x64xf32, #tpu.memory_space<vmem>> -> memref<64xf32, #tpu.memory_space<vmem>>
      %dma_start3A_103 = arith.constant 0 : i32
      %dma_start3A_104 = tpu.memref_slice %arg2[%squeeze3A_89, %dma_start3A_103] : memref<1000001x64xf32, #tpu.memory_space<hbm>> -> memref<1x64xf32, #tpu.memory_space<hbm>>
      %dma_start3A_105 = tpu.memref_squeeze %dma_start3A_104 : memref<1x64xf32, #tpu.memory_space<hbm>> -> memref<64xf32, #tpu.memory_space<hbm>>
      tpu.enqueue_dma source(%dma_start3A_105 : memref<64xf32, #tpu.memory_space<hbm>>) target(%dma_start3A_102 : memref<64xf32, #tpu.memory_space<vmem>>) target_semaphore(%arg8 : memref<!tpu.dma_semaphore, #tpu.memory_space<semaphore_mem>>)
      %slice3A_106 = vector.extract_strided_slice %get3A_36 {offsets = [4], sizes = [1], strides = [1]} : vector<16xi32> to vector<1xi32>
      %squeeze3A_107 = vector.extract %slice3A_106[0] : i32 from vector<1xi32>
      %mul3A_108 = arith.constant 16 : i32
      %mul3A_109 = arith.muli %scan3A_29, %mul3A_108 : i32
      %add3A_110 = arith.constant 4 : i32
      %add3A_111 = arith.addi %mul3A_109, %add3A_110 : i32
      %dma_start3A_112 = arith.constant 0 : i32
      %dma_start3A_113 = tpu.memref_slice %arg7[%add3A_111, %dma_start3A_112] : memref<256x64xf32, #tpu.memory_space<vmem>> -> memref<1x64xf32, #tpu.memory_space<vmem>>
      %dma_start3A_114 = tpu.memref_squeeze %dma_start3A_113 : memref<1x64xf32, #tpu.memory_space<vmem>> -> memref<64xf32, #tpu.memory_space<vmem>>
      %dma_start3A_115 = arith.constant 0 : i32
      %dma_start3A_116 = tpu.memref_slice %arg2[%squeeze3A_107, %dma_start3A_115] : memref<1000001x64xf32, #tpu.memory_space<hbm>> -> memref<1x64xf32, #tpu.memory_space<hbm>>
      %dma_start3A_117 = tpu.memref_squeeze %dma_start3A_116 : memref<1x64xf32, #tpu.memory_space<hbm>> -> memref<64xf32, #tpu.memory_space<hbm>>
      %dma_start3A_118 = arith.constant 0 : i32
      %dma_start3A_119 = tpu.memref_slice %arg7[%add3A_111, %dma_start3A_118] : memref<256x64xf32, #tpu.memory_space<vmem>> -> memref<1x64xf32, #tpu.memory_space<vmem>>
      %dma_start3A_120 = tpu.memref_squeeze %dma_start3A_119 : memref<1x64xf32, #tpu.memory_space<vmem>> -> memref<64xf32, #tpu.memory_space<vmem>>
      %dma_start3A_121 = arith.constant 0 : i32
      %dma_start3A_122 = tpu.memref_slice %arg2[%squeeze3A_107, %dma_start3A_121] : memref<1000001x64xf32, #tpu.memory_space<hbm>> -> memref<1x64xf32, #tpu.memory_space<hbm>>
      %dma_start3A_123 = tpu.memref_squeeze %dma_start3A_122 : memref<1x64xf32, #tpu.memory_space<hbm>> -> memref<64xf32, #tpu.memory_space<hbm>>
      tpu.enqueue_dma source(%dma_start3A_123 : memref<64xf32, #tpu.memory_space<hbm>>) target(%dma_start3A_120 : memref<64xf32, #tpu.memory_space<vmem>>) target_semaphore(%arg8 : memref<!tpu.dma_semaphore, #tpu.memory_space<semaphore_mem>>)
      %slice3A_124 = vector.extract_strided_slice %get3A_36 {offsets = [5], sizes = [1], strides = [1]} : vector<16xi32> to vector<1xi32>
      %squeeze3A_125 = vector.extract %slice3A_124[0] : i32 from vector<1xi32>
      %mul3A_126 = arith.constant 16 : i32
      %mul3A_127 = arith.muli %scan3A_29, %mul3A_126 : i32
      %add3A_128 = arith.constant 5 : i32
      %add3A_129 = arith.addi %mul3A_127, %add3A_128 : i32
      %dma_start3A_130 = arith.constant 0 : i32
      %dma_start3A_131 = tpu.memref_slice %arg7[%add3A_129, %dma_start3A_130] : memref<256x64xf32, #tpu.memory_space<vmem>> -> memref<1x64xf32, #tpu.memory_space<vmem>>
      %dma_start3A_132 = tpu.memref_squeeze %dma_start3A_131 : memref<1x64xf32, #tpu.memory_space<vmem>> -> memref<64xf32, #tpu.memory_space<vmem>>
      %dma_start3A_133 = arith.constant 0 : i32
      %dma_start3A_134 = tpu.memref_slice %arg2[%squeeze3A_125, %dma_start3A_133] : memref<1000001x64xf32, #tpu.memory_space<hbm>> -> memref<1x64xf32, #tpu.memory_space<hbm>>
      %dma_start3A_135 = tpu.memref_squeeze %dma_start3A_134 : memref<1x64xf32, #tpu.memory_space<hbm>> -> memref<64xf32, #tpu.memory_space<hbm>>
      %dma_start3A_136 = arith.constant 0 : i32
      %dma_start3A_137 = tpu.memref_slice %arg7[%add3A_129, %dma_start3A_136] : memref<256x64xf32, #tpu.memory_space<vmem>> -> memref<1x64xf32, #tpu.memory_space<vmem>>
      %dma_start3A_138 = tpu.memref_squeeze %dma_start3A_137 : memref<1x64xf32, #tpu.memory_space<vmem>> -> memref<64xf32, #tpu.memory_space<vmem>>
      %dma_start3A_139 = arith.constant 0 : i32
      %dma_start3A_140 = tpu.memref_slice %arg2[%squeeze3A_125, %dma_start3A_139] : memref<1000001x64xf32, #tpu.memory_space<hbm>> -> memref<1x64xf32, #tpu.memory_space<hbm>>
      %dma_start3A_141 = tpu.memref_squeeze %dma_start3A_140 : memref<1x64xf32, #tpu.memory_space<hbm>> -> memref<64xf32, #tpu.memory_space<hbm>>
      tpu.enqueue_dma source(%dma_start3A_141 : memref<64xf32, #tpu.memory_space<hbm>>) target(%dma_start3A_138 : memref<64xf32, #tpu.memory_space<vmem>>) target_semaphore(%arg8 : memref<!tpu.dma_semaphore, #tpu.memory_space<semaphore_mem>>)
      %slice3A_142 = vector.extract_strided_slice %get3A_36 {offsets = [6], sizes = [1], strides = [1]} : vector<16xi32> to vector<1xi32>
      %squeeze3A_143 = vector.extract %slice3A_142[0] : i32 from vector<1xi32>
      %mul3A_144 = arith.constant 16 : i32
      %mul3A_145 = arith.muli %scan3A_29, %mul3A_144 : i32
      %add3A_146 = arith.constant 6 : i32
      %add3A_147 = arith.addi %mul3A_145, %add3A_146 : i32
      %dma_start3A_148 = arith.constant 0 : i32
      %dma_start3A_149 = tpu.memref_slice %arg7[%add3A_147, %dma_start3A_148] : memref<256x64xf32, #tpu.memory_space<vmem>> -> memref<1x64xf32, #tpu.memory_space<vmem>>
      %dma_start3A_150 = tpu.memref_squeeze %dma_start3A_149 : memref<1x64xf32, #tpu.memory_space<vmem>> -> memref<64xf32, #tpu.memory_space<vmem>>
      %dma_start3A_151 = arith.constant 0 : i32
      %dma_start3A_152 = tpu.memref_slice %arg2[%squeeze3A_143, %dma_start3A_151] : memref<1000001x64xf32, #tpu.memory_space<hbm>> -> memref<1x64xf32, #tpu.memory_space<hbm>>
      %dma_start3A_153 = tpu.memref_squeeze %dma_start3A_152 : memref<1x64xf32, #tpu.memory_space<hbm>> -> memref<64xf32, #tpu.memory_space<hbm>>
      %dma_start3A_154 = arith.constant 0 : i32
      %dma_start3A_155 = tpu.memref_slice %arg7[%add3A_147, %dma_start3A_154] : memref<256x64xf32, #tpu.memory_space<vmem>> -> memref<1x64xf32, #tpu.memory_space<vmem>>
      %dma_start3A_156 = tpu.memref_squeeze %dma_start3A_155 : memref<1x64xf32, #tpu.memory_space<vmem>> -> memref<64xf32, #tpu.memory_space<vmem>>
      %dma_start3A_157 = arith.constant 0 : i32
      %dma_start3A_158 = tpu.memref_slice %arg2[%squeeze3A_143, %dma_start3A_157] : memref<1000001x64xf32, #tpu.memory_space<hbm>> -> memref<1x64xf32, #tpu.memory_space<hbm>>
      %dma_start3A_159 = tpu.memref_squeeze %dma_start3A_158 : memref<1x64xf32, #tpu.memory_space<hbm>> -> memref<64xf32, #tpu.memory_space<hbm>>
      tpu.enqueue_dma source(%dma_start3A_159 : memref<64xf32, #tpu.memory_space<hbm>>) target(%dma_start3A_156 : memref<64xf32, #tpu.memory_space<vmem>>) target_semaphore(%arg8 : memref<!tpu.dma_semaphore, #tpu.memory_space<semaphore_mem>>)
      %slice3A_160 = vector.extract_strided_slice %get3A_36 {offsets = [7], sizes = [1], strides = [1]} : vector<16xi32> to vector<1xi32>
      %squeeze3A_161 = vector.extract %slice3A_160[0] : i32 from vector<1xi32>
      %mul3A_162 = arith.constant 16 : i32
      %mul3A_163 = arith.muli %scan3A_29, %mul3A_162 : i32
      %add3A_164 = arith.constant 7 : i32
      %add3A_165 = arith.addi %mul3A_163, %add3A_164 : i32
      %dma_start3A_166 = arith.constant 0 : i32
      %dma_start3A_167 = tpu.memref_slice %arg7[%add3A_165, %dma_start3A_166] : memref<256x64xf32, #tpu.memory_space<vmem>> -> memref<1x64xf32, #tpu.memory_space<vmem>>
      %dma_start3A_168 = tpu.memref_squeeze %dma_start3A_167 : memref<1x64xf32, #tpu.memory_space<vmem>> -> memref<64xf32, #tpu.memory_space<vmem>>
      %dma_start3A_169 = arith.constant 0 : i32
      %dma_start3A_170 = tpu.memref_slice %arg2[%squeeze3A_161, %dma_start3A_169] : memref<1000001x64xf32, #tpu.memory_space<hbm>> -> memref<1x64xf32, #tpu.memory_space<hbm>>
      %dma_start3A_171 = tpu.memref_squeeze %dma_start3A_170 : memref<1x64xf32, #tpu.memory_space<hbm>> -> memref<64xf32, #tpu.memory_space<hbm>>
      %dma_start3A_172 = arith.constant 0 : i32
      %dma_start3A_173 = tpu.memref_slice %arg7[%add3A_165, %dma_start3A_172] : memref<256x64xf32, #tpu.memory_space<vmem>> -> memref<1x64xf32, #tpu.memory_space<vmem>>
      %dma_start3A_174 = tpu.memref_squeeze %dma_start3A_173 : memref<1x64xf32, #tpu.memory_space<vmem>> -> memref<64xf32, #tpu.memory_space<vmem>>
      %dma_start3A_175 = arith.constant 0 : i32
      %dma_start3A_176 = tpu.memref_slice %arg2[%squeeze3A_161, %dma_start3A_175] : memref<1000001x64xf32, #tpu.memory_space<hbm>> -> memref<1x64xf32, #tpu.memory_space<hbm>>
      %dma_start3A_177 = tpu.memref_squeeze %dma_start3A_176 : memref<1x64xf32, #tpu.memory_space<hbm>> -> memref<64xf32, #tpu.memory_space<hbm>>
      tpu.enqueue_dma source(%dma_start3A_177 : memref<64xf32, #tpu.memory_space<hbm>>) target(%dma_start3A_174 : memref<64xf32, #tpu.memory_space<vmem>>) target_semaphore(%arg8 : memref<!tpu.dma_semaphore, #tpu.memory_space<semaphore_mem>>)
      %slice3A_178 = vector.extract_strided_slice %get3A_36 {offsets = [8], sizes = [1], strides = [1]} : vector<16xi32> to vector<1xi32>
      %squeeze3A_179 = vector.extract %slice3A_178[0] : i32 from vector<1xi32>
      %mul3A_180 = arith.constant 16 : i32
      %mul3A_181 = arith.muli %scan3A_29, %mul3A_180 : i32
      %add3A_182 = arith.constant 8 : i32
      %add3A_183 = arith.addi %mul3A_181, %add3A_182 : i32
      %dma_start3A_184 = arith.constant 0 : i32
      %dma_start3A_185 = tpu.memref_slice %arg7[%add3A_183, %dma_start3A_184] : memref<256x64xf32, #tpu.memory_space<vmem>> -> memref<1x64xf32, #tpu.memory_space<vmem>>
      %dma_start3A_186 = tpu.memref_squeeze %dma_start3A_185 : memref<1x64xf32, #tpu.memory_space<vmem>> -> memref<64xf32, #tpu.memory_space<vmem>>
      %dma_start3A_187 = arith.constant 0 : i32
      %dma_start3A_188 = tpu.memref_slice %arg2[%squeeze3A_179, %dma_start3A_187] : memref<1000001x64xf32, #tpu.memory_space<hbm>> -> memref<1x64xf32, #tpu.memory_space<hbm>>
      %dma_start3A_189 = tpu.memref_squeeze %dma_start3A_188 : memref<1x64xf32, #tpu.memory_space<hbm>> -> memref<64xf32, #tpu.memory_space<hbm>>
      %dma_start3A_190 = arith.constant 0 : i32
      %dma_start3A_191 = tpu.memref_slice %arg7[%add3A_183, %dma_start3A_190] : memref<256x64xf32, #tpu.memory_space<vmem>> -> memref<1x64xf32, #tpu.memory_space<vmem>>
      %dma_start3A_192 = tpu.memref_squeeze %dma_start3A_191 : memref<1x64xf32, #tpu.memory_space<vmem>> -> memref<64xf32, #tpu.memory_space<vmem>>
      %dma_start3A_193 = arith.constant 0 : i32
      %dma_start3A_194 = tpu.memref_slice %arg2[%squeeze3A_179, %dma_start3A_193] : memref<1000001x64xf32, #tpu.memory_space<hbm>> -> memref<1x64xf32, #tpu.memory_space<hbm>>
      %dma_start3A_195 = tpu.memref_squeeze %dma_start3A_194 : memref<1x64xf32, #tpu.memory_space<hbm>> -> memref<64xf32, #tpu.memory_space<hbm>>
      tpu.enqueue_dma source(%dma_start3A_195 : memref<64xf32, #tpu.memory_space<hbm>>) target(%dma_start3A_192 : memref<64xf32, #tpu.memory_space<vmem>>) target_semaphore(%arg8 : memref<!tpu.dma_semaphore, #tpu.memory_space<semaphore_mem>>)
      %slice3A_196 = vector.extract_strided_slice %get3A_36 {offsets = [9], sizes = [1], strides = [1]} : vector<16xi32> to vector<1xi32>
      %squeeze3A_197 = vector.extract %slice3A_196[0] : i32 from vector<1xi32>
      %mul3A_198 = arith.constant 16 : i32
      %mul3A_199 = arith.muli %scan3A_29, %mul3A_198 : i32
      %add3A_200 = arith.constant 9 : i32
      %add3A_201 = arith.addi %mul3A_199, %add3A_200 : i32
      %dma_start3A_202 = arith.constant 0 : i32
      %dma_start3A_203 = tpu.memref_slice %arg7[%add3A_201, %dma_start3A_202] : memref<256x64xf32, #tpu.memory_space<vmem>> -> memref<1x64xf32, #tpu.memory_space<vmem>>
      %dma_start3A_204 = tpu.memref_squeeze %dma_start3A_203 : memref<1x64xf32, #tpu.memory_space<vmem>> -> memref<64xf32, #tpu.memory_space<vmem>>
      %dma_start3A_205 = arith.constant 0 : i32
      %dma_start3A_206 = tpu.memref_slice %arg2[%squeeze3A_197, %dma_start3A_205] : memref<1000001x64xf32, #tpu.memory_space<hbm>> -> memref<1x64xf32, #tpu.memory_space<hbm>>
      %dma_start3A_207 = tpu.memref_squeeze %dma_start3A_206 : memref<1x64xf32, #tpu.memory_space<hbm>> -> memref<64xf32, #tpu.memory_space<hbm>>
      %dma_start3A_208 = arith.constant 0 : i32
      %dma_start3A_209 = tpu.memref_slice %arg7[%add3A_201, %dma_start3A_208] : memref<256x64xf32, #tpu.memory_space<vmem>> -> memref<1x64xf32, #tpu.memory_space<vmem>>
      %dma_start3A_210 = tpu.memref_squeeze %dma_start3A_209 : memref<1x64xf32, #tpu.memory_space<vmem>> -> memref<64xf32, #tpu.memory_space<vmem>>
      %dma_start3A_211 = arith.constant 0 : i32
      %dma_start3A_212 = tpu.memref_slice %arg2[%squeeze3A_197, %dma_start3A_211] : memref<1000001x64xf32, #tpu.memory_space<hbm>> -> memref<1x64xf32, #tpu.memory_space<hbm>>
      %dma_start3A_213 = tpu.memref_squeeze %dma_start3A_212 : memref<1x64xf32, #tpu.memory_space<hbm>> -> memref<64xf32, #tpu.memory_space<hbm>>
      tpu.enqueue_dma source(%dma_start3A_213 : memref<64xf32, #tpu.memory_space<hbm>>) target(%dma_start3A_210 : memref<64xf32, #tpu.memory_space<vmem>>) target_semaphore(%arg8 : memref<!tpu.dma_semaphore, #tpu.memory_space<semaphore_mem>>)
      %slice3A_214 = vector.extract_strided_slice %get3A_36 {offsets = [10], sizes = [1], strides = [1]} : vector<16xi32> to vector<1xi32>
      %squeeze3A_215 = vector.extract %slice3A_214[0] : i32 from vector<1xi32>
      %mul3A_216 = arith.constant 16 : i32
      %mul3A_217 = arith.muli %scan3A_29, %mul3A_216 : i32
      %add3A_218 = arith.constant 10 : i32
      %add3A_219 = arith.addi %mul3A_217, %add3A_218 : i32
      %dma_start3A_220 = arith.constant 0 : i32
      %dma_start3A_221 = tpu.memref_slice %arg7[%add3A_219, %dma_start3A_220] : memref<256x64xf32, #tpu.memory_space<vmem>> -> memref<1x64xf32, #tpu.memory_space<vmem>>
      %dma_start3A_222 = tpu.memref_squeeze %dma_start3A_221 : memref<1x64xf32, #tpu.memory_space<vmem>> -> memref<64xf32, #tpu.memory_space<vmem>>
      %dma_start3A_223 = arith.constant 0 : i32
      %dma_start3A_224 = tpu.memref_slice %arg2[%squeeze3A_215, %dma_start3A_223] : memref<1000001x64xf32, #tpu.memory_space<hbm>> -> memref<1x64xf32, #tpu.memory_space<hbm>>
      %dma_start3A_225 = tpu.memref_squeeze %dma_start3A_224 : memref<1x64xf32, #tpu.memory_space<hbm>> -> memref<64xf32, #tpu.memory_space<hbm>>
      %dma_start3A_226 = arith.constant 0 : i32
      %dma_start3A_227 = tpu.memref_slice %arg7[%add3A_219, %dma_start3A_226] : memref<256x64xf32, #tpu.memory_space<vmem>> -> memref<1x64xf32, #tpu.memory_space<vmem>>
      %dma_start3A_228 = tpu.memref_squeeze %dma_start3A_227 : memref<1x64xf32, #tpu.memory_space<vmem>> -> memref<64xf32, #tpu.memory_space<vmem>>
      %dma_start3A_229 = arith.constant 0 : i32
      %dma_start3A_230 = tpu.memref_slice %arg2[%squeeze3A_215, %dma_start3A_229] : memref<1000001x64xf32, #tpu.memory_space<hbm>> -> memref<1x64xf32, #tpu.memory_space<hbm>>
      %dma_start3A_231 = tpu.memref_squeeze %dma_start3A_230 : memref<1x64xf32, #tpu.memory_space<hbm>> -> memref<64xf32, #tpu.memory_space<hbm>>
      tpu.enqueue_dma source(%dma_start3A_231 : memref<64xf32, #tpu.memory_space<hbm>>) target(%dma_start3A_228 : memref<64xf32, #tpu.memory_space<vmem>>) target_semaphore(%arg8 : memref<!tpu.dma_semaphore, #tpu.memory_space<semaphore_mem>>)
      %slice3A_232 = vector.extract_strided_slice %get3A_36 {offsets = [11], sizes = [1], strides = [1]} : vector<16xi32> to vector<1xi32>
      %squeeze3A_233 = vector.extract %slice3A_232[0] : i32 from vector<1xi32>
      %mul3A_234 = arith.constant 16 : i32
      %mul3A_235 = arith.muli %scan3A_29, %mul3A_234 : i32
      %add3A_236 = arith.constant 11 : i32
      %add3A_237 = arith.addi %mul3A_235, %add3A_236 : i32
      %dma_start3A_238 = arith.constant 0 : i32
      %dma_start3A_239 = tpu.memref_slice %arg7[%add3A_237, %dma_start3A_238] : memref<256x64xf32, #tpu.memory_space<vmem>> -> memref<1x64xf32, #tpu.memory_space<vmem>>
      %dma_start3A_240 = tpu.memref_squeeze %dma_start3A_239 : memref<1x64xf32, #tpu.memory_space<vmem>> -> memref<64xf32, #tpu.memory_space<vmem>>
      %dma_start3A_241 = arith.constant 0 : i32
      %dma_start3A_242 = tpu.memref_slice %arg2[%squeeze3A_233, %dma_start3A_241] : memref<1000001x64xf32, #tpu.memory_space<hbm>> -> memref<1x64xf32, #tpu.memory_space<hbm>>
      %dma_start3A_243 = tpu.memref_squeeze %dma_start3A_242 : memref<1x64xf32, #tpu.memory_space<hbm>> -> memref<64xf32, #tpu.memory_space<hbm>>
      %dma_start3A_244 = arith.constant 0 : i32
      %dma_start3A_245 = tpu.memref_slice %arg7[%add3A_237, %dma_start3A_244] : memref<256x64xf32, #tpu.memory_space<vmem>> -> memref<1x64xf32, #tpu.memory_space<vmem>>
      %dma_start3A_246 = tpu.memref_squeeze %dma_start3A_245 : memref<1x64xf32, #tpu.memory_space<vmem>> -> memref<64xf32, #tpu.memory_space<vmem>>
      %dma_start3A_247 = arith.constant 0 : i32
      %dma_start3A_248 = tpu.memref_slice %arg2[%squeeze3A_233, %dma_start3A_247] : memref<1000001x64xf32, #tpu.memory_space<hbm>> -> memref<1x64xf32, #tpu.memory_space<hbm>>
      %dma_start3A_249 = tpu.memref_squeeze %dma_start3A_248 : memref<1x64xf32, #tpu.memory_space<hbm>> -> memref<64xf32, #tpu.memory_space<hbm>>
      tpu.enqueue_dma source(%dma_start3A_249 : memref<64xf32, #tpu.memory_space<hbm>>) target(%dma_start3A_246 : memref<64xf32, #tpu.memory_space<vmem>>) target_semaphore(%arg8 : memref<!tpu.dma_semaphore, #tpu.memory_space<semaphore_mem>>)
      %slice3A_250 = vector.extract_strided_slice %get3A_36 {offsets = [12], sizes = [1], strides = [1]} : vector<16xi32> to vector<1xi32>
      %squeeze3A_251 = vector.extract %slice3A_250[0] : i32 from vector<1xi32>
      %mul3A_252 = arith.constant 16 : i32
      %mul3A_253 = arith.muli %scan3A_29, %mul3A_252 : i32
      %add3A_254 = arith.constant 12 : i32
      %add3A_255 = arith.addi %mul3A_253, %add3A_254 : i32
      %dma_start3A_256 = arith.constant 0 : i32
      %dma_start3A_257 = tpu.memref_slice %arg7[%add3A_255, %dma_start3A_256] : memref<256x64xf32, #tpu.memory_space<vmem>> -> memref<1x64xf32, #tpu.memory_space<vmem>>
      %dma_start3A_258 = tpu.memref_squeeze %dma_start3A_257 : memref<1x64xf32, #tpu.memory_space<vmem>> -> memref<64xf32, #tpu.memory_space<vmem>>
      %dma_start3A_259 = arith.constant 0 : i32
      %dma_start3A_260 = tpu.memref_slice %arg2[%squeeze3A_251, %dma_start3A_259] : memref<1000001x64xf32, #tpu.memory_space<hbm>> -> memref<1x64xf32, #tpu.memory_space<hbm>>
      %dma_start3A_261 = tpu.memref_squeeze %dma_start3A_260 : memref<1x64xf32, #tpu.memory_space<hbm>> -> memref<64xf32, #tpu.memory_space<hbm>>
      %dma_start3A_262 = arith.constant 0 : i32
      %dma_start3A_263 = tpu.memref_slice %arg7[%add3A_255, %dma_start3A_262] : memref<256x64xf32, #tpu.memory_space<vmem>> -> memref<1x64xf32, #tpu.memory_space<vmem>>
      %dma_start3A_264 = tpu.memref_squeeze %dma_start3A_263 : memref<1x64xf32, #tpu.memory_space<vmem>> -> memref<64xf32, #tpu.memory_space<vmem>>
      %dma_start3A_265 = arith.constant 0 : i32
      %dma_start3A_266 = tpu.memref_slice %arg2[%squeeze3A_251, %dma_start3A_265] : memref<1000001x64xf32, #tpu.memory_space<hbm>> -> memref<1x64xf32, #tpu.memory_space<hbm>>
      %dma_start3A_267 = tpu.memref_squeeze %dma_start3A_266 : memref<1x64xf32, #tpu.memory_space<hbm>> -> memref<64xf32, #tpu.memory_space<hbm>>
      tpu.enqueue_dma source(%dma_start3A_267 : memref<64xf32, #tpu.memory_space<hbm>>) target(%dma_start3A_264 : memref<64xf32, #tpu.memory_space<vmem>>) target_semaphore(%arg8 : memref<!tpu.dma_semaphore, #tpu.memory_space<semaphore_mem>>)
      %slice3A_268 = vector.extract_strided_slice %get3A_36 {offsets = [13], sizes = [1], strides = [1]} : vector<16xi32> to vector<1xi32>
      %squeeze3A_269 = vector.extract %slice3A_268[0] : i32 from vector<1xi32>
      %mul3A_270 = arith.constant 16 : i32
      %mul3A_271 = arith.muli %scan3A_29, %mul3A_270 : i32
      %add3A_272 = arith.constant 13 : i32
      %add3A_273 = arith.addi %mul3A_271, %add3A_272 : i32
      %dma_start3A_274 = arith.constant 0 : i32
      %dma_start3A_275 = tpu.memref_slice %arg7[%add3A_273, %dma_start3A_274] : memref<256x64xf32, #tpu.memory_space<vmem>> -> memref<1x64xf32, #tpu.memory_space<vmem>>
      %dma_start3A_276 = tpu.memref_squeeze %dma_start3A_275 : memref<1x64xf32, #tpu.memory_space<vmem>> -> memref<64xf32, #tpu.memory_space<vmem>>
      %dma_start3A_277 = arith.constant 0 : i32
      %dma_start3A_278 = tpu.memref_slice %arg2[%squeeze3A_269, %dma_start3A_277] : memref<1000001x64xf32, #tpu.memory_space<hbm>> -> memref<1x64xf32, #tpu.memory_space<hbm>>
      %dma_start3A_279 = tpu.memref_squeeze %dma_start3A_278 : memref<1x64xf32, #tpu.memory_space<hbm>> -> memref<64xf32, #tpu.memory_space<hbm>>
      %dma_start3A_280 = arith.constant 0 : i32
      %dma_start3A_281 = tpu.memref_slice %arg7[%add3A_273, %dma_start3A_280] : memref<256x64xf32, #tpu.memory_space<vmem>> -> memref<1x64xf32, #tpu.memory_space<vmem>>
      %dma_start3A_282 = tpu.memref_squeeze %dma_start3A_281 : memref<1x64xf32, #tpu.memory_space<vmem>> -> memref<64xf32, #tpu.memory_space<vmem>>
      %dma_start3A_283 = arith.constant 0 : i32
      %dma_start3A_284 = tpu.memref_slice %arg2[%squeeze3A_269, %dma_start3A_283] : memref<1000001x64xf32, #tpu.memory_space<hbm>> -> memref<1x64xf32, #tpu.memory_space<hbm>>
      %dma_start3A_285 = tpu.memref_squeeze %dma_start3A_284 : memref<1x64xf32, #tpu.memory_space<hbm>> -> memref<64xf32, #tpu.memory_space<hbm>>
      tpu.enqueue_dma source(%dma_start3A_285 : memref<64xf32, #tpu.memory_space<hbm>>) target(%dma_start3A_282 : memref<64xf32, #tpu.memory_space<vmem>>) target_semaphore(%arg8 : memref<!tpu.dma_semaphore, #tpu.memory_space<semaphore_mem>>)
      %slice3A_286 = vector.extract_strided_slice %get3A_36 {offsets = [14], sizes = [1], strides = [1]} : vector<16xi32> to vector<1xi32>
      %squeeze3A_287 = vector.extract %slice3A_286[0] : i32 from vector<1xi32>
      %mul3A_288 = arith.constant 16 : i32
      %mul3A_289 = arith.muli %scan3A_29, %mul3A_288 : i32
      %add3A_290 = arith.constant 14 : i32
      %add3A_291 = arith.addi %mul3A_289, %add3A_290 : i32
      %dma_start3A_292 = arith.constant 0 : i32
      %dma_start3A_293 = tpu.memref_slice %arg7[%add3A_291, %dma_start3A_292] : memref<256x64xf32, #tpu.memory_space<vmem>> -> memref<1x64xf32, #tpu.memory_space<vmem>>
      %dma_start3A_294 = tpu.memref_squeeze %dma_start3A_293 : memref<1x64xf32, #tpu.memory_space<vmem>> -> memref<64xf32, #tpu.memory_space<vmem>>
      %dma_start3A_295 = arith.constant 0 : i32
      %dma_start3A_296 = tpu.memref_slice %arg2[%squeeze3A_287, %dma_start3A_295] : memref<1000001x64xf32, #tpu.memory_space<hbm>> -> memref<1x64xf32, #tpu.memory_space<hbm>>
      %dma_start3A_297 = tpu.memref_squeeze %dma_start3A_296 : memref<1x64xf32, #tpu.memory_space<hbm>> -> memref<64xf32, #tpu.memory_space<hbm>>
      %dma_start3A_298 = arith.constant 0 : i32
      %dma_start3A_299 = tpu.memref_slice %arg7[%add3A_291, %dma_start3A_298] : memref<256x64xf32, #tpu.memory_space<vmem>> -> memref<1x64xf32, #tpu.memory_space<vmem>>
      %dma_start3A_300 = tpu.memref_squeeze %dma_start3A_299 : memref<1x64xf32, #tpu.memory_space<vmem>> -> memref<64xf32, #tpu.memory_space<vmem>>
      %dma_start3A_301 = arith.constant 0 : i32
      %dma_start3A_302 = tpu.memref_slice %arg2[%squeeze3A_287, %dma_start3A_301] : memref<1000001x64xf32, #tpu.memory_space<hbm>> -> memref<1x64xf32, #tpu.memory_space<hbm>>
      %dma_start3A_303 = tpu.memref_squeeze %dma_start3A_302 : memref<1x64xf32, #tpu.memory_space<hbm>> -> memref<64xf32, #tpu.memory_space<hbm>>
      tpu.enqueue_dma source(%dma_start3A_303 : memref<64xf32, #tpu.memory_space<hbm>>) target(%dma_start3A_300 : memref<64xf32, #tpu.memory_space<vmem>>) target_semaphore(%arg8 : memref<!tpu.dma_semaphore, #tpu.memory_space<semaphore_mem>>)
      %slice3A_304 = vector.extract_strided_slice %get3A_36 {offsets = [15], sizes = [1], strides = [1]} : vector<16xi32> to vector<1xi32>
      %squeeze3A_305 = vector.extract %slice3A_304[0] : i32 from vector<1xi32>
      %mul3A_306 = arith.constant 16 : i32
      %mul3A_307 = arith.muli %scan3A_29, %mul3A_306 : i32
      %add3A_308 = arith.constant 15 : i32
      %add3A_309 = arith.addi %mul3A_307, %add3A_308 : i32
      %dma_start3A_310 = arith.constant 0 : i32
      %dma_start3A_311 = tpu.memref_slice %arg7[%add3A_309, %dma_start3A_310] : memref<256x64xf32, #tpu.memory_space<vmem>> -> memref<1x64xf32, #tpu.memory_space<vmem>>
      %dma_start3A_312 = tpu.memref_squeeze %dma_start3A_311 : memref<1x64xf32, #tpu.memory_space<vmem>> -> memref<64xf32, #tpu.memory_space<vmem>>
      %dma_start3A_313 = arith.constant 0 : i32
      %dma_start3A_314 = tpu.memref_slice %arg2[%squeeze3A_305, %dma_start3A_313] : memref<1000001x64xf32, #tpu.memory_space<hbm>> -> memref<1x64xf32, #tpu.memory_space<hbm>>
      %dma_start3A_315 = tpu.memref_squeeze %dma_start3A_314 : memref<1x64xf32, #tpu.memory_space<hbm>> -> memref<64xf32, #tpu.memory_space<hbm>>
      %dma_start3A_316 = arith.constant 0 : i32
      %dma_start3A_317 = tpu.memref_slice %arg7[%add3A_309, %dma_start3A_316] : memref<256x64xf32, #tpu.memory_space<vmem>> -> memref<1x64xf32, #tpu.memory_space<vmem>>
      %dma_start3A_318 = tpu.memref_squeeze %dma_start3A_317 : memref<1x64xf32, #tpu.memory_space<vmem>> -> memref<64xf32, #tpu.memory_space<vmem>>
      %dma_start3A_319 = arith.constant 0 : i32
      %dma_start3A_320 = tpu.memref_slice %arg2[%squeeze3A_305, %dma_start3A_319] : memref<1000001x64xf32, #tpu.memory_space<hbm>> -> memref<1x64xf32, #tpu.memory_space<hbm>>
      %dma_start3A_321 = tpu.memref_squeeze %dma_start3A_320 : memref<1x64xf32, #tpu.memory_space<hbm>> -> memref<64xf32, #tpu.memory_space<hbm>>
      tpu.enqueue_dma source(%dma_start3A_321 : memref<64xf32, #tpu.memory_space<hbm>>) target(%dma_start3A_318 : memref<64xf32, #tpu.memory_space<vmem>>) target_semaphore(%arg8 : memref<!tpu.dma_semaphore, #tpu.memory_space<semaphore_mem>>)
      %scan3A_322 = arith.constant 0 : i32
      scf.yield %scan3A_322 : i32
    }
    %scan3A_15 = arith.constant 16 : i32
    %dma_wait3A = arith.constant 0 : i32
    %dma_wait3A_16 = arith.constant 0 : i32
    %dma_wait3A_17 = tpu.memref_slice %arg4[%dma_wait3A, %dma_wait3A_16] : memref<16384x64xf32, #tpu.memory_space<hbm>> -> memref<256x64xf32, #tpu.memory_space<hbm>>
    %dma_wait3A_18 = arith.constant 0 : i32
    %dma_wait3A_19 = arith.constant 0 : i32
    %dma_wait3A_20 = tpu.memref_slice %arg4[%dma_wait3A_18, %dma_wait3A_19] : memref<16384x64xf32, #tpu.memory_space<hbm>> -> memref<256x64xf32, #tpu.memory_space<hbm>>
    tpu.wait_dma2 semaphore(%arg8 : memref<!tpu.dma_semaphore, #tpu.memory_space<semaphore_mem>>) src(%dma_wait3A_20 : memref<256x64xf32, #tpu.memory_space<hbm>>) dst(%arg6 : memref<256x64xf32, #tpu.memory_space<vmem>>)
    %dma_wait3A_21 = arith.constant 0 : i32
    %dma_wait3A_22 = arith.constant 0 : i32
    %dma_wait3A_23 = tpu.memref_slice %arg4[%dma_wait3A_21, %dma_wait3A_22] : memref<16384x64xf32, #tpu.memory_space<hbm>> -> memref<256x64xf32, #tpu.memory_space<hbm>>
    %dma_wait3A_24 = arith.constant 0 : i32
    %dma_wait3A_25 = arith.constant 0 : i32
    %dma_wait3A_26 = tpu.memref_slice %arg4[%dma_wait3A_24, %dma_wait3A_25] : memref<16384x64xf32, #tpu.memory_space<hbm>> -> memref<256x64xf32, #tpu.memory_space<hbm>>
    tpu.wait_dma2 semaphore(%arg8 : memref<!tpu.dma_semaphore, #tpu.memory_space<semaphore_mem>>) src(%dma_wait3A_26 : memref<256x64xf32, #tpu.memory_space<hbm>>) dst(%arg7 : memref<256x64xf32, #tpu.memory_space<vmem>>)
    "tpu.region"() ({
      %run_scoped3A = tpu.sem_alloc : memref<!tpu.dma_semaphore, #tpu.memory_space<semaphore_mem>>
      %dma_start3A = arith.constant 0 : i32
      %dma_start3A_29 = tpu.memref_slice %arg4[%mul3A_2, %dma_start3A] : memref<16384x64xf32, #tpu.memory_space<hbm>> -> memref<256x64xf32, #tpu.memory_space<hbm>>
      %dma_start3A_30 = arith.constant 0 : i32
      %dma_start3A_31 = tpu.memref_slice %arg4[%mul3A_2, %dma_start3A_30] : memref<16384x64xf32, #tpu.memory_space<hbm>> -> memref<256x64xf32, #tpu.memory_space<hbm>>
      tpu.enqueue_dma source(%arg6 : memref<256x64xf32, #tpu.memory_space<vmem>>) target(%dma_start3A_31 : memref<256x64xf32, #tpu.memory_space<hbm>>) target_semaphore(%run_scoped3A : memref<!tpu.dma_semaphore, #tpu.memory_space<semaphore_mem>>)
      %dma_wait3A_32 = arith.constant 0 : i32
      %dma_wait3A_33 = tpu.memref_slice %arg4[%mul3A_2, %dma_wait3A_32] : memref<16384x64xf32, #tpu.memory_space<hbm>> -> memref<256x64xf32, #tpu.memory_space<hbm>>
      %dma_wait3A_34 = arith.constant 0 : i32
      %dma_wait3A_35 = tpu.memref_slice %arg4[%mul3A_2, %dma_wait3A_34] : memref<16384x64xf32, #tpu.memory_space<hbm>> -> memref<256x64xf32, #tpu.memory_space<hbm>>
      tpu.wait_dma2 semaphore(%run_scoped3A : memref<!tpu.dma_semaphore, #tpu.memory_space<semaphore_mem>>) src(%arg6 : memref<256x64xf32, #tpu.memory_space<vmem>>) dst(%dma_wait3A_35 : memref<256x64xf32, #tpu.memory_space<hbm>>)
      tpu.yield
    }) : () -> ()
    %add3A_27 = arith.constant 256 : i32
    %add3A_28 = arith.addi %mul3A_2, %add3A_27 : i32
    "tpu.region"() ({
      %run_scoped3A = tpu.sem_alloc : memref<!tpu.dma_semaphore, #tpu.memory_space<semaphore_mem>>
      %dma_start3A = arith.constant 0 : i32
      %dma_start3A_29 = tpu.memref_slice %arg4[%add3A_28, %dma_start3A] : memref<16384x64xf32, #tpu.memory_space<hbm>> -> memref<256x64xf32, #tpu.memory_space<hbm>>
      %dma_start3A_30 = arith.constant 0 : i32
      %dma_start3A_31 = tpu.memref_slice %arg4[%add3A_28, %dma_start3A_30] : memref<16384x64xf32, #tpu.memory_space<hbm>> -> memref<256x64xf32, #tpu.memory_space<hbm>>
      tpu.enqueue_dma source(%arg7 : memref<256x64xf32, #tpu.memory_space<vmem>>) target(%dma_start3A_31 : memref<256x64xf32, #tpu.memory_space<hbm>>) target_semaphore(%run_scoped3A : memref<!tpu.dma_semaphore, #tpu.memory_space<semaphore_mem>>)
      %dma_wait3A_32 = arith.constant 0 : i32
      %dma_wait3A_33 = tpu.memref_slice %arg4[%add3A_28, %dma_wait3A_32] : memref<16384x64xf32, #tpu.memory_space<hbm>> -> memref<256x64xf32, #tpu.memory_space<hbm>>
      %dma_wait3A_34 = arith.constant 0 : i32
      %dma_wait3A_35 = tpu.memref_slice %arg4[%add3A_28, %dma_wait3A_34] : memref<16384x64xf32, #tpu.memory_space<hbm>> -> memref<256x64xf32, #tpu.memory_space<hbm>>
      tpu.wait_dma2 semaphore(%run_scoped3A : memref<!tpu.dma_semaphore, #tpu.memory_space<semaphore_mem>>) src(%arg7 : memref<256x64xf32, #tpu.memory_space<vmem>>) dst(%dma_wait3A_35 : memref<256x64xf32, #tpu.memory_space<hbm>>)
      tpu.yield
    }) : () -> ()
    return
  }
}

#map = affine_map<(d0, d1) -> (0, 0)>
#map1 = affine_map<(d0, d1) -> (0)>
module attributes {stable_mosaic.version = 14 : i64} {
  func.func @k(%arg0: i32, %arg1: i32, %arg2: memref<100001x64xf32, #tpu.memory_space<hbm>>, %arg3: memref<1001x64xf32, #tpu.memory_space<hbm>>, %arg4: memref<16384xi32, #tpu.memory_space<hbm>>, %arg5: memref<16384xi32, #tpu.memory_space<hbm>>, %arg6: memref<16384x64xf32, #tpu.memory_space<hbm>>, %arg7: memref<512xi32, #tpu.memory_space<vmem>>, %arg8: memref<512xi32, #tpu.memory_space<vmem>>, %arg9: memref<256x64xf32, #tpu.memory_space<vmem>>, %arg10: memref<256x64xf32, #tpu.memory_space<vmem>>, %arg11: memref<!tpu.dma_semaphore, #tpu.memory_space<semaphore_mem>>) attributes {dimension_semantics = [#tpu.dimension_semantics<core_parallel>, #tpu.dimension_semantics<subcore_parallel>], iteration_bounds = array<i64: 2, 16>, scalar_prefetch = 0 : i64, scratch_operands = 5 : i64, tpu.core_type = #tpu.core_type<sc_vector_subcore>, window_params = [{transform_indices = #map}, {transform_indices = #map}, {transform_indices = #map1}, {transform_indices = #map1}, {transform_indices = #map}]} {
    %mul3A = arith.constant 2 : i32
    %mul3A_0 = arith.muli %arg1, %mul3A : i32
    %add3A = arith.addi %mul3A_0, %arg0 : i32
    %mul3A_1 = arith.constant 512 : i32
    %mul3A_2 = arith.muli %add3A, %mul3A_1 : i32
    "tpu.region"() ({
      %run_scoped3A = tpu.sem_alloc : memref<!tpu.dma_semaphore, #tpu.memory_space<semaphore_mem>>
      %dma_start3A = tpu.memref_slice %arg4[%mul3A_2] : memref<16384xi32, #tpu.memory_space<hbm>> -> memref<512xi32, #tpu.memory_space<hbm>>
      %dma_start3A_71 = tpu.memref_slice %arg4[%mul3A_2] : memref<16384xi32, #tpu.memory_space<hbm>> -> memref<512xi32, #tpu.memory_space<hbm>>
      tpu.enqueue_dma source(%dma_start3A_71 : memref<512xi32, #tpu.memory_space<hbm>>) target(%arg7 : memref<512xi32, #tpu.memory_space<vmem>>) target_semaphore(%run_scoped3A : memref<!tpu.dma_semaphore, #tpu.memory_space<semaphore_mem>>)
      %dma_wait3A_72 = tpu.memref_slice %arg4[%mul3A_2] : memref<16384xi32, #tpu.memory_space<hbm>> -> memref<512xi32, #tpu.memory_space<hbm>>
      %dma_wait3A_73 = tpu.memref_slice %arg4[%mul3A_2] : memref<16384xi32, #tpu.memory_space<hbm>> -> memref<512xi32, #tpu.memory_space<hbm>>
      tpu.wait_dma2 semaphore(%run_scoped3A : memref<!tpu.dma_semaphore, #tpu.memory_space<semaphore_mem>>) src(%dma_wait3A_73 : memref<512xi32, #tpu.memory_space<hbm>>) dst(%arg7 : memref<512xi32, #tpu.memory_space<vmem>>)
      tpu.yield
    }) : () -> ()
    "tpu.region"() ({
      %run_scoped3A = tpu.sem_alloc : memref<!tpu.dma_semaphore, #tpu.memory_space<semaphore_mem>>
      %dma_start3A = tpu.memref_slice %arg5[%mul3A_2] : memref<16384xi32, #tpu.memory_space<hbm>> -> memref<512xi32, #tpu.memory_space<hbm>>
      %dma_start3A_71 = tpu.memref_slice %arg5[%mul3A_2] : memref<16384xi32, #tpu.memory_space<hbm>> -> memref<512xi32, #tpu.memory_space<hbm>>
      tpu.enqueue_dma source(%dma_start3A_71 : memref<512xi32, #tpu.memory_space<hbm>>) target(%arg8 : memref<512xi32, #tpu.memory_space<vmem>>) target_semaphore(%run_scoped3A : memref<!tpu.dma_semaphore, #tpu.memory_space<semaphore_mem>>)
      %dma_wait3A_72 = tpu.memref_slice %arg5[%mul3A_2] : memref<16384xi32, #tpu.memory_space<hbm>> -> memref<512xi32, #tpu.memory_space<hbm>>
      %dma_wait3A_73 = tpu.memref_slice %arg5[%mul3A_2] : memref<16384xi32, #tpu.memory_space<hbm>> -> memref<512xi32, #tpu.memory_space<hbm>>
      tpu.wait_dma2 semaphore(%run_scoped3A : memref<!tpu.dma_semaphore, #tpu.memory_space<semaphore_mem>>) src(%dma_wait3A_73 : memref<512xi32, #tpu.memory_space<hbm>>) dst(%arg8 : memref<512xi32, #tpu.memory_space<vmem>>)
      tpu.yield
    }) : () -> ()
    %scan3A = arith.constant 0 : i32
    %scan3A_3 = arith.constant 0 : i32
    %scan3A_4 = arith.constant 16 : i32
    %scan3A_5 = arith.addi %scan3A_3, %scan3A_4 : i32
    %scan3A_6 = arith.constant 1 : i32
    %scan3A_7 = scf.for %scan3A_71 = %scan3A_3 to %scan3A_5 step %scan3A_6 iter_args(%scan3A_72 = %scan3A) -> (i32)  : i32 {
      %mul3A_73 = arith.constant 16 : i32
      %mul3A_74 = arith.muli %scan3A_71, %mul3A_73 : i32
      %add3A_75 = arith.constant 0 : i32
      %add3A_76 = arith.addi %add3A_75, %mul3A_74 : i32
      %get3A = arith.index_cast %add3A_76 : i32 to index
      %get3A_77 = tpu.vector_load %arg7[%get3A] {strides = array<i32>} : memref<512xi32, #tpu.memory_space<vmem>>, vector<16xi32>,
      %get3A_78 = vector.shape_cast %get3A_77 : vector<16xi32> to vector<16xi32>
      %slice3A = vector.extract_strided_slice %get3A_78 {offsets = [0], sizes = [1], strides = [1]} : vector<16xi32> to vector<1xi32>
      %squeeze3A = vector.extract %slice3A[0] : i32 from vector<1xi32>
      %mul3A_79 = arith.constant 16 : i32
      %mul3A_80 = arith.muli %scan3A_71, %mul3A_79 : i32
      %add3A_81 = arith.constant 0 : i32
      %add3A_82 = arith.addi %mul3A_80, %add3A_81 : i32
      %dma_start3A = arith.constant 0 : i32
      %dma_start3A_83 = tpu.memref_slice %arg9[%add3A_82, %dma_start3A] : memref<256x64xf32, #tpu.memory_space<vmem>> -> memref<1x64xf32, #tpu.memory_space<vmem>>
      %dma_start3A_84 = tpu.memref_squeeze %dma_start3A_83 : memref<1x64xf32, #tpu.memory_space<vmem>> -> memref<64xf32, #tpu.memory_space<vmem>>
      %dma_start3A_85 = arith.constant 0 : i32
      %dma_start3A_86 = tpu.memref_slice %arg2[%squeeze3A, %dma_start3A_85] : memref<100001x64xf32, #tpu.memory_space<hbm>> -> memref<1x64xf32, #tpu.memory_space<hbm>>
      %dma_start3A_87 = tpu.memref_squeeze %dma_start3A_86 : memref<1x64xf32, #tpu.memory_space<hbm>> -> memref<64xf32, #tpu.memory_space<hbm>>
      %dma_start3A_88 = arith.constant 0 : i32
      %dma_start3A_89 = tpu.memref_slice %arg9[%add3A_82, %dma_start3A_88] : memref<256x64xf32, #tpu.memory_space<vmem>> -> memref<1x64xf32, #tpu.memory_space<vmem>>
      %dma_start3A_90 = tpu.memref_squeeze %dma_start3A_89 : memref<1x64xf32, #tpu.memory_space<vmem>> -> memref<64xf32, #tpu.memory_space<vmem>>
      %dma_start3A_91 = arith.constant 0 : i32
      %dma_start3A_92 = tpu.memref_slice %arg2[%squeeze3A, %dma_start3A_91] : memref<100001x64xf32, #tpu.memory_space<hbm>> -> memref<1x64xf32, #tpu.memory_space<hbm>>
      %dma_start3A_93 = tpu.memref_squeeze %dma_start3A_92 : memref<1x64xf32, #tpu.memory_space<hbm>> -> memref<64xf32, #tpu.memory_space<hbm>>
      tpu.enqueue_dma source(%dma_start3A_93 : memref<64xf32, #tpu.memory_space<hbm>>) target(%dma_start3A_90 : memref<64xf32, #tpu.memory_space<vmem>>) target_semaphore(%arg11 : memref<!tpu.dma_semaphore, #tpu.memory_space<semaphore_mem>>)
      %slice3A_94 = vector.extract_strided_slice %get3A_78 {offsets = [1], sizes = [1], strides = [1]} : vector<16xi32> to vector<1xi32>
      %squeeze3A_95 = vector.extract %slice3A_94[0] : i32 from vector<1xi32>
      %mul3A_96 = arith.constant 16 : i32
      %mul3A_97 = arith.muli %scan3A_71, %mul3A_96 : i32
      %add3A_98 = arith.constant 1 : i32
      %add3A_99 = arith.addi %mul3A_97, %add3A_98 : i32
      %dma_start3A_100 = arith.constant 0 : i32
      %dma_start3A_101 = tpu.memref_slice %arg9[%add3A_99, %dma_start3A_100] : memref<256x64xf32, #tpu.memory_space<vmem>> -> memref<1x64xf32, #tpu.memory_space<vmem>>
      %dma_start3A_102 = tpu.memref_squeeze %dma_start3A_101 : memref<1x64xf32, #tpu.memory_space<vmem>> -> memref<64xf32, #tpu.memory_space<vmem>>
      %dma_start3A_103 = arith.constant 0 : i32
      %dma_start3A_104 = tpu.memref_slice %arg2[%squeeze3A_95, %dma_start3A_103] : memref<100001x64xf32, #tpu.memory_space<hbm>> -> memref<1x64xf32, #tpu.memory_space<hbm>>
      %dma_start3A_105 = tpu.memref_squeeze %dma_start3A_104 : memref<1x64xf32, #tpu.memory_space<hbm>> -> memref<64xf32, #tpu.memory_space<hbm>>
      %dma_start3A_106 = arith.constant 0 : i32
      %dma_start3A_107 = tpu.memref_slice %arg9[%add3A_99, %dma_start3A_106] : memref<256x64xf32, #tpu.memory_space<vmem>> -> memref<1x64xf32, #tpu.memory_space<vmem>>
      %dma_start3A_108 = tpu.memref_squeeze %dma_start3A_107 : memref<1x64xf32, #tpu.memory_space<vmem>> -> memref<64xf32, #tpu.memory_space<vmem>>
      %dma_start3A_109 = arith.constant 0 : i32
      %dma_start3A_110 = tpu.memref_slice %arg2[%squeeze3A_95, %dma_start3A_109] : memref<100001x64xf32, #tpu.memory_space<hbm>> -> memref<1x64xf32, #tpu.memory_space<hbm>>
      %dma_start3A_111 = tpu.memref_squeeze %dma_start3A_110 : memref<1x64xf32, #tpu.memory_space<hbm>> -> memref<64xf32, #tpu.memory_space<hbm>>
      tpu.enqueue_dma source(%dma_start3A_111 : memref<64xf32, #tpu.memory_space<hbm>>) target(%dma_start3A_108 : memref<64xf32, #tpu.memory_space<vmem>>) target_semaphore(%arg11 : memref<!tpu.dma_semaphore, #tpu.memory_space<semaphore_mem>>)
      %slice3A_112 = vector.extract_strided_slice %get3A_78 {offsets = [2], sizes = [1], strides = [1]} : vector<16xi32> to vector<1xi32>
      %squeeze3A_113 = vector.extract %slice3A_112[0] : i32 from vector<1xi32>
      %mul3A_114 = arith.constant 16 : i32
      %mul3A_115 = arith.muli %scan3A_71, %mul3A_114 : i32
      %add3A_116 = arith.constant 2 : i32
      %add3A_117 = arith.addi %mul3A_115, %add3A_116 : i32
      %dma_start3A_118 = arith.constant 0 : i32
      %dma_start3A_119 = tpu.memref_slice %arg9[%add3A_117, %dma_start3A_118] : memref<256x64xf32, #tpu.memory_space<vmem>> -> memref<1x64xf32, #tpu.memory_space<vmem>>
      %dma_start3A_120 = tpu.memref_squeeze %dma_start3A_119 : memref<1x64xf32, #tpu.memory_space<vmem>> -> memref<64xf32, #tpu.memory_space<vmem>>
      %dma_start3A_121 = arith.constant 0 : i32
      %dma_start3A_122 = tpu.memref_slice %arg2[%squeeze3A_113, %dma_start3A_121] : memref<100001x64xf32, #tpu.memory_space<hbm>> -> memref<1x64xf32, #tpu.memory_space<hbm>>
      %dma_start3A_123 = tpu.memref_squeeze %dma_start3A_122 : memref<1x64xf32, #tpu.memory_space<hbm>> -> memref<64xf32, #tpu.memory_space<hbm>>
      %dma_start3A_124 = arith.constant 0 : i32
      %dma_start3A_125 = tpu.memref_slice %arg9[%add3A_117, %dma_start3A_124] : memref<256x64xf32, #tpu.memory_space<vmem>> -> memref<1x64xf32, #tpu.memory_space<vmem>>
      %dma_start3A_126 = tpu.memref_squeeze %dma_start3A_125 : memref<1x64xf32, #tpu.memory_space<vmem>> -> memref<64xf32, #tpu.memory_space<vmem>>
      %dma_start3A_127 = arith.constant 0 : i32
      %dma_start3A_128 = tpu.memref_slice %arg2[%squeeze3A_113, %dma_start3A_127] : memref<100001x64xf32, #tpu.memory_space<hbm>> -> memref<1x64xf32, #tpu.memory_space<hbm>>
      %dma_start3A_129 = tpu.memref_squeeze %dma_start3A_128 : memref<1x64xf32, #tpu.memory_space<hbm>> -> memref<64xf32, #tpu.memory_space<hbm>>
      tpu.enqueue_dma source(%dma_start3A_129 : memref<64xf32, #tpu.memory_space<hbm>>) target(%dma_start3A_126 : memref<64xf32, #tpu.memory_space<vmem>>) target_semaphore(%arg11 : memref<!tpu.dma_semaphore, #tpu.memory_space<semaphore_mem>>)
      %slice3A_130 = vector.extract_strided_slice %get3A_78 {offsets = [3], sizes = [1], strides = [1]} : vector<16xi32> to vector<1xi32>
      %squeeze3A_131 = vector.extract %slice3A_130[0] : i32 from vector<1xi32>
      %mul3A_132 = arith.constant 16 : i32
      %mul3A_133 = arith.muli %scan3A_71, %mul3A_132 : i32
      %add3A_134 = arith.constant 3 : i32
      %add3A_135 = arith.addi %mul3A_133, %add3A_134 : i32
      %dma_start3A_136 = arith.constant 0 : i32
      %dma_start3A_137 = tpu.memref_slice %arg9[%add3A_135, %dma_start3A_136] : memref<256x64xf32, #tpu.memory_space<vmem>> -> memref<1x64xf32, #tpu.memory_space<vmem>>
      %dma_start3A_138 = tpu.memref_squeeze %dma_start3A_137 : memref<1x64xf32, #tpu.memory_space<vmem>> -> memref<64xf32, #tpu.memory_space<vmem>>
      %dma_start3A_139 = arith.constant 0 : i32
      %dma_start3A_140 = tpu.memref_slice %arg2[%squeeze3A_131, %dma_start3A_139] : memref<100001x64xf32, #tpu.memory_space<hbm>> -> memref<1x64xf32, #tpu.memory_space<hbm>>
      %dma_start3A_141 = tpu.memref_squeeze %dma_start3A_140 : memref<1x64xf32, #tpu.memory_space<hbm>> -> memref<64xf32, #tpu.memory_space<hbm>>
      %dma_start3A_142 = arith.constant 0 : i32
      %dma_start3A_143 = tpu.memref_slice %arg9[%add3A_135, %dma_start3A_142] : memref<256x64xf32, #tpu.memory_space<vmem>> -> memref<1x64xf32, #tpu.memory_space<vmem>>
      %dma_start3A_144 = tpu.memref_squeeze %dma_start3A_143 : memref<1x64xf32, #tpu.memory_space<vmem>> -> memref<64xf32, #tpu.memory_space<vmem>>
      %dma_start3A_145 = arith.constant 0 : i32
      %dma_start3A_146 = tpu.memref_slice %arg2[%squeeze3A_131, %dma_start3A_145] : memref<100001x64xf32, #tpu.memory_space<hbm>> -> memref<1x64xf32, #tpu.memory_space<hbm>>
      %dma_start3A_147 = tpu.memref_squeeze %dma_start3A_146 : memref<1x64xf32, #tpu.memory_space<hbm>> -> memref<64xf32, #tpu.memory_space<hbm>>
      tpu.enqueue_dma source(%dma_start3A_147 : memref<64xf32, #tpu.memory_space<hbm>>) target(%dma_start3A_144 : memref<64xf32, #tpu.memory_space<vmem>>) target_semaphore(%arg11 : memref<!tpu.dma_semaphore, #tpu.memory_space<semaphore_mem>>)
      %slice3A_148 = vector.extract_strided_slice %get3A_78 {offsets = [4], sizes = [1], strides = [1]} : vector<16xi32> to vector<1xi32>
      %squeeze3A_149 = vector.extract %slice3A_148[0] : i32 from vector<1xi32>
      %mul3A_150 = arith.constant 16 : i32
      %mul3A_151 = arith.muli %scan3A_71, %mul3A_150 : i32
      %add3A_152 = arith.constant 4 : i32
      %add3A_153 = arith.addi %mul3A_151, %add3A_152 : i32
      %dma_start3A_154 = arith.constant 0 : i32
      %dma_start3A_155 = tpu.memref_slice %arg9[%add3A_153, %dma_start3A_154] : memref<256x64xf32, #tpu.memory_space<vmem>> -> memref<1x64xf32, #tpu.memory_space<vmem>>
      %dma_start3A_156 = tpu.memref_squeeze %dma_start3A_155 : memref<1x64xf32, #tpu.memory_space<vmem>> -> memref<64xf32, #tpu.memory_space<vmem>>
      %dma_start3A_157 = arith.constant 0 : i32
      %dma_start3A_158 = tpu.memref_slice %arg2[%squeeze3A_149, %dma_start3A_157] : memref<100001x64xf32, #tpu.memory_space<hbm>> -> memref<1x64xf32, #tpu.memory_space<hbm>>
      %dma_start3A_159 = tpu.memref_squeeze %dma_start3A_158 : memref<1x64xf32, #tpu.memory_space<hbm>> -> memref<64xf32, #tpu.memory_space<hbm>>
      %dma_start3A_160 = arith.constant 0 : i32
      %dma_start3A_161 = tpu.memref_slice %arg9[%add3A_153, %dma_start3A_160] : memref<256x64xf32, #tpu.memory_space<vmem>> -> memref<1x64xf32, #tpu.memory_space<vmem>>
      %dma_start3A_162 = tpu.memref_squeeze %dma_start3A_161 : memref<1x64xf32, #tpu.memory_space<vmem>> -> memref<64xf32, #tpu.memory_space<vmem>>
      %dma_start3A_163 = arith.constant 0 : i32
      %dma_start3A_164 = tpu.memref_slice %arg2[%squeeze3A_149, %dma_start3A_163] : memref<100001x64xf32, #tpu.memory_space<hbm>> -> memref<1x64xf32, #tpu.memory_space<hbm>>
      %dma_start3A_165 = tpu.memref_squeeze %dma_start3A_164 : memref<1x64xf32, #tpu.memory_space<hbm>> -> memref<64xf32, #tpu.memory_space<hbm>>
      tpu.enqueue_dma source(%dma_start3A_165 : memref<64xf32, #tpu.memory_space<hbm>>) target(%dma_start3A_162 : memref<64xf32, #tpu.memory_space<vmem>>) target_semaphore(%arg11 : memref<!tpu.dma_semaphore, #tpu.memory_space<semaphore_mem>>)
      %slice3A_166 = vector.extract_strided_slice %get3A_78 {offsets = [5], sizes = [1], strides = [1]} : vector<16xi32> to vector<1xi32>
      %squeeze3A_167 = vector.extract %slice3A_166[0] : i32 from vector<1xi32>
      %mul3A_168 = arith.constant 16 : i32
      %mul3A_169 = arith.muli %scan3A_71, %mul3A_168 : i32
      %add3A_170 = arith.constant 5 : i32
      %add3A_171 = arith.addi %mul3A_169, %add3A_170 : i32
      %dma_start3A_172 = arith.constant 0 : i32
      %dma_start3A_173 = tpu.memref_slice %arg9[%add3A_171, %dma_start3A_172] : memref<256x64xf32, #tpu.memory_space<vmem>> -> memref<1x64xf32, #tpu.memory_space<vmem>>
      %dma_start3A_174 = tpu.memref_squeeze %dma_start3A_173 : memref<1x64xf32, #tpu.memory_space<vmem>> -> memref<64xf32, #tpu.memory_space<vmem>>
      %dma_start3A_175 = arith.constant 0 : i32
      %dma_start3A_176 = tpu.memref_slice %arg2[%squeeze3A_167, %dma_start3A_175] : memref<100001x64xf32, #tpu.memory_space<hbm>> -> memref<1x64xf32, #tpu.memory_space<hbm>>
      %dma_start3A_177 = tpu.memref_squeeze %dma_start3A_176 : memref<1x64xf32, #tpu.memory_space<hbm>> -> memref<64xf32, #tpu.memory_space<hbm>>
      %dma_start3A_178 = arith.constant 0 : i32
      %dma_start3A_179 = tpu.memref_slice %arg9[%add3A_171, %dma_start3A_178] : memref<256x64xf32, #tpu.memory_space<vmem>> -> memref<1x64xf32, #tpu.memory_space<vmem>>
      %dma_start3A_180 = tpu.memref_squeeze %dma_start3A_179 : memref<1x64xf32, #tpu.memory_space<vmem>> -> memref<64xf32, #tpu.memory_space<vmem>>
      %dma_start3A_181 = arith.constant 0 : i32
      %dma_start3A_182 = tpu.memref_slice %arg2[%squeeze3A_167, %dma_start3A_181] : memref<100001x64xf32, #tpu.memory_space<hbm>> -> memref<1x64xf32, #tpu.memory_space<hbm>>
      %dma_start3A_183 = tpu.memref_squeeze %dma_start3A_182 : memref<1x64xf32, #tpu.memory_space<hbm>> -> memref<64xf32, #tpu.memory_space<hbm>>
      tpu.enqueue_dma source(%dma_start3A_183 : memref<64xf32, #tpu.memory_space<hbm>>) target(%dma_start3A_180 : memref<64xf32, #tpu.memory_space<vmem>>) target_semaphore(%arg11 : memref<!tpu.dma_semaphore, #tpu.memory_space<semaphore_mem>>)
      %slice3A_184 = vector.extract_strided_slice %get3A_78 {offsets = [6], sizes = [1], strides = [1]} : vector<16xi32> to vector<1xi32>
      %squeeze3A_185 = vector.extract %slice3A_184[0] : i32 from vector<1xi32>
      %mul3A_186 = arith.constant 16 : i32
      %mul3A_187 = arith.muli %scan3A_71, %mul3A_186 : i32
      %add3A_188 = arith.constant 6 : i32
      %add3A_189 = arith.addi %mul3A_187, %add3A_188 : i32
      %dma_start3A_190 = arith.constant 0 : i32
      %dma_start3A_191 = tpu.memref_slice %arg9[%add3A_189, %dma_start3A_190] : memref<256x64xf32, #tpu.memory_space<vmem>> -> memref<1x64xf32, #tpu.memory_space<vmem>>
      %dma_start3A_192 = tpu.memref_squeeze %dma_start3A_191 : memref<1x64xf32, #tpu.memory_space<vmem>> -> memref<64xf32, #tpu.memory_space<vmem>>
      %dma_start3A_193 = arith.constant 0 : i32
      %dma_start3A_194 = tpu.memref_slice %arg2[%squeeze3A_185, %dma_start3A_193] : memref<100001x64xf32, #tpu.memory_space<hbm>> -> memref<1x64xf32, #tpu.memory_space<hbm>>
      %dma_start3A_195 = tpu.memref_squeeze %dma_start3A_194 : memref<1x64xf32, #tpu.memory_space<hbm>> -> memref<64xf32, #tpu.memory_space<hbm>>
      %dma_start3A_196 = arith.constant 0 : i32
      %dma_start3A_197 = tpu.memref_slice %arg9[%add3A_189, %dma_start3A_196] : memref<256x64xf32, #tpu.memory_space<vmem>> -> memref<1x64xf32, #tpu.memory_space<vmem>>
      %dma_start3A_198 = tpu.memref_squeeze %dma_start3A_197 : memref<1x64xf32, #tpu.memory_space<vmem>> -> memref<64xf32, #tpu.memory_space<vmem>>
      %dma_start3A_199 = arith.constant 0 : i32
      %dma_start3A_200 = tpu.memref_slice %arg2[%squeeze3A_185, %dma_start3A_199] : memref<100001x64xf32, #tpu.memory_space<hbm>> -> memref<1x64xf32, #tpu.memory_space<hbm>>
      %dma_start3A_201 = tpu.memref_squeeze %dma_start3A_200 : memref<1x64xf32, #tpu.memory_space<hbm>> -> memref<64xf32, #tpu.memory_space<hbm>>
      tpu.enqueue_dma source(%dma_start3A_201 : memref<64xf32, #tpu.memory_space<hbm>>) target(%dma_start3A_198 : memref<64xf32, #tpu.memory_space<vmem>>) target_semaphore(%arg11 : memref<!tpu.dma_semaphore, #tpu.memory_space<semaphore_mem>>)
      %slice3A_202 = vector.extract_strided_slice %get3A_78 {offsets = [7], sizes = [1], strides = [1]} : vector<16xi32> to vector<1xi32>
      %squeeze3A_203 = vector.extract %slice3A_202[0] : i32 from vector<1xi32>
      %mul3A_204 = arith.constant 16 : i32
      %mul3A_205 = arith.muli %scan3A_71, %mul3A_204 : i32
      %add3A_206 = arith.constant 7 : i32
      %add3A_207 = arith.addi %mul3A_205, %add3A_206 : i32
      %dma_start3A_208 = arith.constant 0 : i32
      %dma_start3A_209 = tpu.memref_slice %arg9[%add3A_207, %dma_start3A_208] : memref<256x64xf32, #tpu.memory_space<vmem>> -> memref<1x64xf32, #tpu.memory_space<vmem>>
      %dma_start3A_210 = tpu.memref_squeeze %dma_start3A_209 : memref<1x64xf32, #tpu.memory_space<vmem>> -> memref<64xf32, #tpu.memory_space<vmem>>
      %dma_start3A_211 = arith.constant 0 : i32
      %dma_start3A_212 = tpu.memref_slice %arg2[%squeeze3A_203, %dma_start3A_211] : memref<100001x64xf32, #tpu.memory_space<hbm>> -> memref<1x64xf32, #tpu.memory_space<hbm>>
      %dma_start3A_213 = tpu.memref_squeeze %dma_start3A_212 : memref<1x64xf32, #tpu.memory_space<hbm>> -> memref<64xf32, #tpu.memory_space<hbm>>
      %dma_start3A_214 = arith.constant 0 : i32
      %dma_start3A_215 = tpu.memref_slice %arg9[%add3A_207, %dma_start3A_214] : memref<256x64xf32, #tpu.memory_space<vmem>> -> memref<1x64xf32, #tpu.memory_space<vmem>>
      %dma_start3A_216 = tpu.memref_squeeze %dma_start3A_215 : memref<1x64xf32, #tpu.memory_space<vmem>> -> memref<64xf32, #tpu.memory_space<vmem>>
      %dma_start3A_217 = arith.constant 0 : i32
      %dma_start3A_218 = tpu.memref_slice %arg2[%squeeze3A_203, %dma_start3A_217] : memref<100001x64xf32, #tpu.memory_space<hbm>> -> memref<1x64xf32, #tpu.memory_space<hbm>>
      %dma_start3A_219 = tpu.memref_squeeze %dma_start3A_218 : memref<1x64xf32, #tpu.memory_space<hbm>> -> memref<64xf32, #tpu.memory_space<hbm>>
      tpu.enqueue_dma source(%dma_start3A_219 : memref<64xf32, #tpu.memory_space<hbm>>) target(%dma_start3A_216 : memref<64xf32, #tpu.memory_space<vmem>>) target_semaphore(%arg11 : memref<!tpu.dma_semaphore, #tpu.memory_space<semaphore_mem>>)
      %slice3A_220 = vector.extract_strided_slice %get3A_78 {offsets = [8], sizes = [1], strides = [1]} : vector<16xi32> to vector<1xi32>
      %squeeze3A_221 = vector.extract %slice3A_220[0] : i32 from vector<1xi32>
      %mul3A_222 = arith.constant 16 : i32
      %mul3A_223 = arith.muli %scan3A_71, %mul3A_222 : i32
      %add3A_224 = arith.constant 8 : i32
      %add3A_225 = arith.addi %mul3A_223, %add3A_224 : i32
      %dma_start3A_226 = arith.constant 0 : i32
      %dma_start3A_227 = tpu.memref_slice %arg9[%add3A_225, %dma_start3A_226] : memref<256x64xf32, #tpu.memory_space<vmem>> -> memref<1x64xf32, #tpu.memory_space<vmem>>
      %dma_start3A_228 = tpu.memref_squeeze %dma_start3A_227 : memref<1x64xf32, #tpu.memory_space<vmem>> -> memref<64xf32, #tpu.memory_space<vmem>>
      %dma_start3A_229 = arith.constant 0 : i32
      %dma_start3A_230 = tpu.memref_slice %arg2[%squeeze3A_221, %dma_start3A_229] : memref<100001x64xf32, #tpu.memory_space<hbm>> -> memref<1x64xf32, #tpu.memory_space<hbm>>
      %dma_start3A_231 = tpu.memref_squeeze %dma_start3A_230 : memref<1x64xf32, #tpu.memory_space<hbm>> -> memref<64xf32, #tpu.memory_space<hbm>>
      %dma_start3A_232 = arith.constant 0 : i32
      %dma_start3A_233 = tpu.memref_slice %arg9[%add3A_225, %dma_start3A_232] : memref<256x64xf32, #tpu.memory_space<vmem>> -> memref<1x64xf32, #tpu.memory_space<vmem>>
      %dma_start3A_234 = tpu.memref_squeeze %dma_start3A_233 : memref<1x64xf32, #tpu.memory_space<vmem>> -> memref<64xf32, #tpu.memory_space<vmem>>
      %dma_start3A_235 = arith.constant 0 : i32
      %dma_start3A_236 = tpu.memref_slice %arg2[%squeeze3A_221, %dma_start3A_235] : memref<100001x64xf32, #tpu.memory_space<hbm>> -> memref<1x64xf32, #tpu.memory_space<hbm>>
      %dma_start3A_237 = tpu.memref_squeeze %dma_start3A_236 : memref<1x64xf32, #tpu.memory_space<hbm>> -> memref<64xf32, #tpu.memory_space<hbm>>
      tpu.enqueue_dma source(%dma_start3A_237 : memref<64xf32, #tpu.memory_space<hbm>>) target(%dma_start3A_234 : memref<64xf32, #tpu.memory_space<vmem>>) target_semaphore(%arg11 : memref<!tpu.dma_semaphore, #tpu.memory_space<semaphore_mem>>)
      %slice3A_238 = vector.extract_strided_slice %get3A_78 {offsets = [9], sizes = [1], strides = [1]} : vector<16xi32> to vector<1xi32>
      %squeeze3A_239 = vector.extract %slice3A_238[0] : i32 from vector<1xi32>
      %mul3A_240 = arith.constant 16 : i32
      %mul3A_241 = arith.muli %scan3A_71, %mul3A_240 : i32
      %add3A_242 = arith.constant 9 : i32
      %add3A_243 = arith.addi %mul3A_241, %add3A_242 : i32
      %dma_start3A_244 = arith.constant 0 : i32
      %dma_start3A_245 = tpu.memref_slice %arg9[%add3A_243, %dma_start3A_244] : memref<256x64xf32, #tpu.memory_space<vmem>> -> memref<1x64xf32, #tpu.memory_space<vmem>>
      %dma_start3A_246 = tpu.memref_squeeze %dma_start3A_245 : memref<1x64xf32, #tpu.memory_space<vmem>> -> memref<64xf32, #tpu.memory_space<vmem>>
      %dma_start3A_247 = arith.constant 0 : i32
      %dma_start3A_248 = tpu.memref_slice %arg2[%squeeze3A_239, %dma_start3A_247] : memref<100001x64xf32, #tpu.memory_space<hbm>> -> memref<1x64xf32, #tpu.memory_space<hbm>>
      %dma_start3A_249 = tpu.memref_squeeze %dma_start3A_248 : memref<1x64xf32, #tpu.memory_space<hbm>> -> memref<64xf32, #tpu.memory_space<hbm>>
      %dma_start3A_250 = arith.constant 0 : i32
      %dma_start3A_251 = tpu.memref_slice %arg9[%add3A_243, %dma_start3A_250] : memref<256x64xf32, #tpu.memory_space<vmem>> -> memref<1x64xf32, #tpu.memory_space<vmem>>
      %dma_start3A_252 = tpu.memref_squeeze %dma_start3A_251 : memref<1x64xf32, #tpu.memory_space<vmem>> -> memref<64xf32, #tpu.memory_space<vmem>>
      %dma_start3A_253 = arith.constant 0 : i32
      %dma_start3A_254 = tpu.memref_slice %arg2[%squeeze3A_239, %dma_start3A_253] : memref<100001x64xf32, #tpu.memory_space<hbm>> -> memref<1x64xf32, #tpu.memory_space<hbm>>
      %dma_start3A_255 = tpu.memref_squeeze %dma_start3A_254 : memref<1x64xf32, #tpu.memory_space<hbm>> -> memref<64xf32, #tpu.memory_space<hbm>>
      tpu.enqueue_dma source(%dma_start3A_255 : memref<64xf32, #tpu.memory_space<hbm>>) target(%dma_start3A_252 : memref<64xf32, #tpu.memory_space<vmem>>) target_semaphore(%arg11 : memref<!tpu.dma_semaphore, #tpu.memory_space<semaphore_mem>>)
      %slice3A_256 = vector.extract_strided_slice %get3A_78 {offsets = [10], sizes = [1], strides = [1]} : vector<16xi32> to vector<1xi32>
      %squeeze3A_257 = vector.extract %slice3A_256[0] : i32 from vector<1xi32>
      %mul3A_258 = arith.constant 16 : i32
      %mul3A_259 = arith.muli %scan3A_71, %mul3A_258 : i32
      %add3A_260 = arith.constant 10 : i32
      %add3A_261 = arith.addi %mul3A_259, %add3A_260 : i32
      %dma_start3A_262 = arith.constant 0 : i32
      %dma_start3A_263 = tpu.memref_slice %arg9[%add3A_261, %dma_start3A_262] : memref<256x64xf32, #tpu.memory_space<vmem>> -> memref<1x64xf32, #tpu.memory_space<vmem>>
      %dma_start3A_264 = tpu.memref_squeeze %dma_start3A_263 : memref<1x64xf32, #tpu.memory_space<vmem>> -> memref<64xf32, #tpu.memory_space<vmem>>
      %dma_start3A_265 = arith.constant 0 : i32
      %dma_start3A_266 = tpu.memref_slice %arg2[%squeeze3A_257, %dma_start3A_265] : memref<100001x64xf32, #tpu.memory_space<hbm>> -> memref<1x64xf32, #tpu.memory_space<hbm>>
      %dma_start3A_267 = tpu.memref_squeeze %dma_start3A_266 : memref<1x64xf32, #tpu.memory_space<hbm>> -> memref<64xf32, #tpu.memory_space<hbm>>
      %dma_start3A_268 = arith.constant 0 : i32
      %dma_start3A_269 = tpu.memref_slice %arg9[%add3A_261, %dma_start3A_268] : memref<256x64xf32, #tpu.memory_space<vmem>> -> memref<1x64xf32, #tpu.memory_space<vmem>>
      %dma_start3A_270 = tpu.memref_squeeze %dma_start3A_269 : memref<1x64xf32, #tpu.memory_space<vmem>> -> memref<64xf32, #tpu.memory_space<vmem>>
      %dma_start3A_271 = arith.constant 0 : i32
      %dma_start3A_272 = tpu.memref_slice %arg2[%squeeze3A_257, %dma_start3A_271] : memref<100001x64xf32, #tpu.memory_space<hbm>> -> memref<1x64xf32, #tpu.memory_space<hbm>>
      %dma_start3A_273 = tpu.memref_squeeze %dma_start3A_272 : memref<1x64xf32, #tpu.memory_space<hbm>> -> memref<64xf32, #tpu.memory_space<hbm>>
      tpu.enqueue_dma source(%dma_start3A_273 : memref<64xf32, #tpu.memory_space<hbm>>) target(%dma_start3A_270 : memref<64xf32, #tpu.memory_space<vmem>>) target_semaphore(%arg11 : memref<!tpu.dma_semaphore, #tpu.memory_space<semaphore_mem>>)
      %slice3A_274 = vector.extract_strided_slice %get3A_78 {offsets = [11], sizes = [1], strides = [1]} : vector<16xi32> to vector<1xi32>
      %squeeze3A_275 = vector.extract %slice3A_274[0] : i32 from vector<1xi32>
      %mul3A_276 = arith.constant 16 : i32
      %mul3A_277 = arith.muli %scan3A_71, %mul3A_276 : i32
      %add3A_278 = arith.constant 11 : i32
      %add3A_279 = arith.addi %mul3A_277, %add3A_278 : i32
      %dma_start3A_280 = arith.constant 0 : i32
      %dma_start3A_281 = tpu.memref_slice %arg9[%add3A_279, %dma_start3A_280] : memref<256x64xf32, #tpu.memory_space<vmem>> -> memref<1x64xf32, #tpu.memory_space<vmem>>
      %dma_start3A_282 = tpu.memref_squeeze %dma_start3A_281 : memref<1x64xf32, #tpu.memory_space<vmem>> -> memref<64xf32, #tpu.memory_space<vmem>>
      %dma_start3A_283 = arith.constant 0 : i32
      %dma_start3A_284 = tpu.memref_slice %arg2[%squeeze3A_275, %dma_start3A_283] : memref<100001x64xf32, #tpu.memory_space<hbm>> -> memref<1x64xf32, #tpu.memory_space<hbm>>
      %dma_start3A_285 = tpu.memref_squeeze %dma_start3A_284 : memref<1x64xf32, #tpu.memory_space<hbm>> -> memref<64xf32, #tpu.memory_space<hbm>>
      %dma_start3A_286 = arith.constant 0 : i32
      %dma_start3A_287 = tpu.memref_slice %arg9[%add3A_279, %dma_start3A_286] : memref<256x64xf32, #tpu.memory_space<vmem>> -> memref<1x64xf32, #tpu.memory_space<vmem>>
      %dma_start3A_288 = tpu.memref_squeeze %dma_start3A_287 : memref<1x64xf32, #tpu.memory_space<vmem>> -> memref<64xf32, #tpu.memory_space<vmem>>
      %dma_start3A_289 = arith.constant 0 : i32
      %dma_start3A_290 = tpu.memref_slice %arg2[%squeeze3A_275, %dma_start3A_289] : memref<100001x64xf32, #tpu.memory_space<hbm>> -> memref<1x64xf32, #tpu.memory_space<hbm>>
      %dma_start3A_291 = tpu.memref_squeeze %dma_start3A_290 : memref<1x64xf32, #tpu.memory_space<hbm>> -> memref<64xf32, #tpu.memory_space<hbm>>
      tpu.enqueue_dma source(%dma_start3A_291 : memref<64xf32, #tpu.memory_space<hbm>>) target(%dma_start3A_288 : memref<64xf32, #tpu.memory_space<vmem>>) target_semaphore(%arg11 : memref<!tpu.dma_semaphore, #tpu.memory_space<semaphore_mem>>)
      %slice3A_292 = vector.extract_strided_slice %get3A_78 {offsets = [12], sizes = [1], strides = [1]} : vector<16xi32> to vector<1xi32>
      %squeeze3A_293 = vector.extract %slice3A_292[0] : i32 from vector<1xi32>
      %mul3A_294 = arith.constant 16 : i32
      %mul3A_295 = arith.muli %scan3A_71, %mul3A_294 : i32
      %add3A_296 = arith.constant 12 : i32
      %add3A_297 = arith.addi %mul3A_295, %add3A_296 : i32
      %dma_start3A_298 = arith.constant 0 : i32
      %dma_start3A_299 = tpu.memref_slice %arg9[%add3A_297, %dma_start3A_298] : memref<256x64xf32, #tpu.memory_space<vmem>> -> memref<1x64xf32, #tpu.memory_space<vmem>>
      %dma_start3A_300 = tpu.memref_squeeze %dma_start3A_299 : memref<1x64xf32, #tpu.memory_space<vmem>> -> memref<64xf32, #tpu.memory_space<vmem>>
      %dma_start3A_301 = arith.constant 0 : i32
      %dma_start3A_302 = tpu.memref_slice %arg2[%squeeze3A_293, %dma_start3A_301] : memref<100001x64xf32, #tpu.memory_space<hbm>> -> memref<1x64xf32, #tpu.memory_space<hbm>>
      %dma_start3A_303 = tpu.memref_squeeze %dma_start3A_302 : memref<1x64xf32, #tpu.memory_space<hbm>> -> memref<64xf32, #tpu.memory_space<hbm>>
      %dma_start3A_304 = arith.constant 0 : i32
      %dma_start3A_305 = tpu.memref_slice %arg9[%add3A_297, %dma_start3A_304] : memref<256x64xf32, #tpu.memory_space<vmem>> -> memref<1x64xf32, #tpu.memory_space<vmem>>
      %dma_start3A_306 = tpu.memref_squeeze %dma_start3A_305 : memref<1x64xf32, #tpu.memory_space<vmem>> -> memref<64xf32, #tpu.memory_space<vmem>>
      %dma_start3A_307 = arith.constant 0 : i32
      %dma_start3A_308 = tpu.memref_slice %arg2[%squeeze3A_293, %dma_start3A_307] : memref<100001x64xf32, #tpu.memory_space<hbm>> -> memref<1x64xf32, #tpu.memory_space<hbm>>
      %dma_start3A_309 = tpu.memref_squeeze %dma_start3A_308 : memref<1x64xf32, #tpu.memory_space<hbm>> -> memref<64xf32, #tpu.memory_space<hbm>>
      tpu.enqueue_dma source(%dma_start3A_309 : memref<64xf32, #tpu.memory_space<hbm>>) target(%dma_start3A_306 : memref<64xf32, #tpu.memory_space<vmem>>) target_semaphore(%arg11 : memref<!tpu.dma_semaphore, #tpu.memory_space<semaphore_mem>>)
      %slice3A_310 = vector.extract_strided_slice %get3A_78 {offsets = [13], sizes = [1], strides = [1]} : vector<16xi32> to vector<1xi32>
      %squeeze3A_311 = vector.extract %slice3A_310[0] : i32 from vector<1xi32>
      %mul3A_312 = arith.constant 16 : i32
      %mul3A_313 = arith.muli %scan3A_71, %mul3A_312 : i32
      %add3A_314 = arith.constant 13 : i32
      %add3A_315 = arith.addi %mul3A_313, %add3A_314 : i32
      %dma_start3A_316 = arith.constant 0 : i32
      %dma_start3A_317 = tpu.memref_slice %arg9[%add3A_315, %dma_start3A_316] : memref<256x64xf32, #tpu.memory_space<vmem>> -> memref<1x64xf32, #tpu.memory_space<vmem>>
      %dma_start3A_318 = tpu.memref_squeeze %dma_start3A_317 : memref<1x64xf32, #tpu.memory_space<vmem>> -> memref<64xf32, #tpu.memory_space<vmem>>
      %dma_start3A_319 = arith.constant 0 : i32
      %dma_start3A_320 = tpu.memref_slice %arg2[%squeeze3A_311, %dma_start3A_319] : memref<100001x64xf32, #tpu.memory_space<hbm>> -> memref<1x64xf32, #tpu.memory_space<hbm>>
      %dma_start3A_321 = tpu.memref_squeeze %dma_start3A_320 : memref<1x64xf32, #tpu.memory_space<hbm>> -> memref<64xf32, #tpu.memory_space<hbm>>
      %dma_start3A_322 = arith.constant 0 : i32
      %dma_start3A_323 = tpu.memref_slice %arg9[%add3A_315, %dma_start3A_322] : memref<256x64xf32, #tpu.memory_space<vmem>> -> memref<1x64xf32, #tpu.memory_space<vmem>>
      %dma_start3A_324 = tpu.memref_squeeze %dma_start3A_323 : memref<1x64xf32, #tpu.memory_space<vmem>> -> memref<64xf32, #tpu.memory_space<vmem>>
      %dma_start3A_325 = arith.constant 0 : i32
      %dma_start3A_326 = tpu.memref_slice %arg2[%squeeze3A_311, %dma_start3A_325] : memref<100001x64xf32, #tpu.memory_space<hbm>> -> memref<1x64xf32, #tpu.memory_space<hbm>>
      %dma_start3A_327 = tpu.memref_squeeze %dma_start3A_326 : memref<1x64xf32, #tpu.memory_space<hbm>> -> memref<64xf32, #tpu.memory_space<hbm>>
      tpu.enqueue_dma source(%dma_start3A_327 : memref<64xf32, #tpu.memory_space<hbm>>) target(%dma_start3A_324 : memref<64xf32, #tpu.memory_space<vmem>>) target_semaphore(%arg11 : memref<!tpu.dma_semaphore, #tpu.memory_space<semaphore_mem>>)
      %slice3A_328 = vector.extract_strided_slice %get3A_78 {offsets = [14], sizes = [1], strides = [1]} : vector<16xi32> to vector<1xi32>
      %squeeze3A_329 = vector.extract %slice3A_328[0] : i32 from vector<1xi32>
      %mul3A_330 = arith.constant 16 : i32
      %mul3A_331 = arith.muli %scan3A_71, %mul3A_330 : i32
      %add3A_332 = arith.constant 14 : i32
      %add3A_333 = arith.addi %mul3A_331, %add3A_332 : i32
      %dma_start3A_334 = arith.constant 0 : i32
      %dma_start3A_335 = tpu.memref_slice %arg9[%add3A_333, %dma_start3A_334] : memref<256x64xf32, #tpu.memory_space<vmem>> -> memref<1x64xf32, #tpu.memory_space<vmem>>
      %dma_start3A_336 = tpu.memref_squeeze %dma_start3A_335 : memref<1x64xf32, #tpu.memory_space<vmem>> -> memref<64xf32, #tpu.memory_space<vmem>>
      %dma_start3A_337 = arith.constant 0 : i32
      %dma_start3A_338 = tpu.memref_slice %arg2[%squeeze3A_329, %dma_start3A_337] : memref<100001x64xf32, #tpu.memory_space<hbm>> -> memref<1x64xf32, #tpu.memory_space<hbm>>
      %dma_start3A_339 = tpu.memref_squeeze %dma_start3A_338 : memref<1x64xf32, #tpu.memory_space<hbm>> -> memref<64xf32, #tpu.memory_space<hbm>>
      %dma_start3A_340 = arith.constant 0 : i32
      %dma_start3A_341 = tpu.memref_slice %arg9[%add3A_333, %dma_start3A_340] : memref<256x64xf32, #tpu.memory_space<vmem>> -> memref<1x64xf32, #tpu.memory_space<vmem>>
      %dma_start3A_342 = tpu.memref_squeeze %dma_start3A_341 : memref<1x64xf32, #tpu.memory_space<vmem>> -> memref<64xf32, #tpu.memory_space<vmem>>
      %dma_start3A_343 = arith.constant 0 : i32
      %dma_start3A_344 = tpu.memref_slice %arg2[%squeeze3A_329, %dma_start3A_343] : memref<100001x64xf32, #tpu.memory_space<hbm>> -> memref<1x64xf32, #tpu.memory_space<hbm>>
      %dma_start3A_345 = tpu.memref_squeeze %dma_start3A_344 : memref<1x64xf32, #tpu.memory_space<hbm>> -> memref<64xf32, #tpu.memory_space<hbm>>
      tpu.enqueue_dma source(%dma_start3A_345 : memref<64xf32, #tpu.memory_space<hbm>>) target(%dma_start3A_342 : memref<64xf32, #tpu.memory_space<vmem>>) target_semaphore(%arg11 : memref<!tpu.dma_semaphore, #tpu.memory_space<semaphore_mem>>)
      %slice3A_346 = vector.extract_strided_slice %get3A_78 {offsets = [15], sizes = [1], strides = [1]} : vector<16xi32> to vector<1xi32>
      %squeeze3A_347 = vector.extract %slice3A_346[0] : i32 from vector<1xi32>
      %mul3A_348 = arith.constant 16 : i32
      %mul3A_349 = arith.muli %scan3A_71, %mul3A_348 : i32
      %add3A_350 = arith.constant 15 : i32
      %add3A_351 = arith.addi %mul3A_349, %add3A_350 : i32
      %dma_start3A_352 = arith.constant 0 : i32
      %dma_start3A_353 = tpu.memref_slice %arg9[%add3A_351, %dma_start3A_352] : memref<256x64xf32, #tpu.memory_space<vmem>> -> memref<1x64xf32, #tpu.memory_space<vmem>>
      %dma_start3A_354 = tpu.memref_squeeze %dma_start3A_353 : memref<1x64xf32, #tpu.memory_space<vmem>> -> memref<64xf32, #tpu.memory_space<vmem>>
      %dma_start3A_355 = arith.constant 0 : i32
      %dma_start3A_356 = tpu.memref_slice %arg2[%squeeze3A_347, %dma_start3A_355] : memref<100001x64xf32, #tpu.memory_space<hbm>> -> memref<1x64xf32, #tpu.memory_space<hbm>>
      %dma_start3A_357 = tpu.memref_squeeze %dma_start3A_356 : memref<1x64xf32, #tpu.memory_space<hbm>> -> memref<64xf32, #tpu.memory_space<hbm>>
      %dma_start3A_358 = arith.constant 0 : i32
      %dma_start3A_359 = tpu.memref_slice %arg9[%add3A_351, %dma_start3A_358] : memref<256x64xf32, #tpu.memory_space<vmem>> -> memref<1x64xf32, #tpu.memory_space<vmem>>
      %dma_start3A_360 = tpu.memref_squeeze %dma_start3A_359 : memref<1x64xf32, #tpu.memory_space<vmem>> -> memref<64xf32, #tpu.memory_space<vmem>>
      %dma_start3A_361 = arith.constant 0 : i32
      %dma_start3A_362 = tpu.memref_slice %arg2[%squeeze3A_347, %dma_start3A_361] : memref<100001x64xf32, #tpu.memory_space<hbm>> -> memref<1x64xf32, #tpu.memory_space<hbm>>
      %dma_start3A_363 = tpu.memref_squeeze %dma_start3A_362 : memref<1x64xf32, #tpu.memory_space<hbm>> -> memref<64xf32, #tpu.memory_space<hbm>>
      tpu.enqueue_dma source(%dma_start3A_363 : memref<64xf32, #tpu.memory_space<hbm>>) target(%dma_start3A_360 : memref<64xf32, #tpu.memory_space<vmem>>) target_semaphore(%arg11 : memref<!tpu.dma_semaphore, #tpu.memory_space<semaphore_mem>>)
      %scan3A_364 = arith.constant 0 : i32
      scf.yield %scan3A_364 : i32
    }
    %scan3A_8 = arith.constant 16 : i32
    %scan3A_9 = arith.constant 0 : i32
    %scan3A_10 = arith.constant 0 : i32
    %scan3A_11 = arith.constant 16 : i32
    %scan3A_12 = arith.addi %scan3A_10, %scan3A_11 : i32
    %scan3A_13 = arith.constant 1 : i32
    %scan3A_14 = scf.for %scan3A_71 = %scan3A_10 to %scan3A_12 step %scan3A_13 iter_args(%scan3A_72 = %scan3A_9) -> (i32)  : i32 {
      %mul3A_73 = arith.constant 16 : i32
      %mul3A_74 = arith.muli %scan3A_71, %mul3A_73 : i32
      %add3A_75 = arith.constant 0 : i32
      %add3A_76 = arith.addi %add3A_75, %mul3A_74 : i32
      %get3A = arith.index_cast %add3A_76 : i32 to index
      %get3A_77 = tpu.vector_load %arg8[%get3A] {strides = array<i32>} : memref<512xi32, #tpu.memory_space<vmem>>, vector<16xi32>,
      %get3A_78 = vector.shape_cast %get3A_77 : vector<16xi32> to vector<16xi32>
      %slice3A = vector.extract_strided_slice %get3A_78 {offsets = [0], sizes = [1], strides = [1]} : vector<16xi32> to vector<1xi32>
      %squeeze3A = vector.extract %slice3A[0] : i32 from vector<1xi32>
      %mul3A_79 = arith.constant 16 : i32
      %mul3A_80 = arith.muli %scan3A_71, %mul3A_79 : i32
      %add3A_81 = arith.constant 0 : i32
      %add3A_82 = arith.addi %mul3A_80, %add3A_81 : i32
      %dma_start3A = arith.constant 0 : i32
      %dma_start3A_83 = tpu.memref_slice %arg10[%add3A_82, %dma_start3A] : memref<256x64xf32, #tpu.memory_space<vmem>> -> memref<1x64xf32, #tpu.memory_space<vmem>>
      %dma_start3A_84 = tpu.memref_squeeze %dma_start3A_83 : memref<1x64xf32, #tpu.memory_space<vmem>> -> memref<64xf32, #tpu.memory_space<vmem>>
      %dma_start3A_85 = arith.constant 0 : i32
      %dma_start3A_86 = tpu.memref_slice %arg3[%squeeze3A, %dma_start3A_85] : memref<1001x64xf32, #tpu.memory_space<hbm>> -> memref<1x64xf32, #tpu.memory_space<hbm>>
      %dma_start3A_87 = tpu.memref_squeeze %dma_start3A_86 : memref<1x64xf32, #tpu.memory_space<hbm>> -> memref<64xf32, #tpu.memory_space<hbm>>
      %dma_start3A_88 = arith.constant 0 : i32
      %dma_start3A_89 = tpu.memref_slice %arg10[%add3A_82, %dma_start3A_88] : memref<256x64xf32, #tpu.memory_space<vmem>> -> memref<1x64xf32, #tpu.memory_space<vmem>>
      %dma_start3A_90 = tpu.memref_squeeze %dma_start3A_89 : memref<1x64xf32, #tpu.memory_space<vmem>> -> memref<64xf32, #tpu.memory_space<vmem>>
      %dma_start3A_91 = arith.constant 0 : i32
      %dma_start3A_92 = tpu.memref_slice %arg3[%squeeze3A, %dma_start3A_91] : memref<1001x64xf32, #tpu.memory_space<hbm>> -> memref<1x64xf32, #tpu.memory_space<hbm>>
      %dma_start3A_93 = tpu.memref_squeeze %dma_start3A_92 : memref<1x64xf32, #tpu.memory_space<hbm>> -> memref<64xf32, #tpu.memory_space<hbm>>
      tpu.enqueue_dma source(%dma_start3A_93 : memref<64xf32, #tpu.memory_space<hbm>>) target(%dma_start3A_90 : memref<64xf32, #tpu.memory_space<vmem>>) target_semaphore(%arg11 : memref<!tpu.dma_semaphore, #tpu.memory_space<semaphore_mem>>)
      %slice3A_94 = vector.extract_strided_slice %get3A_78 {offsets = [1], sizes = [1], strides = [1]} : vector<16xi32> to vector<1xi32>
      %squeeze3A_95 = vector.extract %slice3A_94[0] : i32 from vector<1xi32>
      %mul3A_96 = arith.constant 16 : i32
      %mul3A_97 = arith.muli %scan3A_71, %mul3A_96 : i32
      %add3A_98 = arith.constant 1 : i32
      %add3A_99 = arith.addi %mul3A_97, %add3A_98 : i32
      %dma_start3A_100 = arith.constant 0 : i32
      %dma_start3A_101 = tpu.memref_slice %arg10[%add3A_99, %dma_start3A_100] : memref<256x64xf32, #tpu.memory_space<vmem>> -> memref<1x64xf32, #tpu.memory_space<vmem>>
      %dma_start3A_102 = tpu.memref_squeeze %dma_start3A_101 : memref<1x64xf32, #tpu.memory_space<vmem>> -> memref<64xf32, #tpu.memory_space<vmem>>
      %dma_start3A_103 = arith.constant 0 : i32
      %dma_start3A_104 = tpu.memref_slice %arg3[%squeeze3A_95, %dma_start3A_103] : memref<1001x64xf32, #tpu.memory_space<hbm>> -> memref<1x64xf32, #tpu.memory_space<hbm>>
      %dma_start3A_105 = tpu.memref_squeeze %dma_start3A_104 : memref<1x64xf32, #tpu.memory_space<hbm>> -> memref<64xf32, #tpu.memory_space<hbm>>
      %dma_start3A_106 = arith.constant 0 : i32
      %dma_start3A_107 = tpu.memref_slice %arg10[%add3A_99, %dma_start3A_106] : memref<256x64xf32, #tpu.memory_space<vmem>> -> memref<1x64xf32, #tpu.memory_space<vmem>>
      %dma_start3A_108 = tpu.memref_squeeze %dma_start3A_107 : memref<1x64xf32, #tpu.memory_space<vmem>> -> memref<64xf32, #tpu.memory_space<vmem>>
      %dma_start3A_109 = arith.constant 0 : i32
      %dma_start3A_110 = tpu.memref_slice %arg3[%squeeze3A_95, %dma_start3A_109] : memref<1001x64xf32, #tpu.memory_space<hbm>> -> memref<1x64xf32, #tpu.memory_space<hbm>>
      %dma_start3A_111 = tpu.memref_squeeze %dma_start3A_110 : memref<1x64xf32, #tpu.memory_space<hbm>> -> memref<64xf32, #tpu.memory_space<hbm>>
      tpu.enqueue_dma source(%dma_start3A_111 : memref<64xf32, #tpu.memory_space<hbm>>) target(%dma_start3A_108 : memref<64xf32, #tpu.memory_space<vmem>>) target_semaphore(%arg11 : memref<!tpu.dma_semaphore, #tpu.memory_space<semaphore_mem>>)
      %slice3A_112 = vector.extract_strided_slice %get3A_78 {offsets = [2], sizes = [1], strides = [1]} : vector<16xi32> to vector<1xi32>
      %squeeze3A_113 = vector.extract %slice3A_112[0] : i32 from vector<1xi32>
      %mul3A_114 = arith.constant 16 : i32
      %mul3A_115 = arith.muli %scan3A_71, %mul3A_114 : i32
      %add3A_116 = arith.constant 2 : i32
      %add3A_117 = arith.addi %mul3A_115, %add3A_116 : i32
      %dma_start3A_118 = arith.constant 0 : i32
      %dma_start3A_119 = tpu.memref_slice %arg10[%add3A_117, %dma_start3A_118] : memref<256x64xf32, #tpu.memory_space<vmem>> -> memref<1x64xf32, #tpu.memory_space<vmem>>
      %dma_start3A_120 = tpu.memref_squeeze %dma_start3A_119 : memref<1x64xf32, #tpu.memory_space<vmem>> -> memref<64xf32, #tpu.memory_space<vmem>>
      %dma_start3A_121 = arith.constant 0 : i32
      %dma_start3A_122 = tpu.memref_slice %arg3[%squeeze3A_113, %dma_start3A_121] : memref<1001x64xf32, #tpu.memory_space<hbm>> -> memref<1x64xf32, #tpu.memory_space<hbm>>
      %dma_start3A_123 = tpu.memref_squeeze %dma_start3A_122 : memref<1x64xf32, #tpu.memory_space<hbm>> -> memref<64xf32, #tpu.memory_space<hbm>>
      %dma_start3A_124 = arith.constant 0 : i32
      %dma_start3A_125 = tpu.memref_slice %arg10[%add3A_117, %dma_start3A_124] : memref<256x64xf32, #tpu.memory_space<vmem>> -> memref<1x64xf32, #tpu.memory_space<vmem>>
      %dma_start3A_126 = tpu.memref_squeeze %dma_start3A_125 : memref<1x64xf32, #tpu.memory_space<vmem>> -> memref<64xf32, #tpu.memory_space<vmem>>
      %dma_start3A_127 = arith.constant 0 : i32
      %dma_start3A_128 = tpu.memref_slice %arg3[%squeeze3A_113, %dma_start3A_127] : memref<1001x64xf32, #tpu.memory_space<hbm>> -> memref<1x64xf32, #tpu.memory_space<hbm>>
      %dma_start3A_129 = tpu.memref_squeeze %dma_start3A_128 : memref<1x64xf32, #tpu.memory_space<hbm>> -> memref<64xf32, #tpu.memory_space<hbm>>
      tpu.enqueue_dma source(%dma_start3A_129 : memref<64xf32, #tpu.memory_space<hbm>>) target(%dma_start3A_126 : memref<64xf32, #tpu.memory_space<vmem>>) target_semaphore(%arg11 : memref<!tpu.dma_semaphore, #tpu.memory_space<semaphore_mem>>)
      %slice3A_130 = vector.extract_strided_slice %get3A_78 {offsets = [3], sizes = [1], strides = [1]} : vector<16xi32> to vector<1xi32>
      %squeeze3A_131 = vector.extract %slice3A_130[0] : i32 from vector<1xi32>
      %mul3A_132 = arith.constant 16 : i32
      %mul3A_133 = arith.muli %scan3A_71, %mul3A_132 : i32
      %add3A_134 = arith.constant 3 : i32
      %add3A_135 = arith.addi %mul3A_133, %add3A_134 : i32
      %dma_start3A_136 = arith.constant 0 : i32
      %dma_start3A_137 = tpu.memref_slice %arg10[%add3A_135, %dma_start3A_136] : memref<256x64xf32, #tpu.memory_space<vmem>> -> memref<1x64xf32, #tpu.memory_space<vmem>>
      %dma_start3A_138 = tpu.memref_squeeze %dma_start3A_137 : memref<1x64xf32, #tpu.memory_space<vmem>> -> memref<64xf32, #tpu.memory_space<vmem>>
      %dma_start3A_139 = arith.constant 0 : i32
      %dma_start3A_140 = tpu.memref_slice %arg3[%squeeze3A_131, %dma_start3A_139] : memref<1001x64xf32, #tpu.memory_space<hbm>> -> memref<1x64xf32, #tpu.memory_space<hbm>>
      %dma_start3A_141 = tpu.memref_squeeze %dma_start3A_140 : memref<1x64xf32, #tpu.memory_space<hbm>> -> memref<64xf32, #tpu.memory_space<hbm>>
      %dma_start3A_142 = arith.constant 0 : i32
      %dma_start3A_143 = tpu.memref_slice %arg10[%add3A_135, %dma_start3A_142] : memref<256x64xf32, #tpu.memory_space<vmem>> -> memref<1x64xf32, #tpu.memory_space<vmem>>
      %dma_start3A_144 = tpu.memref_squeeze %dma_start3A_143 : memref<1x64xf32, #tpu.memory_space<vmem>> -> memref<64xf32, #tpu.memory_space<vmem>>
      %dma_start3A_145 = arith.constant 0 : i32
      %dma_start3A_146 = tpu.memref_slice %arg3[%squeeze3A_131, %dma_start3A_145] : memref<1001x64xf32, #tpu.memory_space<hbm>> -> memref<1x64xf32, #tpu.memory_space<hbm>>
      %dma_start3A_147 = tpu.memref_squeeze %dma_start3A_146 : memref<1x64xf32, #tpu.memory_space<hbm>> -> memref<64xf32, #tpu.memory_space<hbm>>
      tpu.enqueue_dma source(%dma_start3A_147 : memref<64xf32, #tpu.memory_space<hbm>>) target(%dma_start3A_144 : memref<64xf32, #tpu.memory_space<vmem>>) target_semaphore(%arg11 : memref<!tpu.dma_semaphore, #tpu.memory_space<semaphore_mem>>)
      %slice3A_148 = vector.extract_strided_slice %get3A_78 {offsets = [4], sizes = [1], strides = [1]} : vector<16xi32> to vector<1xi32>
      %squeeze3A_149 = vector.extract %slice3A_148[0] : i32 from vector<1xi32>
      %mul3A_150 = arith.constant 16 : i32
      %mul3A_151 = arith.muli %scan3A_71, %mul3A_150 : i32
      %add3A_152 = arith.constant 4 : i32
      %add3A_153 = arith.addi %mul3A_151, %add3A_152 : i32
      %dma_start3A_154 = arith.constant 0 : i32
      %dma_start3A_155 = tpu.memref_slice %arg10[%add3A_153, %dma_start3A_154] : memref<256x64xf32, #tpu.memory_space<vmem>> -> memref<1x64xf32, #tpu.memory_space<vmem>>
      %dma_start3A_156 = tpu.memref_squeeze %dma_start3A_155 : memref<1x64xf32, #tpu.memory_space<vmem>> -> memref<64xf32, #tpu.memory_space<vmem>>
      %dma_start3A_157 = arith.constant 0 : i32
      %dma_start3A_158 = tpu.memref_slice %arg3[%squeeze3A_149, %dma_start3A_157] : memref<1001x64xf32, #tpu.memory_space<hbm>> -> memref<1x64xf32, #tpu.memory_space<hbm>>
      %dma_start3A_159 = tpu.memref_squeeze %dma_start3A_158 : memref<1x64xf32, #tpu.memory_space<hbm>> -> memref<64xf32, #tpu.memory_space<hbm>>
      %dma_start3A_160 = arith.constant 0 : i32
      %dma_start3A_161 = tpu.memref_slice %arg10[%add3A_153, %dma_start3A_160] : memref<256x64xf32, #tpu.memory_space<vmem>> -> memref<1x64xf32, #tpu.memory_space<vmem>>
      %dma_start3A_162 = tpu.memref_squeeze %dma_start3A_161 : memref<1x64xf32, #tpu.memory_space<vmem>> -> memref<64xf32, #tpu.memory_space<vmem>>
      %dma_start3A_163 = arith.constant 0 : i32
      %dma_start3A_164 = tpu.memref_slice %arg3[%squeeze3A_149, %dma_start3A_163] : memref<1001x64xf32, #tpu.memory_space<hbm>> -> memref<1x64xf32, #tpu.memory_space<hbm>>
      %dma_start3A_165 = tpu.memref_squeeze %dma_start3A_164 : memref<1x64xf32, #tpu.memory_space<hbm>> -> memref<64xf32, #tpu.memory_space<hbm>>
      tpu.enqueue_dma source(%dma_start3A_165 : memref<64xf32, #tpu.memory_space<hbm>>) target(%dma_start3A_162 : memref<64xf32, #tpu.memory_space<vmem>>) target_semaphore(%arg11 : memref<!tpu.dma_semaphore, #tpu.memory_space<semaphore_mem>>)
      %slice3A_166 = vector.extract_strided_slice %get3A_78 {offsets = [5], sizes = [1], strides = [1]} : vector<16xi32> to vector<1xi32>
      %squeeze3A_167 = vector.extract %slice3A_166[0] : i32 from vector<1xi32>
      %mul3A_168 = arith.constant 16 : i32
      %mul3A_169 = arith.muli %scan3A_71, %mul3A_168 : i32
      %add3A_170 = arith.constant 5 : i32
      %add3A_171 = arith.addi %mul3A_169, %add3A_170 : i32
      %dma_start3A_172 = arith.constant 0 : i32
      %dma_start3A_173 = tpu.memref_slice %arg10[%add3A_171, %dma_start3A_172] : memref<256x64xf32, #tpu.memory_space<vmem>> -> memref<1x64xf32, #tpu.memory_space<vmem>>
      %dma_start3A_174 = tpu.memref_squeeze %dma_start3A_173 : memref<1x64xf32, #tpu.memory_space<vmem>> -> memref<64xf32, #tpu.memory_space<vmem>>
      %dma_start3A_175 = arith.constant 0 : i32
      %dma_start3A_176 = tpu.memref_slice %arg3[%squeeze3A_167, %dma_start3A_175] : memref<1001x64xf32, #tpu.memory_space<hbm>> -> memref<1x64xf32, #tpu.memory_space<hbm>>
      %dma_start3A_177 = tpu.memref_squeeze %dma_start3A_176 : memref<1x64xf32, #tpu.memory_space<hbm>> -> memref<64xf32, #tpu.memory_space<hbm>>
      %dma_start3A_178 = arith.constant 0 : i32
      %dma_start3A_179 = tpu.memref_slice %arg10[%add3A_171, %dma_start3A_178] : memref<256x64xf32, #tpu.memory_space<vmem>> -> memref<1x64xf32, #tpu.memory_space<vmem>>
      %dma_start3A_180 = tpu.memref_squeeze %dma_start3A_179 : memref<1x64xf32, #tpu.memory_space<vmem>> -> memref<64xf32, #tpu.memory_space<vmem>>
      %dma_start3A_181 = arith.constant 0 : i32
      %dma_start3A_182 = tpu.memref_slice %arg3[%squeeze3A_167, %dma_start3A_181] : memref<1001x64xf32, #tpu.memory_space<hbm>> -> memref<1x64xf32, #tpu.memory_space<hbm>>
      %dma_start3A_183 = tpu.memref_squeeze %dma_start3A_182 : memref<1x64xf32, #tpu.memory_space<hbm>> -> memref<64xf32, #tpu.memory_space<hbm>>
      tpu.enqueue_dma source(%dma_start3A_183 : memref<64xf32, #tpu.memory_space<hbm>>) target(%dma_start3A_180 : memref<64xf32, #tpu.memory_space<vmem>>) target_semaphore(%arg11 : memref<!tpu.dma_semaphore, #tpu.memory_space<semaphore_mem>>)
      %slice3A_184 = vector.extract_strided_slice %get3A_78 {offsets = [6], sizes = [1], strides = [1]} : vector<16xi32> to vector<1xi32>
      %squeeze3A_185 = vector.extract %slice3A_184[0] : i32 from vector<1xi32>
      %mul3A_186 = arith.constant 16 : i32
      %mul3A_187 = arith.muli %scan3A_71, %mul3A_186 : i32
      %add3A_188 = arith.constant 6 : i32
      %add3A_189 = arith.addi %mul3A_187, %add3A_188 : i32
      %dma_start3A_190 = arith.constant 0 : i32
      %dma_start3A_191 = tpu.memref_slice %arg10[%add3A_189, %dma_start3A_190] : memref<256x64xf32, #tpu.memory_space<vmem>> -> memref<1x64xf32, #tpu.memory_space<vmem>>
      %dma_start3A_192 = tpu.memref_squeeze %dma_start3A_191 : memref<1x64xf32, #tpu.memory_space<vmem>> -> memref<64xf32, #tpu.memory_space<vmem>>
      %dma_start3A_193 = arith.constant 0 : i32
      %dma_start3A_194 = tpu.memref_slice %arg3[%squeeze3A_185, %dma_start3A_193] : memref<1001x64xf32, #tpu.memory_space<hbm>> -> memref<1x64xf32, #tpu.memory_space<hbm>>
      %dma_start3A_195 = tpu.memref_squeeze %dma_start3A_194 : memref<1x64xf32, #tpu.memory_space<hbm>> -> memref<64xf32, #tpu.memory_space<hbm>>
      %dma_start3A_196 = arith.constant 0 : i32
      %dma_start3A_197 = tpu.memref_slice %arg10[%add3A_189, %dma_start3A_196] : memref<256x64xf32, #tpu.memory_space<vmem>> -> memref<1x64xf32, #tpu.memory_space<vmem>>
      %dma_start3A_198 = tpu.memref_squeeze %dma_start3A_197 : memref<1x64xf32, #tpu.memory_space<vmem>> -> memref<64xf32, #tpu.memory_space<vmem>>
      %dma_start3A_199 = arith.constant 0 : i32
      %dma_start3A_200 = tpu.memref_slice %arg3[%squeeze3A_185, %dma_start3A_199] : memref<1001x64xf32, #tpu.memory_space<hbm>> -> memref<1x64xf32, #tpu.memory_space<hbm>>
      %dma_start3A_201 = tpu.memref_squeeze %dma_start3A_200 : memref<1x64xf32, #tpu.memory_space<hbm>> -> memref<64xf32, #tpu.memory_space<hbm>>
      tpu.enqueue_dma source(%dma_start3A_201 : memref<64xf32, #tpu.memory_space<hbm>>) target(%dma_start3A_198 : memref<64xf32, #tpu.memory_space<vmem>>) target_semaphore(%arg11 : memref<!tpu.dma_semaphore, #tpu.memory_space<semaphore_mem>>)
      %slice3A_202 = vector.extract_strided_slice %get3A_78 {offsets = [7], sizes = [1], strides = [1]} : vector<16xi32> to vector<1xi32>
      %squeeze3A_203 = vector.extract %slice3A_202[0] : i32 from vector<1xi32>
      %mul3A_204 = arith.constant 16 : i32
      %mul3A_205 = arith.muli %scan3A_71, %mul3A_204 : i32
      %add3A_206 = arith.constant 7 : i32
      %add3A_207 = arith.addi %mul3A_205, %add3A_206 : i32
      %dma_start3A_208 = arith.constant 0 : i32
      %dma_start3A_209 = tpu.memref_slice %arg10[%add3A_207, %dma_start3A_208] : memref<256x64xf32, #tpu.memory_space<vmem>> -> memref<1x64xf32, #tpu.memory_space<vmem>>
      %dma_start3A_210 = tpu.memref_squeeze %dma_start3A_209 : memref<1x64xf32, #tpu.memory_space<vmem>> -> memref<64xf32, #tpu.memory_space<vmem>>
      %dma_start3A_211 = arith.constant 0 : i32
      %dma_start3A_212 = tpu.memref_slice %arg3[%squeeze3A_203, %dma_start3A_211] : memref<1001x64xf32, #tpu.memory_space<hbm>> -> memref<1x64xf32, #tpu.memory_space<hbm>>
      %dma_start3A_213 = tpu.memref_squeeze %dma_start3A_212 : memref<1x64xf32, #tpu.memory_space<hbm>> -> memref<64xf32, #tpu.memory_space<hbm>>
      %dma_start3A_214 = arith.constant 0 : i32
      %dma_start3A_215 = tpu.memref_slice %arg10[%add3A_207, %dma_start3A_214] : memref<256x64xf32, #tpu.memory_space<vmem>> -> memref<1x64xf32, #tpu.memory_space<vmem>>
      %dma_start3A_216 = tpu.memref_squeeze %dma_start3A_215 : memref<1x64xf32, #tpu.memory_space<vmem>> -> memref<64xf32, #tpu.memory_space<vmem>>
      %dma_start3A_217 = arith.constant 0 : i32
      %dma_start3A_218 = tpu.memref_slice %arg3[%squeeze3A_203, %dma_start3A_217] : memref<1001x64xf32, #tpu.memory_space<hbm>> -> memref<1x64xf32, #tpu.memory_space<hbm>>
      %dma_start3A_219 = tpu.memref_squeeze %dma_start3A_218 : memref<1x64xf32, #tpu.memory_space<hbm>> -> memref<64xf32, #tpu.memory_space<hbm>>
      tpu.enqueue_dma source(%dma_start3A_219 : memref<64xf32, #tpu.memory_space<hbm>>) target(%dma_start3A_216 : memref<64xf32, #tpu.memory_space<vmem>>) target_semaphore(%arg11 : memref<!tpu.dma_semaphore, #tpu.memory_space<semaphore_mem>>)
      %slice3A_220 = vector.extract_strided_slice %get3A_78 {offsets = [8], sizes = [1], strides = [1]} : vector<16xi32> to vector<1xi32>
      %squeeze3A_221 = vector.extract %slice3A_220[0] : i32 from vector<1xi32>
      %mul3A_222 = arith.constant 16 : i32
      %mul3A_223 = arith.muli %scan3A_71, %mul3A_222 : i32
      %add3A_224 = arith.constant 8 : i32
      %add3A_225 = arith.addi %mul3A_223, %add3A_224 : i32
      %dma_start3A_226 = arith.constant 0 : i32
      %dma_start3A_227 = tpu.memref_slice %arg10[%add3A_225, %dma_start3A_226] : memref<256x64xf32, #tpu.memory_space<vmem>> -> memref<1x64xf32, #tpu.memory_space<vmem>>
      %dma_start3A_228 = tpu.memref_squeeze %dma_start3A_227 : memref<1x64xf32, #tpu.memory_space<vmem>> -> memref<64xf32, #tpu.memory_space<vmem>>
      %dma_start3A_229 = arith.constant 0 : i32
      %dma_start3A_230 = tpu.memref_slice %arg3[%squeeze3A_221, %dma_start3A_229] : memref<1001x64xf32, #tpu.memory_space<hbm>> -> memref<1x64xf32, #tpu.memory_space<hbm>>
      %dma_start3A_231 = tpu.memref_squeeze %dma_start3A_230 : memref<1x64xf32, #tpu.memory_space<hbm>> -> memref<64xf32, #tpu.memory_space<hbm>>
      %dma_start3A_232 = arith.constant 0 : i32
      %dma_start3A_233 = tpu.memref_slice %arg10[%add3A_225, %dma_start3A_232] : memref<256x64xf32, #tpu.memory_space<vmem>> -> memref<1x64xf32, #tpu.memory_space<vmem>>
      %dma_start3A_234 = tpu.memref_squeeze %dma_start3A_233 : memref<1x64xf32, #tpu.memory_space<vmem>> -> memref<64xf32, #tpu.memory_space<vmem>>
      %dma_start3A_235 = arith.constant 0 : i32
      %dma_start3A_236 = tpu.memref_slice %arg3[%squeeze3A_221, %dma_start3A_235] : memref<1001x64xf32, #tpu.memory_space<hbm>> -> memref<1x64xf32, #tpu.memory_space<hbm>>
      %dma_start3A_237 = tpu.memref_squeeze %dma_start3A_236 : memref<1x64xf32, #tpu.memory_space<hbm>> -> memref<64xf32, #tpu.memory_space<hbm>>
      tpu.enqueue_dma source(%dma_start3A_237 : memref<64xf32, #tpu.memory_space<hbm>>) target(%dma_start3A_234 : memref<64xf32, #tpu.memory_space<vmem>>) target_semaphore(%arg11 : memref<!tpu.dma_semaphore, #tpu.memory_space<semaphore_mem>>)
      %slice3A_238 = vector.extract_strided_slice %get3A_78 {offsets = [9], sizes = [1], strides = [1]} : vector<16xi32> to vector<1xi32>
      %squeeze3A_239 = vector.extract %slice3A_238[0] : i32 from vector<1xi32>
      %mul3A_240 = arith.constant 16 : i32
      %mul3A_241 = arith.muli %scan3A_71, %mul3A_240 : i32
      %add3A_242 = arith.constant 9 : i32
      %add3A_243 = arith.addi %mul3A_241, %add3A_242 : i32
      %dma_start3A_244 = arith.constant 0 : i32
      %dma_start3A_245 = tpu.memref_slice %arg10[%add3A_243, %dma_start3A_244] : memref<256x64xf32, #tpu.memory_space<vmem>> -> memref<1x64xf32, #tpu.memory_space<vmem>>
      %dma_start3A_246 = tpu.memref_squeeze %dma_start3A_245 : memref<1x64xf32, #tpu.memory_space<vmem>> -> memref<64xf32, #tpu.memory_space<vmem>>
      %dma_start3A_247 = arith.constant 0 : i32
      %dma_start3A_248 = tpu.memref_slice %arg3[%squeeze3A_239, %dma_start3A_247] : memref<1001x64xf32, #tpu.memory_space<hbm>> -> memref<1x64xf32, #tpu.memory_space<hbm>>
      %dma_start3A_249 = tpu.memref_squeeze %dma_start3A_248 : memref<1x64xf32, #tpu.memory_space<hbm>> -> memref<64xf32, #tpu.memory_space<hbm>>
      %dma_start3A_250 = arith.constant 0 : i32
      %dma_start3A_251 = tpu.memref_slice %arg10[%add3A_243, %dma_start3A_250] : memref<256x64xf32, #tpu.memory_space<vmem>> -> memref<1x64xf32, #tpu.memory_space<vmem>>
      %dma_start3A_252 = tpu.memref_squeeze %dma_start3A_251 : memref<1x64xf32, #tpu.memory_space<vmem>> -> memref<64xf32, #tpu.memory_space<vmem>>
      %dma_start3A_253 = arith.constant 0 : i32
      %dma_start3A_254 = tpu.memref_slice %arg3[%squeeze3A_239, %dma_start3A_253] : memref<1001x64xf32, #tpu.memory_space<hbm>> -> memref<1x64xf32, #tpu.memory_space<hbm>>
      %dma_start3A_255 = tpu.memref_squeeze %dma_start3A_254 : memref<1x64xf32, #tpu.memory_space<hbm>> -> memref<64xf32, #tpu.memory_space<hbm>>
      tpu.enqueue_dma source(%dma_start3A_255 : memref<64xf32, #tpu.memory_space<hbm>>) target(%dma_start3A_252 : memref<64xf32, #tpu.memory_space<vmem>>) target_semaphore(%arg11 : memref<!tpu.dma_semaphore, #tpu.memory_space<semaphore_mem>>)
      %slice3A_256 = vector.extract_strided_slice %get3A_78 {offsets = [10], sizes = [1], strides = [1]} : vector<16xi32> to vector<1xi32>
      %squeeze3A_257 = vector.extract %slice3A_256[0] : i32 from vector<1xi32>
      %mul3A_258 = arith.constant 16 : i32
      %mul3A_259 = arith.muli %scan3A_71, %mul3A_258 : i32
      %add3A_260 = arith.constant 10 : i32
      %add3A_261 = arith.addi %mul3A_259, %add3A_260 : i32
      %dma_start3A_262 = arith.constant 0 : i32
      %dma_start3A_263 = tpu.memref_slice %arg10[%add3A_261, %dma_start3A_262] : memref<256x64xf32, #tpu.memory_space<vmem>> -> memref<1x64xf32, #tpu.memory_space<vmem>>
      %dma_start3A_264 = tpu.memref_squeeze %dma_start3A_263 : memref<1x64xf32, #tpu.memory_space<vmem>> -> memref<64xf32, #tpu.memory_space<vmem>>
      %dma_start3A_265 = arith.constant 0 : i32
      %dma_start3A_266 = tpu.memref_slice %arg3[%squeeze3A_257, %dma_start3A_265] : memref<1001x64xf32, #tpu.memory_space<hbm>> -> memref<1x64xf32, #tpu.memory_space<hbm>>
      %dma_start3A_267 = tpu.memref_squeeze %dma_start3A_266 : memref<1x64xf32, #tpu.memory_space<hbm>> -> memref<64xf32, #tpu.memory_space<hbm>>
      %dma_start3A_268 = arith.constant 0 : i32
      %dma_start3A_269 = tpu.memref_slice %arg10[%add3A_261, %dma_start3A_268] : memref<256x64xf32, #tpu.memory_space<vmem>> -> memref<1x64xf32, #tpu.memory_space<vmem>>
      %dma_start3A_270 = tpu.memref_squeeze %dma_start3A_269 : memref<1x64xf32, #tpu.memory_space<vmem>> -> memref<64xf32, #tpu.memory_space<vmem>>
      %dma_start3A_271 = arith.constant 0 : i32
      %dma_start3A_272 = tpu.memref_slice %arg3[%squeeze3A_257, %dma_start3A_271] : memref<1001x64xf32, #tpu.memory_space<hbm>> -> memref<1x64xf32, #tpu.memory_space<hbm>>
      %dma_start3A_273 = tpu.memref_squeeze %dma_start3A_272 : memref<1x64xf32, #tpu.memory_space<hbm>> -> memref<64xf32, #tpu.memory_space<hbm>>
      tpu.enqueue_dma source(%dma_start3A_273 : memref<64xf32, #tpu.memory_space<hbm>>) target(%dma_start3A_270 : memref<64xf32, #tpu.memory_space<vmem>>) target_semaphore(%arg11 : memref<!tpu.dma_semaphore, #tpu.memory_space<semaphore_mem>>)
      %slice3A_274 = vector.extract_strided_slice %get3A_78 {offsets = [11], sizes = [1], strides = [1]} : vector<16xi32> to vector<1xi32>
      %squeeze3A_275 = vector.extract %slice3A_274[0] : i32 from vector<1xi32>
      %mul3A_276 = arith.constant 16 : i32
      %mul3A_277 = arith.muli %scan3A_71, %mul3A_276 : i32
      %add3A_278 = arith.constant 11 : i32
      %add3A_279 = arith.addi %mul3A_277, %add3A_278 : i32
      %dma_start3A_280 = arith.constant 0 : i32
      %dma_start3A_281 = tpu.memref_slice %arg10[%add3A_279, %dma_start3A_280] : memref<256x64xf32, #tpu.memory_space<vmem>> -> memref<1x64xf32, #tpu.memory_space<vmem>>
      %dma_start3A_282 = tpu.memref_squeeze %dma_start3A_281 : memref<1x64xf32, #tpu.memory_space<vmem>> -> memref<64xf32, #tpu.memory_space<vmem>>
      %dma_start3A_283 = arith.constant 0 : i32
      %dma_start3A_284 = tpu.memref_slice %arg3[%squeeze3A_275, %dma_start3A_283] : memref<1001x64xf32, #tpu.memory_space<hbm>> -> memref<1x64xf32, #tpu.memory_space<hbm>>
      %dma_start3A_285 = tpu.memref_squeeze %dma_start3A_284 : memref<1x64xf32, #tpu.memory_space<hbm>> -> memref<64xf32, #tpu.memory_space<hbm>>
      %dma_start3A_286 = arith.constant 0 : i32
      %dma_start3A_287 = tpu.memref_slice %arg10[%add3A_279, %dma_start3A_286] : memref<256x64xf32, #tpu.memory_space<vmem>> -> memref<1x64xf32, #tpu.memory_space<vmem>>
      %dma_start3A_288 = tpu.memref_squeeze %dma_start3A_287 : memref<1x64xf32, #tpu.memory_space<vmem>> -> memref<64xf32, #tpu.memory_space<vmem>>
      %dma_start3A_289 = arith.constant 0 : i32
      %dma_start3A_290 = tpu.memref_slice %arg3[%squeeze3A_275, %dma_start3A_289] : memref<1001x64xf32, #tpu.memory_space<hbm>> -> memref<1x64xf32, #tpu.memory_space<hbm>>
      %dma_start3A_291 = tpu.memref_squeeze %dma_start3A_290 : memref<1x64xf32, #tpu.memory_space<hbm>> -> memref<64xf32, #tpu.memory_space<hbm>>
      tpu.enqueue_dma source(%dma_start3A_291 : memref<64xf32, #tpu.memory_space<hbm>>) target(%dma_start3A_288 : memref<64xf32, #tpu.memory_space<vmem>>) target_semaphore(%arg11 : memref<!tpu.dma_semaphore, #tpu.memory_space<semaphore_mem>>)
      %slice3A_292 = vector.extract_strided_slice %get3A_78 {offsets = [12], sizes = [1], strides = [1]} : vector<16xi32> to vector<1xi32>
      %squeeze3A_293 = vector.extract %slice3A_292[0] : i32 from vector<1xi32>
      %mul3A_294 = arith.constant 16 : i32
      %mul3A_295 = arith.muli %scan3A_71, %mul3A_294 : i32
      %add3A_296 = arith.constant 12 : i32
      %add3A_297 = arith.addi %mul3A_295, %add3A_296 : i32
      %dma_start3A_298 = arith.constant 0 : i32
      %dma_start3A_299 = tpu.memref_slice %arg10[%add3A_297, %dma_start3A_298] : memref<256x64xf32, #tpu.memory_space<vmem>> -> memref<1x64xf32, #tpu.memory_space<vmem>>
      %dma_start3A_300 = tpu.memref_squeeze %dma_start3A_299 : memref<1x64xf32, #tpu.memory_space<vmem>> -> memref<64xf32, #tpu.memory_space<vmem>>
      %dma_start3A_301 = arith.constant 0 : i32
      %dma_start3A_302 = tpu.memref_slice %arg3[%squeeze3A_293, %dma_start3A_301] : memref<1001x64xf32, #tpu.memory_space<hbm>> -> memref<1x64xf32, #tpu.memory_space<hbm>>
      %dma_start3A_303 = tpu.memref_squeeze %dma_start3A_302 : memref<1x64xf32, #tpu.memory_space<hbm>> -> memref<64xf32, #tpu.memory_space<hbm>>
      %dma_start3A_304 = arith.constant 0 : i32
      %dma_start3A_305 = tpu.memref_slice %arg10[%add3A_297, %dma_start3A_304] : memref<256x64xf32, #tpu.memory_space<vmem>> -> memref<1x64xf32, #tpu.memory_space<vmem>>
      %dma_start3A_306 = tpu.memref_squeeze %dma_start3A_305 : memref<1x64xf32, #tpu.memory_space<vmem>> -> memref<64xf32, #tpu.memory_space<vmem>>
      %dma_start3A_307 = arith.constant 0 : i32
      %dma_start3A_308 = tpu.memref_slice %arg3[%squeeze3A_293, %dma_start3A_307] : memref<1001x64xf32, #tpu.memory_space<hbm>> -> memref<1x64xf32, #tpu.memory_space<hbm>>
      %dma_start3A_309 = tpu.memref_squeeze %dma_start3A_308 : memref<1x64xf32, #tpu.memory_space<hbm>> -> memref<64xf32, #tpu.memory_space<hbm>>
      tpu.enqueue_dma source(%dma_start3A_309 : memref<64xf32, #tpu.memory_space<hbm>>) target(%dma_start3A_306 : memref<64xf32, #tpu.memory_space<vmem>>) target_semaphore(%arg11 : memref<!tpu.dma_semaphore, #tpu.memory_space<semaphore_mem>>)
      %slice3A_310 = vector.extract_strided_slice %get3A_78 {offsets = [13], sizes = [1], strides = [1]} : vector<16xi32> to vector<1xi32>
      %squeeze3A_311 = vector.extract %slice3A_310[0] : i32 from vector<1xi32>
      %mul3A_312 = arith.constant 16 : i32
      %mul3A_313 = arith.muli %scan3A_71, %mul3A_312 : i32
      %add3A_314 = arith.constant 13 : i32
      %add3A_315 = arith.addi %mul3A_313, %add3A_314 : i32
      %dma_start3A_316 = arith.constant 0 : i32
      %dma_start3A_317 = tpu.memref_slice %arg10[%add3A_315, %dma_start3A_316] : memref<256x64xf32, #tpu.memory_space<vmem>> -> memref<1x64xf32, #tpu.memory_space<vmem>>
      %dma_start3A_318 = tpu.memref_squeeze %dma_start3A_317 : memref<1x64xf32, #tpu.memory_space<vmem>> -> memref<64xf32, #tpu.memory_space<vmem>>
      %dma_start3A_319 = arith.constant 0 : i32
      %dma_start3A_320 = tpu.memref_slice %arg3[%squeeze3A_311, %dma_start3A_319] : memref<1001x64xf32, #tpu.memory_space<hbm>> -> memref<1x64xf32, #tpu.memory_space<hbm>>
      %dma_start3A_321 = tpu.memref_squeeze %dma_start3A_320 : memref<1x64xf32, #tpu.memory_space<hbm>> -> memref<64xf32, #tpu.memory_space<hbm>>
      %dma_start3A_322 = arith.constant 0 : i32
      %dma_start3A_323 = tpu.memref_slice %arg10[%add3A_315, %dma_start3A_322] : memref<256x64xf32, #tpu.memory_space<vmem>> -> memref<1x64xf32, #tpu.memory_space<vmem>>
      %dma_start3A_324 = tpu.memref_squeeze %dma_start3A_323 : memref<1x64xf32, #tpu.memory_space<vmem>> -> memref<64xf32, #tpu.memory_space<vmem>>
      %dma_start3A_325 = arith.constant 0 : i32
      %dma_start3A_326 = tpu.memref_slice %arg3[%squeeze3A_311, %dma_start3A_325] : memref<1001x64xf32, #tpu.memory_space<hbm>> -> memref<1x64xf32, #tpu.memory_space<hbm>>
      %dma_start3A_327 = tpu.memref_squeeze %dma_start3A_326 : memref<1x64xf32, #tpu.memory_space<hbm>> -> memref<64xf32, #tpu.memory_space<hbm>>
      tpu.enqueue_dma source(%dma_start3A_327 : memref<64xf32, #tpu.memory_space<hbm>>) target(%dma_start3A_324 : memref<64xf32, #tpu.memory_space<vmem>>) target_semaphore(%arg11 : memref<!tpu.dma_semaphore, #tpu.memory_space<semaphore_mem>>)
      %slice3A_328 = vector.extract_strided_slice %get3A_78 {offsets = [14], sizes = [1], strides = [1]} : vector<16xi32> to vector<1xi32>
      %squeeze3A_329 = vector.extract %slice3A_328[0] : i32 from vector<1xi32>
      %mul3A_330 = arith.constant 16 : i32
      %mul3A_331 = arith.muli %scan3A_71, %mul3A_330 : i32
      %add3A_332 = arith.constant 14 : i32
      %add3A_333 = arith.addi %mul3A_331, %add3A_332 : i32
      %dma_start3A_334 = arith.constant 0 : i32
      %dma_start3A_335 = tpu.memref_slice %arg10[%add3A_333, %dma_start3A_334] : memref<256x64xf32, #tpu.memory_space<vmem>> -> memref<1x64xf32, #tpu.memory_space<vmem>>
      %dma_start3A_336 = tpu.memref_squeeze %dma_start3A_335 : memref<1x64xf32, #tpu.memory_space<vmem>> -> memref<64xf32, #tpu.memory_space<vmem>>
      %dma_start3A_337 = arith.constant 0 : i32
      %dma_start3A_338 = tpu.memref_slice %arg3[%squeeze3A_329, %dma_start3A_337] : memref<1001x64xf32, #tpu.memory_space<hbm>> -> memref<1x64xf32, #tpu.memory_space<hbm>>
      %dma_start3A_339 = tpu.memref_squeeze %dma_start3A_338 : memref<1x64xf32, #tpu.memory_space<hbm>> -> memref<64xf32, #tpu.memory_space<hbm>>
      %dma_start3A_340 = arith.constant 0 : i32
      %dma_start3A_341 = tpu.memref_slice %arg10[%add3A_333, %dma_start3A_340] : memref<256x64xf32, #tpu.memory_space<vmem>> -> memref<1x64xf32, #tpu.memory_space<vmem>>
      %dma_start3A_342 = tpu.memref_squeeze %dma_start3A_341 : memref<1x64xf32, #tpu.memory_space<vmem>> -> memref<64xf32, #tpu.memory_space<vmem>>
      %dma_start3A_343 = arith.constant 0 : i32
      %dma_start3A_344 = tpu.memref_slice %arg3[%squeeze3A_329, %dma_start3A_343] : memref<1001x64xf32, #tpu.memory_space<hbm>> -> memref<1x64xf32, #tpu.memory_space<hbm>>
      %dma_start3A_345 = tpu.memref_squeeze %dma_start3A_344 : memref<1x64xf32, #tpu.memory_space<hbm>> -> memref<64xf32, #tpu.memory_space<hbm>>
      tpu.enqueue_dma source(%dma_start3A_345 : memref<64xf32, #tpu.memory_space<hbm>>) target(%dma_start3A_342 : memref<64xf32, #tpu.memory_space<vmem>>) target_semaphore(%arg11 : memref<!tpu.dma_semaphore, #tpu.memory_space<semaphore_mem>>)
      %slice3A_346 = vector.extract_strided_slice %get3A_78 {offsets = [15], sizes = [1], strides = [1]} : vector<16xi32> to vector<1xi32>
      %squeeze3A_347 = vector.extract %slice3A_346[0] : i32 from vector<1xi32>
      %mul3A_348 = arith.constant 16 : i32
      %mul3A_349 = arith.muli %scan3A_71, %mul3A_348 : i32
      %add3A_350 = arith.constant 15 : i32
      %add3A_351 = arith.addi %mul3A_349, %add3A_350 : i32
      %dma_start3A_352 = arith.constant 0 : i32
      %dma_start3A_353 = tpu.memref_slice %arg10[%add3A_351, %dma_start3A_352] : memref<256x64xf32, #tpu.memory_space<vmem>> -> memref<1x64xf32, #tpu.memory_space<vmem>>
      %dma_start3A_354 = tpu.memref_squeeze %dma_start3A_353 : memref<1x64xf32, #tpu.memory_space<vmem>> -> memref<64xf32, #tpu.memory_space<vmem>>
      %dma_start3A_355 = arith.constant 0 : i32
      %dma_start3A_356 = tpu.memref_slice %arg3[%squeeze3A_347, %dma_start3A_355] : memref<1001x64xf32, #tpu.memory_space<hbm>> -> memref<1x64xf32, #tpu.memory_space<hbm>>
      %dma_start3A_357 = tpu.memref_squeeze %dma_start3A_356 : memref<1x64xf32, #tpu.memory_space<hbm>> -> memref<64xf32, #tpu.memory_space<hbm>>
      %dma_start3A_358 = arith.constant 0 : i32
      %dma_start3A_359 = tpu.memref_slice %arg10[%add3A_351, %dma_start3A_358] : memref<256x64xf32, #tpu.memory_space<vmem>> -> memref<1x64xf32, #tpu.memory_space<vmem>>
      %dma_start3A_360 = tpu.memref_squeeze %dma_start3A_359 : memref<1x64xf32, #tpu.memory_space<vmem>> -> memref<64xf32, #tpu.memory_space<vmem>>
      %dma_start3A_361 = arith.constant 0 : i32
      %dma_start3A_362 = tpu.memref_slice %arg3[%squeeze3A_347, %dma_start3A_361] : memref<1001x64xf32, #tpu.memory_space<hbm>> -> memref<1x64xf32, #tpu.memory_space<hbm>>
      %dma_start3A_363 = tpu.memref_squeeze %dma_start3A_362 : memref<1x64xf32, #tpu.memory_space<hbm>> -> memref<64xf32, #tpu.memory_space<hbm>>
      tpu.enqueue_dma source(%dma_start3A_363 : memref<64xf32, #tpu.memory_space<hbm>>) target(%dma_start3A_360 : memref<64xf32, #tpu.memory_space<vmem>>) target_semaphore(%arg11 : memref<!tpu.dma_semaphore, #tpu.memory_space<semaphore_mem>>)
      %scan3A_364 = arith.constant 0 : i32
      scf.yield %scan3A_364 : i32
    }
    %scan3A_15 = arith.constant 16 : i32
    %dma_wait3A = arith.constant 0 : i32
    %dma_wait3A_16 = arith.constant 0 : i32
    %dma_wait3A_17 = tpu.memref_slice %arg6[%dma_wait3A, %dma_wait3A_16] : memref<16384x64xf32, #tpu.memory_space<hbm>> -> memref<256x64xf32, #tpu.memory_space<hbm>>
    %dma_wait3A_18 = arith.constant 0 : i32
    %dma_wait3A_19 = arith.constant 0 : i32
    %dma_wait3A_20 = tpu.memref_slice %arg6[%dma_wait3A_18, %dma_wait3A_19] : memref<16384x64xf32, #tpu.memory_space<hbm>> -> memref<256x64xf32, #tpu.memory_space<hbm>>
    tpu.wait_dma2 semaphore(%arg11 : memref<!tpu.dma_semaphore, #tpu.memory_space<semaphore_mem>>) src(%dma_wait3A_20 : memref<256x64xf32, #tpu.memory_space<hbm>>) dst(%arg9 : memref<256x64xf32, #tpu.memory_space<vmem>>)
    %dma_wait3A_21 = arith.constant 0 : i32
    %dma_wait3A_22 = arith.constant 0 : i32
    %dma_wait3A_23 = tpu.memref_slice %arg6[%dma_wait3A_21, %dma_wait3A_22] : memref<16384x64xf32, #tpu.memory_space<hbm>> -> memref<256x64xf32, #tpu.memory_space<hbm>>
    %dma_wait3A_24 = arith.constant 0 : i32
    %dma_wait3A_25 = arith.constant 0 : i32
    %dma_wait3A_26 = tpu.memref_slice %arg6[%dma_wait3A_24, %dma_wait3A_25] : memref<16384x64xf32, #tpu.memory_space<hbm>> -> memref<256x64xf32, #tpu.memory_space<hbm>>
    tpu.wait_dma2 semaphore(%arg11 : memref<!tpu.dma_semaphore, #tpu.memory_space<semaphore_mem>>) src(%dma_wait3A_26 : memref<256x64xf32, #tpu.memory_space<hbm>>) dst(%arg10 : memref<256x64xf32, #tpu.memory_space<vmem>>)
    %scan3A_27 = arith.constant 0 : i32
    %scan3A_28 = arith.constant 0 : i32
    %scan3A_29 = arith.constant 256 : i32
    %scan3A_30 = arith.addi %scan3A_28, %scan3A_29 : i32
    %scan3A_31 = arith.constant 1 : i32
    %scan3A_32 = scf.for %scan3A_71 = %scan3A_28 to %scan3A_30 step %scan3A_31 iter_args(%scan3A_72 = %scan3A_27) -> (i32)  : i32 {
      %get3A = arith.index_cast %scan3A_71 : i32 to index
      %get3A_73 = arith.constant 0 : index
      %get3A_74 = tpu.vector_load %arg9[%get3A, %get3A_73] {strides = array<i32>} : memref<256x64xf32, #tpu.memory_space<vmem>>, vector<1x16xf32>,
      %get3A_75 = vector.shape_cast %get3A_74 : vector<1x16xf32> to vector<16xf32>
      %get3A_76 = arith.index_cast %scan3A_71 : i32 to index
      %get3A_77 = arith.constant 0 : index
      %get3A_78 = tpu.vector_load %arg10[%get3A_76, %get3A_77] {strides = array<i32>} : memref<256x64xf32, #tpu.memory_space<vmem>>, vector<1x16xf32>,
      %get3A_79 = vector.shape_cast %get3A_78 : vector<1x16xf32> to vector<16xf32>
      %add3A_80 = arith.addf %get3A_75, %get3A_79 : vector<16xf32>
      %swap3A = arith.index_cast %scan3A_71 : i32 to index
      %swap3A_81 = arith.constant 0 : index
      %swap3A_82 = tpu.vector_load %arg9[%swap3A, %swap3A_81] {strides = array<i32>} : memref<256x64xf32, #tpu.memory_space<vmem>>, vector<1x16xf32>,
      %swap3A_83 = vector.shape_cast %swap3A_82 : vector<1x16xf32> to vector<16xf32>
      %swap3A_84 = vector.shape_cast %add3A_80 : vector<16xf32> to vector<1x16xf32>
      tpu.vector_store %arg9[%swap3A, %swap3A_81], %swap3A_84 {strides = array<i32>} : memref<256x64xf32, #tpu.memory_space<vmem>>, vector<1x16xf32>,
      %get3A_85 = arith.index_cast %scan3A_71 : i32 to index
      %get3A_86 = arith.constant 16 : index
      %get3A_87 = tpu.vector_load %arg9[%get3A_85, %get3A_86] {strides = array<i32>} : memref<256x64xf32, #tpu.memory_space<vmem>>, vector<1x16xf32>,
      %get3A_88 = vector.shape_cast %get3A_87 : vector<1x16xf32> to vector<16xf32>
      %get3A_89 = arith.index_cast %scan3A_71 : i32 to index
      %get3A_90 = arith.constant 16 : index
      %get3A_91 = tpu.vector_load %arg10[%get3A_89, %get3A_90] {strides = array<i32>} : memref<256x64xf32, #tpu.memory_space<vmem>>, vector<1x16xf32>,
      %get3A_92 = vector.shape_cast %get3A_91 : vector<1x16xf32> to vector<16xf32>
      %add3A_93 = arith.addf %get3A_88, %get3A_92 : vector<16xf32>
      %swap3A_94 = arith.index_cast %scan3A_71 : i32 to index
      %swap3A_95 = arith.constant 16 : index
      %swap3A_96 = tpu.vector_load %arg9[%swap3A_94, %swap3A_95] {strides = array<i32>} : memref<256x64xf32, #tpu.memory_space<vmem>>, vector<1x16xf32>,
      %swap3A_97 = vector.shape_cast %swap3A_96 : vector<1x16xf32> to vector<16xf32>
      %swap3A_98 = vector.shape_cast %add3A_93 : vector<16xf32> to vector<1x16xf32>
      tpu.vector_store %arg9[%swap3A_94, %swap3A_95], %swap3A_98 {strides = array<i32>} : memref<256x64xf32, #tpu.memory_space<vmem>>, vector<1x16xf32>,
      %get3A_99 = arith.index_cast %scan3A_71 : i32 to index
      %get3A_100 = arith.constant 32 : index
      %get3A_101 = tpu.vector_load %arg9[%get3A_99, %get3A_100] {strides = array<i32>} : memref<256x64xf32, #tpu.memory_space<vmem>>, vector<1x16xf32>,
      %get3A_102 = vector.shape_cast %get3A_101 : vector<1x16xf32> to vector<16xf32>
      %get3A_103 = arith.index_cast %scan3A_71 : i32 to index
      %get3A_104 = arith.constant 32 : index
      %get3A_105 = tpu.vector_load %arg10[%get3A_103, %get3A_104] {strides = array<i32>} : memref<256x64xf32, #tpu.memory_space<vmem>>, vector<1x16xf32>,
      %get3A_106 = vector.shape_cast %get3A_105 : vector<1x16xf32> to vector<16xf32>
      %add3A_107 = arith.addf %get3A_102, %get3A_106 : vector<16xf32>
      %swap3A_108 = arith.index_cast %scan3A_71 : i32 to index
      %swap3A_109 = arith.constant 32 : index
      %swap3A_110 = tpu.vector_load %arg9[%swap3A_108, %swap3A_109] {strides = array<i32>} : memref<256x64xf32, #tpu.memory_space<vmem>>, vector<1x16xf32>,
      %swap3A_111 = vector.shape_cast %swap3A_110 : vector<1x16xf32> to vector<16xf32>
      %swap3A_112 = vector.shape_cast %add3A_107 : vector<16xf32> to vector<1x16xf32>
      tpu.vector_store %arg9[%swap3A_108, %swap3A_109], %swap3A_112 {strides = array<i32>} : memref<256x64xf32, #tpu.memory_space<vmem>>, vector<1x16xf32>,
      %get3A_113 = arith.index_cast %scan3A_71 : i32 to index
      %get3A_114 = arith.constant 48 : index
      %get3A_115 = tpu.vector_load %arg9[%get3A_113, %get3A_114] {strides = array<i32>} : memref<256x64xf32, #tpu.memory_space<vmem>>, vector<1x16xf32>,
      %get3A_116 = vector.shape_cast %get3A_115 : vector<1x16xf32> to vector<16xf32>
      %get3A_117 = arith.index_cast %scan3A_71 : i32 to index
      %get3A_118 = arith.constant 48 : index
      %get3A_119 = tpu.vector_load %arg10[%get3A_117, %get3A_118] {strides = array<i32>} : memref<256x64xf32, #tpu.memory_space<vmem>>, vector<1x16xf32>,
      %get3A_120 = vector.shape_cast %get3A_119 : vector<1x16xf32> to vector<16xf32>
      %add3A_121 = arith.addf %get3A_116, %get3A_120 : vector<16xf32>
      %swap3A_122 = arith.index_cast %scan3A_71 : i32 to index
      %swap3A_123 = arith.constant 48 : index
      %swap3A_124 = tpu.vector_load %arg9[%swap3A_122, %swap3A_123] {strides = array<i32>} : memref<256x64xf32, #tpu.memory_space<vmem>>, vector<1x16xf32>,
      %swap3A_125 = vector.shape_cast %swap3A_124 : vector<1x16xf32> to vector<16xf32>
      %swap3A_126 = vector.shape_cast %add3A_121 : vector<16xf32> to vector<1x16xf32>
      tpu.vector_store %arg9[%swap3A_122, %swap3A_123], %swap3A_126 {strides = array<i32>} : memref<256x64xf32, #tpu.memory_space<vmem>>, vector<1x16xf32>,
      %scan3A_127 = arith.constant 0 : i32
      scf.yield %scan3A_127 : i32
    }
    %scan3A_33 = arith.constant 256 : i32
    %add3A_34 = arith.constant 0 : i32
    %add3A_35 = arith.addi %mul3A_2, %add3A_34 : i32
    "tpu.region"() ({
      %run_scoped3A = tpu.sem_alloc : memref<!tpu.dma_semaphore, #tpu.memory_space<semaphore_mem>>
      %dma_start3A = arith.constant 0 : i32
      %dma_start3A_71 = tpu.memref_slice %arg6[%add3A_35, %dma_start3A] : memref<16384x64xf32, #tpu.memory_space<hbm>> -> memref<256x64xf32, #tpu.memory_space<hbm>>
      %dma_start3A_72 = arith.constant 0 : i32
      %dma_start3A_73 = tpu.memref_slice %arg6[%add3A_35, %dma_start3A_72] : memref<16384x64xf32, #tpu.memory_space<hbm>> -> memref<256x64xf32, #tpu.memory_space<hbm>>
      tpu.enqueue_dma source(%arg9 : memref<256x64xf32, #tpu.memory_space<vmem>>) target(%dma_start3A_73 : memref<256x64xf32, #tpu.memory_space<hbm>>) target_semaphore(%run_scoped3A : memref<!tpu.dma_semaphore, #tpu.memory_space<semaphore_mem>>)
      %dma_wait3A_74 = arith.constant 0 : i32
      %dma_wait3A_75 = tpu.memref_slice %arg6[%add3A_35, %dma_wait3A_74] : memref<16384x64xf32, #tpu.memory_space<hbm>> -> memref<256x64xf32, #tpu.memory_space<hbm>>
      %dma_wait3A_76 = arith.constant 0 : i32
      %dma_wait3A_77 = tpu.memref_slice %arg6[%add3A_35, %dma_wait3A_76] : memref<16384x64xf32, #tpu.memory_space<hbm>> -> memref<256x64xf32, #tpu.memory_space<hbm>>
      tpu.wait_dma2 semaphore(%run_scoped3A : memref<!tpu.dma_semaphore, #tpu.memory_space<semaphore_mem>>) src(%arg9 : memref<256x64xf32, #tpu.memory_space<vmem>>) dst(%dma_wait3A_77 : memref<256x64xf32, #tpu.memory_space<hbm>>)
      tpu.yield
    }) : () -> ()
    %scan3A_36 = arith.constant 0 : i32
    %scan3A_37 = arith.constant 0 : i32
    %scan3A_38 = arith.constant 16 : i32
    %scan3A_39 = arith.addi %scan3A_37, %scan3A_38 : i32
    %scan3A_40 = arith.constant 1 : i32
    %scan3A_41 = scf.for %scan3A_71 = %scan3A_37 to %scan3A_39 step %scan3A_40 iter_args(%scan3A_72 = %scan3A_36) -> (i32)  : i32 {
      %mul3A_73 = arith.constant 16 : i32
      %mul3A_74 = arith.muli %scan3A_71, %mul3A_73 : i32
      %add3A_75 = arith.constant 256 : i32
      %add3A_76 = arith.addi %add3A_75, %mul3A_74 : i32
      %get3A = arith.index_cast %add3A_76 : i32 to index
      %get3A_77 = tpu.vector_load %arg7[%get3A] {strides = array<i32>} : memref<512xi32, #tpu.memory_space<vmem>>, vector<16xi32>,
      %get3A_78 = vector.shape_cast %get3A_77 : vector<16xi32> to vector<16xi32>
      %slice3A = vector.extract_strided_slice %get3A_78 {offsets = [0], sizes = [1], strides = [1]} : vector<16xi32> to vector<1xi32>
      %squeeze3A = vector.extract %slice3A[0] : i32 from vector<1xi32>
      %mul3A_79 = arith.constant 16 : i32
      %mul3A_80 = arith.muli %scan3A_71, %mul3A_79 : i32
      %add3A_81 = arith.constant 0 : i32
      %add3A_82 = arith.addi %mul3A_80, %add3A_81 : i32
      %dma_start3A = arith.constant 0 : i32
      %dma_start3A_83 = tpu.memref_slice %arg9[%add3A_82, %dma_start3A] : memref<256x64xf32, #tpu.memory_space<vmem>> -> memref<1x64xf32, #tpu.memory_space<vmem>>
      %dma_start3A_84 = tpu.memref_squeeze %dma_start3A_83 : memref<1x64xf32, #tpu.memory_space<vmem>> -> memref<64xf32, #tpu.memory_space<vmem>>
      %dma_start3A_85 = arith.constant 0 : i32
      %dma_start3A_86 = tpu.memref_slice %arg2[%squeeze3A, %dma_start3A_85] : memref<100001x64xf32, #tpu.memory_space<hbm>> -> memref<1x64xf32, #tpu.memory_space<hbm>>
      %dma_start3A_87 = tpu.memref_squeeze %dma_start3A_86 : memref<1x64xf32, #tpu.memory_space<hbm>> -> memref<64xf32, #tpu.memory_space<hbm>>
      %dma_start3A_88 = arith.constant 0 : i32
      %dma_start3A_89 = tpu.memref_slice %arg9[%add3A_82, %dma_start3A_88] : memref<256x64xf32, #tpu.memory_space<vmem>> -> memref<1x64xf32, #tpu.memory_space<vmem>>
      %dma_start3A_90 = tpu.memref_squeeze %dma_start3A_89 : memref<1x64xf32, #tpu.memory_space<vmem>> -> memref<64xf32, #tpu.memory_space<vmem>>
      %dma_start3A_91 = arith.constant 0 : i32
      %dma_start3A_92 = tpu.memref_slice %arg2[%squeeze3A, %dma_start3A_91] : memref<100001x64xf32, #tpu.memory_space<hbm>> -> memref<1x64xf32, #tpu.memory_space<hbm>>
      %dma_start3A_93 = tpu.memref_squeeze %dma_start3A_92 : memref<1x64xf32, #tpu.memory_space<hbm>> -> memref<64xf32, #tpu.memory_space<hbm>>
      tpu.enqueue_dma source(%dma_start3A_93 : memref<64xf32, #tpu.memory_space<hbm>>) target(%dma_start3A_90 : memref<64xf32, #tpu.memory_space<vmem>>) target_semaphore(%arg11 : memref<!tpu.dma_semaphore, #tpu.memory_space<semaphore_mem>>)
      %slice3A_94 = vector.extract_strided_slice %get3A_78 {offsets = [1], sizes = [1], strides = [1]} : vector<16xi32> to vector<1xi32>
      %squeeze3A_95 = vector.extract %slice3A_94[0] : i32 from vector<1xi32>
      %mul3A_96 = arith.constant 16 : i32
      %mul3A_97 = arith.muli %scan3A_71, %mul3A_96 : i32
      %add3A_98 = arith.constant 1 : i32
      %add3A_99 = arith.addi %mul3A_97, %add3A_98 : i32
      %dma_start3A_100 = arith.constant 0 : i32
      %dma_start3A_101 = tpu.memref_slice %arg9[%add3A_99, %dma_start3A_100] : memref<256x64xf32, #tpu.memory_space<vmem>> -> memref<1x64xf32, #tpu.memory_space<vmem>>
      %dma_start3A_102 = tpu.memref_squeeze %dma_start3A_101 : memref<1x64xf32, #tpu.memory_space<vmem>> -> memref<64xf32, #tpu.memory_space<vmem>>
      %dma_start3A_103 = arith.constant 0 : i32
      %dma_start3A_104 = tpu.memref_slice %arg2[%squeeze3A_95, %dma_start3A_103] : memref<100001x64xf32, #tpu.memory_space<hbm>> -> memref<1x64xf32, #tpu.memory_space<hbm>>
      %dma_start3A_105 = tpu.memref_squeeze %dma_start3A_104 : memref<1x64xf32, #tpu.memory_space<hbm>> -> memref<64xf32, #tpu.memory_space<hbm>>
      %dma_start3A_106 = arith.constant 0 : i32
      %dma_start3A_107 = tpu.memref_slice %arg9[%add3A_99, %dma_start3A_106] : memref<256x64xf32, #tpu.memory_space<vmem>> -> memref<1x64xf32, #tpu.memory_space<vmem>>
      %dma_start3A_108 = tpu.memref_squeeze %dma_start3A_107 : memref<1x64xf32, #tpu.memory_space<vmem>> -> memref<64xf32, #tpu.memory_space<vmem>>
      %dma_start3A_109 = arith.constant 0 : i32
      %dma_start3A_110 = tpu.memref_slice %arg2[%squeeze3A_95, %dma_start3A_109] : memref<100001x64xf32, #tpu.memory_space<hbm>> -> memref<1x64xf32, #tpu.memory_space<hbm>>
      %dma_start3A_111 = tpu.memref_squeeze %dma_start3A_110 : memref<1x64xf32, #tpu.memory_space<hbm>> -> memref<64xf32, #tpu.memory_space<hbm>>
      tpu.enqueue_dma source(%dma_start3A_111 : memref<64xf32, #tpu.memory_space<hbm>>) target(%dma_start3A_108 : memref<64xf32, #tpu.memory_space<vmem>>) target_semaphore(%arg11 : memref<!tpu.dma_semaphore, #tpu.memory_space<semaphore_mem>>)
      %slice3A_112 = vector.extract_strided_slice %get3A_78 {offsets = [2], sizes = [1], strides = [1]} : vector<16xi32> to vector<1xi32>
      %squeeze3A_113 = vector.extract %slice3A_112[0] : i32 from vector<1xi32>
      %mul3A_114 = arith.constant 16 : i32
      %mul3A_115 = arith.muli %scan3A_71, %mul3A_114 : i32
      %add3A_116 = arith.constant 2 : i32
      %add3A_117 = arith.addi %mul3A_115, %add3A_116 : i32
      %dma_start3A_118 = arith.constant 0 : i32
      %dma_start3A_119 = tpu.memref_slice %arg9[%add3A_117, %dma_start3A_118] : memref<256x64xf32, #tpu.memory_space<vmem>> -> memref<1x64xf32, #tpu.memory_space<vmem>>
      %dma_start3A_120 = tpu.memref_squeeze %dma_start3A_119 : memref<1x64xf32, #tpu.memory_space<vmem>> -> memref<64xf32, #tpu.memory_space<vmem>>
      %dma_start3A_121 = arith.constant 0 : i32
      %dma_start3A_122 = tpu.memref_slice %arg2[%squeeze3A_113, %dma_start3A_121] : memref<100001x64xf32, #tpu.memory_space<hbm>> -> memref<1x64xf32, #tpu.memory_space<hbm>>
      %dma_start3A_123 = tpu.memref_squeeze %dma_start3A_122 : memref<1x64xf32, #tpu.memory_space<hbm>> -> memref<64xf32, #tpu.memory_space<hbm>>
      %dma_start3A_124 = arith.constant 0 : i32
      %dma_start3A_125 = tpu.memref_slice %arg9[%add3A_117, %dma_start3A_124] : memref<256x64xf32, #tpu.memory_space<vmem>> -> memref<1x64xf32, #tpu.memory_space<vmem>>
      %dma_start3A_126 = tpu.memref_squeeze %dma_start3A_125 : memref<1x64xf32, #tpu.memory_space<vmem>> -> memref<64xf32, #tpu.memory_space<vmem>>
      %dma_start3A_127 = arith.constant 0 : i32
      %dma_start3A_128 = tpu.memref_slice %arg2[%squeeze3A_113, %dma_start3A_127] : memref<100001x64xf32, #tpu.memory_space<hbm>> -> memref<1x64xf32, #tpu.memory_space<hbm>>
      %dma_start3A_129 = tpu.memref_squeeze %dma_start3A_128 : memref<1x64xf32, #tpu.memory_space<hbm>> -> memref<64xf32, #tpu.memory_space<hbm>>
      tpu.enqueue_dma source(%dma_start3A_129 : memref<64xf32, #tpu.memory_space<hbm>>) target(%dma_start3A_126 : memref<64xf32, #tpu.memory_space<vmem>>) target_semaphore(%arg11 : memref<!tpu.dma_semaphore, #tpu.memory_space<semaphore_mem>>)
      %slice3A_130 = vector.extract_strided_slice %get3A_78 {offsets = [3], sizes = [1], strides = [1]} : vector<16xi32> to vector<1xi32>
      %squeeze3A_131 = vector.extract %slice3A_130[0] : i32 from vector<1xi32>
      %mul3A_132 = arith.constant 16 : i32
      %mul3A_133 = arith.muli %scan3A_71, %mul3A_132 : i32
      %add3A_134 = arith.constant 3 : i32
      %add3A_135 = arith.addi %mul3A_133, %add3A_134 : i32
      %dma_start3A_136 = arith.constant 0 : i32
      %dma_start3A_137 = tpu.memref_slice %arg9[%add3A_135, %dma_start3A_136] : memref<256x64xf32, #tpu.memory_space<vmem>> -> memref<1x64xf32, #tpu.memory_space<vmem>>
      %dma_start3A_138 = tpu.memref_squeeze %dma_start3A_137 : memref<1x64xf32, #tpu.memory_space<vmem>> -> memref<64xf32, #tpu.memory_space<vmem>>
      %dma_start3A_139 = arith.constant 0 : i32
      %dma_start3A_140 = tpu.memref_slice %arg2[%squeeze3A_131, %dma_start3A_139] : memref<100001x64xf32, #tpu.memory_space<hbm>> -> memref<1x64xf32, #tpu.memory_space<hbm>>
      %dma_start3A_141 = tpu.memref_squeeze %dma_start3A_140 : memref<1x64xf32, #tpu.memory_space<hbm>> -> memref<64xf32, #tpu.memory_space<hbm>>
      %dma_start3A_142 = arith.constant 0 : i32
      %dma_start3A_143 = tpu.memref_slice %arg9[%add3A_135, %dma_start3A_142] : memref<256x64xf32, #tpu.memory_space<vmem>> -> memref<1x64xf32, #tpu.memory_space<vmem>>
      %dma_start3A_144 = tpu.memref_squeeze %dma_start3A_143 : memref<1x64xf32, #tpu.memory_space<vmem>> -> memref<64xf32, #tpu.memory_space<vmem>>
      %dma_start3A_145 = arith.constant 0 : i32
      %dma_start3A_146 = tpu.memref_slice %arg2[%squeeze3A_131, %dma_start3A_145] : memref<100001x64xf32, #tpu.memory_space<hbm>> -> memref<1x64xf32, #tpu.memory_space<hbm>>
      %dma_start3A_147 = tpu.memref_squeeze %dma_start3A_146 : memref<1x64xf32, #tpu.memory_space<hbm>> -> memref<64xf32, #tpu.memory_space<hbm>>
      tpu.enqueue_dma source(%dma_start3A_147 : memref<64xf32, #tpu.memory_space<hbm>>) target(%dma_start3A_144 : memref<64xf32, #tpu.memory_space<vmem>>) target_semaphore(%arg11 : memref<!tpu.dma_semaphore, #tpu.memory_space<semaphore_mem>>)
      %slice3A_148 = vector.extract_strided_slice %get3A_78 {offsets = [4], sizes = [1], strides = [1]} : vector<16xi32> to vector<1xi32>
      %squeeze3A_149 = vector.extract %slice3A_148[0] : i32 from vector<1xi32>
      %mul3A_150 = arith.constant 16 : i32
      %mul3A_151 = arith.muli %scan3A_71, %mul3A_150 : i32
      %add3A_152 = arith.constant 4 : i32
      %add3A_153 = arith.addi %mul3A_151, %add3A_152 : i32
      %dma_start3A_154 = arith.constant 0 : i32
      %dma_start3A_155 = tpu.memref_slice %arg9[%add3A_153, %dma_start3A_154] : memref<256x64xf32, #tpu.memory_space<vmem>> -> memref<1x64xf32, #tpu.memory_space<vmem>>
      %dma_start3A_156 = tpu.memref_squeeze %dma_start3A_155 : memref<1x64xf32, #tpu.memory_space<vmem>> -> memref<64xf32, #tpu.memory_space<vmem>>
      %dma_start3A_157 = arith.constant 0 : i32
      %dma_start3A_158 = tpu.memref_slice %arg2[%squeeze3A_149, %dma_start3A_157] : memref<100001x64xf32, #tpu.memory_space<hbm>> -> memref<1x64xf32, #tpu.memory_space<hbm>>
      %dma_start3A_159 = tpu.memref_squeeze %dma_start3A_158 : memref<1x64xf32, #tpu.memory_space<hbm>> -> memref<64xf32, #tpu.memory_space<hbm>>
      %dma_start3A_160 = arith.constant 0 : i32
      %dma_start3A_161 = tpu.memref_slice %arg9[%add3A_153, %dma_start3A_160] : memref<256x64xf32, #tpu.memory_space<vmem>> -> memref<1x64xf32, #tpu.memory_space<vmem>>
      %dma_start3A_162 = tpu.memref_squeeze %dma_start3A_161 : memref<1x64xf32, #tpu.memory_space<vmem>> -> memref<64xf32, #tpu.memory_space<vmem>>
      %dma_start3A_163 = arith.constant 0 : i32
      %dma_start3A_164 = tpu.memref_slice %arg2[%squeeze3A_149, %dma_start3A_163] : memref<100001x64xf32, #tpu.memory_space<hbm>> -> memref<1x64xf32, #tpu.memory_space<hbm>>
      %dma_start3A_165 = tpu.memref_squeeze %dma_start3A_164 : memref<1x64xf32, #tpu.memory_space<hbm>> -> memref<64xf32, #tpu.memory_space<hbm>>
      tpu.enqueue_dma source(%dma_start3A_165 : memref<64xf32, #tpu.memory_space<hbm>>) target(%dma_start3A_162 : memref<64xf32, #tpu.memory_space<vmem>>) target_semaphore(%arg11 : memref<!tpu.dma_semaphore, #tpu.memory_space<semaphore_mem>>)
      %slice3A_166 = vector.extract_strided_slice %get3A_78 {offsets = [5], sizes = [1], strides = [1]} : vector<16xi32> to vector<1xi32>
      %squeeze3A_167 = vector.extract %slice3A_166[0] : i32 from vector<1xi32>
      %mul3A_168 = arith.constant 16 : i32
      %mul3A_169 = arith.muli %scan3A_71, %mul3A_168 : i32
      %add3A_170 = arith.constant 5 : i32
      %add3A_171 = arith.addi %mul3A_169, %add3A_170 : i32
      %dma_start3A_172 = arith.constant 0 : i32
      %dma_start3A_173 = tpu.memref_slice %arg9[%add3A_171, %dma_start3A_172] : memref<256x64xf32, #tpu.memory_space<vmem>> -> memref<1x64xf32, #tpu.memory_space<vmem>>
      %dma_start3A_174 = tpu.memref_squeeze %dma_start3A_173 : memref<1x64xf32, #tpu.memory_space<vmem>> -> memref<64xf32, #tpu.memory_space<vmem>>
      %dma_start3A_175 = arith.constant 0 : i32
      %dma_start3A_176 = tpu.memref_slice %arg2[%squeeze3A_167, %dma_start3A_175] : memref<100001x64xf32, #tpu.memory_space<hbm>> -> memref<1x64xf32, #tpu.memory_space<hbm>>
      %dma_start3A_177 = tpu.memref_squeeze %dma_start3A_176 : memref<1x64xf32, #tpu.memory_space<hbm>> -> memref<64xf32, #tpu.memory_space<hbm>>
      %dma_start3A_178 = arith.constant 0 : i32
      %dma_start3A_179 = tpu.memref_slice %arg9[%add3A_171, %dma_start3A_178] : memref<256x64xf32, #tpu.memory_space<vmem>> -> memref<1x64xf32, #tpu.memory_space<vmem>>
      %dma_start3A_180 = tpu.memref_squeeze %dma_start3A_179 : memref<1x64xf32, #tpu.memory_space<vmem>> -> memref<64xf32, #tpu.memory_space<vmem>>
      %dma_start3A_181 = arith.constant 0 : i32
      %dma_start3A_182 = tpu.memref_slice %arg2[%squeeze3A_167, %dma_start3A_181] : memref<100001x64xf32, #tpu.memory_space<hbm>> -> memref<1x64xf32, #tpu.memory_space<hbm>>
      %dma_start3A_183 = tpu.memref_squeeze %dma_start3A_182 : memref<1x64xf32, #tpu.memory_space<hbm>> -> memref<64xf32, #tpu.memory_space<hbm>>
      tpu.enqueue_dma source(%dma_start3A_183 : memref<64xf32, #tpu.memory_space<hbm>>) target(%dma_start3A_180 : memref<64xf32, #tpu.memory_space<vmem>>) target_semaphore(%arg11 : memref<!tpu.dma_semaphore, #tpu.memory_space<semaphore_mem>>)
      %slice3A_184 = vector.extract_strided_slice %get3A_78 {offsets = [6], sizes = [1], strides = [1]} : vector<16xi32> to vector<1xi32>
      %squeeze3A_185 = vector.extract %slice3A_184[0] : i32 from vector<1xi32>
      %mul3A_186 = arith.constant 16 : i32
      %mul3A_187 = arith.muli %scan3A_71, %mul3A_186 : i32
      %add3A_188 = arith.constant 6 : i32
      %add3A_189 = arith.addi %mul3A_187, %add3A_188 : i32
      %dma_start3A_190 = arith.constant 0 : i32
      %dma_start3A_191 = tpu.memref_slice %arg9[%add3A_189, %dma_start3A_190] : memref<256x64xf32, #tpu.memory_space<vmem>> -> memref<1x64xf32, #tpu.memory_space<vmem>>
      %dma_start3A_192 = tpu.memref_squeeze %dma_start3A_191 : memref<1x64xf32, #tpu.memory_space<vmem>> -> memref<64xf32, #tpu.memory_space<vmem>>
      %dma_start3A_193 = arith.constant 0 : i32
      %dma_start3A_194 = tpu.memref_slice %arg2[%squeeze3A_185, %dma_start3A_193] : memref<100001x64xf32, #tpu.memory_space<hbm>> -> memref<1x64xf32, #tpu.memory_space<hbm>>
      %dma_start3A_195 = tpu.memref_squeeze %dma_start3A_194 : memref<1x64xf32, #tpu.memory_space<hbm>> -> memref<64xf32, #tpu.memory_space<hbm>>
      %dma_start3A_196 = arith.constant 0 : i32
      %dma_start3A_197 = tpu.memref_slice %arg9[%add3A_189, %dma_start3A_196] : memref<256x64xf32, #tpu.memory_space<vmem>> -> memref<1x64xf32, #tpu.memory_space<vmem>>
      %dma_start3A_198 = tpu.memref_squeeze %dma_start3A_197 : memref<1x64xf32, #tpu.memory_space<vmem>> -> memref<64xf32, #tpu.memory_space<vmem>>
      %dma_start3A_199 = arith.constant 0 : i32
      %dma_start3A_200 = tpu.memref_slice %arg2[%squeeze3A_185, %dma_start3A_199] : memref<100001x64xf32, #tpu.memory_space<hbm>> -> memref<1x64xf32, #tpu.memory_space<hbm>>
      %dma_start3A_201 = tpu.memref_squeeze %dma_start3A_200 : memref<1x64xf32, #tpu.memory_space<hbm>> -> memref<64xf32, #tpu.memory_space<hbm>>
      tpu.enqueue_dma source(%dma_start3A_201 : memref<64xf32, #tpu.memory_space<hbm>>) target(%dma_start3A_198 : memref<64xf32, #tpu.memory_space<vmem>>) target_semaphore(%arg11 : memref<!tpu.dma_semaphore, #tpu.memory_space<semaphore_mem>>)
      %slice3A_202 = vector.extract_strided_slice %get3A_78 {offsets = [7], sizes = [1], strides = [1]} : vector<16xi32> to vector<1xi32>
      %squeeze3A_203 = vector.extract %slice3A_202[0] : i32 from vector<1xi32>
      %mul3A_204 = arith.constant 16 : i32
      %mul3A_205 = arith.muli %scan3A_71, %mul3A_204 : i32
      %add3A_206 = arith.constant 7 : i32
      %add3A_207 = arith.addi %mul3A_205, %add3A_206 : i32
      %dma_start3A_208 = arith.constant 0 : i32
      %dma_start3A_209 = tpu.memref_slice %arg9[%add3A_207, %dma_start3A_208] : memref<256x64xf32, #tpu.memory_space<vmem>> -> memref<1x64xf32, #tpu.memory_space<vmem>>
      %dma_start3A_210 = tpu.memref_squeeze %dma_start3A_209 : memref<1x64xf32, #tpu.memory_space<vmem>> -> memref<64xf32, #tpu.memory_space<vmem>>
      %dma_start3A_211 = arith.constant 0 : i32
      %dma_start3A_212 = tpu.memref_slice %arg2[%squeeze3A_203, %dma_start3A_211] : memref<100001x64xf32, #tpu.memory_space<hbm>> -> memref<1x64xf32, #tpu.memory_space<hbm>>
      %dma_start3A_213 = tpu.memref_squeeze %dma_start3A_212 : memref<1x64xf32, #tpu.memory_space<hbm>> -> memref<64xf32, #tpu.memory_space<hbm>>
      %dma_start3A_214 = arith.constant 0 : i32
      %dma_start3A_215 = tpu.memref_slice %arg9[%add3A_207, %dma_start3A_214] : memref<256x64xf32, #tpu.memory_space<vmem>> -> memref<1x64xf32, #tpu.memory_space<vmem>>
      %dma_start3A_216 = tpu.memref_squeeze %dma_start3A_215 : memref<1x64xf32, #tpu.memory_space<vmem>> -> memref<64xf32, #tpu.memory_space<vmem>>
      %dma_start3A_217 = arith.constant 0 : i32
      %dma_start3A_218 = tpu.memref_slice %arg2[%squeeze3A_203, %dma_start3A_217] : memref<100001x64xf32, #tpu.memory_space<hbm>> -> memref<1x64xf32, #tpu.memory_space<hbm>>
      %dma_start3A_219 = tpu.memref_squeeze %dma_start3A_218 : memref<1x64xf32, #tpu.memory_space<hbm>> -> memref<64xf32, #tpu.memory_space<hbm>>
      tpu.enqueue_dma source(%dma_start3A_219 : memref<64xf32, #tpu.memory_space<hbm>>) target(%dma_start3A_216 : memref<64xf32, #tpu.memory_space<vmem>>) target_semaphore(%arg11 : memref<!tpu.dma_semaphore, #tpu.memory_space<semaphore_mem>>)
      %slice3A_220 = vector.extract_strided_slice %get3A_78 {offsets = [8], sizes = [1], strides = [1]} : vector<16xi32> to vector<1xi32>
      %squeeze3A_221 = vector.extract %slice3A_220[0] : i32 from vector<1xi32>
      %mul3A_222 = arith.constant 16 : i32
      %mul3A_223 = arith.muli %scan3A_71, %mul3A_222 : i32
      %add3A_224 = arith.constant 8 : i32
      %add3A_225 = arith.addi %mul3A_223, %add3A_224 : i32
      %dma_start3A_226 = arith.constant 0 : i32
      %dma_start3A_227 = tpu.memref_slice %arg9[%add3A_225, %dma_start3A_226] : memref<256x64xf32, #tpu.memory_space<vmem>> -> memref<1x64xf32, #tpu.memory_space<vmem>>
      %dma_start3A_228 = tpu.memref_squeeze %dma_start3A_227 : memref<1x64xf32, #tpu.memory_space<vmem>> -> memref<64xf32, #tpu.memory_space<vmem>>
      %dma_start3A_229 = arith.constant 0 : i32
      %dma_start3A_230 = tpu.memref_slice %arg2[%squeeze3A_221, %dma_start3A_229] : memref<100001x64xf32, #tpu.memory_space<hbm>> -> memref<1x64xf32, #tpu.memory_space<hbm>>
      %dma_start3A_231 = tpu.memref_squeeze %dma_start3A_230 : memref<1x64xf32, #tpu.memory_space<hbm>> -> memref<64xf32, #tpu.memory_space<hbm>>
      %dma_start3A_232 = arith.constant 0 : i32
      %dma_start3A_233 = tpu.memref_slice %arg9[%add3A_225, %dma_start3A_232] : memref<256x64xf32, #tpu.memory_space<vmem>> -> memref<1x64xf32, #tpu.memory_space<vmem>>
      %dma_start3A_234 = tpu.memref_squeeze %dma_start3A_233 : memref<1x64xf32, #tpu.memory_space<vmem>> -> memref<64xf32, #tpu.memory_space<vmem>>
      %dma_start3A_235 = arith.constant 0 : i32
      %dma_start3A_236 = tpu.memref_slice %arg2[%squeeze3A_221, %dma_start3A_235] : memref<100001x64xf32, #tpu.memory_space<hbm>> -> memref<1x64xf32, #tpu.memory_space<hbm>>
      %dma_start3A_237 = tpu.memref_squeeze %dma_start3A_236 : memref<1x64xf32, #tpu.memory_space<hbm>> -> memref<64xf32, #tpu.memory_space<hbm>>
      tpu.enqueue_dma source(%dma_start3A_237 : memref<64xf32, #tpu.memory_space<hbm>>) target(%dma_start3A_234 : memref<64xf32, #tpu.memory_space<vmem>>) target_semaphore(%arg11 : memref<!tpu.dma_semaphore, #tpu.memory_space<semaphore_mem>>)
      %slice3A_238 = vector.extract_strided_slice %get3A_78 {offsets = [9], sizes = [1], strides = [1]} : vector<16xi32> to vector<1xi32>
      %squeeze3A_239 = vector.extract %slice3A_238[0] : i32 from vector<1xi32>
      %mul3A_240 = arith.constant 16 : i32
      %mul3A_241 = arith.muli %scan3A_71, %mul3A_240 : i32
      %add3A_242 = arith.constant 9 : i32
      %add3A_243 = arith.addi %mul3A_241, %add3A_242 : i32
      %dma_start3A_244 = arith.constant 0 : i32
      %dma_start3A_245 = tpu.memref_slice %arg9[%add3A_243, %dma_start3A_244] : memref<256x64xf32, #tpu.memory_space<vmem>> -> memref<1x64xf32, #tpu.memory_space<vmem>>
      %dma_start3A_246 = tpu.memref_squeeze %dma_start3A_245 : memref<1x64xf32, #tpu.memory_space<vmem>> -> memref<64xf32, #tpu.memory_space<vmem>>
      %dma_start3A_247 = arith.constant 0 : i32
      %dma_start3A_248 = tpu.memref_slice %arg2[%squeeze3A_239, %dma_start3A_247] : memref<100001x64xf32, #tpu.memory_space<hbm>> -> memref<1x64xf32, #tpu.memory_space<hbm>>
      %dma_start3A_249 = tpu.memref_squeeze %dma_start3A_248 : memref<1x64xf32, #tpu.memory_space<hbm>> -> memref<64xf32, #tpu.memory_space<hbm>>
      %dma_start3A_250 = arith.constant 0 : i32
      %dma_start3A_251 = tpu.memref_slice %arg9[%add3A_243, %dma_start3A_250] : memref<256x64xf32, #tpu.memory_space<vmem>> -> memref<1x64xf32, #tpu.memory_space<vmem>>
      %dma_start3A_252 = tpu.memref_squeeze %dma_start3A_251 : memref<1x64xf32, #tpu.memory_space<vmem>> -> memref<64xf32, #tpu.memory_space<vmem>>
      %dma_start3A_253 = arith.constant 0 : i32
      %dma_start3A_254 = tpu.memref_slice %arg2[%squeeze3A_239, %dma_start3A_253] : memref<100001x64xf32, #tpu.memory_space<hbm>> -> memref<1x64xf32, #tpu.memory_space<hbm>>
      %dma_start3A_255 = tpu.memref_squeeze %dma_start3A_254 : memref<1x64xf32, #tpu.memory_space<hbm>> -> memref<64xf32, #tpu.memory_space<hbm>>
      tpu.enqueue_dma source(%dma_start3A_255 : memref<64xf32, #tpu.memory_space<hbm>>) target(%dma_start3A_252 : memref<64xf32, #tpu.memory_space<vmem>>) target_semaphore(%arg11 : memref<!tpu.dma_semaphore, #tpu.memory_space<semaphore_mem>>)
      %slice3A_256 = vector.extract_strided_slice %get3A_78 {offsets = [10], sizes = [1], strides = [1]} : vector<16xi32> to vector<1xi32>
      %squeeze3A_257 = vector.extract %slice3A_256[0] : i32 from vector<1xi32>
      %mul3A_258 = arith.constant 16 : i32
      %mul3A_259 = arith.muli %scan3A_71, %mul3A_258 : i32
      %add3A_260 = arith.constant 10 : i32
      %add3A_261 = arith.addi %mul3A_259, %add3A_260 : i32
      %dma_start3A_262 = arith.constant 0 : i32
      %dma_start3A_263 = tpu.memref_slice %arg9[%add3A_261, %dma_start3A_262] : memref<256x64xf32, #tpu.memory_space<vmem>> -> memref<1x64xf32, #tpu.memory_space<vmem>>
      %dma_start3A_264 = tpu.memref_squeeze %dma_start3A_263 : memref<1x64xf32, #tpu.memory_space<vmem>> -> memref<64xf32, #tpu.memory_space<vmem>>
      %dma_start3A_265 = arith.constant 0 : i32
      %dma_start3A_266 = tpu.memref_slice %arg2[%squeeze3A_257, %dma_start3A_265] : memref<100001x64xf32, #tpu.memory_space<hbm>> -> memref<1x64xf32, #tpu.memory_space<hbm>>
      %dma_start3A_267 = tpu.memref_squeeze %dma_start3A_266 : memref<1x64xf32, #tpu.memory_space<hbm>> -> memref<64xf32, #tpu.memory_space<hbm>>
      %dma_start3A_268 = arith.constant 0 : i32
      %dma_start3A_269 = tpu.memref_slice %arg9[%add3A_261, %dma_start3A_268] : memref<256x64xf32, #tpu.memory_space<vmem>> -> memref<1x64xf32, #tpu.memory_space<vmem>>
      %dma_start3A_270 = tpu.memref_squeeze %dma_start3A_269 : memref<1x64xf32, #tpu.memory_space<vmem>> -> memref<64xf32, #tpu.memory_space<vmem>>
      %dma_start3A_271 = arith.constant 0 : i32
      %dma_start3A_272 = tpu.memref_slice %arg2[%squeeze3A_257, %dma_start3A_271] : memref<100001x64xf32, #tpu.memory_space<hbm>> -> memref<1x64xf32, #tpu.memory_space<hbm>>
      %dma_start3A_273 = tpu.memref_squeeze %dma_start3A_272 : memref<1x64xf32, #tpu.memory_space<hbm>> -> memref<64xf32, #tpu.memory_space<hbm>>
      tpu.enqueue_dma source(%dma_start3A_273 : memref<64xf32, #tpu.memory_space<hbm>>) target(%dma_start3A_270 : memref<64xf32, #tpu.memory_space<vmem>>) target_semaphore(%arg11 : memref<!tpu.dma_semaphore, #tpu.memory_space<semaphore_mem>>)
      %slice3A_274 = vector.extract_strided_slice %get3A_78 {offsets = [11], sizes = [1], strides = [1]} : vector<16xi32> to vector<1xi32>
      %squeeze3A_275 = vector.extract %slice3A_274[0] : i32 from vector<1xi32>
      %mul3A_276 = arith.constant 16 : i32
      %mul3A_277 = arith.muli %scan3A_71, %mul3A_276 : i32
      %add3A_278 = arith.constant 11 : i32
      %add3A_279 = arith.addi %mul3A_277, %add3A_278 : i32
      %dma_start3A_280 = arith.constant 0 : i32
      %dma_start3A_281 = tpu.memref_slice %arg9[%add3A_279, %dma_start3A_280] : memref<256x64xf32, #tpu.memory_space<vmem>> -> memref<1x64xf32, #tpu.memory_space<vmem>>
      %dma_start3A_282 = tpu.memref_squeeze %dma_start3A_281 : memref<1x64xf32, #tpu.memory_space<vmem>> -> memref<64xf32, #tpu.memory_space<vmem>>
      %dma_start3A_283 = arith.constant 0 : i32
      %dma_start3A_284 = tpu.memref_slice %arg2[%squeeze3A_275, %dma_start3A_283] : memref<100001x64xf32, #tpu.memory_space<hbm>> -> memref<1x64xf32, #tpu.memory_space<hbm>>
      %dma_start3A_285 = tpu.memref_squeeze %dma_start3A_284 : memref<1x64xf32, #tpu.memory_space<hbm>> -> memref<64xf32, #tpu.memory_space<hbm>>
      %dma_start3A_286 = arith.constant 0 : i32
      %dma_start3A_287 = tpu.memref_slice %arg9[%add3A_279, %dma_start3A_286] : memref<256x64xf32, #tpu.memory_space<vmem>> -> memref<1x64xf32, #tpu.memory_space<vmem>>
      %dma_start3A_288 = tpu.memref_squeeze %dma_start3A_287 : memref<1x64xf32, #tpu.memory_space<vmem>> -> memref<64xf32, #tpu.memory_space<vmem>>
      %dma_start3A_289 = arith.constant 0 : i32
      %dma_start3A_290 = tpu.memref_slice %arg2[%squeeze3A_275, %dma_start3A_289] : memref<100001x64xf32, #tpu.memory_space<hbm>> -> memref<1x64xf32, #tpu.memory_space<hbm>>
      %dma_start3A_291 = tpu.memref_squeeze %dma_start3A_290 : memref<1x64xf32, #tpu.memory_space<hbm>> -> memref<64xf32, #tpu.memory_space<hbm>>
      tpu.enqueue_dma source(%dma_start3A_291 : memref<64xf32, #tpu.memory_space<hbm>>) target(%dma_start3A_288 : memref<64xf32, #tpu.memory_space<vmem>>) target_semaphore(%arg11 : memref<!tpu.dma_semaphore, #tpu.memory_space<semaphore_mem>>)
      %slice3A_292 = vector.extract_strided_slice %get3A_78 {offsets = [12], sizes = [1], strides = [1]} : vector<16xi32> to vector<1xi32>
      %squeeze3A_293 = vector.extract %slice3A_292[0] : i32 from vector<1xi32>
      %mul3A_294 = arith.constant 16 : i32
      %mul3A_295 = arith.muli %scan3A_71, %mul3A_294 : i32
      %add3A_296 = arith.constant 12 : i32
      %add3A_297 = arith.addi %mul3A_295, %add3A_296 : i32
      %dma_start3A_298 = arith.constant 0 : i32
      %dma_start3A_299 = tpu.memref_slice %arg9[%add3A_297, %dma_start3A_298] : memref<256x64xf32, #tpu.memory_space<vmem>> -> memref<1x64xf32, #tpu.memory_space<vmem>>
      %dma_start3A_300 = tpu.memref_squeeze %dma_start3A_299 : memref<1x64xf32, #tpu.memory_space<vmem>> -> memref<64xf32, #tpu.memory_space<vmem>>
      %dma_start3A_301 = arith.constant 0 : i32
      %dma_start3A_302 = tpu.memref_slice %arg2[%squeeze3A_293, %dma_start3A_301] : memref<100001x64xf32, #tpu.memory_space<hbm>> -> memref<1x64xf32, #tpu.memory_space<hbm>>
      %dma_start3A_303 = tpu.memref_squeeze %dma_start3A_302 : memref<1x64xf32, #tpu.memory_space<hbm>> -> memref<64xf32, #tpu.memory_space<hbm>>
      %dma_start3A_304 = arith.constant 0 : i32
      %dma_start3A_305 = tpu.memref_slice %arg9[%add3A_297, %dma_start3A_304] : memref<256x64xf32, #tpu.memory_space<vmem>> -> memref<1x64xf32, #tpu.memory_space<vmem>>
      %dma_start3A_306 = tpu.memref_squeeze %dma_start3A_305 : memref<1x64xf32, #tpu.memory_space<vmem>> -> memref<64xf32, #tpu.memory_space<vmem>>
      %dma_start3A_307 = arith.constant 0 : i32
      %dma_start3A_308 = tpu.memref_slice %arg2[%squeeze3A_293, %dma_start3A_307] : memref<100001x64xf32, #tpu.memory_space<hbm>> -> memref<1x64xf32, #tpu.memory_space<hbm>>
      %dma_start3A_309 = tpu.memref_squeeze %dma_start3A_308 : memref<1x64xf32, #tpu.memory_space<hbm>> -> memref<64xf32, #tpu.memory_space<hbm>>
      tpu.enqueue_dma source(%dma_start3A_309 : memref<64xf32, #tpu.memory_space<hbm>>) target(%dma_start3A_306 : memref<64xf32, #tpu.memory_space<vmem>>) target_semaphore(%arg11 : memref<!tpu.dma_semaphore, #tpu.memory_space<semaphore_mem>>)
      %slice3A_310 = vector.extract_strided_slice %get3A_78 {offsets = [13], sizes = [1], strides = [1]} : vector<16xi32> to vector<1xi32>
      %squeeze3A_311 = vector.extract %slice3A_310[0] : i32 from vector<1xi32>
      %mul3A_312 = arith.constant 16 : i32
      %mul3A_313 = arith.muli %scan3A_71, %mul3A_312 : i32
      %add3A_314 = arith.constant 13 : i32
      %add3A_315 = arith.addi %mul3A_313, %add3A_314 : i32
      %dma_start3A_316 = arith.constant 0 : i32
      %dma_start3A_317 = tpu.memref_slice %arg9[%add3A_315, %dma_start3A_316] : memref<256x64xf32, #tpu.memory_space<vmem>> -> memref<1x64xf32, #tpu.memory_space<vmem>>
      %dma_start3A_318 = tpu.memref_squeeze %dma_start3A_317 : memref<1x64xf32, #tpu.memory_space<vmem>> -> memref<64xf32, #tpu.memory_space<vmem>>
      %dma_start3A_319 = arith.constant 0 : i32
      %dma_start3A_320 = tpu.memref_slice %arg2[%squeeze3A_311, %dma_start3A_319] : memref<100001x64xf32, #tpu.memory_space<hbm>> -> memref<1x64xf32, #tpu.memory_space<hbm>>
      %dma_start3A_321 = tpu.memref_squeeze %dma_start3A_320 : memref<1x64xf32, #tpu.memory_space<hbm>> -> memref<64xf32, #tpu.memory_space<hbm>>
      %dma_start3A_322 = arith.constant 0 : i32
      %dma_start3A_323 = tpu.memref_slice %arg9[%add3A_315, %dma_start3A_322] : memref<256x64xf32, #tpu.memory_space<vmem>> -> memref<1x64xf32, #tpu.memory_space<vmem>>
      %dma_start3A_324 = tpu.memref_squeeze %dma_start3A_323 : memref<1x64xf32, #tpu.memory_space<vmem>> -> memref<64xf32, #tpu.memory_space<vmem>>
      %dma_start3A_325 = arith.constant 0 : i32
      %dma_start3A_326 = tpu.memref_slice %arg2[%squeeze3A_311, %dma_start3A_325] : memref<100001x64xf32, #tpu.memory_space<hbm>> -> memref<1x64xf32, #tpu.memory_space<hbm>>
      %dma_start3A_327 = tpu.memref_squeeze %dma_start3A_326 : memref<1x64xf32, #tpu.memory_space<hbm>> -> memref<64xf32, #tpu.memory_space<hbm>>
      tpu.enqueue_dma source(%dma_start3A_327 : memref<64xf32, #tpu.memory_space<hbm>>) target(%dma_start3A_324 : memref<64xf32, #tpu.memory_space<vmem>>) target_semaphore(%arg11 : memref<!tpu.dma_semaphore, #tpu.memory_space<semaphore_mem>>)
      %slice3A_328 = vector.extract_strided_slice %get3A_78 {offsets = [14], sizes = [1], strides = [1]} : vector<16xi32> to vector<1xi32>
      %squeeze3A_329 = vector.extract %slice3A_328[0] : i32 from vector<1xi32>
      %mul3A_330 = arith.constant 16 : i32
      %mul3A_331 = arith.muli %scan3A_71, %mul3A_330 : i32
      %add3A_332 = arith.constant 14 : i32
      %add3A_333 = arith.addi %mul3A_331, %add3A_332 : i32
      %dma_start3A_334 = arith.constant 0 : i32
      %dma_start3A_335 = tpu.memref_slice %arg9[%add3A_333, %dma_start3A_334] : memref<256x64xf32, #tpu.memory_space<vmem>> -> memref<1x64xf32, #tpu.memory_space<vmem>>
      %dma_start3A_336 = tpu.memref_squeeze %dma_start3A_335 : memref<1x64xf32, #tpu.memory_space<vmem>> -> memref<64xf32, #tpu.memory_space<vmem>>
      %dma_start3A_337 = arith.constant 0 : i32
      %dma_start3A_338 = tpu.memref_slice %arg2[%squeeze3A_329, %dma_start3A_337] : memref<100001x64xf32, #tpu.memory_space<hbm>> -> memref<1x64xf32, #tpu.memory_space<hbm>>
      %dma_start3A_339 = tpu.memref_squeeze %dma_start3A_338 : memref<1x64xf32, #tpu.memory_space<hbm>> -> memref<64xf32, #tpu.memory_space<hbm>>
      %dma_start3A_340 = arith.constant 0 : i32
      %dma_start3A_341 = tpu.memref_slice %arg9[%add3A_333, %dma_start3A_340] : memref<256x64xf32, #tpu.memory_space<vmem>> -> memref<1x64xf32, #tpu.memory_space<vmem>>
      %dma_start3A_342 = tpu.memref_squeeze %dma_start3A_341 : memref<1x64xf32, #tpu.memory_space<vmem>> -> memref<64xf32, #tpu.memory_space<vmem>>
      %dma_start3A_343 = arith.constant 0 : i32
      %dma_start3A_344 = tpu.memref_slice %arg2[%squeeze3A_329, %dma_start3A_343] : memref<100001x64xf32, #tpu.memory_space<hbm>> -> memref<1x64xf32, #tpu.memory_space<hbm>>
      %dma_start3A_345 = tpu.memref_squeeze %dma_start3A_344 : memref<1x64xf32, #tpu.memory_space<hbm>> -> memref<64xf32, #tpu.memory_space<hbm>>
      tpu.enqueue_dma source(%dma_start3A_345 : memref<64xf32, #tpu.memory_space<hbm>>) target(%dma_start3A_342 : memref<64xf32, #tpu.memory_space<vmem>>) target_semaphore(%arg11 : memref<!tpu.dma_semaphore, #tpu.memory_space<semaphore_mem>>)
      %slice3A_346 = vector.extract_strided_slice %get3A_78 {offsets = [15], sizes = [1], strides = [1]} : vector<16xi32> to vector<1xi32>
      %squeeze3A_347 = vector.extract %slice3A_346[0] : i32 from vector<1xi32>
      %mul3A_348 = arith.constant 16 : i32
      %mul3A_349 = arith.muli %scan3A_71, %mul3A_348 : i32
      %add3A_350 = arith.constant 15 : i32
      %add3A_351 = arith.addi %mul3A_349, %add3A_350 : i32
      %dma_start3A_352 = arith.constant 0 : i32
      %dma_start3A_353 = tpu.memref_slice %arg9[%add3A_351, %dma_start3A_352] : memref<256x64xf32, #tpu.memory_space<vmem>> -> memref<1x64xf32, #tpu.memory_space<vmem>>
      %dma_start3A_354 = tpu.memref_squeeze %dma_start3A_353 : memref<1x64xf32, #tpu.memory_space<vmem>> -> memref<64xf32, #tpu.memory_space<vmem>>
      %dma_start3A_355 = arith.constant 0 : i32
      %dma_start3A_356 = tpu.memref_slice %arg2[%squeeze3A_347, %dma_start3A_355] : memref<100001x64xf32, #tpu.memory_space<hbm>> -> memref<1x64xf32, #tpu.memory_space<hbm>>
      %dma_start3A_357 = tpu.memref_squeeze %dma_start3A_356 : memref<1x64xf32, #tpu.memory_space<hbm>> -> memref<64xf32, #tpu.memory_space<hbm>>
      %dma_start3A_358 = arith.constant 0 : i32
      %dma_start3A_359 = tpu.memref_slice %arg9[%add3A_351, %dma_start3A_358] : memref<256x64xf32, #tpu.memory_space<vmem>> -> memref<1x64xf32, #tpu.memory_space<vmem>>
      %dma_start3A_360 = tpu.memref_squeeze %dma_start3A_359 : memref<1x64xf32, #tpu.memory_space<vmem>> -> memref<64xf32, #tpu.memory_space<vmem>>
      %dma_start3A_361 = arith.constant 0 : i32
      %dma_start3A_362 = tpu.memref_slice %arg2[%squeeze3A_347, %dma_start3A_361] : memref<100001x64xf32, #tpu.memory_space<hbm>> -> memref<1x64xf32, #tpu.memory_space<hbm>>
      %dma_start3A_363 = tpu.memref_squeeze %dma_start3A_362 : memref<1x64xf32, #tpu.memory_space<hbm>> -> memref<64xf32, #tpu.memory_space<hbm>>
      tpu.enqueue_dma source(%dma_start3A_363 : memref<64xf32, #tpu.memory_space<hbm>>) target(%dma_start3A_360 : memref<64xf32, #tpu.memory_space<vmem>>) target_semaphore(%arg11 : memref<!tpu.dma_semaphore, #tpu.memory_space<semaphore_mem>>)
      %scan3A_364 = arith.constant 0 : i32
      scf.yield %scan3A_364 : i32
    }
    %scan3A_42 = arith.constant 16 : i32
    %scan3A_43 = arith.constant 0 : i32
    %scan3A_44 = arith.constant 0 : i32
    %scan3A_45 = arith.constant 16 : i32
    %scan3A_46 = arith.addi %scan3A_44, %scan3A_45 : i32
    %scan3A_47 = arith.constant 1 : i32
    %scan3A_48 = scf.for %scan3A_71 = %scan3A_44 to %scan3A_46 step %scan3A_47 iter_args(%scan3A_72 = %scan3A_43) -> (i32)  : i32 {
      %mul3A_73 = arith.constant 16 : i32
      %mul3A_74 = arith.muli %scan3A_71, %mul3A_73 : i32
      %add3A_75 = arith.constant 256 : i32
      %add3A_76 = arith.addi %add3A_75, %mul3A_74 : i32
      %get3A = arith.index_cast %add3A_76 : i32 to index
      %get3A_77 = tpu.vector_load %arg8[%get3A] {strides = array<i32>} : memref<512xi32, #tpu.memory_space<vmem>>, vector<16xi32>,
      %get3A_78 = vector.shape_cast %get3A_77 : vector<16xi32> to vector<16xi32>
      %slice3A = vector.extract_strided_slice %get3A_78 {offsets = [0], sizes = [1], strides = [1]} : vector<16xi32> to vector<1xi32>
      %squeeze3A = vector.extract %slice3A[0] : i32 from vector<1xi32>
      %mul3A_79 = arith.constant 16 : i32
      %mul3A_80 = arith.muli %scan3A_71, %mul3A_79 : i32
      %add3A_81 = arith.constant 0 : i32
      %add3A_82 = arith.addi %mul3A_80, %add3A_81 : i32
      %dma_start3A = arith.constant 0 : i32
      %dma_start3A_83 = tpu.memref_slice %arg10[%add3A_82, %dma_start3A] : memref<256x64xf32, #tpu.memory_space<vmem>> -> memref<1x64xf32, #tpu.memory_space<vmem>>
      %dma_start3A_84 = tpu.memref_squeeze %dma_start3A_83 : memref<1x64xf32, #tpu.memory_space<vmem>> -> memref<64xf32, #tpu.memory_space<vmem>>
      %dma_start3A_85 = arith.constant 0 : i32
      %dma_start3A_86 = tpu.memref_slice %arg3[%squeeze3A, %dma_start3A_85] : memref<1001x64xf32, #tpu.memory_space<hbm>> -> memref<1x64xf32, #tpu.memory_space<hbm>>
      %dma_start3A_87 = tpu.memref_squeeze %dma_start3A_86 : memref<1x64xf32, #tpu.memory_space<hbm>> -> memref<64xf32, #tpu.memory_space<hbm>>
      %dma_start3A_88 = arith.constant 0 : i32
      %dma_start3A_89 = tpu.memref_slice %arg10[%add3A_82, %dma_start3A_88] : memref<256x64xf32, #tpu.memory_space<vmem>> -> memref<1x64xf32, #tpu.memory_space<vmem>>
      %dma_start3A_90 = tpu.memref_squeeze %dma_start3A_89 : memref<1x64xf32, #tpu.memory_space<vmem>> -> memref<64xf32, #tpu.memory_space<vmem>>
      %dma_start3A_91 = arith.constant 0 : i32
      %dma_start3A_92 = tpu.memref_slice %arg3[%squeeze3A, %dma_start3A_91] : memref<1001x64xf32, #tpu.memory_space<hbm>> -> memref<1x64xf32, #tpu.memory_space<hbm>>
      %dma_start3A_93 = tpu.memref_squeeze %dma_start3A_92 : memref<1x64xf32, #tpu.memory_space<hbm>> -> memref<64xf32, #tpu.memory_space<hbm>>
      tpu.enqueue_dma source(%dma_start3A_93 : memref<64xf32, #tpu.memory_space<hbm>>) target(%dma_start3A_90 : memref<64xf32, #tpu.memory_space<vmem>>) target_semaphore(%arg11 : memref<!tpu.dma_semaphore, #tpu.memory_space<semaphore_mem>>)
      %slice3A_94 = vector.extract_strided_slice %get3A_78 {offsets = [1], sizes = [1], strides = [1]} : vector<16xi32> to vector<1xi32>
      %squeeze3A_95 = vector.extract %slice3A_94[0] : i32 from vector<1xi32>
      %mul3A_96 = arith.constant 16 : i32
      %mul3A_97 = arith.muli %scan3A_71, %mul3A_96 : i32
      %add3A_98 = arith.constant 1 : i32
      %add3A_99 = arith.addi %mul3A_97, %add3A_98 : i32
      %dma_start3A_100 = arith.constant 0 : i32
      %dma_start3A_101 = tpu.memref_slice %arg10[%add3A_99, %dma_start3A_100] : memref<256x64xf32, #tpu.memory_space<vmem>> -> memref<1x64xf32, #tpu.memory_space<vmem>>
      %dma_start3A_102 = tpu.memref_squeeze %dma_start3A_101 : memref<1x64xf32, #tpu.memory_space<vmem>> -> memref<64xf32, #tpu.memory_space<vmem>>
      %dma_start3A_103 = arith.constant 0 : i32
      %dma_start3A_104 = tpu.memref_slice %arg3[%squeeze3A_95, %dma_start3A_103] : memref<1001x64xf32, #tpu.memory_space<hbm>> -> memref<1x64xf32, #tpu.memory_space<hbm>>
      %dma_start3A_105 = tpu.memref_squeeze %dma_start3A_104 : memref<1x64xf32, #tpu.memory_space<hbm>> -> memref<64xf32, #tpu.memory_space<hbm>>
      %dma_start3A_106 = arith.constant 0 : i32
      %dma_start3A_107 = tpu.memref_slice %arg10[%add3A_99, %dma_start3A_106] : memref<256x64xf32, #tpu.memory_space<vmem>> -> memref<1x64xf32, #tpu.memory_space<vmem>>
      %dma_start3A_108 = tpu.memref_squeeze %dma_start3A_107 : memref<1x64xf32, #tpu.memory_space<vmem>> -> memref<64xf32, #tpu.memory_space<vmem>>
      %dma_start3A_109 = arith.constant 0 : i32
      %dma_start3A_110 = tpu.memref_slice %arg3[%squeeze3A_95, %dma_start3A_109] : memref<1001x64xf32, #tpu.memory_space<hbm>> -> memref<1x64xf32, #tpu.memory_space<hbm>>
      %dma_start3A_111 = tpu.memref_squeeze %dma_start3A_110 : memref<1x64xf32, #tpu.memory_space<hbm>> -> memref<64xf32, #tpu.memory_space<hbm>>
      tpu.enqueue_dma source(%dma_start3A_111 : memref<64xf32, #tpu.memory_space<hbm>>) target(%dma_start3A_108 : memref<64xf32, #tpu.memory_space<vmem>>) target_semaphore(%arg11 : memref<!tpu.dma_semaphore, #tpu.memory_space<semaphore_mem>>)
      %slice3A_112 = vector.extract_strided_slice %get3A_78 {offsets = [2], sizes = [1], strides = [1]} : vector<16xi32> to vector<1xi32>
      %squeeze3A_113 = vector.extract %slice3A_112[0] : i32 from vector<1xi32>
      %mul3A_114 = arith.constant 16 : i32
      %mul3A_115 = arith.muli %scan3A_71, %mul3A_114 : i32
      %add3A_116 = arith.constant 2 : i32
      %add3A_117 = arith.addi %mul3A_115, %add3A_116 : i32
      %dma_start3A_118 = arith.constant 0 : i32
      %dma_start3A_119 = tpu.memref_slice %arg10[%add3A_117, %dma_start3A_118] : memref<256x64xf32, #tpu.memory_space<vmem>> -> memref<1x64xf32, #tpu.memory_space<vmem>>
      %dma_start3A_120 = tpu.memref_squeeze %dma_start3A_119 : memref<1x64xf32, #tpu.memory_space<vmem>> -> memref<64xf32, #tpu.memory_space<vmem>>
      %dma_start3A_121 = arith.constant 0 : i32
      %dma_start3A_122 = tpu.memref_slice %arg3[%squeeze3A_113, %dma_start3A_121] : memref<1001x64xf32, #tpu.memory_space<hbm>> -> memref<1x64xf32, #tpu.memory_space<hbm>>
      %dma_start3A_123 = tpu.memref_squeeze %dma_start3A_122 : memref<1x64xf32, #tpu.memory_space<hbm>> -> memref<64xf32, #tpu.memory_space<hbm>>
      %dma_start3A_124 = arith.constant 0 : i32
      %dma_start3A_125 = tpu.memref_slice %arg10[%add3A_117, %dma_start3A_124] : memref<256x64xf32, #tpu.memory_space<vmem>> -> memref<1x64xf32, #tpu.memory_space<vmem>>
      %dma_start3A_126 = tpu.memref_squeeze %dma_start3A_125 : memref<1x64xf32, #tpu.memory_space<vmem>> -> memref<64xf32, #tpu.memory_space<vmem>>
      %dma_start3A_127 = arith.constant 0 : i32
      %dma_start3A_128 = tpu.memref_slice %arg3[%squeeze3A_113, %dma_start3A_127] : memref<1001x64xf32, #tpu.memory_space<hbm>> -> memref<1x64xf32, #tpu.memory_space<hbm>>
      %dma_start3A_129 = tpu.memref_squeeze %dma_start3A_128 : memref<1x64xf32, #tpu.memory_space<hbm>> -> memref<64xf32, #tpu.memory_space<hbm>>
      tpu.enqueue_dma source(%dma_start3A_129 : memref<64xf32, #tpu.memory_space<hbm>>) target(%dma_start3A_126 : memref<64xf32, #tpu.memory_space<vmem>>) target_semaphore(%arg11 : memref<!tpu.dma_semaphore, #tpu.memory_space<semaphore_mem>>)
      %slice3A_130 = vector.extract_strided_slice %get3A_78 {offsets = [3], sizes = [1], strides = [1]} : vector<16xi32> to vector<1xi32>
      %squeeze3A_131 = vector.extract %slice3A_130[0] : i32 from vector<1xi32>
      %mul3A_132 = arith.constant 16 : i32
      %mul3A_133 = arith.muli %scan3A_71, %mul3A_132 : i32
      %add3A_134 = arith.constant 3 : i32
      %add3A_135 = arith.addi %mul3A_133, %add3A_134 : i32
      %dma_start3A_136 = arith.constant 0 : i32
      %dma_start3A_137 = tpu.memref_slice %arg10[%add3A_135, %dma_start3A_136] : memref<256x64xf32, #tpu.memory_space<vmem>> -> memref<1x64xf32, #tpu.memory_space<vmem>>
      %dma_start3A_138 = tpu.memref_squeeze %dma_start3A_137 : memref<1x64xf32, #tpu.memory_space<vmem>> -> memref<64xf32, #tpu.memory_space<vmem>>
      %dma_start3A_139 = arith.constant 0 : i32
      %dma_start3A_140 = tpu.memref_slice %arg3[%squeeze3A_131, %dma_start3A_139] : memref<1001x64xf32, #tpu.memory_space<hbm>> -> memref<1x64xf32, #tpu.memory_space<hbm>>
      %dma_start3A_141 = tpu.memref_squeeze %dma_start3A_140 : memref<1x64xf32, #tpu.memory_space<hbm>> -> memref<64xf32, #tpu.memory_space<hbm>>
      %dma_start3A_142 = arith.constant 0 : i32
      %dma_start3A_143 = tpu.memref_slice %arg10[%add3A_135, %dma_start3A_142] : memref<256x64xf32, #tpu.memory_space<vmem>> -> memref<1x64xf32, #tpu.memory_space<vmem>>
      %dma_start3A_144 = tpu.memref_squeeze %dma_start3A_143 : memref<1x64xf32, #tpu.memory_space<vmem>> -> memref<64xf32, #tpu.memory_space<vmem>>
      %dma_start3A_145 = arith.constant 0 : i32
      %dma_start3A_146 = tpu.memref_slice %arg3[%squeeze3A_131, %dma_start3A_145] : memref<1001x64xf32, #tpu.memory_space<hbm>> -> memref<1x64xf32, #tpu.memory_space<hbm>>
      %dma_start3A_147 = tpu.memref_squeeze %dma_start3A_146 : memref<1x64xf32, #tpu.memory_space<hbm>> -> memref<64xf32, #tpu.memory_space<hbm>>
      tpu.enqueue_dma source(%dma_start3A_147 : memref<64xf32, #tpu.memory_space<hbm>>) target(%dma_start3A_144 : memref<64xf32, #tpu.memory_space<vmem>>) target_semaphore(%arg11 : memref<!tpu.dma_semaphore, #tpu.memory_space<semaphore_mem>>)
      %slice3A_148 = vector.extract_strided_slice %get3A_78 {offsets = [4], sizes = [1], strides = [1]} : vector<16xi32> to vector<1xi32>
      %squeeze3A_149 = vector.extract %slice3A_148[0] : i32 from vector<1xi32>
      %mul3A_150 = arith.constant 16 : i32
      %mul3A_151 = arith.muli %scan3A_71, %mul3A_150 : i32
      %add3A_152 = arith.constant 4 : i32
      %add3A_153 = arith.addi %mul3A_151, %add3A_152 : i32
      %dma_start3A_154 = arith.constant 0 : i32
      %dma_start3A_155 = tpu.memref_slice %arg10[%add3A_153, %dma_start3A_154] : memref<256x64xf32, #tpu.memory_space<vmem>> -> memref<1x64xf32, #tpu.memory_space<vmem>>
      %dma_start3A_156 = tpu.memref_squeeze %dma_start3A_155 : memref<1x64xf32, #tpu.memory_space<vmem>> -> memref<64xf32, #tpu.memory_space<vmem>>
      %dma_start3A_157 = arith.constant 0 : i32
      %dma_start3A_158 = tpu.memref_slice %arg3[%squeeze3A_149, %dma_start3A_157] : memref<1001x64xf32, #tpu.memory_space<hbm>> -> memref<1x64xf32, #tpu.memory_space<hbm>>
      %dma_start3A_159 = tpu.memref_squeeze %dma_start3A_158 : memref<1x64xf32, #tpu.memory_space<hbm>> -> memref<64xf32, #tpu.memory_space<hbm>>
      %dma_start3A_160 = arith.constant 0 : i32
      %dma_start3A_161 = tpu.memref_slice %arg10[%add3A_153, %dma_start3A_160] : memref<256x64xf32, #tpu.memory_space<vmem>> -> memref<1x64xf32, #tpu.memory_space<vmem>>
      %dma_start3A_162 = tpu.memref_squeeze %dma_start3A_161 : memref<1x64xf32, #tpu.memory_space<vmem>> -> memref<64xf32, #tpu.memory_space<vmem>>
      %dma_start3A_163 = arith.constant 0 : i32
      %dma_start3A_164 = tpu.memref_slice %arg3[%squeeze3A_149, %dma_start3A_163] : memref<1001x64xf32, #tpu.memory_space<hbm>> -> memref<1x64xf32, #tpu.memory_space<hbm>>
      %dma_start3A_165 = tpu.memref_squeeze %dma_start3A_164 : memref<1x64xf32, #tpu.memory_space<hbm>> -> memref<64xf32, #tpu.memory_space<hbm>>
      tpu.enqueue_dma source(%dma_start3A_165 : memref<64xf32, #tpu.memory_space<hbm>>) target(%dma_start3A_162 : memref<64xf32, #tpu.memory_space<vmem>>) target_semaphore(%arg11 : memref<!tpu.dma_semaphore, #tpu.memory_space<semaphore_mem>>)
      %slice3A_166 = vector.extract_strided_slice %get3A_78 {offsets = [5], sizes = [1], strides = [1]} : vector<16xi32> to vector<1xi32>
      %squeeze3A_167 = vector.extract %slice3A_166[0] : i32 from vector<1xi32>
      %mul3A_168 = arith.constant 16 : i32
      %mul3A_169 = arith.muli %scan3A_71, %mul3A_168 : i32
      %add3A_170 = arith.constant 5 : i32
      %add3A_171 = arith.addi %mul3A_169, %add3A_170 : i32
      %dma_start3A_172 = arith.constant 0 : i32
      %dma_start3A_173 = tpu.memref_slice %arg10[%add3A_171, %dma_start3A_172] : memref<256x64xf32, #tpu.memory_space<vmem>> -> memref<1x64xf32, #tpu.memory_space<vmem>>
      %dma_start3A_174 = tpu.memref_squeeze %dma_start3A_173 : memref<1x64xf32, #tpu.memory_space<vmem>> -> memref<64xf32, #tpu.memory_space<vmem>>
      %dma_start3A_175 = arith.constant 0 : i32
      %dma_start3A_176 = tpu.memref_slice %arg3[%squeeze3A_167, %dma_start3A_175] : memref<1001x64xf32, #tpu.memory_space<hbm>> -> memref<1x64xf32, #tpu.memory_space<hbm>>
      %dma_start3A_177 = tpu.memref_squeeze %dma_start3A_176 : memref<1x64xf32, #tpu.memory_space<hbm>> -> memref<64xf32, #tpu.memory_space<hbm>>
      %dma_start3A_178 = arith.constant 0 : i32
      %dma_start3A_179 = tpu.memref_slice %arg10[%add3A_171, %dma_start3A_178] : memref<256x64xf32, #tpu.memory_space<vmem>> -> memref<1x64xf32, #tpu.memory_space<vmem>>
      %dma_start3A_180 = tpu.memref_squeeze %dma_start3A_179 : memref<1x64xf32, #tpu.memory_space<vmem>> -> memref<64xf32, #tpu.memory_space<vmem>>
      %dma_start3A_181 = arith.constant 0 : i32
      %dma_start3A_182 = tpu.memref_slice %arg3[%squeeze3A_167, %dma_start3A_181] : memref<1001x64xf32, #tpu.memory_space<hbm>> -> memref<1x64xf32, #tpu.memory_space<hbm>>
      %dma_start3A_183 = tpu.memref_squeeze %dma_start3A_182 : memref<1x64xf32, #tpu.memory_space<hbm>> -> memref<64xf32, #tpu.memory_space<hbm>>
      tpu.enqueue_dma source(%dma_start3A_183 : memref<64xf32, #tpu.memory_space<hbm>>) target(%dma_start3A_180 : memref<64xf32, #tpu.memory_space<vmem>>) target_semaphore(%arg11 : memref<!tpu.dma_semaphore, #tpu.memory_space<semaphore_mem>>)
      %slice3A_184 = vector.extract_strided_slice %get3A_78 {offsets = [6], sizes = [1], strides = [1]} : vector<16xi32> to vector<1xi32>
      %squeeze3A_185 = vector.extract %slice3A_184[0] : i32 from vector<1xi32>
      %mul3A_186 = arith.constant 16 : i32
      %mul3A_187 = arith.muli %scan3A_71, %mul3A_186 : i32
      %add3A_188 = arith.constant 6 : i32
      %add3A_189 = arith.addi %mul3A_187, %add3A_188 : i32
      %dma_start3A_190 = arith.constant 0 : i32
      %dma_start3A_191 = tpu.memref_slice %arg10[%add3A_189, %dma_start3A_190] : memref<256x64xf32, #tpu.memory_space<vmem>> -> memref<1x64xf32, #tpu.memory_space<vmem>>
      %dma_start3A_192 = tpu.memref_squeeze %dma_start3A_191 : memref<1x64xf32, #tpu.memory_space<vmem>> -> memref<64xf32, #tpu.memory_space<vmem>>
      %dma_start3A_193 = arith.constant 0 : i32
      %dma_start3A_194 = tpu.memref_slice %arg3[%squeeze3A_185, %dma_start3A_193] : memref<1001x64xf32, #tpu.memory_space<hbm>> -> memref<1x64xf32, #tpu.memory_space<hbm>>
      %dma_start3A_195 = tpu.memref_squeeze %dma_start3A_194 : memref<1x64xf32, #tpu.memory_space<hbm>> -> memref<64xf32, #tpu.memory_space<hbm>>
      %dma_start3A_196 = arith.constant 0 : i32
      %dma_start3A_197 = tpu.memref_slice %arg10[%add3A_189, %dma_start3A_196] : memref<256x64xf32, #tpu.memory_space<vmem>> -> memref<1x64xf32, #tpu.memory_space<vmem>>
      %dma_start3A_198 = tpu.memref_squeeze %dma_start3A_197 : memref<1x64xf32, #tpu.memory_space<vmem>> -> memref<64xf32, #tpu.memory_space<vmem>>
      %dma_start3A_199 = arith.constant 0 : i32
      %dma_start3A_200 = tpu.memref_slice %arg3[%squeeze3A_185, %dma_start3A_199] : memref<1001x64xf32, #tpu.memory_space<hbm>> -> memref<1x64xf32, #tpu.memory_space<hbm>>
      %dma_start3A_201 = tpu.memref_squeeze %dma_start3A_200 : memref<1x64xf32, #tpu.memory_space<hbm>> -> memref<64xf32, #tpu.memory_space<hbm>>
      tpu.enqueue_dma source(%dma_start3A_201 : memref<64xf32, #tpu.memory_space<hbm>>) target(%dma_start3A_198 : memref<64xf32, #tpu.memory_space<vmem>>) target_semaphore(%arg11 : memref<!tpu.dma_semaphore, #tpu.memory_space<semaphore_mem>>)
      %slice3A_202 = vector.extract_strided_slice %get3A_78 {offsets = [7], sizes = [1], strides = [1]} : vector<16xi32> to vector<1xi32>
      %squeeze3A_203 = vector.extract %slice3A_202[0] : i32 from vector<1xi32>
      %mul3A_204 = arith.constant 16 : i32
      %mul3A_205 = arith.muli %scan3A_71, %mul3A_204 : i32
      %add3A_206 = arith.constant 7 : i32
      %add3A_207 = arith.addi %mul3A_205, %add3A_206 : i32
      %dma_start3A_208 = arith.constant 0 : i32
      %dma_start3A_209 = tpu.memref_slice %arg10[%add3A_207, %dma_start3A_208] : memref<256x64xf32, #tpu.memory_space<vmem>> -> memref<1x64xf32, #tpu.memory_space<vmem>>
      %dma_start3A_210 = tpu.memref_squeeze %dma_start3A_209 : memref<1x64xf32, #tpu.memory_space<vmem>> -> memref<64xf32, #tpu.memory_space<vmem>>
      %dma_start3A_211 = arith.constant 0 : i32
      %dma_start3A_212 = tpu.memref_slice %arg3[%squeeze3A_203, %dma_start3A_211] : memref<1001x64xf32, #tpu.memory_space<hbm>> -> memref<1x64xf32, #tpu.memory_space<hbm>>
      %dma_start3A_213 = tpu.memref_squeeze %dma_start3A_212 : memref<1x64xf32, #tpu.memory_space<hbm>> -> memref<64xf32, #tpu.memory_space<hbm>>
      %dma_start3A_214 = arith.constant 0 : i32
      %dma_start3A_215 = tpu.memref_slice %arg10[%add3A_207, %dma_start3A_214] : memref<256x64xf32, #tpu.memory_space<vmem>> -> memref<1x64xf32, #tpu.memory_space<vmem>>
      %dma_start3A_216 = tpu.memref_squeeze %dma_start3A_215 : memref<1x64xf32, #tpu.memory_space<vmem>> -> memref<64xf32, #tpu.memory_space<vmem>>
      %dma_start3A_217 = arith.constant 0 : i32
      %dma_start3A_218 = tpu.memref_slice %arg3[%squeeze3A_203, %dma_start3A_217] : memref<1001x64xf32, #tpu.memory_space<hbm>> -> memref<1x64xf32, #tpu.memory_space<hbm>>
      %dma_start3A_219 = tpu.memref_squeeze %dma_start3A_218 : memref<1x64xf32, #tpu.memory_space<hbm>> -> memref<64xf32, #tpu.memory_space<hbm>>
      tpu.enqueue_dma source(%dma_start3A_219 : memref<64xf32, #tpu.memory_space<hbm>>) target(%dma_start3A_216 : memref<64xf32, #tpu.memory_space<vmem>>) target_semaphore(%arg11 : memref<!tpu.dma_semaphore, #tpu.memory_space<semaphore_mem>>)
      %slice3A_220 = vector.extract_strided_slice %get3A_78 {offsets = [8], sizes = [1], strides = [1]} : vector<16xi32> to vector<1xi32>
      %squeeze3A_221 = vector.extract %slice3A_220[0] : i32 from vector<1xi32>
      %mul3A_222 = arith.constant 16 : i32
      %mul3A_223 = arith.muli %scan3A_71, %mul3A_222 : i32
      %add3A_224 = arith.constant 8 : i32
      %add3A_225 = arith.addi %mul3A_223, %add3A_224 : i32
      %dma_start3A_226 = arith.constant 0 : i32
      %dma_start3A_227 = tpu.memref_slice %arg10[%add3A_225, %dma_start3A_226] : memref<256x64xf32, #tpu.memory_space<vmem>> -> memref<1x64xf32, #tpu.memory_space<vmem>>
      %dma_start3A_228 = tpu.memref_squeeze %dma_start3A_227 : memref<1x64xf32, #tpu.memory_space<vmem>> -> memref<64xf32, #tpu.memory_space<vmem>>
      %dma_start3A_229 = arith.constant 0 : i32
      %dma_start3A_230 = tpu.memref_slice %arg3[%squeeze3A_221, %dma_start3A_229] : memref<1001x64xf32, #tpu.memory_space<hbm>> -> memref<1x64xf32, #tpu.memory_space<hbm>>
      %dma_start3A_231 = tpu.memref_squeeze %dma_start3A_230 : memref<1x64xf32, #tpu.memory_space<hbm>> -> memref<64xf32, #tpu.memory_space<hbm>>
      %dma_start3A_232 = arith.constant 0 : i32
      %dma_start3A_233 = tpu.memref_slice %arg10[%add3A_225, %dma_start3A_232] : memref<256x64xf32, #tpu.memory_space<vmem>> -> memref<1x64xf32, #tpu.memory_space<vmem>>
      %dma_start3A_234 = tpu.memref_squeeze %dma_start3A_233 : memref<1x64xf32, #tpu.memory_space<vmem>> -> memref<64xf32, #tpu.memory_space<vmem>>
      %dma_start3A_235 = arith.constant 0 : i32
      %dma_start3A_236 = tpu.memref_slice %arg3[%squeeze3A_221, %dma_start3A_235] : memref<1001x64xf32, #tpu.memory_space<hbm>> -> memref<1x64xf32, #tpu.memory_space<hbm>>
      %dma_start3A_237 = tpu.memref_squeeze %dma_start3A_236 : memref<1x64xf32, #tpu.memory_space<hbm>> -> memref<64xf32, #tpu.memory_space<hbm>>
      tpu.enqueue_dma source(%dma_start3A_237 : memref<64xf32, #tpu.memory_space<hbm>>) target(%dma_start3A_234 : memref<64xf32, #tpu.memory_space<vmem>>) target_semaphore(%arg11 : memref<!tpu.dma_semaphore, #tpu.memory_space<semaphore_mem>>)
      %slice3A_238 = vector.extract_strided_slice %get3A_78 {offsets = [9], sizes = [1], strides = [1]} : vector<16xi32> to vector<1xi32>
      %squeeze3A_239 = vector.extract %slice3A_238[0] : i32 from vector<1xi32>
      %mul3A_240 = arith.constant 16 : i32
      %mul3A_241 = arith.muli %scan3A_71, %mul3A_240 : i32
      %add3A_242 = arith.constant 9 : i32
      %add3A_243 = arith.addi %mul3A_241, %add3A_242 : i32
      %dma_start3A_244 = arith.constant 0 : i32
      %dma_start3A_245 = tpu.memref_slice %arg10[%add3A_243, %dma_start3A_244] : memref<256x64xf32, #tpu.memory_space<vmem>> -> memref<1x64xf32, #tpu.memory_space<vmem>>
      %dma_start3A_246 = tpu.memref_squeeze %dma_start3A_245 : memref<1x64xf32, #tpu.memory_space<vmem>> -> memref<64xf32, #tpu.memory_space<vmem>>
      %dma_start3A_247 = arith.constant 0 : i32
      %dma_start3A_248 = tpu.memref_slice %arg3[%squeeze3A_239, %dma_start3A_247] : memref<1001x64xf32, #tpu.memory_space<hbm>> -> memref<1x64xf32, #tpu.memory_space<hbm>>
      %dma_start3A_249 = tpu.memref_squeeze %dma_start3A_248 : memref<1x64xf32, #tpu.memory_space<hbm>> -> memref<64xf32, #tpu.memory_space<hbm>>
      %dma_start3A_250 = arith.constant 0 : i32
      %dma_start3A_251 = tpu.memref_slice %arg10[%add3A_243, %dma_start3A_250] : memref<256x64xf32, #tpu.memory_space<vmem>> -> memref<1x64xf32, #tpu.memory_space<vmem>>
      %dma_start3A_252 = tpu.memref_squeeze %dma_start3A_251 : memref<1x64xf32, #tpu.memory_space<vmem>> -> memref<64xf32, #tpu.memory_space<vmem>>
      %dma_start3A_253 = arith.constant 0 : i32
      %dma_start3A_254 = tpu.memref_slice %arg3[%squeeze3A_239, %dma_start3A_253] : memref<1001x64xf32, #tpu.memory_space<hbm>> -> memref<1x64xf32, #tpu.memory_space<hbm>>
      %dma_start3A_255 = tpu.memref_squeeze %dma_start3A_254 : memref<1x64xf32, #tpu.memory_space<hbm>> -> memref<64xf32, #tpu.memory_space<hbm>>
      tpu.enqueue_dma source(%dma_start3A_255 : memref<64xf32, #tpu.memory_space<hbm>>) target(%dma_start3A_252 : memref<64xf32, #tpu.memory_space<vmem>>) target_semaphore(%arg11 : memref<!tpu.dma_semaphore, #tpu.memory_space<semaphore_mem>>)
      %slice3A_256 = vector.extract_strided_slice %get3A_78 {offsets = [10], sizes = [1], strides = [1]} : vector<16xi32> to vector<1xi32>
      %squeeze3A_257 = vector.extract %slice3A_256[0] : i32 from vector<1xi32>
      %mul3A_258 = arith.constant 16 : i32
      %mul3A_259 = arith.muli %scan3A_71, %mul3A_258 : i32
      %add3A_260 = arith.constant 10 : i32
      %add3A_261 = arith.addi %mul3A_259, %add3A_260 : i32
      %dma_start3A_262 = arith.constant 0 : i32
      %dma_start3A_263 = tpu.memref_slice %arg10[%add3A_261, %dma_start3A_262] : memref<256x64xf32, #tpu.memory_space<vmem>> -> memref<1x64xf32, #tpu.memory_space<vmem>>
      %dma_start3A_264 = tpu.memref_squeeze %dma_start3A_263 : memref<1x64xf32, #tpu.memory_space<vmem>> -> memref<64xf32, #tpu.memory_space<vmem>>
      %dma_start3A_265 = arith.constant 0 : i32
      %dma_start3A_266 = tpu.memref_slice %arg3[%squeeze3A_257, %dma_start3A_265] : memref<1001x64xf32, #tpu.memory_space<hbm>> -> memref<1x64xf32, #tpu.memory_space<hbm>>
      %dma_start3A_267 = tpu.memref_squeeze %dma_start3A_266 : memref<1x64xf32, #tpu.memory_space<hbm>> -> memref<64xf32, #tpu.memory_space<hbm>>
      %dma_start3A_268 = arith.constant 0 : i32
      %dma_start3A_269 = tpu.memref_slice %arg10[%add3A_261, %dma_start3A_268] : memref<256x64xf32, #tpu.memory_space<vmem>> -> memref<1x64xf32, #tpu.memory_space<vmem>>
      %dma_start3A_270 = tpu.memref_squeeze %dma_start3A_269 : memref<1x64xf32, #tpu.memory_space<vmem>> -> memref<64xf32, #tpu.memory_space<vmem>>
      %dma_start3A_271 = arith.constant 0 : i32
      %dma_start3A_272 = tpu.memref_slice %arg3[%squeeze3A_257, %dma_start3A_271] : memref<1001x64xf32, #tpu.memory_space<hbm>> -> memref<1x64xf32, #tpu.memory_space<hbm>>
      %dma_start3A_273 = tpu.memref_squeeze %dma_start3A_272 : memref<1x64xf32, #tpu.memory_space<hbm>> -> memref<64xf32, #tpu.memory_space<hbm>>
      tpu.enqueue_dma source(%dma_start3A_273 : memref<64xf32, #tpu.memory_space<hbm>>) target(%dma_start3A_270 : memref<64xf32, #tpu.memory_space<vmem>>) target_semaphore(%arg11 : memref<!tpu.dma_semaphore, #tpu.memory_space<semaphore_mem>>)
      %slice3A_274 = vector.extract_strided_slice %get3A_78 {offsets = [11], sizes = [1], strides = [1]} : vector<16xi32> to vector<1xi32>
      %squeeze3A_275 = vector.extract %slice3A_274[0] : i32 from vector<1xi32>
      %mul3A_276 = arith.constant 16 : i32
      %mul3A_277 = arith.muli %scan3A_71, %mul3A_276 : i32
      %add3A_278 = arith.constant 11 : i32
      %add3A_279 = arith.addi %mul3A_277, %add3A_278 : i32
      %dma_start3A_280 = arith.constant 0 : i32
      %dma_start3A_281 = tpu.memref_slice %arg10[%add3A_279, %dma_start3A_280] : memref<256x64xf32, #tpu.memory_space<vmem>> -> memref<1x64xf32, #tpu.memory_space<vmem>>
      %dma_start3A_282 = tpu.memref_squeeze %dma_start3A_281 : memref<1x64xf32, #tpu.memory_space<vmem>> -> memref<64xf32, #tpu.memory_space<vmem>>
      %dma_start3A_283 = arith.constant 0 : i32
      %dma_start3A_284 = tpu.memref_slice %arg3[%squeeze3A_275, %dma_start3A_283] : memref<1001x64xf32, #tpu.memory_space<hbm>> -> memref<1x64xf32, #tpu.memory_space<hbm>>
      %dma_start3A_285 = tpu.memref_squeeze %dma_start3A_284 : memref<1x64xf32, #tpu.memory_space<hbm>> -> memref<64xf32, #tpu.memory_space<hbm>>
      %dma_start3A_286 = arith.constant 0 : i32
      %dma_start3A_287 = tpu.memref_slice %arg10[%add3A_279, %dma_start3A_286] : memref<256x64xf32, #tpu.memory_space<vmem>> -> memref<1x64xf32, #tpu.memory_space<vmem>>
      %dma_start3A_288 = tpu.memref_squeeze %dma_start3A_287 : memref<1x64xf32, #tpu.memory_space<vmem>> -> memref<64xf32, #tpu.memory_space<vmem>>
      %dma_start3A_289 = arith.constant 0 : i32
      %dma_start3A_290 = tpu.memref_slice %arg3[%squeeze3A_275, %dma_start3A_289] : memref<1001x64xf32, #tpu.memory_space<hbm>> -> memref<1x64xf32, #tpu.memory_space<hbm>>
      %dma_start3A_291 = tpu.memref_squeeze %dma_start3A_290 : memref<1x64xf32, #tpu.memory_space<hbm>> -> memref<64xf32, #tpu.memory_space<hbm>>
      tpu.enqueue_dma source(%dma_start3A_291 : memref<64xf32, #tpu.memory_space<hbm>>) target(%dma_start3A_288 : memref<64xf32, #tpu.memory_space<vmem>>) target_semaphore(%arg11 : memref<!tpu.dma_semaphore, #tpu.memory_space<semaphore_mem>>)
      %slice3A_292 = vector.extract_strided_slice %get3A_78 {offsets = [12], sizes = [1], strides = [1]} : vector<16xi32> to vector<1xi32>
      %squeeze3A_293 = vector.extract %slice3A_292[0] : i32 from vector<1xi32>
      %mul3A_294 = arith.constant 16 : i32
      %mul3A_295 = arith.muli %scan3A_71, %mul3A_294 : i32
      %add3A_296 = arith.constant 12 : i32
      %add3A_297 = arith.addi %mul3A_295, %add3A_296 : i32
      %dma_start3A_298 = arith.constant 0 : i32
      %dma_start3A_299 = tpu.memref_slice %arg10[%add3A_297, %dma_start3A_298] : memref<256x64xf32, #tpu.memory_space<vmem>> -> memref<1x64xf32, #tpu.memory_space<vmem>>
      %dma_start3A_300 = tpu.memref_squeeze %dma_start3A_299 : memref<1x64xf32, #tpu.memory_space<vmem>> -> memref<64xf32, #tpu.memory_space<vmem>>
      %dma_start3A_301 = arith.constant 0 : i32
      %dma_start3A_302 = tpu.memref_slice %arg3[%squeeze3A_293, %dma_start3A_301] : memref<1001x64xf32, #tpu.memory_space<hbm>> -> memref<1x64xf32, #tpu.memory_space<hbm>>
      %dma_start3A_303 = tpu.memref_squeeze %dma_start3A_302 : memref<1x64xf32, #tpu.memory_space<hbm>> -> memref<64xf32, #tpu.memory_space<hbm>>
      %dma_start3A_304 = arith.constant 0 : i32
      %dma_start3A_305 = tpu.memref_slice %arg10[%add3A_297, %dma_start3A_304] : memref<256x64xf32, #tpu.memory_space<vmem>> -> memref<1x64xf32, #tpu.memory_space<vmem>>
      %dma_start3A_306 = tpu.memref_squeeze %dma_start3A_305 : memref<1x64xf32, #tpu.memory_space<vmem>> -> memref<64xf32, #tpu.memory_space<vmem>>
      %dma_start3A_307 = arith.constant 0 : i32
      %dma_start3A_308 = tpu.memref_slice %arg3[%squeeze3A_293, %dma_start3A_307] : memref<1001x64xf32, #tpu.memory_space<hbm>> -> memref<1x64xf32, #tpu.memory_space<hbm>>
      %dma_start3A_309 = tpu.memref_squeeze %dma_start3A_308 : memref<1x64xf32, #tpu.memory_space<hbm>> -> memref<64xf32, #tpu.memory_space<hbm>>
      tpu.enqueue_dma source(%dma_start3A_309 : memref<64xf32, #tpu.memory_space<hbm>>) target(%dma_start3A_306 : memref<64xf32, #tpu.memory_space<vmem>>) target_semaphore(%arg11 : memref<!tpu.dma_semaphore, #tpu.memory_space<semaphore_mem>>)
      %slice3A_310 = vector.extract_strided_slice %get3A_78 {offsets = [13], sizes = [1], strides = [1]} : vector<16xi32> to vector<1xi32>
      %squeeze3A_311 = vector.extract %slice3A_310[0] : i32 from vector<1xi32>
      %mul3A_312 = arith.constant 16 : i32
      %mul3A_313 = arith.muli %scan3A_71, %mul3A_312 : i32
      %add3A_314 = arith.constant 13 : i32
      %add3A_315 = arith.addi %mul3A_313, %add3A_314 : i32
      %dma_start3A_316 = arith.constant 0 : i32
      %dma_start3A_317 = tpu.memref_slice %arg10[%add3A_315, %dma_start3A_316] : memref<256x64xf32, #tpu.memory_space<vmem>> -> memref<1x64xf32, #tpu.memory_space<vmem>>
      %dma_start3A_318 = tpu.memref_squeeze %dma_start3A_317 : memref<1x64xf32, #tpu.memory_space<vmem>> -> memref<64xf32, #tpu.memory_space<vmem>>
      %dma_start3A_319 = arith.constant 0 : i32
      %dma_start3A_320 = tpu.memref_slice %arg3[%squeeze3A_311, %dma_start3A_319] : memref<1001x64xf32, #tpu.memory_space<hbm>> -> memref<1x64xf32, #tpu.memory_space<hbm>>
      %dma_start3A_321 = tpu.memref_squeeze %dma_start3A_320 : memref<1x64xf32, #tpu.memory_space<hbm>> -> memref<64xf32, #tpu.memory_space<hbm>>
      %dma_start3A_322 = arith.constant 0 : i32
      %dma_start3A_323 = tpu.memref_slice %arg10[%add3A_315, %dma_start3A_322] : memref<256x64xf32, #tpu.memory_space<vmem>> -> memref<1x64xf32, #tpu.memory_space<vmem>>
      %dma_start3A_324 = tpu.memref_squeeze %dma_start3A_323 : memref<1x64xf32, #tpu.memory_space<vmem>> -> memref<64xf32, #tpu.memory_space<vmem>>
      %dma_start3A_325 = arith.constant 0 : i32
      %dma_start3A_326 = tpu.memref_slice %arg3[%squeeze3A_311, %dma_start3A_325] : memref<1001x64xf32, #tpu.memory_space<hbm>> -> memref<1x64xf32, #tpu.memory_space<hbm>>
      %dma_start3A_327 = tpu.memref_squeeze %dma_start3A_326 : memref<1x64xf32, #tpu.memory_space<hbm>> -> memref<64xf32, #tpu.memory_space<hbm>>
      tpu.enqueue_dma source(%dma_start3A_327 : memref<64xf32, #tpu.memory_space<hbm>>) target(%dma_start3A_324 : memref<64xf32, #tpu.memory_space<vmem>>) target_semaphore(%arg11 : memref<!tpu.dma_semaphore, #tpu.memory_space<semaphore_mem>>)
      %slice3A_328 = vector.extract_strided_slice %get3A_78 {offsets = [14], sizes = [1], strides = [1]} : vector<16xi32> to vector<1xi32>
      %squeeze3A_329 = vector.extract %slice3A_328[0] : i32 from vector<1xi32>
      %mul3A_330 = arith.constant 16 : i32
      %mul3A_331 = arith.muli %scan3A_71, %mul3A_330 : i32
      %add3A_332 = arith.constant 14 : i32
      %add3A_333 = arith.addi %mul3A_331, %add3A_332 : i32
      %dma_start3A_334 = arith.constant 0 : i32
      %dma_start3A_335 = tpu.memref_slice %arg10[%add3A_333, %dma_start3A_334] : memref<256x64xf32, #tpu.memory_space<vmem>> -> memref<1x64xf32, #tpu.memory_space<vmem>>
      %dma_start3A_336 = tpu.memref_squeeze %dma_start3A_335 : memref<1x64xf32, #tpu.memory_space<vmem>> -> memref<64xf32, #tpu.memory_space<vmem>>
      %dma_start3A_337 = arith.constant 0 : i32
      %dma_start3A_338 = tpu.memref_slice %arg3[%squeeze3A_329, %dma_start3A_337] : memref<1001x64xf32, #tpu.memory_space<hbm>> -> memref<1x64xf32, #tpu.memory_space<hbm>>
      %dma_start3A_339 = tpu.memref_squeeze %dma_start3A_338 : memref<1x64xf32, #tpu.memory_space<hbm>> -> memref<64xf32, #tpu.memory_space<hbm>>
      %dma_start3A_340 = arith.constant 0 : i32
      %dma_start3A_341 = tpu.memref_slice %arg10[%add3A_333, %dma_start3A_340] : memref<256x64xf32, #tpu.memory_space<vmem>> -> memref<1x64xf32, #tpu.memory_space<vmem>>
      %dma_start3A_342 = tpu.memref_squeeze %dma_start3A_341 : memref<1x64xf32, #tpu.memory_space<vmem>> -> memref<64xf32, #tpu.memory_space<vmem>>
      %dma_start3A_343 = arith.constant 0 : i32
      %dma_start3A_344 = tpu.memref_slice %arg3[%squeeze3A_329, %dma_start3A_343] : memref<1001x64xf32, #tpu.memory_space<hbm>> -> memref<1x64xf32, #tpu.memory_space<hbm>>
      %dma_start3A_345 = tpu.memref_squeeze %dma_start3A_344 : memref<1x64xf32, #tpu.memory_space<hbm>> -> memref<64xf32, #tpu.memory_space<hbm>>
      tpu.enqueue_dma source(%dma_start3A_345 : memref<64xf32, #tpu.memory_space<hbm>>) target(%dma_start3A_342 : memref<64xf32, #tpu.memory_space<vmem>>) target_semaphore(%arg11 : memref<!tpu.dma_semaphore, #tpu.memory_space<semaphore_mem>>)
      %slice3A_346 = vector.extract_strided_slice %get3A_78 {offsets = [15], sizes = [1], strides = [1]} : vector<16xi32> to vector<1xi32>
      %squeeze3A_347 = vector.extract %slice3A_346[0] : i32 from vector<1xi32>
      %mul3A_348 = arith.constant 16 : i32
      %mul3A_349 = arith.muli %scan3A_71, %mul3A_348 : i32
      %add3A_350 = arith.constant 15 : i32
      %add3A_351 = arith.addi %mul3A_349, %add3A_350 : i32
      %dma_start3A_352 = arith.constant 0 : i32
      %dma_start3A_353 = tpu.memref_slice %arg10[%add3A_351, %dma_start3A_352] : memref<256x64xf32, #tpu.memory_space<vmem>> -> memref<1x64xf32, #tpu.memory_space<vmem>>
      %dma_start3A_354 = tpu.memref_squeeze %dma_start3A_353 : memref<1x64xf32, #tpu.memory_space<vmem>> -> memref<64xf32, #tpu.memory_space<vmem>>
      %dma_start3A_355 = arith.constant 0 : i32
      %dma_start3A_356 = tpu.memref_slice %arg3[%squeeze3A_347, %dma_start3A_355] : memref<1001x64xf32, #tpu.memory_space<hbm>> -> memref<1x64xf32, #tpu.memory_space<hbm>>
      %dma_start3A_357 = tpu.memref_squeeze %dma_start3A_356 : memref<1x64xf32, #tpu.memory_space<hbm>> -> memref<64xf32, #tpu.memory_space<hbm>>
      %dma_start3A_358 = arith.constant 0 : i32
      %dma_start3A_359 = tpu.memref_slice %arg10[%add3A_351, %dma_start3A_358] : memref<256x64xf32, #tpu.memory_space<vmem>> -> memref<1x64xf32, #tpu.memory_space<vmem>>
      %dma_start3A_360 = tpu.memref_squeeze %dma_start3A_359 : memref<1x64xf32, #tpu.memory_space<vmem>> -> memref<64xf32, #tpu.memory_space<vmem>>
      %dma_start3A_361 = arith.constant 0 : i32
      %dma_start3A_362 = tpu.memref_slice %arg3[%squeeze3A_347, %dma_start3A_361] : memref<1001x64xf32, #tpu.memory_space<hbm>> -> memref<1x64xf32, #tpu.memory_space<hbm>>
      %dma_start3A_363 = tpu.memref_squeeze %dma_start3A_362 : memref<1x64xf32, #tpu.memory_space<hbm>> -> memref<64xf32, #tpu.memory_space<hbm>>
      tpu.enqueue_dma source(%dma_start3A_363 : memref<64xf32, #tpu.memory_space<hbm>>) target(%dma_start3A_360 : memref<64xf32, #tpu.memory_space<vmem>>) target_semaphore(%arg11 : memref<!tpu.dma_semaphore, #tpu.memory_space<semaphore_mem>>)
      %scan3A_364 = arith.constant 0 : i32
      scf.yield %scan3A_364 : i32
    }
    %scan3A_49 = arith.constant 16 : i32
    %dma_wait3A_50 = arith.constant 0 : i32
    %dma_wait3A_51 = arith.constant 0 : i32
    %dma_wait3A_52 = tpu.memref_slice %arg6[%dma_wait3A_50, %dma_wait3A_51] : memref<16384x64xf32, #tpu.memory_space<hbm>> -> memref<256x64xf32, #tpu.memory_space<hbm>>
    %dma_wait3A_53 = arith.constant 0 : i32
    %dma_wait3A_54 = arith.constant 0 : i32
    %dma_wait3A_55 = tpu.memref_slice %arg6[%dma_wait3A_53, %dma_wait3A_54] : memref<16384x64xf32, #tpu.memory_space<hbm>> -> memref<256x64xf32, #tpu.memory_space<hbm>>
    tpu.wait_dma2 semaphore(%arg11 : memref<!tpu.dma_semaphore, #tpu.memory_space<semaphore_mem>>) src(%dma_wait3A_55 : memref<256x64xf32, #tpu.memory_space<hbm>>) dst(%arg9 : memref<256x64xf32, #tpu.memory_space<vmem>>)
    %dma_wait3A_56 = arith.constant 0 : i32
    %dma_wait3A_57 = arith.constant 0 : i32
    %dma_wait3A_58 = tpu.memref_slice %arg6[%dma_wait3A_56, %dma_wait3A_57] : memref<16384x64xf32, #tpu.memory_space<hbm>> -> memref<256x64xf32, #tpu.memory_space<hbm>>
    %dma_wait3A_59 = arith.constant 0 : i32
    %dma_wait3A_60 = arith.constant 0 : i32
    %dma_wait3A_61 = tpu.memref_slice %arg6[%dma_wait3A_59, %dma_wait3A_60] : memref<16384x64xf32, #tpu.memory_space<hbm>> -> memref<256x64xf32, #tpu.memory_space<hbm>>
    tpu.wait_dma2 semaphore(%arg11 : memref<!tpu.dma_semaphore, #tpu.memory_space<semaphore_mem>>) src(%dma_wait3A_61 : memref<256x64xf32, #tpu.memory_space<hbm>>) dst(%arg10 : memref<256x64xf32, #tpu.memory_space<vmem>>)
    %scan3A_62 = arith.constant 0 : i32
    %scan3A_63 = arith.constant 0 : i32
    %scan3A_64 = arith.constant 256 : i32
    %scan3A_65 = arith.addi %scan3A_63, %scan3A_64 : i32
    %scan3A_66 = arith.constant 1 : i32
    %scan3A_67 = scf.for %scan3A_71 = %scan3A_63 to %scan3A_65 step %scan3A_66 iter_args(%scan3A_72 = %scan3A_62) -> (i32)  : i32 {
      %get3A = arith.index_cast %scan3A_71 : i32 to index
      %get3A_73 = arith.constant 0 : index
      %get3A_74 = tpu.vector_load %arg9[%get3A, %get3A_73] {strides = array<i32>} : memref<256x64xf32, #tpu.memory_space<vmem>>, vector<1x16xf32>,
      %get3A_75 = vector.shape_cast %get3A_74 : vector<1x16xf32> to vector<16xf32>
      %get3A_76 = arith.index_cast %scan3A_71 : i32 to index
      %get3A_77 = arith.constant 0 : index
      %get3A_78 = tpu.vector_load %arg10[%get3A_76, %get3A_77] {strides = array<i32>} : memref<256x64xf32, #tpu.memory_space<vmem>>, vector<1x16xf32>,
      %get3A_79 = vector.shape_cast %get3A_78 : vector<1x16xf32> to vector<16xf32>
      %add3A_80 = arith.addf %get3A_75, %get3A_79 : vector<16xf32>
      %swap3A = arith.index_cast %scan3A_71 : i32 to index
      %swap3A_81 = arith.constant 0 : index
      %swap3A_82 = tpu.vector_load %arg9[%swap3A, %swap3A_81] {strides = array<i32>} : memref<256x64xf32, #tpu.memory_space<vmem>>, vector<1x16xf32>,
      %swap3A_83 = vector.shape_cast %swap3A_82 : vector<1x16xf32> to vector<16xf32>
      %swap3A_84 = vector.shape_cast %add3A_80 : vector<16xf32> to vector<1x16xf32>
      tpu.vector_store %arg9[%swap3A, %swap3A_81], %swap3A_84 {strides = array<i32>} : memref<256x64xf32, #tpu.memory_space<vmem>>, vector<1x16xf32>,
      %get3A_85 = arith.index_cast %scan3A_71 : i32 to index
      %get3A_86 = arith.constant 16 : index
      %get3A_87 = tpu.vector_load %arg9[%get3A_85, %get3A_86] {strides = array<i32>} : memref<256x64xf32, #tpu.memory_space<vmem>>, vector<1x16xf32>,
      %get3A_88 = vector.shape_cast %get3A_87 : vector<1x16xf32> to vector<16xf32>
      %get3A_89 = arith.index_cast %scan3A_71 : i32 to index
      %get3A_90 = arith.constant 16 : index
      %get3A_91 = tpu.vector_load %arg10[%get3A_89, %get3A_90] {strides = array<i32>} : memref<256x64xf32, #tpu.memory_space<vmem>>, vector<1x16xf32>,
      %get3A_92 = vector.shape_cast %get3A_91 : vector<1x16xf32> to vector<16xf32>
      %add3A_93 = arith.addf %get3A_88, %get3A_92 : vector<16xf32>
      %swap3A_94 = arith.index_cast %scan3A_71 : i32 to index
      %swap3A_95 = arith.constant 16 : index
      %swap3A_96 = tpu.vector_load %arg9[%swap3A_94, %swap3A_95] {strides = array<i32>} : memref<256x64xf32, #tpu.memory_space<vmem>>, vector<1x16xf32>,
      %swap3A_97 = vector.shape_cast %swap3A_96 : vector<1x16xf32> to vector<16xf32>
      %swap3A_98 = vector.shape_cast %add3A_93 : vector<16xf32> to vector<1x16xf32>
      tpu.vector_store %arg9[%swap3A_94, %swap3A_95], %swap3A_98 {strides = array<i32>} : memref<256x64xf32, #tpu.memory_space<vmem>>, vector<1x16xf32>,
      %get3A_99 = arith.index_cast %scan3A_71 : i32 to index
      %get3A_100 = arith.constant 32 : index
      %get3A_101 = tpu.vector_load %arg9[%get3A_99, %get3A_100] {strides = array<i32>} : memref<256x64xf32, #tpu.memory_space<vmem>>, vector<1x16xf32>,
      %get3A_102 = vector.shape_cast %get3A_101 : vector<1x16xf32> to vector<16xf32>
      %get3A_103 = arith.index_cast %scan3A_71 : i32 to index
      %get3A_104 = arith.constant 32 : index
      %get3A_105 = tpu.vector_load %arg10[%get3A_103, %get3A_104] {strides = array<i32>} : memref<256x64xf32, #tpu.memory_space<vmem>>, vector<1x16xf32>,
      %get3A_106 = vector.shape_cast %get3A_105 : vector<1x16xf32> to vector<16xf32>
      %add3A_107 = arith.addf %get3A_102, %get3A_106 : vector<16xf32>
      %swap3A_108 = arith.index_cast %scan3A_71 : i32 to index
      %swap3A_109 = arith.constant 32 : index
      %swap3A_110 = tpu.vector_load %arg9[%swap3A_108, %swap3A_109] {strides = array<i32>} : memref<256x64xf32, #tpu.memory_space<vmem>>, vector<1x16xf32>,
      %swap3A_111 = vector.shape_cast %swap3A_110 : vector<1x16xf32> to vector<16xf32>
      %swap3A_112 = vector.shape_cast %add3A_107 : vector<16xf32> to vector<1x16xf32>
      tpu.vector_store %arg9[%swap3A_108, %swap3A_109], %swap3A_112 {strides = array<i32>} : memref<256x64xf32, #tpu.memory_space<vmem>>, vector<1x16xf32>,
      %get3A_113 = arith.index_cast %scan3A_71 : i32 to index
      %get3A_114 = arith.constant 48 : index
      %get3A_115 = tpu.vector_load %arg9[%get3A_113, %get3A_114] {strides = array<i32>} : memref<256x64xf32, #tpu.memory_space<vmem>>, vector<1x16xf32>,
      %get3A_116 = vector.shape_cast %get3A_115 : vector<1x16xf32> to vector<16xf32>
      %get3A_117 = arith.index_cast %scan3A_71 : i32 to index
      %get3A_118 = arith.constant 48 : index
      %get3A_119 = tpu.vector_load %arg10[%get3A_117, %get3A_118] {strides = array<i32>} : memref<256x64xf32, #tpu.memory_space<vmem>>, vector<1x16xf32>,
      %get3A_120 = vector.shape_cast %get3A_119 : vector<1x16xf32> to vector<16xf32>
      %add3A_121 = arith.addf %get3A_116, %get3A_120 : vector<16xf32>
      %swap3A_122 = arith.index_cast %scan3A_71 : i32 to index
      %swap3A_123 = arith.constant 48 : index
      %swap3A_124 = tpu.vector_load %arg9[%swap3A_122, %swap3A_123] {strides = array<i32>} : memref<256x64xf32, #tpu.memory_space<vmem>>, vector<1x16xf32>,
      %swap3A_125 = vector.shape_cast %swap3A_124 : vector<1x16xf32> to vector<16xf32>
      %swap3A_126 = vector.shape_cast %add3A_121 : vector<16xf32> to vector<1x16xf32>
      tpu.vector_store %arg9[%swap3A_122, %swap3A_123], %swap3A_126 {strides = array<i32>} : memref<256x64xf32, #tpu.memory_space<vmem>>, vector<1x16xf32>,
      %scan3A_127 = arith.constant 0 : i32
      scf.yield %scan3A_127 : i32
    }
    %scan3A_68 = arith.constant 256 : i32
    %add3A_69 = arith.constant 256 : i32
    %add3A_70 = arith.addi %mul3A_2, %add3A_69 : i32
    "tpu.region"() ({
      %run_scoped3A = tpu.sem_alloc : memref<!tpu.dma_semaphore, #tpu.memory_space<semaphore_mem>>
      %dma_start3A = arith.constant 0 : i32
      %dma_start3A_71 = tpu.memref_slice %arg6[%add3A_70, %dma_start3A] : memref<16384x64xf32, #tpu.memory_space<hbm>> -> memref<256x64xf32, #tpu.memory_space<hbm>>
      %dma_start3A_72 = arith.constant 0 : i32
      %dma_start3A_73 = tpu.memref_slice %arg6[%add3A_70, %dma_start3A_72] : memref<16384x64xf32, #tpu.memory_space<hbm>> -> memref<256x64xf32, #tpu.memory_space<hbm>>
      tpu.enqueue_dma source(%arg9 : memref<256x64xf32, #tpu.memory_space<vmem>>) target(%dma_start3A_73 : memref<256x64xf32, #tpu.memory_space<hbm>>) target_semaphore(%run_scoped3A : memref<!tpu.dma_semaphore, #tpu.memory_space<semaphore_mem>>)
      %dma_wait3A_74 = arith.constant 0 : i32
      %dma_wait3A_75 = tpu.memref_slice %arg6[%add3A_70, %dma_wait3A_74] : memref<16384x64xf32, #tpu.memory_space<hbm>> -> memref<256x64xf32, #tpu.memory_space<hbm>>
      %dma_wait3A_76 = arith.constant 0 : i32
      %dma_wait3A_77 = tpu.memref_slice %arg6[%add3A_70, %dma_wait3A_76] : memref<16384x64xf32, #tpu.memory_space<hbm>> -> memref<256x64xf32, #tpu.memory_space<hbm>>
      tpu.wait_dma2 semaphore(%run_scoped3A : memref<!tpu.dma_semaphore, #tpu.memory_space<semaphore_mem>>) src(%arg9 : memref<256x64xf32, #tpu.memory_space<vmem>>) dst(%dma_wait3A_77 : memref<256x64xf32, #tpu.memory_space<hbm>>)
      tpu.yield
    }) : () -> ()
    return
  }
}

module attributes {stable_mosaic.version = 14 : i64} {
  func.func @body(%arg0: i32, %arg1: memref<1024x64xf32, #tpu.memory_space<vmem>>, %arg2: memref<1024x64xf32, #tpu.memory_space<vmem>>, %arg3: memref<1024x16xf32, #tpu.memory_space<vmem>>, %arg4: memref<16x64xf32, #tpu.memory_space<vmem>>, %arg5: memref<1024x1xi32, #tpu.memory_space<vmem>>, %arg6: memref<1024x1xi32, #tpu.memory_space<vmem>>, %arg7: memref<1024x1xi32, #tpu.memory_space<vmem>>, %arg8: memref<1x64xf32, #tpu.memory_space<vmem>>, %arg9: memref<1x64xf32, #tpu.memory_space<vmem>>, %arg10: memref<1x64xf32, #tpu.memory_space<vmem>>, %arg11: memref<1024x64xf32, #tpu.memory_space<vmem>>) attributes {dimension_semantics = [#tpu.dimension_semantics<arbitrary>], iteration_bounds = array<i64: 16>, scalar_prefetch = 0 : i64, scratch_operands = 0 : i64, tpu.core_type = #tpu.core_type<tc>, window_params = [{transform_indices = @transform_0, window_bounds = array<i64: 1024, 64>}, {transform_indices = @transform_1, window_bounds = array<i64: 1024, 64>}, {transform_indices = @transform_2, window_bounds = array<i64: 1024, 16>}, {pipeline_mode = #tpu.pipeline_mode<synchronous>, transform_indices = @transform_3, window_bounds = array<i64: 16, 64>}, {transform_indices = @transform_4, window_bounds = array<i64: 1024, 1>}, {transform_indices = @transform_5, window_bounds = array<i64: 1024, 1>}, {transform_indices = @transform_6, window_bounds = array<i64: 1024, 1>}, {pipeline_mode = #tpu.pipeline_mode<synchronous>, transform_indices = @transform_7, window_bounds = array<i64: 1, 64>}, {pipeline_mode = #tpu.pipeline_mode<synchronous>, transform_indices = @transform_8, window_bounds = array<i64: 1, 64>}, {pipeline_mode = #tpu.pipeline_mode<synchronous>, transform_indices = @transform_9, window_bounds = array<i64: 1, 64>}, {transform_indices = @transform_10, window_bounds = array<i64: 1024, 64>}]} {
    %get3A = arith.constant 0 : index
    %get3A_0 = arith.constant 0 : index
    %get3A_1 = vector.load %arg3[%get3A, %get3A_0] : memref<1024x16xf32, #tpu.memory_space<vmem>>, vector<1024x16xf32>
    %get3A_2 = arith.constant 0 : index
    %get3A_3 = arith.constant 0 : index
    %get3A_4 = vector.load %arg4[%get3A_2, %get3A_3] : memref<16x64xf32, #tpu.memory_space<vmem>>, vector<16x64xf32>
    %dot_general3A = arith.constant dense<0.000000e+00> : vector<1024x64xf32>
    %dot_general3A_5 = tpu.matmul %get3A_1, %get3A_4, %dot_general3A {dimension_numbers = #tpu.dot_dimension_numbers<[1], [0], [0], [1], [0, 0, 1, 1], [], []>, transpose_lhs_hint = false} : vector<1024x16xf32>, vector<16x64xf32>, vector<1024x64xf32> -> vector<1024x64xf32>
    %get3A_6 = arith.constant 0 : index
    %get3A_7 = arith.constant 0 : index
    %get3A_8 = vector.load %arg5[%get3A_6, %get3A_7] : memref<1024x1xi32, #tpu.memory_space<vmem>>, vector<1024x1xi32>
    %eq3A = arith.constant 0 : i32
    %eq3A_9 = vector.broadcast %eq3A : i32 to vector<1024x1xi32>
    %eq3A_10 = arith.cmpi eq, %get3A_8, %eq3A_9 : vector<1024x1xi32>
    %convert_element_type3A = arith.extui %eq3A_10 : vector<1024x1xi1> to vector<1024x1xi32>
    %convert_element_type3A_11 = arith.sitofp %convert_element_type3A : vector<1024x1xi32> to vector<1024x1xf32>
    %get3A_12 = arith.constant 0 : index
    %get3A_13 = arith.constant 0 : index
    %get3A_14 = vector.load %arg6[%get3A_12, %get3A_13] : memref<1024x1xi32, #tpu.memory_space<vmem>>, vector<1024x1xi32>
    %eq3A_15 = arith.constant 0 : i32
    %eq3A_16 = vector.broadcast %eq3A_15 : i32 to vector<1024x1xi32>
    %eq3A_17 = arith.cmpi eq, %get3A_14, %eq3A_16 : vector<1024x1xi32>
    %convert_element_type3A_18 = arith.extui %eq3A_17 : vector<1024x1xi1> to vector<1024x1xi32>
    %convert_element_type3A_19 = arith.sitofp %convert_element_type3A_18 : vector<1024x1xi32> to vector<1024x1xf32>
    %get3A_20 = arith.constant 0 : index
    %get3A_21 = arith.constant 0 : index
    %get3A_22 = vector.load %arg7[%get3A_20, %get3A_21] : memref<1024x1xi32, #tpu.memory_space<vmem>>, vector<1024x1xi32>
    %eq3A_23 = arith.constant 0 : i32
    %eq3A_24 = vector.broadcast %eq3A_23 : i32 to vector<1024x1xi32>
    %eq3A_25 = arith.cmpi eq, %get3A_22, %eq3A_24 : vector<1024x1xi32>
    %convert_element_type3A_26 = arith.extui %eq3A_25 : vector<1024x1xi1> to vector<1024x1xi32>
    %convert_element_type3A_27 = arith.sitofp %convert_element_type3A_26 : vector<1024x1xi32> to vector<1024x1xf32>
    %get3A_28 = arith.constant 0 : index
    %get3A_29 = arith.constant 0 : index
    %get3A_30 = vector.load %arg8[%get3A_28, %get3A_29] : memref<1x64xf32, #tpu.memory_space<vmem>>, vector<1x64xf32>
    %mul3A = vector.broadcast %convert_element_type3A_11 : vector<1024x1xf32> to vector<1024x64xf32>
    %mul3A_31 = vector.broadcast %get3A_30 : vector<1x64xf32> to vector<1024x64xf32>
    %mul3A_32 = arith.mulf %mul3A, %mul3A_31 : vector<1024x64xf32>
    %get3A_33 = arith.constant 0 : index
    %get3A_34 = arith.constant 0 : index
    %get3A_35 = vector.load %arg9[%get3A_33, %get3A_34] : memref<1x64xf32, #tpu.memory_space<vmem>>, vector<1x64xf32>
    %mul3A_36 = vector.broadcast %convert_element_type3A_19 : vector<1024x1xf32> to vector<1024x64xf32>
    %mul3A_37 = vector.broadcast %get3A_35 : vector<1x64xf32> to vector<1024x64xf32>
    %mul3A_38 = arith.mulf %mul3A_36, %mul3A_37 : vector<1024x64xf32>
    %add3A = arith.addf %mul3A_32, %mul3A_38 : vector<1024x64xf32>
    %get3A_39 = arith.constant 0 : index
    %get3A_40 = arith.constant 0 : index
    %get3A_41 = vector.load %arg10[%get3A_39, %get3A_40] : memref<1x64xf32, #tpu.memory_space<vmem>>, vector<1x64xf32>
    %mul3A_42 = vector.broadcast %convert_element_type3A_27 : vector<1024x1xf32> to vector<1024x64xf32>
    %mul3A_43 = vector.broadcast %get3A_41 : vector<1x64xf32> to vector<1024x64xf32>
    %mul3A_44 = arith.mulf %mul3A_42, %mul3A_43 : vector<1024x64xf32>
    %add3A_45 = arith.addf %add3A, %mul3A_44 : vector<1024x64xf32>
    %get3A_46 = arith.constant 0 : index
    %get3A_47 = arith.constant 0 : index
    %get3A_48 = vector.load %arg1[%get3A_46, %get3A_47] : memref<1024x64xf32, #tpu.memory_space<vmem>>, vector<1024x64xf32>
    %get3A_49 = arith.constant 0 : index
    %get3A_50 = arith.constant 0 : index
    %get3A_51 = vector.load %arg2[%get3A_49, %get3A_50] : memref<1024x64xf32, #tpu.memory_space<vmem>>, vector<1024x64xf32>
    %add3A_52 = arith.addf %get3A_48, %get3A_51 : vector<1024x64xf32>
    %add3A_53 = arith.addf %add3A_52, %dot_general3A_5 : vector<1024x64xf32>
    %sub3A = arith.subf %add3A_53, %add3A_45 : vector<1024x64xf32>
    %mul3A_54 = arith.constant 5.000000e-01 : f32
    %mul3A_55 = vector.broadcast %mul3A_54 : f32 to vector<1024x64xf32>
    %mul3A_56 = arith.mulf %sub3A, %mul3A_55 : vector<1024x64xf32>
    %swap3A = arith.constant 0 : index
    %swap3A_57 = arith.constant 0 : index
    %swap3A_58 = vector.load %arg11[%swap3A, %swap3A_57] : memref<1024x64xf32, #tpu.memory_space<vmem>>, vector<1024x64xf32>
    tpu.vector_store %arg11[%swap3A, %swap3A_57], %mul3A_56 {strides = array<i32>} : memref<1024x64xf32, #tpu.memory_space<vmem>>, vector<1024x64xf32>,
    return
  }
  func.func @transform_0(%arg0: i32) -> (i32, i32) {
    %c0_i32 = arith.constant 0 : i32
    %c0_i32_0 = arith.constant 0 : i32
    return %arg0, %c0_i32 : i32, i32
  }
  func.func @transform_1(%arg0: i32) -> (i32, i32) {
    %c0_i32 = arith.constant 0 : i32
    %c0_i32_0 = arith.constant 0 : i32
    return %arg0, %c0_i32 : i32, i32
  }
  func.func @transform_2(%arg0: i32) -> (i32, i32) {
    %c0_i32 = arith.constant 0 : i32
    %c0_i32_0 = arith.constant 0 : i32
    return %arg0, %c0_i32 : i32, i32
  }
  func.func @transform_3(%arg0: i32) -> (i32, i32) {
    %c0_i32 = arith.constant 0 : i32
    %c0_i32_0 = arith.constant 0 : i32
    %c0_i32_1 = arith.constant 0 : i32
    return %c0_i32, %c0_i32_0 : i32, i32
  }
  func.func @transform_4(%arg0: i32) -> (i32, i32) {
    %c0_i32 = arith.constant 0 : i32
    %c0_i32_0 = arith.constant 0 : i32
    return %arg0, %c0_i32 : i32, i32
  }
  func.func @transform_5(%arg0: i32) -> (i32, i32) {
    %c0_i32 = arith.constant 0 : i32
    %c0_i32_0 = arith.constant 0 : i32
    return %arg0, %c0_i32 : i32, i32
  }
  func.func @transform_6(%arg0: i32) -> (i32, i32) {
    %c0_i32 = arith.constant 0 : i32
    %c0_i32_0 = arith.constant 0 : i32
    return %arg0, %c0_i32 : i32, i32
  }
  func.func @transform_7(%arg0: i32) -> (i32, i32) {
    %c0_i32 = arith.constant 0 : i32
    %c0_i32_0 = arith.constant 0 : i32
    %c0_i32_1 = arith.constant 0 : i32
    return %c0_i32, %c0_i32_0 : i32, i32
  }
  func.func @transform_8(%arg0: i32) -> (i32, i32) {
    %c0_i32 = arith.constant 0 : i32
    %c0_i32_0 = arith.constant 0 : i32
    %c0_i32_1 = arith.constant 0 : i32
    return %c0_i32, %c0_i32_0 : i32, i32
  }
  func.func @transform_9(%arg0: i32) -> (i32, i32) {
    %c0_i32 = arith.constant 0 : i32
    %c0_i32_0 = arith.constant 0 : i32
    %c0_i32_1 = arith.constant 0 : i32
    return %c0_i32, %c0_i32_0 : i32, i32
  }
  func.func @transform_10(%arg0: i32) -> (i32, i32) {
    %c0_i32 = arith.constant 0 : i32
    %c0_i32_0 = arith.constant 0 : i32
    return %arg0, %c0_i32 : i32, i32
  }
}

</mosaic_0001>

<sc_bundles>
// kernel: kernel.5.cloned.1.call-start
scs
__scs_entry_jumppad:
0x0: {  	(pc) =	sbr.rel $0x88, $3  }
0x1: {  	(tag) =	ssettag $0x0;
	lr =	simm.s32 $0x1  }
0x2: {  	[smem:$0x3F99] =	sst lr;
	_ =	strace $0xD0000000  }
0x3: {  	_ = 	snop  }
0x4: {  	_ = 	snop  }
0x5: {  	_ = 	snop  }
0x6: {  	_ = 	snop  }
0x7: {  	_ = 	snop  }
__scs_overlays_trampoline_lowered:
0x8: {  	[smem:$0x3FA8] =	sst s0  }
0x9: {  	[smem:$0x3FA9] =	sst s1  }
0xa: {  	[smem:$0x3FAA] =	sst s2  }
0xb: {  	[smem:$0x3FAB] =	sst s3  }
0xc: {  	[smem:$0x3FAC] =	sst s4  }
0xd: {  	[smem:$0x3FAD] =	sst s5  }
0xe: {  	[smem:$0x3FAE] =	sst s6  }
0xf: {  	[smem:$0x3FAF] =	sst s7  }
0x10: {  	[smem:$0x3FB0] =	sst s8  }
0x11: {  	[smem:$0x3FB1] =	sst s9;
	s0 =	simm.s32 @!p0 $0x0  }
0x12: {  	s1 =	sld [smem:$0x3F97];
	s0 =	simm.s32 @p0 $0x1  }
0x13: {  	[smem:$0x3FB2] =	sst s0;
	s0 =	simm.s32 @!p1 $0x0  }
0x14: {  	s2 =	sld [smem:$0x3F96];
	s0 =	simm.s32 @p1 $0x1  }
0x15: {  	[smem:$0x3FB3] =	sst s0;
	s0 =	simm.s32 @!p2 $0x0  }
0x16: {  	s3 =	sld [smem:$0x3FDB];
	s0 =	simm.s32 @p2 $0x1  }
0x17: {  	s4 =	simm.s32 $0x1BF5;
	[smem:$0x3FB5] =	sst s0  }
0x18: {  	s0 =	sld [smem:$0x3F98];
	_ =	swait.ge [sflag:s4], $0x0  }
0x19: {  	s7 =	sld [smem:$0x3F99]  }
0x1a: {  	s8 =	sadd.s32 $0xFFFFE003, lr  }
0x1b: {  	s9 =	sadd.s32 $0xFFFFFEF7, lr;
	s5 =	simm.s32 $0xFFFFFFFF;
	p2 =	slt.u32 s8, $0xFFFFF086  }
0x1c: {  	p1 =	slt.u32 s9, $0xF7A;
	s5 =	simm.s32 @!p2 $0x0  }
0x1d: {  	s5 =	simm.s32 @p1 $0x1;
	p0 =	seq.s32 s7, s2  }
0x1e: {  	s7 =	smul.u32 @!p0 $0xF7A, s2;
	p2 =	seq.s32 @!p0 s5, $0x0  }
0x1f: {  	s9 =	smul.u32 $0xF7A, s1;
	s8 =	simm.s32 @!p0 $0x1BF5;
	p2 =	por !p2, p0  }
0x20: {  	[sflag:s8] =	ssyncset.s32 @!p0 $0xFFFFF086;
	s6 =	sadd.s32 @!p0 s3, s7;
	s7 =	simm.s32 @!p0 $0x108  }
0x21: {  	s3 =	sadd.s32 s3, s9;
	s6 =	sadd.s32 @!p0 $0x88, s6;
	s7 =	simm.s32 @p2 $0x1082  }
0x22: {  	[simem:s7], [sflag:s8] =	dma.local @!p0 [hbm:s6], $0xF7A  }
0x23: {  	s9 =	sor.u32 $0xD0000000, s2;
	s6 =	simm.s32 $0x108;
	_ =	swait.ge @!p0 [sflag:s8], $0x0  }
0x24: {  	s3 =	sadd.s32 $0x88, s3;
	s6 =	simm.s32 @!p1 $0x1082;
	[sflag:s4] =	ssyncset.s32 $0xFFFFF086  }
0x25: {  	[simem:s6], [sflag:s4] =	dma.local [hbm:s3], $0xF7A  }
0x26: {  	[smem:$0x3F99] =	sst s1;
	(tag) =	ssettag s2;
	_ =	strace s9  }
0x27: {  	s1 =	sld [smem:$0x3FA9]  }
0x28: {  	s2 =	sld [smem:$0x3FAA]  }
0x29: {  	s4 =	sld [smem:$0x3FAC]  }
0x2a: {  	p0 =	seq.s32 s5, $0x0;
	s5 =	sld [smem:$0x3FAD]  }
0x2b: {  	s6 =	sld [smem:$0x3FAE]  }
0x2c: {  	s7 =	sld [smem:$0x3FAF]  }
0x2d: {  	s3 =	simm.s32 $0x108;
	s8 =	sld [smem:$0x3FB0]  }
0x2e: {  	s3 =	simm.s32 @!p0 $0x1082;
	s9 =	sld [smem:$0x3FB1]  }
0x2f: {  	lr =	sadd.s32 s0, s3;
	s0 =	sld [smem:$0x3FA8]  }
0x30: {  	s3 =	sld [smem:$0x3FAB]  }
0x31: {  	[smem:$0x3FB4] =	sst s10  }
0x32: {  	s10 =	sld [smem:$0x3FB2];
	_ =	sdelay $0x3  }
0x33: {  	p0 =	seq.s32 s10, $0x1;
	s10 =	sld [smem:$0x3FB4];
	_ =	sdelay $0x3  }
0x34: {  	[smem:$0x3FB4] =	sst s10  }
0x35: {  	s10 =	sld [smem:$0x3FB3];
	_ =	sdelay $0x3  }
0x36: {  	p1 =	seq.s32 s10, $0x1;
	s10 =	sld [smem:$0x3FB4];
	_ =	sdelay $0x3  }
0x37: {  	[smem:$0x3FB4] =	sst s10  }
0x38: {  	s10 =	sld [smem:$0x3FB5]  }
0x39: {  	_ = 	snop;
	(pc) =	sbr.ind lr, $3  }
0x3a: {  	_ = 	snop  }
0x3b: {  	_ = 	snop  }
0x3c: {  	p2 =	seq.s32 s10, $0x1;
	s10 =	sld [smem:$0x3FB4]  }
0x3d: {  	_ =	shalt  }
0x3e: {  	_ =	shalt  }
0x3f: {  	_ =	shalt  }
0x40: {  	_ =	shalt  }
0x41: {  	_ =	shalt  }
0x42: {  	_ =	shalt  }
0x43: {  	_ =	shalt  }
0x44: {  	_ =	shalt  }
0x45: {  	_ =	shalt  }
0x46: {  	_ =	shalt  }
0x47: {  	_ =	shalt  }
0x48: {  	_ =	shalt  }
0x49: {  	_ =	shalt  }
0x4a: {  	_ =	shalt  }
0x4b: {  	_ =	shalt  }
0x4c: {  	_ =	shalt  }
0x4d: {  	_ =	shalt  }
0x4e: {  	_ =	shalt  }
0x4f: {  	_ =	shalt  }
0x50: {  	_ =	shalt  }
0x51: {  	_ =	shalt  }
0x52: {  	_ =	shalt  }
0x53: {  	_ =	shalt  }
0x54: {  	_ =	shalt  }
0x55: {  	_ =	shalt  }
0x56: {  	_ =	shalt  }
0x57: {  	_ =	shalt  }
0x58: {  	_ =	shalt  }
0x59: {  	_ =	shalt  }
0x5a: {  	_ =	shalt  }
0x5b: {  	_ =	shalt  }
0x5c: {  	_ =	shalt  }
0x5d: {  	_ =	shalt  }
0x5e: {  	_ =	shalt  }
0x5f: {  	_ =	shalt  }
0x60: {  	_ =	shalt  }
0x61: {  	_ =	shalt  }
0x62: {  	_ =	shalt  }
0x63: {  	_ =	shalt  }
0x64: {  	_ =	shalt  }
0x65: {  	_ =	shalt  }
0x66: {  	_ =	shalt  }
0x67: {  	_ =	shalt  }
0x68: {  	_ =	shalt  }
0x69: {  	_ =	shalt  }
0x6a: {  	_ =	shalt  }
0x6b: {  	_ =	shalt  }
0x6c: {  	_ =	shalt  }
0x6d: {  	_ =	shalt  }
0x6e: {  	_ =	shalt  }
0x6f: {  	_ =	shalt  }
0x70: {  	_ =	shalt  }
0x71: {  	_ =	shalt  }
0x72: {  	_ =	shalt  }
0x73: {  	_ =	shalt  }
0x74: {  	_ =	shalt  }
0x75: {  	_ =	shalt  }
0x76: {  	_ =	shalt  }
0x77: {  	_ =	shalt  }
0x78: {  	_ =	shalt  }
0x79: {  	_ =	shalt  }
0x7a: {  	_ =	shalt  }
0x7b: {  	_ =	shalt  }
0x7c: {  	_ =	shalt  }
0x7d: {  	_ =	shalt  }
0x7e: {  	_ =	shalt  }
0x7f: {  	_ =	shalt  }
0x80: {  	_ =	shalt  }
0x81: {  	_ =	shalt  }
0x82: {  	_ =	shalt  }
0x83: {  	_ =	shalt  }
0x84: {  	_ =	shalt  }
0x85: {  	_ =	shalt  }
0x86: {  	_ =	shalt  }
0x87: {  	_ =	shalt  }
.Lfunc_end0:
.L_simem_size_0:
called_computation_lowered:
.L_overlay_start_0:
0x88: {  	s2 =	sld [smem:$0x3FD9]  }
0x89: {  	s3 =	sld [smem:$0x3FFE];
	_ =	sdelay $0x1  }
0x8a: {  	s1 =	srdreg.scid  }
0x8b: {  	s0 =	sand.u32 $0x1, s1  }
0x8c: {  	s17 =	sshll.u32 s0, $0xA;
	s2 =	sadd.s32 s3, s2  }
0x8d: {  	s2 =	sadd.s32 s2, s17  }
0x8e: {  	[smem:$0x3FC0] =	sst s2  }
0x8f: {  	_ = 	snop  }
0x90: {  	s2 =	sld [smem:$0x3FC8]  }
0x91: {  	s18 =	sld [smem:$0x3FC7]  }
0x92: {  	s4 =	sld [smem:$0x3FD0];
	(tm) =	ssettm $0x1  }
0x93: {  	s5 =	sld [smem:$0x3FFB];
	_ =	sdelay $0x3  }
0x94: {  	_ =	strace s5  }
0x95: {  	s5 =	sld [smem:$0x3FFC];
	_ =	sdelay $0x3  }
0x96: {  	_ =	strace s5  }
0x97: {  	s5 =	sld [smem:$0x3FFD];
	_ =	sdelay $0x3  }
0x98: {  	_ =	strace s5  }
0x99: {  	_ =	strace $0x8FFFFFFF  }
0x9a: {  	s19 =	sld [smem:$0x3FDB];
	_ =	sdelay $0x1  }
0x9b: {  	s6 =	simm.s32 $_scs_section_size  }
0x9c: {  	s7 =	simm.s32 $_size__tile_overlayer_lowered;
	s8 =	simm.s32 $_tile_overlayer_lowered  }
0x9d: {  	s22 =	simm.s32 $0x1BFF;
	s21 =	sshll.u32 s8, $0x1;
	s5 =	sadd.s32 s6, s19  }
0x9e: {  	s9 =	simm.s32 $0x0;
	s20 =	sshll.u32 s7, $0x1;
	s7 =	sadd.s32 s21, s5  }
0x9f: {  	[timem:s9], [sflag:s22] =	dma.local [hbm:s7], s20  }
0xa0: {  	_ =	swait.ge [sflag:s22], s20  }
0xa1: {  	s6 =	ssub.s32 $0x0, s20;
	[sflag:s22] =	ssyncset.done $0x0  }
0xa2: {  	[sflag:s22] =	ssyncadd.s32 s6;
	_ =	sdelay $0x1  }
0xa3: {  	s23 =	simm.s32 $0x1B8B  }
0xa4: {  	_ =	swait.ge [sflag:s23], $0x1  }
0xa5: {  	[sflag:s23] =	ssyncset.done $0x0  }
0xa6: {  	s25 =	simm.s32 $0x1B8E;
	s24 =	sld [smem:$0x3FFE];
	[sflag:s23] =	ssyncadd.s32 $0xFFFFFFFF  }
0xa7: {  	s26 =	simm.s32 $execute0_lowered;
	[smem:$0x3FD2] =	sst s25  }
0xa8: {  	s7 =	sshll.u32 s26, $0x1;
	_ =	strace $0x80000046;
	[dreg:$0x1] =	wrdreg $0xFFFFFFFF  }
0xa9: {  	s28 =	simm.s32 $_size_execute0_lowered;
	s5 =	sadd.s32 s5, s7;
	[dreg:$0x0] =	wrdreg $0x0  }
0xaa: {  	s7 =	sshll.u32 s28, $0x1;
	[dreg:$0x2] =	wrdreg s5  }
0xab: {  	[dreg:$0x3] =	wrdreg s7  }
0xac: {  	[dreg:$0x4] =	wrdreg $0xC0  }
0xad: {  	_ =	task [dreg:s9], $0x5FFFF  }
0xae: {  	[dreg:$0x1] =	wrdreg $0xFFFFFFFF  }
0xaf: {  	[dreg:$0x0] =	wrdreg $0x60  }
0xb0: {  	[dreg:$0x2] =	wrdreg s24  }
0xb1: {  	[dreg:$0x3] =	wrdreg s4  }
0xb2: {  	[dreg:$0x4] =	wrdreg s2  }
0xb3: {  	[dreg:$0x5] =	wrdreg s18  }
0xb4: {  	[dreg:$0x6] =	wrdreg $0x9  }
0xb5: {  	_ =	task.clear_ibuf [dreg:s9], $0x7FFFF;
	_ =	strace $0x90000046  }
0xb6: {  	s29 =	simm.s32 $0x9;
	_ =	strace $0x80000048  }
0xb7: {  	_ =	swait.ge [sflag:s29], $0x1  }
0xb8: {  	[sflag:s29] =	ssyncadd.s32 $0xFFFFFFFF  }
0xb9: {  	_ =	strace $0x90000048  }
0xba: {  	_ =	sfence  }
0xbb: {  	s30 =	sld [smem:$0x0];
	_ =	sdelay $0x2  }
0xbc: {  	s31 =	sshll.u32 s1, $0xD;
	s1 =	sshrl.u32 s1, $0x2  }
0xbd: {  	s3 =	sand.u32 $0x4000, s31;
	s1 =	sadd.s32 s1, s30  }
0xbe: {  	s0 =	sor.u32 s3, s0;
	s1 =	sshll.u32 s1, $0x11  }
0xbf: {  	s0 =	sor.u32 s1, s0  }
0xc0: {  	s0 =	sadd.s32 $0x8F2B, s0  }
0xc1: {  	[sflag:s0] =	ssyncadd.remote.s32 $0x1  }
0xc2: {  	_ =	sfence.sel $0xFFFF  }
0xc3: {  	[dreg:$0x0] =	wrdreg $0xFFFFFFFF;
	(pc) =	sbr.abs _section_cstart, $3  }
0xc4: {  	[dreg:$0x1] =	wrdreg $0xFFFFFFFF  }
0xc5: {  	_ =	task.clear_ibuf [dreg:s9], $0x2FFFF;
	_ =	strace $0x9FFFFFFF  }
0xc6: {  	(tm) =	ssettm $0x7FFFFFFF  }
0xc7: {  	_ =	shalt  }
tec
execute0_lowered:
.L_overlay_start_1:
0x0: {  	(tag) =	ssettag $0x1  }
0x1: {  	s5 =	rddreg [dreg:$0x0]  }
0x2: {  	s1 =	rddreg [dreg:$0x1]  }
0x3: {  	s6 =	rddreg [dreg:$0x2]  }
0x4: {  	s7 =	rddreg [dreg:$0x3]  }
0x5: {  	s3 =	simm.s32 $0x0;
	s4 =	srdreg.scid;
	s0 =	stileid.u32  }
0x6: {  	s12 =	simm.s32 $0x1;
	s14 =	simm.s32 $0x0;
	s8 =	sand.u32 $0x1, s4  }
0x7: {  	[smem:$0x7FF] =	sst s3;
	s9 =	sshll.u32 s0, $0xA;
	s10 =	sshll.u32 s8, $0x9  }
0x8: {  	s4 =	sadd.s32 $0x1400, s5;
	s8 =	ssub.s32 $0x2, s8;
	s9 =	sor.u32 s10, s9  }
0x9: {  	s11 =	sshrl.u32 s8, $0x1;
	s10 =	sshll.u32 s9, $0x4;
	s9 =	sshrl.u32 s9, $0x3  }
0xa: {  	_ =	strace $0x80000047;
	s11 =	ssub.s32 s8, s11;
	s30 =	sadd.s32 s6, s9  }
0xb: {  	s10 =	sadd.s32 s10, s5;
	s31 =	sadd.s32 s7, s9;
	[dreg:$0x5] =	wrdreg s30  }
0xc: {  	s9 =	smax.u32 s11, $0x1;
	s6 =	simm.s32 $0x400;
	[dreg:$0x6] =	wrdreg s31  }
0xd: {  	s7 =	sadd.s32 $0x188000, s10;
	s8 =	sadd.s32 $0x189000, s10;
	s10 =	simm.s32 $0x2  }
.LBB2_1:
0xe: {  	s0 =	rddreg [dreg:$0x5]  }
0xf: {  	[tilespmem:s3], [sflag:$0x2] =	stream.linear.gather [hbm4b:s0+s3], $0x200, $0x38;
	[tilespmem:$0x10400] =	vst v63  }
0x10: {  	_ =	swait.ge [sflag:s10], $0x200  }
0x11: {  	[sflag:s10] =	ssyncset.done $0x0  }
0x12: {  	s2 =	simm.s32 $0x200;
	s31 =	rddreg [dreg:$0x6];
	[sflag:s10] =	ssyncadd.s32 $0xFFFFFE00  }
0x13: {  	[tilespmem:s2], [sflag:$0x2] =	stream.linear.gather [hbm4b:s31+s3], $0x200, $0x38;
	[tilespmem:$0x10400] =	vst v63  }
0x14: {  	_ =	swait.ge [sflag:s10], $0x200  }
0x15: {  	[sflag:s10] =	ssyncset.done $0x0  }
0x16: {  	[sflag:s10] =	ssyncadd.s32 $0xFFFFFE00  }
0x17: {  	v0 =	vld [tilespmem:s3+$0x0];
	_ =	sdelay $0x4  }
0x18: {  	v0 =	vshll.u32 v0, $0x4  }
0x19: {  	(v2sf) =	vpush v0, $0x0  }
0x1a: {  	(v2sf) =	vpush v0, $0x1  }
0x1b: {  	(v2sf) =	vpush v0, $0x2;
	_ =	sdelay $0x1  }
0x1c: {  	(v2sf) =	vpush v0, $0x4;
	_ =	sdelay $0x1  }
0x1d: {  	(v2sf) =	vpush v0, $0x3  }
0x1e: {  	(v2sf) =	vpush v0, $0x5  }
0x1f: {  	s17 =	simm.s32 $0x2000;
	s16 =	simm.s32 $0x0;
	s18 =	simm.s32 $0x0;
	(v2sf) =	vpush v0, $0x6  }
.LBB2_2:
0x20: {  	p0 =	sne.s32 s17, $0x1E000  }
0x21: {  	s29 =	sadd.s32 $0x480, s16;
	s22 =	sadd.s32 $0x980, s16;
	s19 =	smov.u32 s17  }
0x22: {  	s17 =	sadd.s32 $0x2000, s17;
	s25 =	sadd.s32 $0x780, s16;
	s20 =	sadd.s32 $0xA00, s16;
	(v2sf) =	vpush v0, $0x7  }
0x23: {  	s28 =	sadd.s32 $0x680, s16;
	s23 =	sadd.s32 $0x800, s16;
	s21 =	sadd.s32 $0xA80, s16  }
0x24: {  	s30 =	sadd.s32 $0x400, s16;
	s31 =	sadd.s32 $0x600, s16;
	(v2sf) =	vpush v0, $0x8  }
0x25: {  	s15 =	simm.s32 $0x0;
	s0 =	sadd.s32 $0x700, s16;
	s18 =	sadd.s32 $0x10, s18  }
0x26: {  	s2 =	sadd.s32 $0x500, s16;
	s24 =	sadd.s32 $0x900, s16;
	s26 =	spop (v2sf);
	(v2sf) =	vpush v0, $0x9  }
0x27: {  	s11 =	sand.u32 $0x1FFFFFF0, s26;
	s26 =	sadd.s32 $0x880, s16;
	s13 =	spop (v2sf)  }
0x28: {  	s11 =	sadd.s32 s4, s11;
	s13 =	sand.u32 $0x1FFFFFF0, s13;
	s5 =	spop (v2sf);
	(v2sf) =	vpush v0, $0xA  }
0x29: {  	[tilespmem:s30], [sflag:$0x1] =	stream.linear.gather [hbm4b:s11+s15], $0x80, $0x38;
	[tilespmem:$0x10400] =	vst v63  }
0x2a: {  	s11 =	sadd.s32 s4, s13;
	s13 =	sadd.s32 $0x580, s16;
	s30 =	spop (v2sf);
	(v2sf) =	vpush v0, $0xB  }
0x2b: {  	[tilespmem:s29], [sflag:$0x1] =	stream.linear.gather [hbm4b:s11+s15], $0x80, $0x38;
	[tilespmem:$0x10400] =	vst v63  }
0x2c: {  	s5 =	sand.u32 $0x1FFFFFF0, s5;
	s11 =	sand.u32 $0x1FFFFFF0, s30;
	s29 =	spop (v2sf);
	(v2sf) =	vpush v0, $0xC  }
0x2d: {  	s5 =	sadd.s32 s4, s5;
	s29 =	sand.u32 $0x1FFFFFF0, s29;
	s30 =	spop (v2sf)  }
0x2e: {  	[tilespmem:s2], [sflag:$0x1] =	stream.linear.gather [hbm4b:s5+s15], $0x80, $0x38;
	(v2sf) =	vpush v0, $0xD;
	[tilespmem:$0x10400] =	vst v63  }
0x2f: {  	s2 =	sadd.s32 s4, s29;
	s5 =	sand.u32 $0x1FFFFFF0, s30;
	s29 =	spop (v2sf)  }
0x30: {  	[tilespmem:s13], [sflag:$0x1] =	stream.linear.gather [hbm4b:s2+s15], $0x80, $0x38;
	(v2sf) =	vpush v0, $0xE;
	[tilespmem:$0x10400] =	vst v63  }
0x31: {  	s2 =	sadd.s32 s4, s11;
	s11 =	sand.u32 $0x1FFFFFF0, s29;
	s13 =	spop (v2sf)  }
0x32: {  	[tilespmem:s31], [sflag:$0x1] =	stream.linear.gather [hbm4b:s2+s15], $0x80, $0x38;
	(v2sf) =	vpush v0, $0xF;
	[tilespmem:$0x10400] =	vst v63  }
0x33: {  	s2 =	sadd.s32 s4, s5;
	s5 =	sand.u32 $0x1FFFFFF0, s13;
	s13 =	spop (v2sf)  }
0x34: {  	[tilespmem:s28], [sflag:$0x1] =	stream.linear.gather [hbm4b:s2+s15], $0x80, $0x38;
	[tilespmem:$0x10400] =	vst v63  }
0x35: {  	s2 =	sadd.s32 s4, s11;
	s11 =	sand.u32 $0x1FFFFFF0, s13;
	s13 =	spop (v2sf)  }
0x36: {  	[tilespmem:s0], [sflag:$0x1] =	stream.linear.gather [hbm4b:s2+s15], $0x80, $0x38;
	[tilespmem:$0x10400] =	vst v63  }
0x37: {  	s0 =	sadd.s32 s4, s5;
	s2 =	sand.u32 $0x1FFFFFF0, s13;
	s5 =	spop (v2sf)  }
0x38: {  	[tilespmem:s25], [sflag:$0x1] =	stream.linear.gather [hbm4b:s0+s15], $0x80, $0x38;
	[tilespmem:$0x10400] =	vst v63  }
0x39: {  	s0 =	sadd.s32 s4, s11;
	s5 =	sand.u32 $0x1FFFFFF0, s5;
	s11 =	spop (v2sf)  }
0x3a: {  	[tilespmem:s23], [sflag:$0x1] =	stream.linear.gather [hbm4b:s0+s15], $0x80, $0x38;
	[tilespmem:$0x10400] =	vst v63  }
0x3b: {  	s0 =	sadd.s32 s4, s2;
	s2 =	sand.u32 $0x1FFFFFF0, s11;
	s11 =	spop (v2sf)  }
0x3c: {  	[tilespmem:s26], [sflag:$0x1] =	stream.linear.gather [hbm4b:s0+s15], $0x80, $0x38;
	[tilespmem:$0x10400] =	vst v63  }
0x3d: {  	s0 =	sadd.s32 s4, s5;
	s5 =	sand.u32 $0x1FFFFFF0, s11;
	s11 =	spop (v2sf)  }
0x3e: {  	[tilespmem:s24], [sflag:$0x1] =	stream.linear.gather [hbm4b:s0+s15], $0x80, $0x38;
	[tilespmem:$0x10400] =	vst v63  }
0x3f: {  	s0 =	sadd.s32 s4, s2;
	s2 =	sand.u32 $0x1FFFFFF0, s11;
	s11 =	spop (v2sf)  }
0x40: {  	[tilespmem:s22], [sflag:$0x1] =	stream.linear.gather [hbm4b:s0+s15], $0x80, $0x38;
	[tilespmem:$0x10400] =	vst v63  }
0x41: {  	s0 =	sadd.s32 s4, s5;
	s5 =	sand.u32 $0x1FFFFFF0, s11;
	s11 =	spop (v2sf)  }
0x42: {  	[tilespmem:s20], [sflag:$0x1] =	stream.linear.gather [hbm4b:s0+s15], $0x80, $0x38;
	[tilespmem:$0x10400] =	vst v63  }
0x43: {  	s0 =	sadd.s32 s4, s2;
	s2 =	sand.u32 $0x1FFFFFF0, s11  }
0x44: {  	[tilespmem:s21], [sflag:$0x1] =	stream.linear.gather [hbm4b:s0+s15], $0x80, $0x38;
	[tilespmem:$0x10400] =	vst v63  }
0x45: {  	s5 =	sadd.s32 s4, s5;
	s0 =	sadd.s32 $0xB00, s16  }
0x46: {  	[tilespmem:s0], [sflag:$0x1] =	stream.linear.gather [hbm4b:s5+s15], $0x80, $0x38;
	[tilespmem:$0x10400] =	vst v63  }
0x47: {  	s2 =	sadd.s32 s4, s2;
	s0 =	sadd.s32 $0xB80, s16  }
0x48: {  	[tilespmem:s0], [sflag:$0x1] =	stream.linear.gather [hbm4b:s2+s15], $0x80, $0x38;
	[tilespmem:$0x10400] =	vst v63  }
0x49: {  	v0 =	vld [tilespmem:s18+$0x0];
	_ =	sdelay $0x4  }
0x4a: {  	v0 =	vshll.u32 v0, $0x4  }
0x4b: {  	(v2sf) =	vpush v0, $0x0  }
0x4c: {  	(v2sf) =	vpush v0, $0x1  }
0x4d: {  	(v2sf) =	vpush v0, $0x2;
	_ =	sdelay $0x1  }
0x4e: {  	(v2sf) =	vpush v0, $0x4  }
.Ltmp0:
0x4f: {  	(pc) =	sbr.rel @p0 .LBB2_2-.Ltmp0, $3  }
0x50: {  	(v2sf) =	vpush v0, $0x3  }
0x51: {  	(v2sf) =	vpush v0, $0x5;
	_ =	sdelay $0x1  }
0x52: {  	s16 =	sshra.s32 s19, $0x2;
	(v2sf) =	vpush v0, $0x6  }
0x53: {  	_ =	sdelay $0x1  }
0x54: {  	s0 =	sadd.s32 $0x480, s16;
	s19 =	sadd.s32 $0x980, s16  }
0x55: {  	s2 =	sadd.s32 $0x780, s16;
	s17 =	sadd.s32 $0xA00, s16;
	(v2sf) =	vpush v0, $0x7;
	s5 =	sadd.s32 $0x680, s16  }
0x56: {  	s11 =	sadd.s32 $0x800, s16;
	s18 =	sadd.s32 $0xA80, s16;
	s13 =	sadd.s32 $0x400, s16  }
0x57: {  	s20 =	sadd.s32 $0x600, s16;
	s21 =	sadd.s32 $0x700, s16;
	(v2sf) =	vpush v0, $0x8;
	s22 =	spop (v2sf)  }
0x58: {  	s23 =	sadd.s32 $0x500, s16;
	s22 =	sand.u32 $0x1FFFFFF0, s22;
	s24 =	spop (v2sf)  }
0x59: {  	(v2sf) =	vpush v0, $0x9;
	s22 =	sadd.s32 s4, s22;
	s24 =	sand.u32 $0x1FFFFFF0, s24;
	s25 =	spop (v2sf)  }
0x5a: {  	[tilespmem:s13], [sflag:$0x1] =	stream.linear.gather [hbm4b:s22+s15], $0x80, $0x38;
	[tilespmem:$0x10400] =	vst v63  }
0x5b: {  	(v2sf) =	vpush v0, $0xA;
	s26 =	sadd.s32 s4, s24;
	s29 =	sand.u32 $0x1FFFFFF0, s25;
	s28 =	spop (v2sf)  }
0x5c: {  	[tilespmem:s0], [sflag:$0x1] =	stream.linear.gather [hbm4b:s26+s15], $0x80, $0x38;
	[tilespmem:$0x10400] =	vst v63  }
0x5d: {  	s13 =	sadd.s32 $0x900, s16;
	(v2sf) =	vpush v0, $0xB;
	s22 =	sadd.s32 s4, s29;
	s30 =	spop (v2sf)  }
0x5e: {  	s0 =	sadd.s32 $0x880, s16;
	s26 =	sadd.s32 $0x580, s16;
	s25 =	sand.u32 $0x1FFFFFF0, s30  }
0x5f: {  	(v2sf) =	vpush v0, $0xC;
	[tilespmem:s23], [sflag:$0x1] =	stream.linear.gather [hbm4b:s22+s15], $0x80, $0x38;
	[tilespmem:$0x10400] =	vst v63  }
0x60: {  	s31 =	sand.u32 $0x1FFFFFF0, s28;
	s28 =	spop (v2sf);
	s29 =	sadd.s32 s4, s25  }
0x61: {  	(v2sf) =	vpush v0, $0xD;
	[tilespmem:s26], [sflag:$0x1] =	stream.linear.gather [hbm4b:s29+s15], $0x80, $0x38;
	[tilespmem:$0x10400] =	vst v63  }
0x62: {  	s22 =	sadd.s32 s4, s31;
	s23 =	sand.u32 $0x1FFFFFF0, s28;
	s30 =	spop (v2sf)  }
0x63: {  	(v2sf) =	vpush v0, $0xE;
	[tilespmem:s20], [sflag:$0x1] =	stream.linear.gather [hbm4b:s22+s15], $0x80, $0x38;
	[tilespmem:$0x10400] =	vst v63  }
0x64: {  	s23 =	sadd.s32 s4, s23;
	s31 =	sand.u32 $0x1FFFFFF0, s30;
	s24 =	spop (v2sf)  }
0x65: {  	(v2sf) =	vpush v0, $0xF;
	[tilespmem:s5], [sflag:$0x1] =	stream.linear.gather [hbm4b:s23+s15], $0x80, $0x38;
	[tilespmem:$0x10400] =	vst v63  }
0x66: {  	s25 =	sand.u32 $0x1FFFFFF0, s24;
	s26 =	spop (v2sf);
	s20 =	sadd.s32 s4, s31  }
0x67: {  	[tilespmem:s21], [sflag:$0x1] =	stream.linear.gather [hbm4b:s20+s15], $0x80, $0x38;
	[tilespmem:$0x10400] =	vst v63  }
0x68: {  	s28 =	sand.u32 $0x1FFFFFF0, s26;
	s5 =	sadd.s32 s4, s25;
	s29 =	spop (v2sf)  }
0x69: {  	[tilespmem:s2], [sflag:$0x1] =	stream.linear.gather [hbm4b:s5+s15], $0x80, $0x38;
	[tilespmem:$0x10400] =	vst v63  }
0x6a: {  	s20 =	sadd.s32 s4, s28;
	s30 =	sand.u32 $0x1FFFFFF0, s29;
	s31 =	spop (v2sf)  }
0x6b: {  	[tilespmem:s11], [sflag:$0x1] =	stream.linear.gather [hbm4b:s20+s15], $0x80, $0x38;
	[tilespmem:$0x10400] =	vst v63  }
0x6c: {  	s5 =	sand.u32 $0x1FFFFFF0, s31;
	s2 =	sadd.s32 s4, s30;
	s20 =	spop (v2sf)  }
0x6d: {  	[tilespmem:s0], [sflag:$0x1] =	stream.linear.gather [hbm4b:s2+s15], $0x80, $0x38;
	[tilespmem:$0x10400] =	vst v63  }
0x6e: {  	s5 =	sadd.s32 s4, s5;
	s21 =	sand.u32 $0x1FFFFFF0, s20;
	s22 =	spop (v2sf)  }
0x6f: {  	[tilespmem:s13], [sflag:$0x1] =	stream.linear.gather [hbm4b:s5+s15], $0x80, $0x38;
	[tilespmem:$0x10400] =	vst v63  }
0x70: {  	s0 =	sadd.s32 s4, s21;
	s2 =	sand.u32 $0x1FFFFFF0, s22;
	s23 =	spop (v2sf)  }
0x71: {  	[tilespmem:s19], [sflag:$0x1] =	stream.linear.gather [hbm4b:s0+s15], $0x80, $0x38;
	[tilespmem:$0x10400] =	vst v63  }
0x72: {  	s24 =	sand.u32 $0x1FFFFFF0, s23;
	s2 =	sadd.s32 s4, s2;
	s25 =	spop (v2sf)  }
0x73: {  	[tilespmem:s17], [sflag:$0x1] =	stream.linear.gather [hbm4b:s2+s15], $0x80, $0x38;
	[tilespmem:$0x10400] =	vst v63  }
0x74: {  	s26 =	sand.u32 $0x1FFFFFF0, s25;
	s28 =	spop (v2sf);
	s0 =	sadd.s32 s4, s24  }
0x75: {  	[tilespmem:s18], [sflag:$0x1] =	stream.linear.gather [hbm4b:s0+s15], $0x80, $0x38;
	[tilespmem:$0x10400] =	vst v63  }
0x76: {  	s30 =	sadd.s32 $0xB00, s16;
	s29 =	sand.u32 $0x1FFFFFF0, s28;
	s2 =	sadd.s32 s4, s26  }
0x77: {  	[tilespmem:s30], [sflag:$0x1] =	stream.linear.gather [hbm4b:s2+s15], $0x80, $0x38;
	[tilespmem:$0x10400] =	vst v63  }
0x78: {  	s31 =	sadd.s32 $0xB80, s16;
	s16 =	simm.s32 $0x200;
	s0 =	sadd.s32 s4, s29  }
0x79: {  	[tilespmem:s31], [sflag:$0x1] =	stream.linear.gather [hbm4b:s0+s15], $0x80, $0x38;
	[tilespmem:$0x10400] =	vst v63  }
0x7a: {  	v0 =	vld [tilespmem:s16+$0x0];
	_ =	sdelay $0x4  }
0x7b: {  	v0 =	vshll.u32 v0, $0x4  }
0x7c: {  	(v2sf) =	vpush v0, $0x0  }
0x7d: {  	(v2sf) =	vpush v0, $0x1  }
0x7e: {  	(v2sf) =	vpush v0, $0x2;
	_ =	sdelay $0x1  }
0x7f: {  	(v2sf) =	vpush v0, $0x4;
	_ =	sdelay $0x1  }
0x80: {  	(v2sf) =	vpush v0, $0x3  }
0x81: {  	(v2sf) =	vpush v0, $0x5  }
0x82: {  	s17 =	simm.s32 $0x2000;
	s15 =	simm.s32 $0x0;
	(v2sf) =	vpush v0, $0x6  }
.LBB2_4:
0x83: {  	p0 =	sne.s32 s17, $0x1E000  }
0x84: {  	s0 =	sadd.s32 $0x8480, s15;
	s21 =	sadd.s32 $0x8980, s15;
	s18 =	smov.u32 s17  }
0x85: {  	s17 =	sadd.s32 $0x2000, s17;
	s24 =	sadd.s32 $0x8780, s15;
	s19 =	sadd.s32 $0x8A00, s15;
	(v2sf) =	vpush v0, $0x7  }
0x86: {  	s26 =	sadd.s32 $0x8680, s15;
	s23 =	sadd.s32 $0x8800, s15;
	s20 =	sadd.s32 $0x8A80, s15  }
0x87: {  	s2 =	sadd.s32 $0x8400, s15;
	s5 =	sadd.s32 $0x8600, s15;
	(v2sf) =	vpush v0, $0x8  }
0x88: {  	s11 =	sadd.s32 $0x8700, s15;
	s16 =	sadd.s32 $0x10, s16  }
0x89: {  	s13 =	sadd.s32 $0x8500, s15;
	s22 =	sadd.s32 $0x8900, s15;
	s25 =	spop (v2sf);
	(v2sf) =	vpush v0, $0x9  }
0x8a: {  	s28 =	sand.u32 $0x1FFFFFF0, s25;
	s25 =	sadd.s32 $0x8880, s15;
	s29 =	spop (v2sf)  }
0x8b: {  	s28 =	sadd.s32 s1, s28;
	s29 =	sand.u32 $0x1FFFFFF0, s29;
	s30 =	spop (v2sf);
	(v2sf) =	vpush v0, $0xA  }
0x8c: {  	[tilespmem:s2], [sflag:$0x1] =	stream.linear.gather [hbm4b:s28+s3], $0x80, $0x38;
	[tilespmem:$0x10400] =	vst v63  }
0x8d: {  	s2 =	sadd.s32 s1, s29;
	s28 =	sadd.s32 $0x8580, s15;
	s29 =	spop (v2sf);
	(v2sf) =	vpush v0, $0xB  }
0x8e: {  	[tilespmem:s0], [sflag:$0x1] =	stream.linear.gather [hbm4b:s2+s3], $0x80, $0x38;
	[tilespmem:$0x10400] =	vst v63  }
0x8f: {  	s0 =	sand.u32 $0x1FFFFFF0, s30;
	s2 =	sand.u32 $0x1FFFFFF0, s29;
	s29 =	spop (v2sf);
	(v2sf) =	vpush v0, $0xC  }
0x90: {  	s0 =	sadd.s32 s1, s0;
	s29 =	sand.u32 $0x1FFFFFF0, s29;
	s30 =	spop (v2sf)  }
0x91: {  	[tilespmem:s13], [sflag:$0x1] =	stream.linear.gather [hbm4b:s0+s3], $0x80, $0x38;
	(v2sf) =	vpush v0, $0xD;
	[tilespmem:$0x10400] =	vst v63  }
0x92: {  	s0 =	sadd.s32 s1, s29;
	s13 =	sand.u32 $0x1FFFFFF0, s30;
	s29 =	spop (v2sf)  }
0x93: {  	[tilespmem:s28], [sflag:$0x1] =	stream.linear.gather [hbm4b:s0+s3], $0x80, $0x38;
	(v2sf) =	vpush v0, $0xE;
	[tilespmem:$0x10400] =	vst v63  }
0x94: {  	s0 =	sadd.s32 s1, s2;
	s2 =	sand.u32 $0x1FFFFFF0, s29;
	s28 =	spop (v2sf)  }
0x95: {  	[tilespmem:s5], [sflag:$0x1] =	stream.linear.gather [hbm4b:s0+s3], $0x80, $0x38;
	(v2sf) =	vpush v0, $0xF;
	[tilespmem:$0x10400] =	vst v63  }
0x96: {  	s0 =	sadd.s32 s1, s13;
	s5 =	sand.u32 $0x1FFFFFF0, s28;
	s13 =	spop (v2sf)  }
0x97: {  	[tilespmem:s26], [sflag:$0x1] =	stream.linear.gather [hbm4b:s0+s3], $0x80, $0x38;
	[tilespmem:$0x10400] =	vst v63  }
0x98: {  	s0 =	sadd.s32 s1, s2;
	s2 =	sand.u32 $0x1FFFFFF0, s13;
	s13 =	spop (v2sf)  }
0x99: {  	[tilespmem:s11], [sflag:$0x1] =	stream.linear.gather [hbm4b:s0+s3], $0x80, $0x38;
	[tilespmem:$0x10400] =	vst v63  }
0x9a: {  	s0 =	sadd.s32 s1, s5;
	s5 =	sand.u32 $0x1FFFFFF0, s13;
	s11 =	spop (v2sf)  }
0x9b: {  	[tilespmem:s24], [sflag:$0x1] =	stream.linear.gather [hbm4b:s0+s3], $0x80, $0x38;
	[tilespmem:$0x10400] =	vst v63  }
0x9c: {  	s0 =	sadd.s32 s1, s2;
	s2 =	sand.u32 $0x1FFFFFF0, s11;
	s11 =	spop (v2sf)  }
0x9d: {  	[tilespmem:s23], [sflag:$0x1] =	stream.linear.gather [hbm4b:s0+s3], $0x80, $0x38;
	[tilespmem:$0x10400] =	vst v63  }
0x9e: {  	s0 =	sadd.s32 s1, s5;
	s5 =	sand.u32 $0x1FFFFFF0, s11;
	s11 =	spop (v2sf)  }
0x9f: {  	[tilespmem:s25], [sflag:$0x1] =	stream.linear.gather [hbm4b:s0+s3], $0x80, $0x38;
	[tilespmem:$0x10400] =	vst v63  }
0xa0: {  	s0 =	sadd.s32 s1, s2;
	s2 =	sand.u32 $0x1FFFFFF0, s11;
	s11 =	spop (v2sf)  }
0xa1: {  	[tilespmem:s22], [sflag:$0x1] =	stream.linear.gather [hbm4b:s0+s3], $0x80, $0x38;
	[tilespmem:$0x10400] =	vst v63  }
0xa2: {  	s0 =	sadd.s32 s1, s5;
	s5 =	sand.u32 $0x1FFFFFF0, s11;
	s11 =	spop (v2sf)  }
0xa3: {  	[tilespmem:s21], [sflag:$0x1] =	stream.linear.gather [hbm4b:s0+s3], $0x80, $0x38;
	[tilespmem:$0x10400] =	vst v63  }
0xa4: {  	s0 =	sadd.s32 s1, s2;
	s2 =	sand.u32 $0x1FFFFFF0, s11;
	s11 =	spop (v2sf)  }
0xa5: {  	[tilespmem:s19], [sflag:$0x1] =	stream.linear.gather [hbm4b:s0+s3], $0x80, $0x38;
	[tilespmem:$0x10400] =	vst v63  }
0xa6: {  	s0 =	sadd.s32 s1, s5;
	s5 =	sand.u32 $0x1FFFFFF0, s11  }
0xa7: {  	[tilespmem:s20], [sflag:$0x1] =	stream.linear.gather [hbm4b:s0+s3], $0x80, $0x38;
	[tilespmem:$0x10400] =	vst v63  }
0xa8: {  	s2 =	sadd.s32 s1, s2;
	s0 =	sadd.s32 $0x8B00, s15  }
0xa9: {  	[tilespmem:s0], [sflag:$0x1] =	stream.linear.gather [hbm4b:s2+s3], $0x80, $0x38;
	[tilespmem:$0x10400] =	vst v63  }
0xaa: {  	s0 =	sadd.s32 $0x8B80, s15;
	s2 =	sadd.s32 s1, s5  }
0xab: {  	[tilespmem:s0], [sflag:$0x1] =	stream.linear.gather [hbm4b:s2+s3], $0x80, $0x38;
	[tilespmem:$0x10400] =	vst v63  }
0xac: {  	v0 =	vld [tilespmem:s16+$0x0];
	_ =	sdelay $0x4  }
0xad: {  	v0 =	vshll.u32 v0, $0x4  }
0xae: {  	(v2sf) =	vpush v0, $0x0  }
0xaf: {  	(v2sf) =	vpush v0, $0x1  }
0xb0: {  	(v2sf) =	vpush v0, $0x2;
	_ =	sdelay $0x1  }
0xb1: {  	(v2sf) =	vpush v0, $0x4  }
.Ltmp1:
0xb2: {  	(pc) =	sbr.rel @p0 .LBB2_4-.Ltmp1, $3  }
0xb3: {  	(v2sf) =	vpush v0, $0x3  }
0xb4: {  	(v2sf) =	vpush v0, $0x5;
	_ =	sdelay $0x1  }
0xb5: {  	s15 =	sshra.s32 s18, $0x2;
	(v2sf) =	vpush v0, $0x6  }
0xb6: {  	_ =	sdelay $0x1  }
0xb7: {  	s0 =	sadd.s32 $0x8480, s15;
	s18 =	sadd.s32 $0x8980, s15  }
0xb8: {  	s2 =	sadd.s32 $0x8780, s15;
	s16 =	sadd.s32 $0x8A00, s15;
	(v2sf) =	vpush v0, $0x7;
	s5 =	sadd.s32 $0x8680, s15  }
0xb9: {  	s11 =	sadd.s32 $0x8800, s15;
	s17 =	sadd.s32 $0x8A80, s15;
	s13 =	sadd.s32 $0x8400, s15  }
0xba: {  	s19 =	sadd.s32 $0x8600, s15;
	s20 =	sadd.s32 $0x8700, s15;
	(v2sf) =	vpush v0, $0x8;
	s21 =	spop (v2sf)  }
0xbb: {  	s22 =	sadd.s32 $0x8500, s15;
	s21 =	sand.u32 $0x1FFFFFF0, s21;
	s23 =	spop (v2sf)  }
0xbc: {  	(v2sf) =	vpush v0, $0x9;
	s21 =	sadd.s32 s1, s21;
	s23 =	sand.u32 $0x1FFFFFF0, s23;
	s24 =	spop (v2sf)  }
0xbd: {  	[tilespmem:s13], [sflag:$0x1] =	stream.linear.gather [hbm4b:s21+s3], $0x80, $0x38;
	[tilespmem:$0x10400] =	vst v63  }
0xbe: {  	s25 =	sadd.s32 $0x8580, s15;
	(v2sf) =	vpush v0, $0xA;
	s30 =	sadd.s32 s1, s23;
	s31 =	spop (v2sf)  }
0xbf: {  	[tilespmem:s0], [sflag:$0x1] =	stream.linear.gather [hbm4b:s30+s3], $0x80, $0x38;
	[tilespmem:$0x10400] =	vst v63  }
0xc0: {  	s13 =	sadd.s32 $0x8900, s15;
	s24 =	sand.u32 $0x1FFFFFF0, s24;
	(v2sf) =	vpush v0, $0xB;
	s26 =	spop (v2sf)  }
0xc1: {  	s21 =	sadd.s32 s1, s24;
	s0 =	sadd.s32 $0x8880, s15;
	s24 =	sand.u32 $0x1FFFFFF0, s26  }
0xc2: {  	(v2sf) =	vpush v0, $0xC;
	[tilespmem:s22], [sflag:$0x1] =	stream.linear.gather [hbm4b:s21+s3], $0x80, $0x38;
	[tilespmem:$0x10400] =	vst v63  }
0xc3: {  	s28 =	sand.u32 $0x1FFFFFF0, s31;
	s29 =	spop (v2sf);
	s30 =	sadd.s32 s1, s24  }
0xc4: {  	(v2sf) =	vpush v0, $0xD;
	[tilespmem:s25], [sflag:$0x1] =	stream.linear.gather [hbm4b:s30+s3], $0x80, $0x38;
	[tilespmem:$0x10400] =	vst v63  }
0xc5: {  	s21 =	sadd.s32 s1, s28;
	s22 =	sand.u32 $0x1FFFFFF0, s29;
	s31 =	spop (v2sf)  }
0xc6: {  	(v2sf) =	vpush v0, $0xE;
	[tilespmem:s19], [sflag:$0x1] =	stream.linear.gather [hbm4b:s21+s3], $0x80, $0x38;
	[tilespmem:$0x10400] =	vst v63  }
0xc7: {  	s22 =	sadd.s32 s1, s22;
	s23 =	sand.u32 $0x1FFFFFF0, s31;
	s24 =	spop (v2sf)  }
0xc8: {  	(v2sf) =	vpush v0, $0xF;
	[tilespmem:s5], [sflag:$0x1] =	stream.linear.gather [hbm4b:s22+s3], $0x80, $0x38;
	[tilespmem:$0x10400] =	vst v63  }
0xc9: {  	s25 =	sand.u32 $0x1FFFFFF0, s24;
	s26 =	spop (v2sf);
	s19 =	sadd.s32 s1, s23  }
0xca: {  	[tilespmem:s20], [sflag:$0x1] =	stream.linear.gather [hbm4b:s19+s3], $0x80, $0x38;
	[tilespmem:$0x10400] =	vst v63  }
0xcb: {  	s28 =	sand.u32 $0x1FFFFFF0, s26;
	s5 =	sadd.s32 s1, s25;
	s29 =	spop (v2sf)  }
0xcc: {  	[tilespmem:s2], [sflag:$0x1] =	stream.linear.gather [hbm4b:s5+s3], $0x80, $0x38;
	[tilespmem:$0x10400] =	vst v63  }
0xcd: {  	s19 =	sadd.s32 s1, s28;
	s30 =	sand.u32 $0x1FFFFFF0, s29;
	s31 =	spop (v2sf)  }
0xce: {  	[tilespmem:s11], [sflag:$0x1] =	stream.linear.gather [hbm4b:s19+s3], $0x80, $0x38;
	[tilespmem:$0x10400] =	vst v63  }
0xcf: {  	s5 =	sand.u32 $0x1FFFFFF0, s31;
	s2 =	sadd.s32 s1, s30;
	s20 =	spop (v2sf)  }
0xd0: {  	[tilespmem:s0], [sflag:$0x1] =	stream.linear.gather [hbm4b:s2+s3], $0x80, $0x38;
	[tilespmem:$0x10400] =	vst v63  }
0xd1: {  	s5 =	sadd.s32 s1, s5;
	s21 =	sand.u32 $0x1FFFFFF0, s20;
	s22 =	spop (v2sf)  }
0xd2: {  	[tilespmem:s13], [sflag:$0x1] =	stream.linear.gather [hbm4b:s5+s3], $0x80, $0x38;
	[tilespmem:$0x10400] =	vst v63  }
0xd3: {  	s0 =	sadd.s32 s1, s21;
	s2 =	sand.u32 $0x1FFFFFF0, s22;
	s23 =	spop (v2sf)  }
0xd4: {  	[tilespmem:s18], [sflag:$0x1] =	stream.linear.gather [hbm4b:s0+s3], $0x80, $0x38;
	[tilespmem:$0x10400] =	vst v63  }
0xd5: {  	s24 =	sand.u32 $0x1FFFFFF0, s23;
	s2 =	sadd.s32 s1, s2;
	s25 =	spop (v2sf)  }
0xd6: {  	[tilespmem:s16], [sflag:$0x1] =	stream.linear.gather [hbm4b:s2+s3], $0x80, $0x38;
	[tilespmem:$0x10400] =	vst v63  }
0xd7: {  	s26 =	sand.u32 $0x1FFFFFF0, s25;
	s28 =	spop (v2sf);
	s0 =	sadd.s32 s1, s24  }
0xd8: {  	[tilespmem:s17], [sflag:$0x1] =	stream.linear.gather [hbm4b:s0+s3], $0x80, $0x38;
	[tilespmem:$0x10400] =	vst v63  }
0xd9: {  	s30 =	sadd.s32 $0x8B00, s15;
	s29 =	sand.u32 $0x1FFFFFF0, s28;
	s2 =	sadd.s32 s1, s26  }
0xda: {  	[tilespmem:s30], [sflag:$0x1] =	stream.linear.gather [hbm4b:s2+s3], $0x80, $0x38;
	[tilespmem:$0x10400] =	vst v63  }
0xdb: {  	s31 =	sadd.s32 $0x8B80, s15;
	s0 =	sadd.s32 s1, s29  }
0xdc: {  	[tilespmem:s31], [sflag:$0x1] =	stream.linear.gather [hbm4b:s0+s3], $0x80, $0x38;
	[tilespmem:$0x10400] =	vst v63  }
0xdd: {  	_ =	swait.ge [sflag:s12], $0x8000  }
0xde: {  	[sflag:s12] =	ssyncset.done $0x0  }
0xdf: {  	[sflag:s12] =	ssyncadd.s32 $0xFFFF8000  }
0xe0: {  	_ =	swait.ge [sflag:s12], $0x8000  }
0xe1: {  	[sflag:s12] =	ssyncset.done $0x0  }
0xe2: {  	s15 =	simm.s32 $0x0;
	[sflag:s12] =	ssyncadd.s32 $0xFFFF8000  }
0xe3: {  	v5 =	vld [tilespmem:s15+$0x8400]  }
0xe4: {  	v6 =	vld [tilespmem:s15+$0x8410]  }
0xe5: {  	v1 =	vld [tilespmem:s15+$0x8420]  }
0xe6: {  	v0 =	vld [tilespmem:s15+$0x8430]  }
0xe7: {  	v2 =	vld [tilespmem:s15+$0x400]  }
0xe8: {  	v4 =	vld [tilespmem:s15+$0x410]  }
0xe9: {  	s16 =	simm.s32 $0x200;
	v3 =	vld [tilespmem:s15+$0x420]  }
.LBB2_6:
0xea: {  	s0 =	sshra.s32 s16, $0x2;
	p0 =	sne.s32 s16, $0x1FE00;
	v7 =	vld [tilespmem:s15+$0x430];
	v8 =	vmov v1  }
0xeb: {  	v9 =	vld [tilespmem:s0+$0x8400];
	v10 =	vmov v0  }
0xec: {  	v11 =	vld [tilespmem:s0+$0x8410];
	v2 =	vadd.f32 v5, v2  }
.Ltmp2:
0xed: {  	v1 =	vld [tilespmem:s0+$0x8420];
	v4 =	vadd.f32 v6, v4;
	(pc) =	sbr.rel @p0 .LBB2_6-.Ltmp2, $4  }
0xee: {  	v0 =	vld [tilespmem:s0+$0x8430];
	[tilespmem:s15+$0x400] =	vst v2;
	v3 =	vadd.f32 v8, v3  }
0xef: {  	v2 =	vld [tilespmem:s0+$0x400];
	[tilespmem:s15+$0x410] =	vst v4;
	v7 =	vadd.f32 v10, v7  }
0xf0: {  	v4 =	vld [tilespmem:s0+$0x410];
	[tilespmem:s15+$0x420] =	vst v3;
	v5 =	vmov v9  }
0xf1: {  	s16 =	sadd.s32 $0x200, s16;
	v3 =	vld [tilespmem:s0+$0x420];
	[tilespmem:s15+$0x430] =	vst v7;
	v6 =	vmov v11;
	s15 =	smov.u32 s0  }
0xf2: {  	v7 =	vld [tilespmem:s15+$0x430];
	_ =	sdelay $0x1  }
0xf3: {  	v2 =	vadd.f32 v5, v2  }
0xf4: {  	v4 =	vadd.f32 v6, v4  }
0xf5: {  	[tilespmem:s15+$0x400] =	vst v2;
	v1 =	vadd.f32 v1, v3  }
0xf6: {  	[tilespmem:s15+$0x410] =	vst v4;
	v0 =	vadd.f32 v0, v7  }
0xf7: {  	[tilespmem:s15+$0x420] =	vst v1  }
0xf8: {  	[tilespmem:s15+$0x430] =	vst v0;
	s15 =	simm.s32 $0x0  }
0xf9: {  	[hbm4b:s7+s15] =	stream.linear.scatter [tilespmem:s6], [sflag:$0x2], $0x8000, $0x38;
	[tilespmem:$0x10400] =	vst v63  }
0xfa: {  	_ =	swait.ge [sflag:s10], $0x8000  }
0xfb: {  	[sflag:s10] =	ssyncset.done $0x0  }
0xfc: {  	s16 =	sand.u32 $0xF0, s15;
	[sflag:s10] =	ssyncadd.s32 $0xFFFF8000  }
0xfd: {  	v0 =	vld [tilespmem:s16+$0x100];
	_ =	sdelay $0x4  }
0xfe: {  	v0 =	vshll.u32 v0, $0x4  }
0xff: {  	(v2sf) =	vpush v0, $0x0  }
0x100: {  	(v2sf) =	vpush v0, $0x2  }
0x101: {  	(v2sf) =	vpush v0, $0x1;
	_ =	sdelay $0x1  }
0x102: {  	(v2sf) =	vpush v0, $0x3  }
0x103: {  	(v2sf) =	vpush v0, $0x4;
	_ =	sdelay $0x2  }
0x104: {  	s17 =	simm.s32 $0x2000;
	s19 =	simm.s32 $0x10;
	s18 =	simm.s32 $0x0  }
.LBB2_8:
0x105: {  	p0 =	sne.s32 s17, $0x1E000;
	(v2sf) =	vpush v0, $0x5;
	s0 =	smov.u32 s17;
	s17 =	sadd.s32 $0x2000, s17  }
0x106: {  	s20 =	sshra.s32 s18, $0x2;
	s18 =	smov.u32 s0  }
0x107: {  	s0 =	sadd.s32 $0x480, s20;
	(v2sf) =	vpush v0, $0x6  }
0x108: {  	s2 =	sadd.s32 $0x400, s20  }
0x109: {  	s23 =	sadd.s32 $0x980, s20;
	s22 =	sadd.s32 $0xA00, s20;
	s21 =	sadd.s32 $0xA80, s20;
	(v2sf) =	vpush v0, $0x7  }
0x10a: {  	s26 =	sadd.s32 $0x800, s20;
	s25 =	sadd.s32 $0x880, s20;
	s24 =	sadd.s32 $0x900, s20  }
0x10b: {  	s5 =	sadd.s32 $0x700, s20;
	s28 =	sadd.s32 $0x780, s20;
	s11 =	spop (v2sf);
	(v2sf) =	vpush v0, $0x8  }
0x10c: {  	s13 =	sadd.s32 $0x500, s20;
	s11 =	sand.u32 $0x1FFFFFF0, s11;
	s29 =	spop (v2sf)  }
0x10d: {  	s30 =	sadd.s32 $0x680, s20;
	s11 =	sadd.s32 s4, s11;
	s31 =	spop (v2sf);
	(v2sf) =	vpush v0, $0x9  }
0x10e: {  	[tilespmem:s2], [sflag:$0x1] =	stream.linear.gather [hbm4b:s11+s15], $0x80, $0x38;
	[tilespmem:$0x10400] =	vst v63  }
0x10f: {  	s2 =	sand.u32 $0x1FFFFFF0, s31;
	s11 =	sand.u32 $0x1FFFFFF0, s29;
	s29 =	spop (v2sf);
	(v2sf) =	vpush v0, $0xA  }
0x110: {  	s31 =	sadd.s32 $0x600, s20;
	s2 =	sadd.s32 s4, s2;
	s6 =	spop (v2sf)  }
0x111: {  	[tilespmem:s0], [sflag:$0x1] =	stream.linear.gather [hbm4b:s2+s15], $0x80, $0x38;
	(v2sf) =	vpush v0, $0xB;
	[tilespmem:$0x10400] =	vst v63  }
0x112: {  	s0 =	sadd.s32 s4, s11;
	s2 =	sand.u32 $0x1FFFFFF0, s29;
	s6 =	sand.u32 $0x1FFFFFF0, s6  }
0x113: {  	[tilespmem:s13], [sflag:$0x1] =	stream.linear.gather [hbm4b:s0+s15], $0x80, $0x38;
	(v2sf) =	vpush v0, $0xC;
	[tilespmem:$0x10400] =	vst v63  }
0x114: {  	s2 =	sadd.s32 s4, s2;
	s0 =	sadd.s32 $0x580, s20;
	s11 =	spop (v2sf)  }
0x115: {  	[tilespmem:s0], [sflag:$0x1] =	stream.linear.gather [hbm4b:s2+s15], $0x80, $0x38;
	(v2sf) =	vpush v0, $0xD;
	[tilespmem:$0x10400] =	vst v63  }
0x116: {  	s0 =	sadd.s32 s4, s6;
	s2 =	sand.u32 $0x1FFFFFF0, s11;
	s6 =	spop (v2sf)  }
0x117: {  	[tilespmem:s31], [sflag:$0x1] =	stream.linear.gather [hbm4b:s0+s15], $0x80, $0x38;
	(v2sf) =	vpush v0, $0xE;
	[tilespmem:$0x10400] =	vst v63  }
0x118: {  	s0 =	sadd.s32 s4, s2;
	s2 =	sand.u32 $0x1FFFFFF0, s6;
	s6 =	spop (v2sf)  }
0x119: {  	[tilespmem:s30], [sflag:$0x1] =	stream.linear.gather [hbm4b:s0+s15], $0x80, $0x38;
	(v2sf) =	vpush v0, $0xF;
	[tilespmem:$0x10400] =	vst v63  }
0x11a: {  	s0 =	sadd.s32 s4, s2;
	s2 =	sand.u32 $0x1FFFFFF0, s6;
	s6 =	spop (v2sf)  }
0x11b: {  	[tilespmem:s5], [sflag:$0x1] =	stream.linear.gather [hbm4b:s0+s15], $0x80, $0x38;
	[tilespmem:$0x10400] =	vst v63  }
0x11c: {  	s0 =	sadd.s32 s4, s2;
	s2 =	sand.u32 $0x1FFFFFF0, s6;
	s5 =	spop (v2sf)  }
0x11d: {  	[tilespmem:s28], [sflag:$0x1] =	stream.linear.gather [hbm4b:s0+s15], $0x80, $0x38;
	[tilespmem:$0x10400] =	vst v63  }
0x11e: {  	s0 =	sadd.s32 s4, s2;
	s2 =	sand.u32 $0x1FFFFFF0, s5;
	s5 =	spop (v2sf)  }
0x11f: {  	[tilespmem:s26], [sflag:$0x1] =	stream.linear.gather [hbm4b:s0+s15], $0x80, $0x38;
	[tilespmem:$0x10400] =	vst v63  }
0x120: {  	s0 =	sadd.s32 s4, s2;
	s2 =	sand.u32 $0x1FFFFFF0, s5;
	s5 =	spop (v2sf)  }
0x121: {  	[tilespmem:s25], [sflag:$0x1] =	stream.linear.gather [hbm4b:s0+s15], $0x80, $0x38;
	[tilespmem:$0x10400] =	vst v63  }
0x122: {  	s0 =	sadd.s32 s4, s2;
	s2 =	sand.u32 $0x1FFFFFF0, s5;
	s5 =	spop (v2sf)  }
0x123: {  	[tilespmem:s24], [sflag:$0x1] =	stream.linear.gather [hbm4b:s0+s15], $0x80, $0x38;
	[tilespmem:$0x10400] =	vst v63  }
0x124: {  	s0 =	sadd.s32 s4, s2;
	s2 =	sand.u32 $0x1FFFFFF0, s5;
	s5 =	spop (v2sf)  }
0x125: {  	[tilespmem:s23], [sflag:$0x1] =	stream.linear.gather [hbm4b:s0+s15], $0x80, $0x38;
	[tilespmem:$0x10400] =	vst v63  }
0x126: {  	s0 =	sadd.s32 s4, s2;
	s2 =	sand.u32 $0x1FFFFFF0, s5;
	s5 =	spop (v2sf)  }
0x127: {  	[tilespmem:s22], [sflag:$0x1] =	stream.linear.gather [hbm4b:s0+s15], $0x80, $0x38;
	[tilespmem:$0x10400] =	vst v63  }
0x128: {  	s0 =	sadd.s32 s4, s2;
	s2 =	sand.u32 $0x1FFFFFF0, s5;
	s5 =	spop (v2sf)  }
0x129: {  	[tilespmem:s21], [sflag:$0x1] =	stream.linear.gather [hbm4b:s0+s15], $0x80, $0x38;
	[tilespmem:$0x10400] =	vst v63  }
0x12a: {  	s2 =	sadd.s32 s4, s2;
	s0 =	sadd.s32 $0xB00, s20;
	s5 =	sand.u32 $0x1FFFFFF0, s5  }
0x12b: {  	[tilespmem:s0], [sflag:$0x1] =	stream.linear.gather [hbm4b:s2+s15], $0x80, $0x38;
	[tilespmem:$0x10400] =	vst v63  }
0x12c: {  	s5 =	sadd.s32 s4, s5;
	s0 =	sand.u32 $0xF0, s19;
	s2 =	sadd.s32 $0xB80, s20  }
0x12d: {  	[tilespmem:s2], [sflag:$0x1] =	stream.linear.gather [hbm4b:s5+s15], $0x80, $0x38;
	[tilespmem:$0x10400] =	vst v63  }
0x12e: {  	v0 =	vld [tilespmem:s0+$0x100];
	_ =	sdelay $0x4  }
0x12f: {  	v0 =	vshll.u32 v0, $0x4  }
0x130: {  	(v2sf) =	vpush v0, $0x0  }
0x131: {  	(v2sf) =	vpush v0, $0x2  }
0x132: {  	(v2sf) =	vpush v0, $0x1;
	_ =	sdelay $0x1  }
.Ltmp3:
0x133: {  	(v2sf) =	vpush v0, $0x3;
	(pc) =	sbr.rel @p0 .LBB2_8-.Ltmp3, $2  }
0x134: {  	(v2sf) =	vpush v0, $0x4;
	_ =	sdelay $0x2  }
0x135: {  	s19 =	sadd.s32 $0x10, s19  }
0x136: {  	(v2sf) =	vpush v0, $0x5;
	_ =	sdelay $0x1  }
0x137: {  	s17 =	sshra.s32 s18, $0x2;
	(v2sf) =	vpush v0, $0x6  }
0x138: {  	s0 =	sadd.s32 $0x480, s17;
	s2 =	sadd.s32 $0x400, s17  }
0x139: {  	s20 =	sadd.s32 $0x980, s17;
	s19 =	sadd.s32 $0xA00, s17;
	s18 =	sadd.s32 $0xA80, s17;
	(v2sf) =	vpush v0, $0x7  }
0x13a: {  	s5 =	sadd.s32 $0x800, s17;
	s6 =	sadd.s32 $0x880, s17;
	s11 =	sadd.s32 $0x900, s17  }
0x13b: {  	s13 =	sadd.s32 $0x700, s17;
	s21 =	sadd.s32 $0x780, s17;
	s22 =	spop (v2sf);
	(v2sf) =	vpush v0, $0x8  }
0x13c: {  	s23 =	sadd.s32 $0x500, s17;
	s22 =	sand.u32 $0x1FFFFFF0, s22;
	s24 =	spop (v2sf)  }
0x13d: {  	s25 =	sadd.s32 $0x680, s17;
	s22 =	sadd.s32 s4, s22;
	s26 =	spop (v2sf);
	(v2sf) =	vpush v0, $0x9  }
0x13e: {  	[tilespmem:s2], [sflag:$0x1] =	stream.linear.gather [hbm4b:s22+s15], $0x80, $0x38;
	[tilespmem:$0x10400] =	vst v63  }
0x13f: {  	s30 =	sand.u32 $0x1FFFFFF0, s24;
	s29 =	sand.u32 $0x1FFFFFF0, s26;
	s31 =	spop (v2sf);
	(v2sf) =	vpush v0, $0xA  }
0x140: {  	s26 =	sadd.s32 $0x600, s17;
	s2 =	sadd.s32 s4, s29;
	s28 =	spop (v2sf)  }
0x141: {  	[tilespmem:s0], [sflag:$0x1] =	stream.linear.gather [hbm4b:s2+s15], $0x80, $0x38;
	(v2sf) =	vpush v0, $0xB;
	[tilespmem:$0x10400] =	vst v63  }
0x142: {  	s22 =	sadd.s32 s4, s30;
	s30 =	sadd.s32 $0x580, s17;
	s24 =	sand.u32 $0x1FFFFFF0, s31  }
0x143: {  	(v2sf) =	vpush v0, $0xC;
	[tilespmem:s23], [sflag:$0x1] =	stream.linear.gather [hbm4b:s22+s15], $0x80, $0x38;
	[tilespmem:$0x10400] =	vst v63  }
0x144: {  	s29 =	sand.u32 $0x1FFFFFF0, s28;
	s2 =	sadd.s32 s4, s24;
	s31 =	spop (v2sf)  }
0x145: {  	[tilespmem:s30], [sflag:$0x1] =	stream.linear.gather [hbm4b:s2+s15], $0x80, $0x38;
	(v2sf) =	vpush v0, $0xD;
	[tilespmem:$0x10400] =	vst v63  }
0x146: {  	s2 =	sadd.s32 s4, s29;
	s22 =	sand.u32 $0x1FFFFFF0, s31;
	s23 =	spop (v2sf)  }
0x147: {  	(v2sf) =	vpush v0, $0xE;
	[tilespmem:s26], [sflag:$0x1] =	stream.linear.gather [hbm4b:s2+s15], $0x80, $0x38;
	[tilespmem:$0x10400] =	vst v63  }
0x148: {  	s24 =	sadd.s32 s4, s22;
	s26 =	sand.u32 $0x1FFFFFF0, s23;
	s28 =	spop (v2sf)  }
0x149: {  	(v2sf) =	vpush v0, $0xF;
	[tilespmem:s25], [sflag:$0x1] =	stream.linear.gather [hbm4b:s24+s15], $0x80, $0x38;
	[tilespmem:$0x10400] =	vst v63  }
0x14a: {  	s29 =	sadd.s32 s4, s26;
	s30 =	sand.u32 $0x1FFFFFF0, s28;
	s31 =	spop (v2sf)  }
0x14b: {  	[tilespmem:s13], [sflag:$0x1] =	stream.linear.gather [hbm4b:s29+s15], $0x80, $0x38;
	[tilespmem:$0x10400] =	vst v63  }
0x14c: {  	s13 =	sadd.s32 s4, s30;
	s23 =	sand.u32 $0x1FFFFFF0, s31;
	s24 =	spop (v2sf)  }
0x14d: {  	[tilespmem:s21], [sflag:$0x1] =	stream.linear.gather [hbm4b:s13+s15], $0x80, $0x38;
	[tilespmem:$0x10400] =	vst v63  }
0x14e: {  	s25 =	sadd.s32 s4, s23;
	s26 =	sand.u32 $0x1FFFFFF0, s24;
	s28 =	spop (v2sf)  }
0x14f: {  	[tilespmem:s5], [sflag:$0x1] =	stream.linear.gather [hbm4b:s25+s15], $0x80, $0x38;
	[tilespmem:$0x10400] =	vst v63  }
0x150: {  	s29 =	sadd.s32 s4, s26;
	s30 =	sand.u32 $0x1FFFFFF0, s28;
	s31 =	spop (v2sf)  }
0x151: {  	[tilespmem:s6], [sflag:$0x1] =	stream.linear.gather [hbm4b:s29+s15], $0x80, $0x38;
	[tilespmem:$0x10400] =	vst v63  }
0x152: {  	s2 =	sadd.s32 s4, s30;
	s5 =	sand.u32 $0x1FFFFFF0, s31;
	s6 =	spop (v2sf)  }
0x153: {  	[tilespmem:s11], [sflag:$0x1] =	stream.linear.gather [hbm4b:s2+s15], $0x80, $0x38;
	[tilespmem:$0x10400] =	vst v63  }
0x154: {  	s13 =	sand.u32 $0x1FFFFFF0, s6;
	s11 =	sadd.s32 s4, s5;
	s21 =	spop (v2sf)  }
0x155: {  	[tilespmem:s20], [sflag:$0x1] =	stream.linear.gather [hbm4b:s11+s15], $0x80, $0x38;
	[tilespmem:$0x10400] =	vst v63  }
0x156: {  	s22 =	sadd.s32 s4, s13;
	s23 =	sand.u32 $0x1FFFFFF0, s21;
	s24 =	spop (v2sf)  }
0x157: {  	[tilespmem:s19], [sflag:$0x1] =	stream.linear.gather [hbm4b:s22+s15], $0x80, $0x38;
	[tilespmem:$0x10400] =	vst v63  }
0x158: {  	s25 =	sadd.s32 s4, s23;
	s26 =	sand.u32 $0x1FFFFFF0, s24;
	s28 =	spop (v2sf)  }
0x159: {  	[tilespmem:s18], [sflag:$0x1] =	stream.linear.gather [hbm4b:s25+s15], $0x80, $0x38;
	[tilespmem:$0x10400] =	vst v63  }
0x15a: {  	s29 =	sadd.s32 $0xB00, s17;
	s2 =	sadd.s32 s4, s26;
	s5 =	sand.u32 $0x1FFFFFF0, s28  }
0x15b: {  	[tilespmem:s29], [sflag:$0x1] =	stream.linear.gather [hbm4b:s2+s15], $0x80, $0x38;
	[tilespmem:$0x10400] =	vst v63  }
0x15c: {  	s30 =	sadd.s32 $0xB80, s17;
	s31 =	sadd.s32 s4, s5  }
0x15d: {  	[tilespmem:s30], [sflag:$0x1] =	stream.linear.gather [hbm4b:s31+s15], $0x80, $0x38;
	[tilespmem:$0x10400] =	vst v63  }
0x15e: {  	v0 =	vld [tilespmem:s16+$0x300];
	_ =	sdelay $0x4  }
0x15f: {  	v0 =	vshll.u32 v0, $0x4  }
0x160: {  	(v2sf) =	vpush v0, $0x0  }
0x161: {  	(v2sf) =	vpush v0, $0x2  }
0x162: {  	(v2sf) =	vpush v0, $0x1;
	_ =	sdelay $0x1  }
0x163: {  	(v2sf) =	vpush v0, $0x3  }
0x164: {  	(v2sf) =	vpush v0, $0x4;
	_ =	sdelay $0x2  }
0x165: {  	s17 =	simm.s32 $0x10;
	s16 =	simm.s32 $0x2000  }
.LBB2_10:
0x166: {  	p0 =	sne.s32 s16, $0x1E000;
	(v2sf) =	vpush v0, $0x5;
	s0 =	smov.u32 s16;
	s16 =	sadd.s32 $0x2000, s16  }
0x167: {  	s18 =	sshra.s32 s15, $0x2;
	s15 =	smov.u32 s0  }
0x168: {  	s0 =	sadd.s32 $0x8480, s18;
	(v2sf) =	vpush v0, $0x6  }
0x169: {  	s2 =	sadd.s32 $0x8400, s18  }
0x16a: {  	s21 =	sadd.s32 $0x8980, s18;
	s20 =	sadd.s32 $0x8A00, s18;
	s19 =	sadd.s32 $0x8A80, s18;
	(v2sf) =	vpush v0, $0x7  }
0x16b: {  	s24 =	sadd.s32 $0x8800, s18;
	s23 =	sadd.s32 $0x8880, s18;
	s22 =	sadd.s32 $0x8900, s18  }
0x16c: {  	s5 =	sadd.s32 $0x8700, s18;
	s25 =	sadd.s32 $0x8780, s18;
	s6 =	spop (v2sf);
	(v2sf) =	vpush v0, $0x8  }
0x16d: {  	s11 =	sadd.s32 $0x8500, s18;
	s6 =	sand.u32 $0x1FFFFFF0, s6;
	s13 =	spop (v2sf)  }
0x16e: {  	s26 =	sadd.s32 $0x8680, s18;
	s6 =	sadd.s32 s1, s6;
	s28 =	spop (v2sf);
	(v2sf) =	vpush v0, $0x9  }
0x16f: {  	[tilespmem:s2], [sflag:$0x1] =	stream.linear.gather [hbm4b:s6+s3], $0x80, $0x38;
	[tilespmem:$0x10400] =	vst v63  }
0x170: {  	s2 =	sand.u32 $0x1FFFFFF0, s28;
	s6 =	sand.u32 $0x1FFFFFF0, s13;
	s13 =	spop (v2sf);
	(v2sf) =	vpush v0, $0xA  }
0x171: {  	s28 =	sadd.s32 $0x8600, s18;
	s2 =	sadd.s32 s1, s2;
	s29 =	spop (v2sf)  }
0x172: {  	[tilespmem:s0], [sflag:$0x1] =	stream.linear.gather [hbm4b:s2+s3], $0x80, $0x38;
	(v2sf) =	vpush v0, $0xB;
	[tilespmem:$0x10400] =	vst v63  }
0x173: {  	s0 =	sadd.s32 s1, s6;
	s2 =	sand.u32 $0x1FFFFFF0, s13;
	s6 =	sand.u32 $0x1FFFFFF0, s29  }
0x174: {  	[tilespmem:s11], [sflag:$0x1] =	stream.linear.gather [hbm4b:s0+s3], $0x80, $0x38;
	(v2sf) =	vpush v0, $0xC;
	[tilespmem:$0x10400] =	vst v63  }
0x175: {  	s2 =	sadd.s32 s1, s2;
	s0 =	sadd.s32 $0x8580, s18;
	s11 =	spop (v2sf)  }
0x176: {  	[tilespmem:s0], [sflag:$0x1] =	stream.linear.gather [hbm4b:s2+s3], $0x80, $0x38;
	(v2sf) =	vpush v0, $0xD;
	[tilespmem:$0x10400] =	vst v63  }
0x177: {  	s0 =	sadd.s32 s1, s6;
	s2 =	sand.u32 $0x1FFFFFF0, s11;
	s6 =	spop (v2sf)  }
0x178: {  	[tilespmem:s28], [sflag:$0x1] =	stream.linear.gather [hbm4b:s0+s3], $0x80, $0x38;
	(v2sf) =	vpush v0, $0xE;
	[tilespmem:$0x10400] =	vst v63  }
0x179: {  	s0 =	sadd.s32 s1, s2;
	s2 =	sand.u32 $0x1FFFFFF0, s6;
	s6 =	spop (v2sf)  }
0x17a: {  	[tilespmem:s26], [sflag:$0x1] =	stream.linear.gather [hbm4b:s0+s3], $0x80, $0x38;
	(v2sf) =	vpush v0, $0xF;
	[tilespmem:$0x10400] =	vst v63  }
0x17b: {  	s0 =	sadd.s32 s1, s2;
	s2 =	sand.u32 $0x1FFFFFF0, s6;
	s6 =	spop (v2sf)  }
0x17c: {  	[tilespmem:s5], [sflag:$0x1] =	stream.linear.gather [hbm4b:s0+s3], $0x80, $0x38;
	[tilespmem:$0x10400] =	vst v63  }
0x17d: {  	s0 =	sadd.s32 s1, s2;
	s2 =	sand.u32 $0x1FFFFFF0, s6;
	s5 =	spop (v2sf)  }
0x17e: {  	[tilespmem:s25], [sflag:$0x1] =	stream.linear.gather [hbm4b:s0+s3], $0x80, $0x38;
	[tilespmem:$0x10400] =	vst v63  }
0x17f: {  	s0 =	sadd.s32 s1, s2;
	s2 =	sand.u32 $0x1FFFFFF0, s5;
	s5 =	spop (v2sf)  }
0x180: {  	[tilespmem:s24], [sflag:$0x1] =	stream.linear.gather [hbm4b:s0+s3], $0x80, $0x38;
	[tilespmem:$0x10400] =	vst v63  }
0x181: {  	s0 =	sadd.s32 s1, s2;
	s2 =	sand.u32 $0x1FFFFFF0, s5;
	s5 =	spop (v2sf)  }
0x182: {  	[tilespmem:s23], [sflag:$0x1] =	stream.linear.gather [hbm4b:s0+s3], $0x80, $0x38;
	[tilespmem:$0x10400] =	vst v63  }
0x183: {  	s0 =	sadd.s32 s1, s2;
	s2 =	sand.u32 $0x1FFFFFF0, s5;
	s5 =	spop (v2sf)  }
0x184: {  	[tilespmem:s22], [sflag:$0x1] =	stream.linear.gather [hbm4b:s0+s3], $0x80, $0x38;
	[tilespmem:$0x10400] =	vst v63  }
0x185: {  	s0 =	sadd.s32 s1, s2;
	s2 =	sand.u32 $0x1FFFFFF0, s5;
	s5 =	spop (v2sf)  }
0x186: {  	[tilespmem:s21], [sflag:$0x1] =	stream.linear.gather [hbm4b:s0+s3], $0x80, $0x38;
	[tilespmem:$0x10400] =	vst v63  }
0x187: {  	s0 =	sadd.s32 s1, s2;
	s2 =	sand.u32 $0x1FFFFFF0, s5;
	s5 =	spop (v2sf)  }
0x188: {  	[tilespmem:s20], [sflag:$0x1] =	stream.linear.gather [hbm4b:s0+s3], $0x80, $0x38;
	[tilespmem:$0x10400] =	vst v63  }
0x189: {  	s0 =	sadd.s32 s1, s2;
	s2 =	sand.u32 $0x1FFFFFF0, s5;
	s5 =	spop (v2sf)  }
0x18a: {  	[tilespmem:s19], [sflag:$0x1] =	stream.linear.gather [hbm4b:s0+s3], $0x80, $0x38;
	[tilespmem:$0x10400] =	vst v63  }
0x18b: {  	s2 =	sadd.s32 s1, s2;
	s0 =	sadd.s32 $0x8B00, s18;
	s5 =	sand.u32 $0x1FFFFFF0, s5  }
0x18c: {  	[tilespmem:s0], [sflag:$0x1] =	stream.linear.gather [hbm4b:s2+s3], $0x80, $0x38;
	[tilespmem:$0x10400] =	vst v63  }
0x18d: {  	s5 =	sadd.s32 s1, s5;
	s0 =	sand.u32 $0xF0, s17;
	s2 =	sadd.s32 $0x8B80, s18  }
0x18e: {  	[tilespmem:s2], [sflag:$0x1] =	stream.linear.gather [hbm4b:s5+s3], $0x80, $0x38;
	[tilespmem:$0x10400] =	vst v63  }
0x18f: {  	v0 =	vld [tilespmem:s0+$0x300];
	_ =	sdelay $0x4  }
0x190: {  	v0 =	vshll.u32 v0, $0x4  }
0x191: {  	(v2sf) =	vpush v0, $0x0  }
0x192: {  	(v2sf) =	vpush v0, $0x2  }
0x193: {  	(v2sf) =	vpush v0, $0x1;
	_ =	sdelay $0x1  }
.Ltmp4:
0x194: {  	(v2sf) =	vpush v0, $0x3;
	(pc) =	sbr.rel @p0 .LBB2_10-.Ltmp4, $2  }
0x195: {  	(v2sf) =	vpush v0, $0x4;
	_ =	sdelay $0x2  }
0x196: {  	s17 =	sadd.s32 $0x10, s17  }
0x197: {  	(v2sf) =	vpush v0, $0x5;
	_ =	sdelay $0x1  }
0x198: {  	s15 =	sshra.s32 s15, $0x2;
	(v2sf) =	vpush v0, $0x6  }
0x199: {  	s0 =	sadd.s32 $0x8480, s15;
	s2 =	sadd.s32 $0x8400, s15  }
0x19a: {  	s18 =	sadd.s32 $0x8980, s15;
	s17 =	sadd.s32 $0x8A00, s15;
	s16 =	sadd.s32 $0x8A80, s15;
	(v2sf) =	vpush v0, $0x7  }
0x19b: {  	s5 =	sadd.s32 $0x8800, s15;
	s6 =	sadd.s32 $0x8880, s15;
	s11 =	sadd.s32 $0x8900, s15  }
0x19c: {  	s13 =	sadd.s32 $0x8700, s15;
	s19 =	sadd.s32 $0x8780, s15;
	s20 =	spop (v2sf);
	(v2sf) =	vpush v0, $0x8  }
0x19d: {  	s21 =	sadd.s32 $0x8500, s15;
	s20 =	sand.u32 $0x1FFFFFF0, s20;
	s22 =	spop (v2sf)  }
0x19e: {  	s23 =	sadd.s32 $0x8680, s15;
	s20 =	sadd.s32 s1, s20;
	s24 =	spop (v2sf);
	(v2sf) =	vpush v0, $0x9  }
0x19f: {  	[tilespmem:s2], [sflag:$0x1] =	stream.linear.gather [hbm4b:s20+s3], $0x80, $0x38;
	[tilespmem:$0x10400] =	vst v63  }
0x1a0: {  	s26 =	sand.u32 $0x1FFFFFF0, s22;
	s25 =	sand.u32 $0x1FFFFFF0, s24;
	s28 =	spop (v2sf);
	(v2sf) =	vpush v0, $0xA  }
0x1a1: {  	s24 =	sadd.s32 $0x8600, s15;
	s2 =	sadd.s32 s1, s25;
	s25 =	spop (v2sf)  }
0x1a2: {  	[tilespmem:s0], [sflag:$0x1] =	stream.linear.gather [hbm4b:s2+s3], $0x80, $0x38;
	(v2sf) =	vpush v0, $0xB;
	[tilespmem:$0x10400] =	vst v63  }
0x1a3: {  	s29 =	sadd.s32 s1, s26;
	s30 =	sand.u32 $0x1FFFFFF0, s28;
	s31 =	sand.u32 $0x1FFFFFF0, s25  }
0x1a4: {  	(v2sf) =	vpush v0, $0xC;
	[tilespmem:s21], [sflag:$0x1] =	stream.linear.gather [hbm4b:s29+s3], $0x80, $0x38;
	[tilespmem:$0x10400] =	vst v63  }
0x1a5: {  	s2 =	sadd.s32 s1, s30;
	s21 =	sadd.s32 $0x8580, s15;
	s22 =	spop (v2sf)  }
0x1a6: {  	[tilespmem:s21], [sflag:$0x1] =	stream.linear.gather [hbm4b:s2+s3], $0x80, $0x38;
	(v2sf) =	vpush v0, $0xD;
	[tilespmem:$0x10400] =	vst v63  }
0x1a7: {  	s25 =	sadd.s32 s1, s31;
	s26 =	sand.u32 $0x1FFFFFF0, s22;
	s28 =	spop (v2sf)  }
0x1a8: {  	(v2sf) =	vpush v0, $0xE;
	[tilespmem:s24], [sflag:$0x1] =	stream.linear.gather [hbm4b:s25+s3], $0x80, $0x38;
	[tilespmem:$0x10400] =	vst v63  }
0x1a9: {  	s29 =	sadd.s32 s1, s26;
	s30 =	sand.u32 $0x1FFFFFF0, s28;
	s31 =	spop (v2sf)  }
0x1aa: {  	(v2sf) =	vpush v0, $0xF;
	[tilespmem:s23], [sflag:$0x1] =	stream.linear.gather [hbm4b:s29+s3], $0x80, $0x38;
	[tilespmem:$0x10400] =	vst v63  }
0x1ab: {  	s2 =	sadd.s32 s1, s30;
	s20 =	sand.u32 $0x1FFFFFF0, s31;
	s21 =	spop (v2sf)  }
0x1ac: {  	[tilespmem:s13], [sflag:$0x1] =	stream.linear.gather [hbm4b:s2+s3], $0x80, $0x38;
	[tilespmem:$0x10400] =	vst v63  }
0x1ad: {  	s22 =	sadd.s32 s1, s20;
	s23 =	sand.u32 $0x1FFFFFF0, s21;
	s24 =	spop (v2sf)  }
0x1ae: {  	[tilespmem:s19], [sflag:$0x1] =	stream.linear.gather [hbm4b:s22+s3], $0x80, $0x38;
	[tilespmem:$0x10400] =	vst v63  }
0x1af: {  	s25 =	sadd.s32 s1, s23;
	s26 =	sand.u32 $0x1FFFFFF0, s24;
	s28 =	spop (v2sf)  }
0x1b0: {  	[tilespmem:s5], [sflag:$0x1] =	stream.linear.gather [hbm4b:s25+s3], $0x80, $0x38;
	[tilespmem:$0x10400] =	vst v63  }
0x1b1: {  	s29 =	sadd.s32 s1, s26;
	s30 =	sand.u32 $0x1FFFFFF0, s28;
	s31 =	spop (v2sf)  }
0x1b2: {  	[tilespmem:s6], [sflag:$0x1] =	stream.linear.gather [hbm4b:s29+s3], $0x80, $0x38;
	[tilespmem:$0x10400] =	vst v63  }
0x1b3: {  	s2 =	sadd.s32 s1, s30;
	s6 =	sand.u32 $0x1FFFFFF0, s31;
	s13 =	spop (v2sf)  }
0x1b4: {  	[tilespmem:s11], [sflag:$0x1] =	stream.linear.gather [hbm4b:s2+s3], $0x80, $0x38;
	[tilespmem:$0x10400] =	vst v63  }
0x1b5: {  	s19 =	sadd.s32 s1, s6;
	s20 =	sand.u32 $0x1FFFFFF0, s13;
	s21 =	spop (v2sf)  }
0x1b6: {  	[tilespmem:s18], [sflag:$0x1] =	stream.linear.gather [hbm4b:s19+s3], $0x80, $0x38;
	[tilespmem:$0x10400] =	vst v63  }
0x1b7: {  	s22 =	sadd.s32 s1, s20;
	s23 =	sand.u32 $0x1FFFFFF0, s21;
	s24 =	spop (v2sf)  }
0x1b8: {  	[tilespmem:s17], [sflag:$0x1] =	stream.linear.gather [hbm4b:s22+s3], $0x80, $0x38;
	[tilespmem:$0x10400] =	vst v63  }
0x1b9: {  	s25 =	sadd.s32 s1, s23;
	s26 =	sand.u32 $0x1FFFFFF0, s24;
	s28 =	spop (v2sf)  }
0x1ba: {  	[tilespmem:s16], [sflag:$0x1] =	stream.linear.gather [hbm4b:s25+s3], $0x80, $0x38;
	[tilespmem:$0x10400] =	vst v63  }
0x1bb: {  	s29 =	sadd.s32 $0x8B00, s15;
	s2 =	sadd.s32 s1, s26;
	s5 =	sand.u32 $0x1FFFFFF0, s28  }
0x1bc: {  	[tilespmem:s29], [sflag:$0x1] =	stream.linear.gather [hbm4b:s2+s3], $0x80, $0x38;
	[tilespmem:$0x10400] =	vst v63  }
0x1bd: {  	s30 =	sadd.s32 $0x8B80, s15;
	s31 =	sadd.s32 s1, s5  }
0x1be: {  	[tilespmem:s30], [sflag:$0x1] =	stream.linear.gather [hbm4b:s31+s3], $0x80, $0x38;
	[tilespmem:$0x10400] =	vst v63  }
0x1bf: {  	_ =	swait.ge [sflag:s12], $0x8000  }
0x1c0: {  	[sflag:s12] =	ssyncset.done $0x0  }
0x1c1: {  	[sflag:s12] =	ssyncadd.s32 $0xFFFF8000  }
0x1c2: {  	_ =	swait.ge [sflag:s12], $0x8000  }
0x1c3: {  	[sflag:s12] =	ssyncset.done $0x0  }
0x1c4: {  	s15 =	simm.s32 $0x0;
	[sflag:s12] =	ssyncadd.s32 $0xFFFF8000  }
0x1c5: {  	v5 =	vld [tilespmem:s15+$0x8400]  }
0x1c6: {  	v6 =	vld [tilespmem:s15+$0x8410]  }
0x1c7: {  	v1 =	vld [tilespmem:s15+$0x8420]  }
0x1c8: {  	v0 =	vld [tilespmem:s15+$0x8430]  }
0x1c9: {  	v2 =	vld [tilespmem:s15+$0x400]  }
0x1ca: {  	v4 =	vld [tilespmem:s15+$0x410]  }
0x1cb: {  	s16 =	simm.s32 $0x200;
	v3 =	vld [tilespmem:s15+$0x420]  }
.LBB2_12:
0x1cc: {  	s0 =	sshra.s32 s16, $0x2;
	p0 =	sne.s32 s16, $0x1FE00;
	v7 =	vld [tilespmem:s15+$0x430];
	v8 =	vmov v1  }
0x1cd: {  	v9 =	vld [tilespmem:s0+$0x8400];
	v10 =	vmov v0  }
0x1ce: {  	v11 =	vld [tilespmem:s0+$0x8410];
	v2 =	vadd.f32 v5, v2  }
.Ltmp5:
0x1cf: {  	v1 =	vld [tilespmem:s0+$0x8420];
	v4 =	vadd.f32 v6, v4;
	(pc) =	sbr.rel @p0 .LBB2_12-.Ltmp5, $4  }
0x1d0: {  	v0 =	vld [tilespmem:s0+$0x8430];
	[tilespmem:s15+$0x400] =	vst v2;
	v3 =	vadd.f32 v8, v3  }
0x1d1: {  	v2 =	vld [tilespmem:s0+$0x400];
	[tilespmem:s15+$0x410] =	vst v4;
	v7 =	vadd.f32 v10, v7  }
0x1d2: {  	v4 =	vld [tilespmem:s0+$0x410];
	[tilespmem:s15+$0x420] =	vst v3;
	v5 =	vmov v9  }
0x1d3: {  	s16 =	sadd.s32 $0x200, s16;
	v3 =	vld [tilespmem:s0+$0x420];
	[tilespmem:s15+$0x430] =	vst v7;
	v6 =	vmov v11;
	s15 =	smov.u32 s0  }
0x1d4: {  	v7 =	vld [tilespmem:s15+$0x430];
	_ =	sdelay $0x1  }
0x1d5: {  	v2 =	vadd.f32 v5, v2  }
0x1d6: {  	v4 =	vadd.f32 v6, v4  }
0x1d7: {  	[tilespmem:s15+$0x400] =	vst v2;
	v1 =	vadd.f32 v1, v3  }
0x1d8: {  	s14 =	sadd.s32 $0x1, s14;
	[tilespmem:s15+$0x410] =	vst v4;
	v0 =	vadd.f32 v0, v7  }
0x1d9: {  	p0 =	sne.s32 s14, s9;
	[tilespmem:s15+$0x420] =	vst v1  }
.Ltmp6:
0x1da: {  	s6 =	simm.s32 $0x400;
	[tilespmem:s15+$0x430] =	vst v0;
	(pc) =	sbr.rel @p0 .LBB2_1-.Ltmp6, $4  }
0x1db: {  	[hbm4b:s8+s3] =	stream.linear.scatter [tilespmem:s6], [sflag:$0x2], $0x8000, $0x38;
	[tilespmem:$0x10400] =	vst v63  }
0x1dc: {  	_ =	swait.ge [sflag:s10], $0x8000  }
0x1dd: {  	[sflag:s10] =	ssyncset.done $0x0  }
0x1de: {  	[sflag:s10] =	ssyncadd.s32 $0xFFFF8000  }
0x1df: {  	_ =	sfence.sel $0x180000  }
0x1e0: {  	[bflag:$0x0] =	sbarrier.arrive $0xFFFF  }
0x1e1: {  	_ =	strace $0x90000047  }
0x1e2: {  	s0 =	stileid.u32;
	[bflag:$0x2] =	sbarrier.arrive $0xFFFF  }
0x1e3: {  	p0 =	sne.s32 s0, $0x0;
	s0 =	rddreg [dreg:$0x4]  }
0x1e4: {  	s0 =	sadd.s32 @!p0 $0x100000, s0  }
0x1e5: {  	[sflag:s0] =	ssyncadd.tile.s32 @!p0 $0x1;
	_ =	shalt  }
.Lfunc_end2:
_tile_overlayer_lowered:
.L_overlay_start_2:
0x1e6: {  	(tag) =	ssettag $0x2  }
0x1e7: {  	s0 =	rddreg [dreg:$0x0];
	s2 =	stileid.u32  }
0x1e8: {  	s1 =	rddreg [dreg:$0x1];
	p0 =	sne.s32 s2, $0x0  }
0x1e9: {  	s3 =	rddreg [dreg:$0x2];
	[bflag:$0x3] =	sbarrier.arrive $0xFFFF;
	s2 =	simm.s32 @!p0 $0x1C02  }
0x1ea: {  	[timem:s3], [sflag:s2] =	dma.local @!p0 [hbm:s0], s1  }
0x1eb: {  	s0 =	simm.s32 @!p0 $0x2  }
0x1ec: {  	_ =	swait.ge @!p0 [sflag:s0], s1  }
0x1ed: {  	s1 =	ssub.s32 @!p0 $0x0, s1;
	[sflag:s0] =	ssyncset.done @!p0 $0x0  }
0x1ee: {  	[sflag:s0] =	ssyncadd.s32 @!p0 s1  }
0x1ef: {  	[bflag:$0x3] =	sbarrier.arrive $0xFFFF  }
0x1f0: {  	_ =	shalt  }

// kernel: kernel.8.cloned.1.call-start
scs
__scs_entry_jumppad:
0x0: {  	(pc) =	sbr.rel $0x88, $3  }
0x1: {  	(tag) =	ssettag $0x0;
	lr =	simm.s32 $0x1  }
0x2: {  	[smem:$0x3F99] =	sst lr;
	_ =	strace $0xD0000000  }
0x3: {  	_ = 	snop  }
0x4: {  	_ = 	snop  }
0x5: {  	_ = 	snop  }
0x6: {  	_ = 	snop  }
0x7: {  	_ = 	snop  }
__scs_overlays_trampoline_lowered:
0x8: {  	[smem:$0x3FA8] =	sst s0  }
0x9: {  	[smem:$0x3FA9] =	sst s1  }
0xa: {  	[smem:$0x3FAA] =	sst s2  }
0xb: {  	[smem:$0x3FAB] =	sst s3  }
0xc: {  	[smem:$0x3FAC] =	sst s4  }
0xd: {  	[smem:$0x3FAD] =	sst s5  }
0xe: {  	[smem:$0x3FAE] =	sst s6  }
0xf: {  	[smem:$0x3FAF] =	sst s7  }
0x10: {  	[smem:$0x3FB0] =	sst s8  }
0x11: {  	[smem:$0x3FB1] =	sst s9;
	s0 =	simm.s32 @!p0 $0x0  }
0x12: {  	s1 =	sld [smem:$0x3F97];
	s0 =	simm.s32 @p0 $0x1  }
0x13: {  	[smem:$0x3FB2] =	sst s0;
	s0 =	simm.s32 @!p1 $0x0  }
0x14: {  	s2 =	sld [smem:$0x3F96];
	s0 =	simm.s32 @p1 $0x1  }
0x15: {  	[smem:$0x3FB3] =	sst s0;
	s0 =	simm.s32 @!p2 $0x0  }
0x16: {  	s3 =	sld [smem:$0x3FDB];
	s0 =	simm.s32 @p2 $0x1  }
0x17: {  	s4 =	simm.s32 $0x1BF5;
	[smem:$0x3FB5] =	sst s0  }
0x18: {  	s0 =	sld [smem:$0x3F98];
	_ =	swait.ge [sflag:s4], $0x0  }
0x19: {  	s7 =	sld [smem:$0x3F99]  }
0x1a: {  	s8 =	sadd.s32 $0xFFFFE003, lr  }
0x1b: {  	s9 =	sadd.s32 $0xFFFFFEF7, lr;
	s5 =	simm.s32 $0xFFFFFFFF;
	p2 =	slt.u32 s8, $0xFFFFF086  }
0x1c: {  	p1 =	slt.u32 s9, $0xF7A;
	s5 =	simm.s32 @!p2 $0x0  }
0x1d: {  	s5 =	simm.s32 @p1 $0x1;
	p0 =	seq.s32 s7, s2  }
0x1e: {  	s7 =	smul.u32 @!p0 $0xF7A, s2;
	p2 =	seq.s32 @!p0 s5, $0x0  }
0x1f: {  	s9 =	smul.u32 $0xF7A, s1;
	s8 =	simm.s32 @!p0 $0x1BF5;
	p2 =	por !p2, p0  }
0x20: {  	[sflag:s8] =	ssyncset.s32 @!p0 $0xFFFFF086;
	s6 =	sadd.s32 @!p0 s3, s7;
	s7 =	simm.s32 @!p0 $0x108  }
0x21: {  	s3 =	sadd.s32 s3, s9;
	s6 =	sadd.s32 @!p0 $0x88, s6;
	s7 =	simm.s32 @p2 $0x1082  }
0x22: {  	[simem:s7], [sflag:s8] =	dma.local @!p0 [hbm:s6], $0xF7A  }
0x23: {  	s9 =	sor.u32 $0xD0000000, s2;
	s6 =	simm.s32 $0x108;
	_ =	swait.ge @!p0 [sflag:s8], $0x0  }
0x24: {  	s3 =	sadd.s32 $0x88, s3;
	s6 =	simm.s32 @!p1 $0x1082;
	[sflag:s4] =	ssyncset.s32 $0xFFFFF086  }
0x25: {  	[simem:s6], [sflag:s4] =	dma.local [hbm:s3], $0xF7A  }
0x26: {  	[smem:$0x3F99] =	sst s1;
	(tag) =	ssettag s2;
	_ =	strace s9  }
0x27: {  	s1 =	sld [smem:$0x3FA9]  }
0x28: {  	s2 =	sld [smem:$0x3FAA]  }
0x29: {  	s4 =	sld [smem:$0x3FAC]  }
0x2a: {  	p0 =	seq.s32 s5, $0x0;
	s5 =	sld [smem:$0x3FAD]  }
0x2b: {  	s6 =	sld [smem:$0x3FAE]  }
0x2c: {  	s7 =	sld [smem:$0x3FAF]  }
0x2d: {  	s3 =	simm.s32 $0x108;
	s8 =	sld [smem:$0x3FB0]  }
0x2e: {  	s3 =	simm.s32 @!p0 $0x1082;
	s9 =	sld [smem:$0x3FB1]  }
0x2f: {  	lr =	sadd.s32 s0, s3;
	s0 =	sld [smem:$0x3FA8]  }
0x30: {  	s3 =	sld [smem:$0x3FAB]  }
0x31: {  	[smem:$0x3FB4] =	sst s10  }
0x32: {  	s10 =	sld [smem:$0x3FB2];
	_ =	sdelay $0x3  }
0x33: {  	p0 =	seq.s32 s10, $0x1;
	s10 =	sld [smem:$0x3FB4];
	_ =	sdelay $0x3  }
0x34: {  	[smem:$0x3FB4] =	sst s10  }
0x35: {  	s10 =	sld [smem:$0x3FB3];
	_ =	sdelay $0x3  }
0x36: {  	p1 =	seq.s32 s10, $0x1;
	s10 =	sld [smem:$0x3FB4];
	_ =	sdelay $0x3  }
0x37: {  	[smem:$0x3FB4] =	sst s10  }
0x38: {  	s10 =	sld [smem:$0x3FB5]  }
0x39: {  	_ = 	snop;
	(pc) =	sbr.ind lr, $3  }
0x3a: {  	_ = 	snop  }
0x3b: {  	_ = 	snop  }
0x3c: {  	p2 =	seq.s32 s10, $0x1;
	s10 =	sld [smem:$0x3FB4]  }
0x3d: {  	_ =	shalt  }
0x3e: {  	_ =	shalt  }
0x3f: {  	_ =	shalt  }
0x40: {  	_ =	shalt  }
0x41: {  	_ =	shalt  }
0x42: {  	_ =	shalt  }
0x43: {  	_ =	shalt  }
0x44: {  	_ =	shalt  }
0x45: {  	_ =	shalt  }
0x46: {  	_ =	shalt  }
0x47: {  	_ =	shalt  }
0x48: {  	_ =	shalt  }
0x49: {  	_ =	shalt  }
0x4a: {  	_ =	shalt  }
0x4b: {  	_ =	shalt  }
0x4c: {  	_ =	shalt  }
0x4d: {  	_ =	shalt  }
0x4e: {  	_ =	shalt  }
0x4f: {  	_ =	shalt  }
0x50: {  	_ =	shalt  }
0x51: {  	_ =	shalt  }
0x52: {  	_ =	shalt  }
0x53: {  	_ =	shalt  }
0x54: {  	_ =	shalt  }
0x55: {  	_ =	shalt  }
0x56: {  	_ =	shalt  }
0x57: {  	_ =	shalt  }
0x58: {  	_ =	shalt  }
0x59: {  	_ =	shalt  }
0x5a: {  	_ =	shalt  }
0x5b: {  	_ =	shalt  }
0x5c: {  	_ =	shalt  }
0x5d: {  	_ =	shalt  }
0x5e: {  	_ =	shalt  }
0x5f: {  	_ =	shalt  }
0x60: {  	_ =	shalt  }
0x61: {  	_ =	shalt  }
0x62: {  	_ =	shalt  }
0x63: {  	_ =	shalt  }
0x64: {  	_ =	shalt  }
0x65: {  	_ =	shalt  }
0x66: {  	_ =	shalt  }
0x67: {  	_ =	shalt  }
0x68: {  	_ =	shalt  }
0x69: {  	_ =	shalt  }
0x6a: {  	_ =	shalt  }
0x6b: {  	_ =	shalt  }
0x6c: {  	_ =	shalt  }
0x6d: {  	_ =	shalt  }
0x6e: {  	_ =	shalt  }
0x6f: {  	_ =	shalt  }
0x70: {  	_ =	shalt  }
0x71: {  	_ =	shalt  }
0x72: {  	_ =	shalt  }
0x73: {  	_ =	shalt  }
0x74: {  	_ =	shalt  }
0x75: {  	_ =	shalt  }
0x76: {  	_ =	shalt  }
0x77: {  	_ =	shalt  }
0x78: {  	_ =	shalt  }
0x79: {  	_ =	shalt  }
0x7a: {  	_ =	shalt  }
0x7b: {  	_ =	shalt  }
0x7c: {  	_ =	shalt  }
0x7d: {  	_ =	shalt  }
0x7e: {  	_ =	shalt  }
0x7f: {  	_ =	shalt  }
0x80: {  	_ =	shalt  }
0x81: {  	_ =	shalt  }
0x82: {  	_ =	shalt  }
0x83: {  	_ =	shalt  }
0x84: {  	_ =	shalt  }
0x85: {  	_ =	shalt  }
0x86: {  	_ =	shalt  }
0x87: {  	_ =	shalt  }
.Lfunc_end0:
.L_simem_size_0:
called_computation.1_lowered:
.L_overlay_start_0:
0x88: {  	s2 =	sld [smem:$0x3FD9]  }
0x89: {  	s3 =	sld [smem:$0x3FFE];
	_ =	sdelay $0x1  }
0x8a: {  	s1 =	srdreg.scid  }
0x8b: {  	s0 =	sand.u32 $0x1, s1  }
0x8c: {  	s17 =	sshll.u32 s0, $0xA;
	s2 =	sadd.s32 s3, s2  }
0x8d: {  	s2 =	sadd.s32 s2, s17  }
0x8e: {  	[smem:$0x3FC0] =	sst s2  }
0x8f: {  	_ = 	snop  }
0x90: {  	s18 =	sld [smem:$0x3FC9];
	(tm) =	ssettm $0x1  }
0x91: {  	s19 =	sld [smem:$0x3FFB];
	_ =	sdelay $0x3  }
0x92: {  	_ =	strace s19  }
0x93: {  	s2 =	sld [smem:$0x3FFC];
	_ =	sdelay $0x3  }
0x94: {  	_ =	strace s2  }
0x95: {  	s2 =	sld [smem:$0x3FFD];
	_ =	sdelay $0x3  }
0x96: {  	_ =	strace s2  }
0x97: {  	_ =	strace $0x8FFFFFFF  }
0x98: {  	s20 =	sld [smem:$0x3FDB];
	_ =	sdelay $0x1  }
0x99: {  	s4 =	simm.s32 $_scs_section_size  }
0x9a: {  	s5 =	simm.s32 $_size__tile_overlayer_lowered;
	s6 =	simm.s32 $_tile_overlayer_lowered  }
0x9b: {  	s7 =	simm.s32 $0x1BFF;
	s21 =	sshll.u32 s6, $0x1;
	s4 =	sadd.s32 s4, s20  }
0x9c: {  	s22 =	simm.s32 $0x0;
	s5 =	sshll.u32 s5, $0x1;
	s6 =	sadd.s32 s21, s4  }
0x9d: {  	[timem:s22], [sflag:s7] =	dma.local [hbm:s6], s5  }
0x9e: {  	_ =	swait.ge [sflag:s7], s5  }
0x9f: {  	s5 =	ssub.s32 $0x0, s5;
	[sflag:s7] =	ssyncset.done $0x0  }
0xa0: {  	[sflag:s7] =	ssyncadd.s32 s5;
	_ =	sdelay $0x1  }
0xa1: {  	s23 =	simm.s32 $0x1B8B  }
0xa2: {  	_ =	swait.ge [sflag:s23], $0x1  }
0xa3: {  	[sflag:s23] =	ssyncset.done $0x0  }
0xa4: {  	[sflag:s23] =	ssyncadd.s32 $0xFFFFFFFF  }
0xa5: {  	s5 =	sld [smem:$0x0]  }
0xa6: {  	s6 =	sand.u32 $0xFFFFFFFE, s1  }
0xa7: {  	p0 =	sne.s32 s1, s6  }
0xa8: {  	s6 =	sshll.u32 @p0 s6, $0xE  }
0xa9: {  	s6 =	sadd.s32 @p0 $0x11B8D, s6;
	s7 =	sshll.u32 @p0 s5, $0x11  }
0xaa: {  	s6 =	sor.u32 @p0 s7, s6  }
0xab: {  	[sflag:s6] =	ssyncadd.remote.s32 @p0 $0x1;
	_ =	sdelay $0x1  }
0xac: {  	s6 =	simm.s32 @p0 $0x1B8D  }
0xad: {  	_ =	swait.eq @p0 [sflag:s6], $0x1  }
0xae: {  	[sflag:s6] =	ssyncadd.s32 @p0 $0xFFFFFFFF  }
0xaf: {  	s7 =	sshll.u32 @!p0 s1, $0xE  }
0xb0: {  	s7 =	sor.u32 @!p0 $0x4000, s7;
	s6 =	simm.s32 @!p0 $0x1B8D  }
0xb1: {  	s5 =	sshll.u32 @!p0 s5, $0x11;
	s7 =	sadd.s32 @!p0 $0x11B8D, s7;
	_ =	swait.eq @!p0 [sflag:s6], $0x1  }
0xb2: {  	s5 =	sor.u32 @!p0 s5, s7;
	[sflag:s6] =	ssyncadd.s32 @!p0 $0xFFFFFFFF  }
0xb3: {  	s25 =	simm.s32 $0x1B8E;
	s24 =	sld [smem:$0x3FFE];
	[sflag:s5] =	ssyncadd.remote.s32 @!p0 $0x1  }
0xb4: {  	s26 =	simm.s32 $execute0_lowered;
	[smem:$0x3FD2] =	sst s25  }
0xb5: {  	s6 =	sshll.u32 s26, $0x1;
	_ =	strace $0x80000049;
	[dreg:$0x1] =	wrdreg $0xFFFFFFFF  }
0xb6: {  	s28 =	simm.s32 $_size_execute0_lowered;
	s4 =	sadd.s32 s4, s6;
	[dreg:$0x0] =	wrdreg $0x0  }
0xb7: {  	s6 =	sshll.u32 s28, $0x1;
	[dreg:$0x2] =	wrdreg s4  }
0xb8: {  	[dreg:$0x3] =	wrdreg s6  }
0xb9: {  	[dreg:$0x4] =	wrdreg $0xC0  }
0xba: {  	_ =	task [dreg:s22], $0x5FFFF  }
0xbb: {  	[dreg:$0x1] =	wrdreg $0xFFFFFFFF  }
0xbc: {  	[dreg:$0x0] =	wrdreg $0x60  }
0xbd: {  	[dreg:$0x2] =	wrdreg s24  }
0xbe: {  	[dreg:$0x3] =	wrdreg s18  }
0xbf: {  	[dreg:$0x4] =	wrdreg $0xA  }
0xc0: {  	_ =	task.clear_ibuf [dreg:s22], $0x5FFFF;
	_ =	strace $0x90000049  }
0xc1: {  	s29 =	simm.s32 $0xA;
	_ =	strace $0x8000004B  }
0xc2: {  	_ =	swait.ge [sflag:s29], $0x1  }
0xc3: {  	[sflag:s29] =	ssyncadd.s32 $0xFFFFFFFF  }
0xc4: {  	_ =	strace $0x9000004B  }
0xc5: {  	_ =	sfence  }
0xc6: {  	s30 =	sld [smem:$0x0];
	_ =	sdelay $0x2  }
0xc7: {  	s31 =	sshll.u32 s1, $0xD;
	s1 =	sshrl.u32 s1, $0x2  }
0xc8: {  	s4 =	sand.u32 $0x4000, s31;
	s1 =	sadd.s32 s1, s30  }
0xc9: {  	s0 =	sor.u32 s4, s0;
	s1 =	sshll.u32 s1, $0x11  }
0xca: {  	s0 =	sor.u32 s1, s0  }
0xcb: {  	s0 =	sadd.s32 $0x8F2B, s0  }
0xcc: {  	[sflag:s0] =	ssyncadd.remote.s32 $0x1  }
0xcd: {  	_ =	sfence.sel $0xFFFF  }
0xce: {  	[dreg:$0x0] =	wrdreg $0xFFFFFFFF;
	(pc) =	sbr.abs _section_cstart, $3  }
0xcf: {  	[dreg:$0x1] =	wrdreg $0xFFFFFFFF  }
0xd0: {  	_ =	task.clear_ibuf [dreg:s22], $0x2FFFF;
	_ =	strace $0x9FFFFFFF  }
0xd1: {  	(tm) =	ssettm $0x7FFFFFFF  }
tec
execute0_lowered:
.L_overlay_start_1:
0x0: {  	(tag) =	ssettag $0x1  }
0x1: {  	s4 =	rddreg [dreg:$0x0]  }
0x2: {  	s5 =	rddreg [dreg:$0x1]  }
0x3: {  	s3 =	srdreg.scid;
	s2 =	simm.s32 $0x0;
	s0 =	stileid.u32  }
0x4: {  	s11 =	simm.s32 $0x8200;
	s12 =	simm.s32 $0x0;
	s3 =	sand.u32 $0x1, s3  }
0x5: {  	[smem:$0x7FF] =	sst s2;
	s6 =	sshll.u32 s0, $0xA;
	s7 =	sshll.u32 s3, $0x9  }
0x6: {  	_ =	strace $0x8000004A;
	s30 =	ssub.s32 $0x2, s3;
	s6 =	sor.u32 s7, s6  }
0x7: {  	s3 =	sadd.s32 $0x1C8000, s4;
	s9 =	sshrl.u32 s30, $0x1;
	s8 =	sshll.u32 s6, $0x4  }
0x8: {  	s7 =	ssub.s32 s30, s9;
	s31 =	sshrl.u32 s6, $0x3;
	s9 =	simm.s32 $0x1  }
0x9: {  	s8 =	sadd.s32 s8, s4;
	s4 =	sadd.s32 s5, s31;
	s7 =	smax.u32 s7, $0x1  }
0xa: {  	s5 =	sadd.s32 $0x110A600, s8;
	s6 =	sadd.s32 $0x110B600, s8;
	s8 =	simm.s32 $0x2  }
.LBB2_1:
0xb: {  	[tilespmem:s2], [sflag:$0x2] =	stream.linear.gather [hbm4b:s4+s2], $0x200, $0x38;
	[tilespmem:$0x10200] =	vst v63  }
0xc: {  	_ =	swait.ge [sflag:s8], $0x200  }
0xd: {  	[sflag:s8] =	ssyncset.done $0x0  }
0xe: {  	[sflag:s8] =	ssyncadd.s32 $0xFFFFFE00  }
0xf: {  	v0 =	vld [tilespmem:s2+$0x0];
	_ =	sdelay $0x4  }
0x10: {  	v0 =	vshll.u32 v0, $0x4  }
0x11: {  	(v2sf) =	vpush v0, $0x0  }
0x12: {  	(v2sf) =	vpush v0, $0x1  }
0x13: {  	(v2sf) =	vpush v0, $0x2;
	_ =	sdelay $0x1  }
0x14: {  	(v2sf) =	vpush v0, $0x4;
	_ =	sdelay $0x1  }
0x15: {  	(v2sf) =	vpush v0, $0x3  }
0x16: {  	(v2sf) =	vpush v0, $0x5  }
0x17: {  	s15 =	simm.s32 $0x2000;
	s14 =	simm.s32 $0x0;
	s16 =	simm.s32 $0x0;
	(v2sf) =	vpush v0, $0x6  }
.LBB2_2:
0x18: {  	p0 =	sne.s32 s15, $0x1E000  }
0x19: {  	s26 =	sadd.s32 $0x280, s14;
	s20 =	sadd.s32 $0x780, s14;
	s17 =	smov.u32 s15  }
0x1a: {  	s15 =	sadd.s32 $0x2000, s15;
	s23 =	sadd.s32 $0x580, s14;
	s18 =	sadd.s32 $0x800, s14;
	(v2sf) =	vpush v0, $0x7  }
0x1b: {  	s25 =	sadd.s32 $0x480, s14;
	s21 =	sadd.s32 $0x600, s14;
	s19 =	sadd.s32 $0x880, s14  }
0x1c: {  	s28 =	sadd.s32 $0x200, s14;
	s29 =	sadd.s32 $0x400, s14;
	(v2sf) =	vpush v0, $0x8  }
0x1d: {  	s13 =	simm.s32 $0x0;
	s30 =	sadd.s32 $0x500, s14;
	s16 =	sadd.s32 $0x10, s16  }
0x1e: {  	s31 =	sadd.s32 $0x300, s14;
	s22 =	sadd.s32 $0x700, s14;
	s24 =	spop (v2sf);
	(v2sf) =	vpush v0, $0x9  }
0x1f: {  	s0 =	sand.u32 $0x1FFFFFF0, s24;
	s24 =	sadd.s32 $0x680, s14;
	s1 =	spop (v2sf)  }
0x20: {  	s0 =	sadd.s32 s3, s0;
	s1 =	sand.u32 $0x1FFFFFF0, s1;
	s10 =	spop (v2sf);
	(v2sf) =	vpush v0, $0xA  }
0x21: {  	[tilespmem:s28], [sflag:$0x1] =	stream.linear.gather [hbm4b:s0+s13], $0x80, $0x38;
	[tilespmem:$0x10200] =	vst v63  }
0x22: {  	s0 =	sadd.s32 s3, s1;
	s1 =	sadd.s32 $0x380, s14;
	s28 =	spop (v2sf);
	(v2sf) =	vpush v0, $0xB  }
0x23: {  	[tilespmem:s26], [sflag:$0x1] =	stream.linear.gather [hbm4b:s0+s13], $0x80, $0x38;
	[tilespmem:$0x10200] =	vst v63  }
0x24: {  	s0 =	sand.u32 $0x1FFFFFF0, s10;
	s10 =	sand.u32 $0x1FFFFFF0, s28;
	s26 =	spop (v2sf);
	(v2sf) =	vpush v0, $0xC  }
0x25: {  	s0 =	sadd.s32 s3, s0;
	s26 =	sand.u32 $0x1FFFFFF0, s26;
	s28 =	spop (v2sf)  }
0x26: {  	[tilespmem:s31], [sflag:$0x1] =	stream.linear.gather [hbm4b:s0+s13], $0x80, $0x38;
	(v2sf) =	vpush v0, $0xD;
	[tilespmem:$0x10200] =	vst v63  }
0x27: {  	s0 =	sadd.s32 s3, s26;
	s26 =	sand.u32 $0x1FFFFFF0, s28;
	s28 =	spop (v2sf)  }
0x28: {  	[tilespmem:s1], [sflag:$0x1] =	stream.linear.gather [hbm4b:s0+s13], $0x80, $0x38;
	(v2sf) =	vpush v0, $0xE;
	[tilespmem:$0x10200] =	vst v63  }
0x29: {  	s0 =	sadd.s32 s3, s10;
	s1 =	sand.u32 $0x1FFFFFF0, s28;
	s10 =	spop (v2sf)  }
0x2a: {  	[tilespmem:s29], [sflag:$0x1] =	stream.linear.gather [hbm4b:s0+s13], $0x80, $0x38;
	(v2sf) =	vpush v0, $0xF;
	[tilespmem:$0x10200] =	vst v63  }
0x2b: {  	s0 =	sadd.s32 s3, s26;
	s10 =	sand.u32 $0x1FFFFFF0, s10;
	s26 =	spop (v2sf)  }
0x2c: {  	[tilespmem:s25], [sflag:$0x1] =	stream.linear.gather [hbm4b:s0+s13], $0x80, $0x38;
	[tilespmem:$0x10200] =	vst v63  }
0x2d: {  	s0 =	sadd.s32 s3, s1;
	s1 =	sand.u32 $0x1FFFFFF0, s26;
	s25 =	spop (v2sf)  }
0x2e: {  	[tilespmem:s30], [sflag:$0x1] =	stream.linear.gather [hbm4b:s0+s13], $0x80, $0x38;
	[tilespmem:$0x10200] =	vst v63  }
0x2f: {  	s0 =	sadd.s32 s3, s10;
	s10 =	sand.u32 $0x1FFFFFF0, s25;
	s25 =	spop (v2sf)  }
0x30: {  	[tilespmem:s23], [sflag:$0x1] =	stream.linear.gather [hbm4b:s0+s13], $0x80, $0x38;
	[tilespmem:$0x10200] =	vst v63  }
0x31: {  	s0 =	sadd.s32 s3, s1;
	s1 =	sand.u32 $0x1FFFFFF0, s25;
	s23 =	spop (v2sf)  }
0x32: {  	[tilespmem:s21], [sflag:$0x1] =	stream.linear.gather [hbm4b:s0+s13], $0x80, $0x38;
	[tilespmem:$0x10200] =	vst v63  }
0x33: {  	s0 =	sadd.s32 s3, s10;
	s10 =	sand.u32 $0x1FFFFFF0, s23;
	s21 =	spop (v2sf)  }
0x34: {  	[tilespmem:s24], [sflag:$0x1] =	stream.linear.gather [hbm4b:s0+s13], $0x80, $0x38;
	[tilespmem:$0x10200] =	vst v63  }
0x35: {  	s0 =	sadd.s32 s3, s1;
	s1 =	sand.u32 $0x1FFFFFF0, s21;
	s21 =	spop (v2sf)  }
0x36: {  	[tilespmem:s22], [sflag:$0x1] =	stream.linear.gather [hbm4b:s0+s13], $0x80, $0x38;
	[tilespmem:$0x10200] =	vst v63  }
0x37: {  	s0 =	sadd.s32 s3, s10;
	s10 =	sand.u32 $0x1FFFFFF0, s21;
	s21 =	spop (v2sf)  }
0x38: {  	[tilespmem:s20], [sflag:$0x1] =	stream.linear.gather [hbm4b:s0+s13], $0x80, $0x38;
	[tilespmem:$0x10200] =	vst v63  }
0x39: {  	s0 =	sadd.s32 s3, s1;
	s1 =	sand.u32 $0x1FFFFFF0, s21;
	s20 =	spop (v2sf)  }
0x3a: {  	[tilespmem:s18], [sflag:$0x1] =	stream.linear.gather [hbm4b:s0+s13], $0x80, $0x38;
	[tilespmem:$0x10200] =	vst v63  }
0x3b: {  	s0 =	sadd.s32 s3, s10;
	s10 =	sand.u32 $0x1FFFFFF0, s20  }
0x3c: {  	[tilespmem:s19], [sflag:$0x1] =	stream.linear.gather [hbm4b:s0+s13], $0x80, $0x38;
	[tilespmem:$0x10200] =	vst v63  }
0x3d: {  	s1 =	sadd.s32 s3, s1;
	s0 =	sadd.s32 $0x900, s14  }
0x3e: {  	[tilespmem:s0], [sflag:$0x1] =	stream.linear.gather [hbm4b:s1+s13], $0x80, $0x38;
	[tilespmem:$0x10200] =	vst v63  }
0x3f: {  	s0 =	sadd.s32 $0x980, s14;
	s1 =	sadd.s32 s3, s10  }
0x40: {  	[tilespmem:s0], [sflag:$0x1] =	stream.linear.gather [hbm4b:s1+s13], $0x80, $0x38;
	[tilespmem:$0x10200] =	vst v63  }
0x41: {  	v0 =	vld [tilespmem:s16+$0x0];
	_ =	sdelay $0x4  }
0x42: {  	v0 =	vshll.u32 v0, $0x4  }
0x43: {  	(v2sf) =	vpush v0, $0x0  }
0x44: {  	(v2sf) =	vpush v0, $0x1  }
0x45: {  	(v2sf) =	vpush v0, $0x2;
	_ =	sdelay $0x1  }
0x46: {  	(v2sf) =	vpush v0, $0x4  }
.Ltmp0:
0x47: {  	(pc) =	sbr.rel @p0 .LBB2_2-.Ltmp0, $3  }
0x48: {  	(v2sf) =	vpush v0, $0x3  }
0x49: {  	(v2sf) =	vpush v0, $0x5;
	_ =	sdelay $0x1  }
0x4a: {  	s14 =	sshra.s32 s17, $0x2;
	(v2sf) =	vpush v0, $0x6  }
0x4b: {  	_ =	sdelay $0x1  }
0x4c: {  	s0 =	sadd.s32 $0x280, s14;
	s17 =	sadd.s32 $0x780, s14  }
0x4d: {  	s1 =	sadd.s32 $0x580, s14;
	s15 =	sadd.s32 $0x800, s14;
	(v2sf) =	vpush v0, $0x7;
	s10 =	sadd.s32 $0x480, s14  }
0x4e: {  	s18 =	sadd.s32 $0x600, s14;
	s16 =	sadd.s32 $0x880, s14;
	s19 =	sadd.s32 $0x200, s14  }
0x4f: {  	s20 =	sadd.s32 $0x400, s14;
	s21 =	sadd.s32 $0x500, s14;
	(v2sf) =	vpush v0, $0x8;
	s22 =	spop (v2sf)  }
0x50: {  	s23 =	sadd.s32 $0x300, s14;
	s22 =	sand.u32 $0x1FFFFFF0, s22;
	s24 =	spop (v2sf)  }
0x51: {  	(v2sf) =	vpush v0, $0x9;
	s22 =	sadd.s32 s3, s22;
	s24 =	sand.u32 $0x1FFFFFF0, s24;
	s25 =	spop (v2sf)  }
0x52: {  	[tilespmem:s19], [sflag:$0x1] =	stream.linear.gather [hbm4b:s22+s13], $0x80, $0x38;
	[tilespmem:$0x10200] =	vst v63  }
0x53: {  	s26 =	sadd.s32 $0x380, s14;
	(v2sf) =	vpush v0, $0xA;
	s30 =	sadd.s32 s3, s24;
	s31 =	spop (v2sf)  }
0x54: {  	[tilespmem:s0], [sflag:$0x1] =	stream.linear.gather [hbm4b:s30+s13], $0x80, $0x38;
	[tilespmem:$0x10200] =	vst v63  }
0x55: {  	s19 =	sadd.s32 $0x700, s14;
	s28 =	sand.u32 $0x1FFFFFF0, s25;
	(v2sf) =	vpush v0, $0xB;
	s29 =	spop (v2sf)  }
0x56: {  	s22 =	sadd.s32 s3, s28;
	s0 =	sadd.s32 $0x680, s14;
	s25 =	sand.u32 $0x1FFFFFF0, s29  }
0x57: {  	(v2sf) =	vpush v0, $0xC;
	[tilespmem:s23], [sflag:$0x1] =	stream.linear.gather [hbm4b:s22+s13], $0x80, $0x38;
	[tilespmem:$0x10200] =	vst v63  }
0x58: {  	s30 =	sand.u32 $0x1FFFFFF0, s31;
	s31 =	spop (v2sf);
	s28 =	sadd.s32 s3, s25  }
0x59: {  	(v2sf) =	vpush v0, $0xD;
	[tilespmem:s26], [sflag:$0x1] =	stream.linear.gather [hbm4b:s28+s13], $0x80, $0x38;
	[tilespmem:$0x10200] =	vst v63  }
0x5a: {  	s22 =	sadd.s32 s3, s30;
	s23 =	sand.u32 $0x1FFFFFF0, s31;
	s29 =	spop (v2sf)  }
0x5b: {  	(v2sf) =	vpush v0, $0xE;
	[tilespmem:s20], [sflag:$0x1] =	stream.linear.gather [hbm4b:s22+s13], $0x80, $0x38;
	[tilespmem:$0x10200] =	vst v63  }
0x5c: {  	s23 =	sadd.s32 s3, s23;
	s30 =	sand.u32 $0x1FFFFFF0, s29;
	s31 =	spop (v2sf)  }
0x5d: {  	(v2sf) =	vpush v0, $0xF;
	[tilespmem:s10], [sflag:$0x1] =	stream.linear.gather [hbm4b:s23+s13], $0x80, $0x38;
	[tilespmem:$0x10200] =	vst v63  }
0x5e: {  	s24 =	sand.u32 $0x1FFFFFF0, s31;
	s25 =	spop (v2sf);
	s20 =	sadd.s32 s3, s30  }
0x5f: {  	[tilespmem:s21], [sflag:$0x1] =	stream.linear.gather [hbm4b:s20+s13], $0x80, $0x38;
	[tilespmem:$0x10200] =	vst v63  }
0x60: {  	s26 =	sand.u32 $0x1FFFFFF0, s25;
	s10 =	sadd.s32 s3, s24;
	s28 =	spop (v2sf)  }
0x61: {  	[tilespmem:s1], [sflag:$0x1] =	stream.linear.gather [hbm4b:s10+s13], $0x80, $0x38;
	[tilespmem:$0x10200] =	vst v63  }
0x62: {  	s20 =	sadd.s32 s3, s26;
	s29 =	sand.u32 $0x1FFFFFF0, s28;
	s30 =	spop (v2sf)  }
0x63: {  	[tilespmem:s18], [sflag:$0x1] =	stream.linear.gather [hbm4b:s20+s13], $0x80, $0x38;
	[tilespmem:$0x10200] =	vst v63  }
0x64: {  	s10 =	sand.u32 $0x1FFFFFF0, s30;
	s1 =	sadd.s32 s3, s29;
	s31 =	spop (v2sf)  }
0x65: {  	[tilespmem:s0], [sflag:$0x1] =	stream.linear.gather [hbm4b:s1+s13], $0x80, $0x38;
	[tilespmem:$0x10200] =	vst v63  }
0x66: {  	s10 =	sadd.s32 s3, s10;
	s20 =	sand.u32 $0x1FFFFFF0, s31;
	s21 =	spop (v2sf)  }
0x67: {  	[tilespmem:s19], [sflag:$0x1] =	stream.linear.gather [hbm4b:s10+s13], $0x80, $0x38;
	[tilespmem:$0x10200] =	vst v63  }
0x68: {  	s0 =	sadd.s32 s3, s20;
	s1 =	sand.u32 $0x1FFFFFF0, s21;
	s22 =	spop (v2sf)  }
0x69: {  	[tilespmem:s17], [sflag:$0x1] =	stream.linear.gather [hbm4b:s0+s13], $0x80, $0x38;
	[tilespmem:$0x10200] =	vst v63  }
0x6a: {  	s23 =	sand.u32 $0x1FFFFFF0, s22;
	s1 =	sadd.s32 s3, s1;
	s24 =	spop (v2sf)  }
0x6b: {  	[tilespmem:s15], [sflag:$0x1] =	stream.linear.gather [hbm4b:s1+s13], $0x80, $0x38;
	[tilespmem:$0x10200] =	vst v63  }
0x6c: {  	s25 =	sand.u32 $0x1FFFFFF0, s24;
	s26 =	spop (v2sf);
	s0 =	sadd.s32 s3, s23  }
0x6d: {  	[tilespmem:s16], [sflag:$0x1] =	stream.linear.gather [hbm4b:s0+s13], $0x80, $0x38;
	[tilespmem:$0x10200] =	vst v63  }
0x6e: {  	s29 =	sadd.s32 $0x900, s14;
	s28 =	sand.u32 $0x1FFFFFF0, s26;
	s1 =	sadd.s32 s3, s25  }
0x6f: {  	[tilespmem:s29], [sflag:$0x1] =	stream.linear.gather [hbm4b:s1+s13], $0x80, $0x38;
	[tilespmem:$0x10200] =	vst v63  }
0x70: {  	s30 =	sadd.s32 $0x980, s14;
	s31 =	sand.u32 $0xF0, s13;
	s0 =	sadd.s32 s3, s28  }
0x71: {  	[tilespmem:s30], [sflag:$0x1] =	stream.linear.gather [hbm4b:s0+s13], $0x80, $0x38;
	[tilespmem:$0x10200] =	vst v63  }
0x72: {  	v0 =	vld [tilespmem:s31+$0x100];
	_ =	sdelay $0x4  }
0x73: {  	v0 =	vshll.u32 v0, $0x4  }
0x74: {  	(v2sf) =	vpush v0, $0x0  }
0x75: {  	(v2sf) =	vpush v0, $0x2  }
0x76: {  	(v2sf) =	vpush v0, $0x1;
	_ =	sdelay $0x1  }
0x77: {  	(v2sf) =	vpush v0, $0x3  }
0x78: {  	(v2sf) =	vpush v0, $0x4;
	_ =	sdelay $0x2  }
0x79: {  	s14 =	simm.s32 $0x2000;
	s15 =	simm.s32 $0x10  }
.LBB2_4:
0x7a: {  	p0 =	sne.s32 s14, $0x1E000;
	(v2sf) =	vpush v0, $0x5;
	s0 =	smov.u32 s14;
	s14 =	sadd.s32 $0x2000, s14  }
0x7b: {  	s16 =	sshra.s32 s13, $0x2;
	s13 =	smov.u32 s0  }
0x7c: {  	s0 =	sadd.s32 $0x8280, s16;
	(v2sf) =	vpush v0, $0x6  }
0x7d: {  	s1 =	sadd.s32 $0x8200, s16  }
0x7e: {  	s19 =	sadd.s32 $0x8780, s16;
	s18 =	sadd.s32 $0x8800, s16;
	s17 =	sadd.s32 $0x8880, s16;
	(v2sf) =	vpush v0, $0x7  }
0x7f: {  	s22 =	sadd.s32 $0x8600, s16;
	s21 =	sadd.s32 $0x8680, s16;
	s20 =	sadd.s32 $0x8700, s16  }
0x80: {  	s10 =	sadd.s32 $0x8500, s16;
	s23 =	sadd.s32 $0x8580, s16;
	s24 =	spop (v2sf);
	(v2sf) =	vpush v0, $0x8  }
0x81: {  	s25 =	sadd.s32 $0x8300, s16;
	s24 =	sand.u32 $0x1FFFFFF0, s24;
	s26 =	spop (v2sf)  }
0x82: {  	s28 =	sadd.s32 $0x8480, s16;
	s24 =	sadd.s32 s3, s24;
	s29 =	spop (v2sf);
	(v2sf) =	vpush v0, $0x9  }
0x83: {  	[tilespmem:s1], [sflag:$0x1] =	stream.linear.gather [hbm4b:s24+s2], $0x80, $0x38;
	[tilespmem:$0x10200] =	vst v63  }
0x84: {  	s1 =	sand.u32 $0x1FFFFFF0, s29;
	s24 =	sand.u32 $0x1FFFFFF0, s26;
	s26 =	spop (v2sf);
	(v2sf) =	vpush v0, $0xA  }
0x85: {  	s29 =	sadd.s32 $0x8400, s16;
	s1 =	sadd.s32 s3, s1;
	s30 =	spop (v2sf)  }
0x86: {  	[tilespmem:s0], [sflag:$0x1] =	stream.linear.gather [hbm4b:s1+s2], $0x80, $0x38;
	(v2sf) =	vpush v0, $0xB;
	[tilespmem:$0x10200] =	vst v63  }
0x87: {  	s0 =	sadd.s32 s3, s24;
	s1 =	sand.u32 $0x1FFFFFF0, s26;
	s24 =	sand.u32 $0x1FFFFFF0, s30  }
0x88: {  	[tilespmem:s25], [sflag:$0x1] =	stream.linear.gather [hbm4b:s0+s2], $0x80, $0x38;
	(v2sf) =	vpush v0, $0xC;
	[tilespmem:$0x10200] =	vst v63  }
0x89: {  	s1 =	sadd.s32 s3, s1;
	s0 =	sadd.s32 $0x8380, s16;
	s25 =	spop (v2sf)  }
0x8a: {  	[tilespmem:s0], [sflag:$0x1] =	stream.linear.gather [hbm4b:s1+s2], $0x80, $0x38;
	(v2sf) =	vpush v0, $0xD;
	[tilespmem:$0x10200] =	vst v63  }
0x8b: {  	s0 =	sadd.s32 s3, s24;
	s1 =	sand.u32 $0x1FFFFFF0, s25;
	s24 =	spop (v2sf)  }
0x8c: {  	[tilespmem:s29], [sflag:$0x1] =	stream.linear.gather [hbm4b:s0+s2], $0x80, $0x38;
	(v2sf) =	vpush v0, $0xE;
	[tilespmem:$0x10200] =	vst v63  }
0x8d: {  	s0 =	sadd.s32 s3, s1;
	s1 =	sand.u32 $0x1FFFFFF0, s24;
	s24 =	spop (v2sf)  }
0x8e: {  	[tilespmem:s28], [sflag:$0x1] =	stream.linear.gather [hbm4b:s0+s2], $0x80, $0x38;
	(v2sf) =	vpush v0, $0xF;
	[tilespmem:$0x10200] =	vst v63  }
0x8f: {  	s0 =	sadd.s32 s3, s1;
	s1 =	sand.u32 $0x1FFFFFF0, s24;
	s24 =	spop (v2sf)  }
0x90: {  	[tilespmem:s10], [sflag:$0x1] =	stream.linear.gather [hbm4b:s0+s2], $0x80, $0x38;
	[tilespmem:$0x10200] =	vst v63  }
0x91: {  	s0 =	sadd.s32 s3, s1;
	s1 =	sand.u32 $0x1FFFFFF0, s24;
	s10 =	spop (v2sf)  }
0x92: {  	[tilespmem:s23], [sflag:$0x1] =	stream.linear.gather [hbm4b:s0+s2], $0x80, $0x38;
	[tilespmem:$0x10200] =	vst v63  }
0x93: {  	s0 =	sadd.s32 s3, s1;
	s1 =	sand.u32 $0x1FFFFFF0, s10;
	s10 =	spop (v2sf)  }
0x94: {  	[tilespmem:s22], [sflag:$0x1] =	stream.linear.gather [hbm4b:s0+s2], $0x80, $0x38;
	[tilespmem:$0x10200] =	vst v63  }
0x95: {  	s0 =	sadd.s32 s3, s1;
	s1 =	sand.u32 $0x1FFFFFF0, s10;
	s10 =	spop (v2sf)  }
0x96: {  	[tilespmem:s21], [sflag:$0x1] =	stream.linear.gather [hbm4b:s0+s2], $0x80, $0x38;
	[tilespmem:$0x10200] =	vst v63  }
0x97: {  	s0 =	sadd.s32 s3, s1;
	s1 =	sand.u32 $0x1FFFFFF0, s10;
	s10 =	spop (v2sf)  }
0x98: {  	[tilespmem:s20], [sflag:$0x1] =	stream.linear.gather [hbm4b:s0+s2], $0x80, $0x38;
	[tilespmem:$0x10200] =	vst v63  }
0x99: {  	s0 =	sadd.s32 s3, s1;
	s1 =	sand.u32 $0x1FFFFFF0, s10;
	s10 =	spop (v2sf)  }
0x9a: {  	[tilespmem:s19], [sflag:$0x1] =	stream.linear.gather [hbm4b:s0+s2], $0x80, $0x38;
	[tilespmem:$0x10200] =	vst v63  }
0x9b: {  	s0 =	sadd.s32 s3, s1;
	s1 =	sand.u32 $0x1FFFFFF0, s10;
	s10 =	spop (v2sf)  }
0x9c: {  	[tilespmem:s18], [sflag:$0x1] =	stream.linear.gather [hbm4b:s0+s2], $0x80, $0x38;
	[tilespmem:$0x10200] =	vst v63  }
0x9d: {  	s0 =	sadd.s32 s3, s1;
	s1 =	sand.u32 $0x1FFFFFF0, s10;
	s10 =	spop (v2sf)  }
0x9e: {  	[tilespmem:s17], [sflag:$0x1] =	stream.linear.gather [hbm4b:s0+s2], $0x80, $0x38;
	[tilespmem:$0x10200] =	vst v63  }
0x9f: {  	s1 =	sadd.s32 s3, s1;
	s0 =	sadd.s32 $0x8900, s16;
	s10 =	sand.u32 $0x1FFFFFF0, s10  }
0xa0: {  	[tilespmem:s0], [sflag:$0x1] =	stream.linear.gather [hbm4b:s1+s2], $0x80, $0x38;
	[tilespmem:$0x10200] =	vst v63  }
0xa1: {  	s10 =	sadd.s32 s3, s10;
	s0 =	sand.u32 $0xF0, s15;
	s1 =	sadd.s32 $0x8980, s16  }
0xa2: {  	[tilespmem:s1], [sflag:$0x1] =	stream.linear.gather [hbm4b:s10+s2], $0x80, $0x38;
	[tilespmem:$0x10200] =	vst v63  }
0xa3: {  	v0 =	vld [tilespmem:s0+$0x100];
	_ =	sdelay $0x4  }
0xa4: {  	v0 =	vshll.u32 v0, $0x4  }
0xa5: {  	(v2sf) =	vpush v0, $0x0  }
0xa6: {  	(v2sf) =	vpush v0, $0x2  }
0xa7: {  	(v2sf) =	vpush v0, $0x1;
	_ =	sdelay $0x1  }
.Ltmp1:
0xa8: {  	(v2sf) =	vpush v0, $0x3;
	(pc) =	sbr.rel @p0 .LBB2_4-.Ltmp1, $2  }
0xa9: {  	(v2sf) =	vpush v0, $0x4;
	_ =	sdelay $0x2  }
0xaa: {  	s15 =	sadd.s32 $0x10, s15  }
0xab: {  	_ =	sdelay $0x5  }
0xac: {  	s0 =	spop (v2sf)  }
0xad: {  	s10 =	spop (v2sf);
	(v2sf) =	vpush v0, $0x5;
	_ =	sdelay $0x1  }
0xae: {  	s19 =	spop (v2sf);
	(v2sf) =	vpush v0, $0x6;
	_ =	sdelay $0x2  }
0xaf: {  	s23 =	spop (v2sf);
	(v2sf) =	vpush v0, $0x7  }
0xb0: {  	s13 =	sshra.s32 s13, $0x2;
	s0 =	sand.u32 $0x1FFFFFF0, s0  }
0xb1: {  	s1 =	sadd.s32 $0x8200, s13;
	s0 =	sadd.s32 s3, s0  }
0xb2: {  	[tilespmem:s1], [sflag:$0x1] =	stream.linear.gather [hbm4b:s0+s2], $0x80, $0x38;
	[tilespmem:$0x10200] =	vst v63  }
0xb3: {  	s0 =	sand.u32 $0x1FFFFFF0, s19;
	s25 =	spop (v2sf);
	(v2sf) =	vpush v0, $0x8  }
0xb4: {  	s20 =	sadd.s32 $0x8280, s13;
	s21 =	sand.u32 $0x1FFFFFF0, s10;
	s0 =	sadd.s32 s3, s0  }
0xb5: {  	[tilespmem:s20], [sflag:$0x1] =	stream.linear.gather [hbm4b:s0+s2], $0x80, $0x38;
	[tilespmem:$0x10200] =	vst v63  }
0xb6: {  	s22 =	sadd.s32 $0x8300, s13;
	s0 =	sadd.s32 s3, s21  }
0xb7: {  	[tilespmem:s22], [sflag:$0x1] =	stream.linear.gather [hbm4b:s0+s2], $0x80, $0x38;
	[tilespmem:$0x10200] =	vst v63  }
0xb8: {  	s0 =	sand.u32 $0x1FFFFFF0, s23  }
0xb9: {  	s24 =	sadd.s32 $0x8380, s13;
	s0 =	sadd.s32 s3, s0;
	s28 =	spop (v2sf);
	(v2sf) =	vpush v0, $0x9  }
0xba: {  	[tilespmem:s24], [sflag:$0x1] =	stream.linear.gather [hbm4b:s0+s2], $0x80, $0x38;
	[tilespmem:$0x10200] =	vst v63  }
0xbb: {  	s0 =	sand.u32 $0x1FFFFFF0, s25;
	s30 =	spop (v2sf);
	(v2sf) =	vpush v0, $0xA  }
0xbc: {  	s26 =	sadd.s32 $0x8400, s13;
	s0 =	sadd.s32 s3, s0  }
0xbd: {  	[tilespmem:s26], [sflag:$0x1] =	stream.linear.gather [hbm4b:s0+s2], $0x80, $0x38;
	[tilespmem:$0x10200] =	vst v63  }
0xbe: {  	s0 =	sand.u32 $0x1FFFFFF0, s28;
	s1 =	spop (v2sf);
	(v2sf) =	vpush v0, $0xB  }
0xbf: {  	s29 =	sadd.s32 $0x8480, s13;
	s0 =	sadd.s32 s3, s0  }
0xc0: {  	[tilespmem:s29], [sflag:$0x1] =	stream.linear.gather [hbm4b:s0+s2], $0x80, $0x38;
	[tilespmem:$0x10200] =	vst v63  }
0xc1: {  	s0 =	sand.u32 $0x1FFFFFF0, s30  }
0xc2: {  	s31 =	sadd.s32 $0x8500, s13;
	s0 =	sadd.s32 s3, s0;
	s14 =	spop (v2sf)  }
0xc3: {  	(v2sf) =	vpush v0, $0xC;
	[tilespmem:s31], [sflag:$0x1] =	stream.linear.gather [hbm4b:s0+s2], $0x80, $0x38;
	[tilespmem:$0x10200] =	vst v63  }
0xc4: {  	s0 =	sand.u32 $0x1FFFFFF0, s1  }
0xc5: {  	s10 =	sadd.s32 $0x8580, s13;
	s0 =	sadd.s32 s3, s0  }
0xc6: {  	[tilespmem:s10], [sflag:$0x1] =	stream.linear.gather [hbm4b:s0+s2], $0x80, $0x38;
	[tilespmem:$0x10200] =	vst v63  }
0xc7: {  	s0 =	sand.u32 $0x1FFFFFF0, s14  }
0xc8: {  	s15 =	sadd.s32 $0x8600, s13;
	s0 =	sadd.s32 s3, s0;
	s16 =	spop (v2sf);
	(v2sf) =	vpush v0, $0xD  }
0xc9: {  	[tilespmem:s15], [sflag:$0x1] =	stream.linear.gather [hbm4b:s0+s2], $0x80, $0x38;
	[tilespmem:$0x10200] =	vst v63  }
0xca: {  	s0 =	sand.u32 $0x1FFFFFF0, s16;
	s18 =	spop (v2sf);
	(v2sf) =	vpush v0, $0xE  }
0xcb: {  	s17 =	sadd.s32 $0x8680, s13;
	s0 =	sadd.s32 s3, s0  }
0xcc: {  	[tilespmem:s17], [sflag:$0x1] =	stream.linear.gather [hbm4b:s0+s2], $0x80, $0x38;
	[tilespmem:$0x10200] =	vst v63  }
0xcd: {  	s20 =	spop (v2sf);
	(v2sf) =	vpush v0, $0xF  }
0xce: {  	s0 =	sand.u32 $0x1FFFFFF0, s18  }
0xcf: {  	s19 =	sadd.s32 $0x8700, s13;
	s0 =	sadd.s32 s3, s0  }
0xd0: {  	[tilespmem:s19], [sflag:$0x1] =	stream.linear.gather [hbm4b:s0+s2], $0x80, $0x38;
	[tilespmem:$0x10200] =	vst v63  }
0xd1: {  	s0 =	sand.u32 $0x1FFFFFF0, s20  }
0xd2: {  	s21 =	sadd.s32 $0x8780, s13;
	s22 =	spop (v2sf);
	s0 =	sadd.s32 s3, s0  }
0xd3: {  	[tilespmem:s21], [sflag:$0x1] =	stream.linear.gather [hbm4b:s0+s2], $0x80, $0x38;
	[tilespmem:$0x10200] =	vst v63  }
0xd4: {  	s0 =	sand.u32 $0x1FFFFFF0, s22  }
0xd5: {  	s23 =	sadd.s32 $0x8800, s13;
	s0 =	sadd.s32 s3, s0  }
0xd6: {  	[tilespmem:s23], [sflag:$0x1] =	stream.linear.gather [hbm4b:s0+s2], $0x80, $0x38;
	[tilespmem:$0x10200] =	vst v63  }
0xd7: {  	s24 =	spop (v2sf)  }
0xd8: {  	s0 =	sand.u32 $0x1FFFFFF0, s24  }
0xd9: {  	s25 =	sadd.s32 $0x8880, s13;
	s26 =	spop (v2sf);
	s0 =	sadd.s32 s3, s0  }
0xda: {  	[tilespmem:s25], [sflag:$0x1] =	stream.linear.gather [hbm4b:s0+s2], $0x80, $0x38;
	[tilespmem:$0x10200] =	vst v63  }
0xdb: {  	s0 =	sand.u32 $0x1FFFFFF0, s26  }
0xdc: {  	s28 =	sadd.s32 $0x8900, s13;
	s29 =	spop (v2sf);
	s0 =	sadd.s32 s3, s0  }
0xdd: {  	[tilespmem:s28], [sflag:$0x1] =	stream.linear.gather [hbm4b:s0+s2], $0x80, $0x38;
	[tilespmem:$0x10200] =	vst v63  }
0xde: {  	s0 =	sand.u32 $0x1FFFFFF0, s29  }
0xdf: {  	s30 =	sadd.s32 $0x8980, s13;
	s0 =	sadd.s32 s3, s0  }
0xe0: {  	[tilespmem:s30], [sflag:$0x1] =	stream.linear.gather [hbm4b:s0+s2], $0x80, $0x38;
	[tilespmem:$0x10200] =	vst v63  }
0xe1: {  	_ =	swait.ge [sflag:s9], $0x8000  }
0xe2: {  	[sflag:s9] =	ssyncset.done $0x0  }
0xe3: {  	[sflag:s9] =	ssyncadd.s32 $0xFFFF8000  }
0xe4: {  	_ =	swait.ge [sflag:s9], $0x8000  }
0xe5: {  	[sflag:s9] =	ssyncset.done $0x0  }
0xe6: {  	s31 =	simm.s32 $0x200;
	[sflag:s9] =	ssyncadd.s32 $0xFFFF8000  }
0xe7: {  	[hbm4b:s5+s2] =	stream.linear.scatter [tilespmem:s31], [sflag:$0x2], $0x8000, $0x38;
	[tilespmem:$0x10200] =	vst v63  }
0xe8: {  	s12 =	sadd.s32 $0x1, s12;
	_ =	swait.ge [sflag:s8], $0x8000  }
0xe9: {  	p0 =	sne.s32 s12, s7;
	[sflag:s8] =	ssyncset.done $0x0  }
.Ltmp2:
0xea: {  	[sflag:s8] =	ssyncadd.s32 $0xFFFF8000;
	(pc) =	sbr.rel @p0 .LBB2_1-.Ltmp2, $4  }
0xeb: {  	[hbm4b:s6+s2] =	stream.linear.scatter [tilespmem:s11], [sflag:$0x2], $0x8000, $0x38;
	[tilespmem:$0x10200] =	vst v63  }
0xec: {  	_ =	swait.ge [sflag:s8], $0x8000  }
0xed: {  	[sflag:s8] =	ssyncset.done $0x0  }
0xee: {  	[sflag:s8] =	ssyncadd.s32 $0xFFFF8000  }
0xef: {  	_ =	sfence.sel $0x180000  }
0xf0: {  	[bflag:$0x0] =	sbarrier.arrive $0xFFFF  }
0xf1: {  	_ =	strace $0x9000004A  }
0xf2: {  	s0 =	stileid.u32;
	[bflag:$0x2] =	sbarrier.arrive $0xFFFF  }
0xf3: {  	p0 =	sne.s32 s0, $0x0;
	s0 =	rddreg [dreg:$0x2]  }
0xf4: {  	s0 =	sadd.s32 @!p0 $0x100000, s0  }
0xf5: {  	[sflag:s0] =	ssyncadd.tile.s32 @!p0 $0x1;
	_ =	shalt  }
.Lfunc_end2:
_tile_overlayer_lowered:
.L_overlay_start_2:
0xf6: {  	(tag) =	ssettag $0x2  }
0xf7: {  	s0 =	rddreg [dreg:$0x0];
	s2 =	stileid.u32  }
0xf8: {  	s1 =	rddreg [dreg:$0x1];
	p0 =	sne.s32 s2, $0x0  }
0xf9: {  	s3 =	rddreg [dreg:$0x2];
	[bflag:$0x3] =	sbarrier.arrive $0xFFFF;
	s2 =	simm.s32 @!p0 $0x1C02  }
0xfa: {  	[timem:s3], [sflag:s2] =	dma.local @!p0 [hbm:s0], s1  }
0xfb: {  	s0 =	simm.s32 @!p0 $0x2  }
0xfc: {  	_ =	swait.ge @!p0 [sflag:s0], s1  }
0xfd: {  	s1 =	ssub.s32 @!p0 $0x0, s1;
	[sflag:s0] =	ssyncset.done @!p0 $0x0  }
0xfe: {  	[sflag:s0] =	ssyncadd.s32 @!p0 s1  }
0xff: {  	[bflag:$0x3] =	sbarrier.arrive $0xFFFF  }
0x100: {  	_ =	shalt  }

</sc_bundles>
